<compile_context>
chip_gen: v7x
topology: tpu7x:2x2x1
jax: 0.10.2.dev20260603
libtpu: 0.0.44.dev20260713+nightly
codegen_flags: <defaults>
</compile_context>

<pallas_src>
import functools

import jax
import jax.numpy as jnp
from jax import lax
from jax.experimental import pallas as pl
from jax.experimental.pallas import tpu as pltpu
from jax.experimental.pallas import tpu_sc as plsc

D = 256
OMEGA = 0.04
PHI_MAX = 5.0
NC = 2
NS = 16
NW = NC * NS
L = 16
NJ = D // L

N_INJECT = 16384
N_QUERY = 4096
N_INJ_W = N_INJECT // NW
CHUNK = 64
NCHUNK = N_INJ_W // CHUNK
NBUF = 4
N_Q_W = N_QUERY // NW

_PI = 3.14159265358979323846
_TWO_PI = 2.0 * _PI
_SIN_C = (1.000000000e+00, -1.666666716e-01, 8.333333768e-03, -1.984127011e-04,
          2.755733249e-06, -2.505207242e-08, 1.605426347e-10, -7.583586537e-13,
          2.498001805e-15)
_COS_C = (1.000000000e+00, -5.000000000e-01, 4.166667163e-02, -1.388890552e-03,
          2.480187322e-05, -2.756005131e-07, 2.089865392e-09, -1.161400490e-11,
          5.262457137e-14, -2.220446049e-16)


def _sincos(x):
    xr = lax.rem(x, jnp.float32(_TWO_PI))
    xr = jnp.where(xr < 0, xr + jnp.float32(_TWO_PI), xr)
    y = xr - jnp.float32(_PI)
    u = y * y
    ps = jnp.float32(_SIN_C[-1])
    for c in _SIN_C[-2::-1]:
        ps = ps * u + jnp.float32(c)
    pc = jnp.float32(_COS_C[-1])
    for c in _COS_C[-2::-1]:
        pc = pc * u + jnp.float32(c)
    return -(y * ps), -pc


def _fused_body(b_hbm, rho_hbm, t_hbm, nidx_hbm, qidx_hbm,
                boosts_hbm, part_hbm, half_hbm,
                wr_v, wi_v, idx_v, qidx_v,
                rows0_v, rows1_v, rows2_v, rows3_v, qrows_v,
                p16_v, halves_v, res_v, acc_v, t16_v,
                sem0, sem1, sem2, sem3, qsem, ssem, bar_sem):
    c = lax.axis_index("c")
    s = lax.axis_index("s")
    wid = c * NS + s
    ibase = wid * N_INJ_W

    hidx = pltpu.async_copy(nidx_hbm.at[pl.ds(ibase, N_INJ_W)], idx_v, sem0)
    hq = pltpu.async_copy(qidx_hbm.at[pl.ds(wid * N_Q_W, N_Q_W)], qidx_v, qsem)
    hr = pltpu.async_copy(rho_hbm.at[pl.ds(ibase, N_INJ_W)], wr_v, ssem)
    ht = pltpu.async_copy(t_hbm.at[pl.ds(ibase, N_INJ_W)], wi_v, sem1)
    hidx.wait()

    bufs = (rows0_v, rows1_v, rows2_v, rows3_v)
    sems = (sem0, sem1, sem2, sem3)
    DEPTH = NBUF - 1
    ht.wait()
    hs = {}
    for k in range(DEPTH):
        hs[k] = pltpu.async_copy(
            b_hbm.at[idx_v.at[pl.ds(k * CHUNK, CHUNK)]], bufs[k], sems[k])
    hq.wait()
    qh = pltpu.async_copy(b_hbm.at[qidx_v], qrows_v, qsem)
    hr.wait()

    def wbody(i, carry):
        for e in range(2):
            sl = pl.ds(pl.multiple_of((i * 2 + e) * L, L), L)
            amp = wr_v[sl] * jnp.float32(1.0 / 16.0)
            sn, cs = _sincos(jnp.float32(OMEGA) * wi_v[sl])
            wr_v[sl] = amp * cs
            wi_v[sl] = amp * sn
        return carry
    lax.fori_loop(0, N_INJ_W // L // 2, wbody, 0)

    accs = tuple(jnp.zeros((L,), jnp.float32) for _ in range(2 * NJ))
    for k in range(NCHUNK):
        if k + DEPTH < NCHUNK:
            hs[k + DEPTH] = pltpu.async_copy(
                b_hbm.at[idx_v.at[pl.ds((k + DEPTH) * CHUNK, CHUNK)]],
                bufs[(k + DEPTH) % NBUF], sems[(k + DEPTH) % NBUF])
        hs.pop(k).wait()
        cur = bufs[k % NBUF]

        def rbody(r, acc_t, _k=k, _cur=cur):
            bvec = jnp.full((L,), _k * CHUNK + r, jnp.int32)
            wr = plsc.load_gather(wr_v, [bvec])
            wi = plsc.load_gather(wi_v, [bvec])
            rows = [_cur[r, pl.ds(j * L, L)] for j in range(NJ)]
            out = [acc_t[j] + wr * rows[j] for j in range(NJ)]
            out += [acc_t[NJ + j] + wi * rows[j] for j in range(NJ)]
            return tuple(out)
        accs = lax.fori_loop(0, CHUNK, rbody, accs)

    for j in range(2 * NJ):
        acc_v[pl.ds(j * L, L)] = accs[j]
    pltpu.sync_copy(acc_v, part_hbm.at[wid])

    plsc.subcore_barrier()

    NCOL = 128
    NSL = 2 * D // NCOL

    @pl.when(s < NSL)
    def _reduce_core_half():
        pltpu.sync_copy(
            part_hbm.at[pl.ds(c * NS, NS), pl.ds(s * NCOL, NCOL)], p16_v)

        def hbody(p, acc_t):
            return tuple(
                acc_t[j] + p16_v[p, pl.ds(j * L, L)] for j in range(NCOL // L))
        hacc = lax.fori_loop(
            0, NS, hbody, (jnp.zeros((L,), jnp.float32),) * (NCOL // L))
        for j in range(NCOL // L):
            acc_v[pl.ds(j * L, L)] = hacc[j]
        pltpu.sync_copy(acc_v.at[pl.ds(0, NCOL)],
                        half_hbm.at[c, pl.ds(s * NCOL, NCOL)])

    plsc.subcore_barrier()
    pltpu.semaphore_signal(bar_sem, 1, core_index=1 - c)
    pltpu.semaphore_wait(bar_sem, 1)
    qh.wait()

    pltpu.sync_copy(half_hbm, halves_v)
    raccs = tuple(
        halves_v[0, pl.ds(j * L, L)] + halves_v[1, pl.ds(j * L, L)]
        for j in range(2 * NJ))

    n2v = jnp.zeros((L,), jnp.float32)
    for j in range(2 * NJ):
        n2v = n2v + raccs[j] * raccs[j]
    n2 = jnp.full((L,), jnp.sum(n2v))
    i = plsc.bitcast(n2, jnp.int32)
    i = jnp.int32(0x5F3759DF) - lax.shift_right_arithmetic(i, 1)
    y = plsc.bitcast(i, jnp.float32)
    half = jnp.float32(0.5) * n2
    for _ in range(3):
        y = y * (jnp.float32(1.5) - half * y * y)
    scale = jnp.where(n2 > jnp.float32(PHI_MAX * PHI_MAX),
                      jnp.float32(PHI_MAX) * y, jnp.float32(1.0))
    rr = [raccs[j] * scale for j in range(NJ)]

    lanes = lax.iota(jnp.int32, L)

    def qgroup(g, carry):
        def qrow(h, carry2, _g=g):
            for e2 in range(2):
                e = h * 2 + e2
                r = _g * L + e
                terms = [rr[j] * qrows_v[r, pl.ds(j * L, L)] for j in range(NJ)]
                while len(terms) > 1:
                    terms = [terms[i] + terms[i + 1]
                             for i in range(0, len(terms), 2)]
                plsc.store_scatter(
                    t16_v, [lanes, jnp.full((L,), e, jnp.int32)], terms[0])
            return carry2
        lax.fori_loop(0, L // 2, qrow, 0)
        cols = [t16_v[l, pl.ds(0, L)] for l in range(L)]
        while len(cols) > 1:
            cols = [cols[i] + cols[i + 1] for i in range(0, len(cols), 2)]
        res_v[pl.ds(pl.multiple_of(g * L, L), L)] = cols[0]
        return carry
    lax.fori_loop(0, N_Q_W // L, qgroup, 0)
    pltpu.sync_copy(res_v, boosts_hbm.at[pl.ds(wid * N_Q_W, N_Q_W)])


@functools.lru_cache(maxsize=None)
def _build():
    mesh = plsc.VectorSubcoreMesh(core_axis_name="c", subcore_axis_name="s")
    return pl.kernel(
        _fused_body,
        out_type=jax.ShapeDtypeStruct((N_QUERY,), jnp.float32),
        mesh=mesh,
        compiler_params=pltpu.CompilerParams(needs_layout_passes=False),
        scratch_types=[
            pltpu.HBM((NW, 2 * D), jnp.float32),
            pltpu.HBM((NC, 2 * D), jnp.float32),
            pltpu.VMEM((N_INJ_W,), jnp.float32),
            pltpu.VMEM((N_INJ_W,), jnp.float32),
            pltpu.VMEM((N_INJ_W,), jnp.int32),
            pltpu.VMEM((N_Q_W,), jnp.int32),
            pltpu.VMEM((CHUNK, D), jnp.float32),
            pltpu.VMEM((CHUNK, D), jnp.float32),
            pltpu.VMEM((CHUNK, D), jnp.float32),
            pltpu.VMEM((CHUNK, D), jnp.float32),
            pltpu.VMEM((N_Q_W, D), jnp.float32),
            pltpu.VMEM((NS, 128), jnp.float32),
            pltpu.VMEM((NC, 2 * D), jnp.float32),
            pltpu.VMEM((N_Q_W,), jnp.float32),
            pltpu.VMEM((2 * D,), jnp.float32),
            pltpu.VMEM((L, L), jnp.float32),
            pltpu.SemaphoreType.DMA,
            pltpu.SemaphoreType.DMA,
            pltpu.SemaphoreType.DMA,
            pltpu.SemaphoreType.DMA,
            pltpu.SemaphoreType.DMA,
            pltpu.SemaphoreType.DMA,
            pltpu.SemaphoreType.REGULAR,
        ],
    )


def kernel(B, rho, t, node_idx, query_idx):
    return _build()(B, rho, t, node_idx, query_idx)

# --- scband reference (transcript-rebuilt; emitter-appended) ---
"""Pipeline reference for scband-holographic-residue-33062658245243 (READ-ONLY COPY).

The authoritative reference and input builder live on the scoring server;
editing this copy changes nothing except your own understanding.
"""

import jax, jax.numpy as jnp
import numpy as np

D = 256
MAX_NODES = 100000
N_INJECT = 16384
N_QUERY = 4096
OMEGA = 0.04
PHI_MAX = 5.0


def setup_inputs(seed: int = 0) -> dict:
    key = jax.random.key(seed)
    k1, k2, k3, k4, k5 = jax.random.split(key, 5)
    B = jax.random.normal(k1, (MAX_NODES, D), dtype=jnp.float32)
    B = B / jnp.linalg.norm(B, axis=1, keepdims=True)
    rho = jax.random.normal(k2, (N_INJECT,), dtype=jnp.float32)
    t = jax.random.uniform(k3, (N_INJECT,), dtype=jnp.float32, minval=0.0, maxval=50.0)
    node_idx = jax.random.randint(k4, (N_INJECT,), 0, MAX_NODES, dtype=jnp.int32)
    query_idx = jax.random.randint(k5, (N_QUERY,), 0, MAX_NODES, dtype=jnp.int32)
    return {"B": B, "rho": rho, "t": t, "node_idx": node_idx, "query_idx": query_idx}


def reference(B, rho, t, node_idx, query_idx):
    # --- batched inject_ghost: R <- R + (rho/sqrt(D)) * B[idx] * e^(i*omega*t) ---
    basis = jnp.take(B, node_idx, axis=0).astype(jnp.complex64)  # gather (N, D)
    angle = OMEGA * t
    phase = (jnp.cos(angle) + 1j * jnp.sin(angle)).astype(jnp.complex64)  # (N,)
    amplitude = (rho / np.sqrt(D)).astype(jnp.complex64)  # (N,)
    contrib = (amplitude * phase)[:, None] * basis  # (N, D) complex
    R = contrib.sum(axis=0)  # residue starts at zero -> accumulated residue (D,) complex64
    # --- _prune_norm: if ||R|| > phi_max, scale down ---
    norm = jnp.linalg.norm(R)
    scale = jnp.where(norm > PHI_MAX, PHI_MAX / norm, jnp.float32(1.0))
    R = R * scale
    # --- decode_batch: boost_i = Re(<B[q_i], R>) ---
    qbasis = jnp.take(B, query_idx, axis=0)  # gather (Q, D), real; imag part is identically zero
    boosts = qbasis @ jnp.real(R)  # (Q,) == Re(qbasis_complex @ R) exactly
    return boosts

if __name__ == "__main__":
    import jax
    _d = setup_inputs()
    print(jax.jit(kernel)(*tuple(_d.values())))

</pallas_src>

<mosaic_0001>
#map = affine_map<(d0, d1) -> (0, 0)>
#map1 = affine_map<(d0, d1) -> (0)>
module attributes {stable_mosaic.version = 14 : i64} {
  func.func @_fused_body(%arg0: i32, %arg1: i32, %arg2: memref<100000x256xf32, #tpu.memory_space<hbm>>, %arg3: memref<16384xf32, #tpu.memory_space<hbm>>, %arg4: memref<16384xf32, #tpu.memory_space<hbm>>, %arg5: memref<16384xi32, #tpu.memory_space<hbm>>, %arg6: memref<4096xi32, #tpu.memory_space<hbm>>, %arg7: memref<4096xf32, #tpu.memory_space<hbm>>, %arg8: memref<32x512xf32, #tpu.memory_space<hbm>>, %arg9: memref<2x512xf32, #tpu.memory_space<hbm>>, %arg10: memref<512xf32, #tpu.memory_space<vmem>>, %arg11: memref<512xf32, #tpu.memory_space<vmem>>, %arg12: memref<512xi32, #tpu.memory_space<vmem>>, %arg13: memref<128xi32, #tpu.memory_space<vmem>>, %arg14: memref<64x256xf32, #tpu.memory_space<vmem>>, %arg15: memref<64x256xf32, #tpu.memory_space<vmem>>, %arg16: memref<64x256xf32, #tpu.memory_space<vmem>>, %arg17: memref<64x256xf32, #tpu.memory_space<vmem>>, %arg18: memref<128x256xf32, #tpu.memory_space<vmem>>, %arg19: memref<16x128xf32, #tpu.memory_space<vmem>>, %arg20: memref<2x512xf32, #tpu.memory_space<vmem>>, %arg21: memref<128xf32, #tpu.memory_space<vmem>>, %arg22: memref<512xf32, #tpu.memory_space<vmem>>, %arg23: memref<16x16xf32, #tpu.memory_space<vmem>>, %arg24: memref<!tpu.dma_semaphore, #tpu.memory_space<semaphore_mem>>, %arg25: memref<!tpu.dma_semaphore, #tpu.memory_space<semaphore_mem>>, %arg26: memref<!tpu.dma_semaphore, #tpu.memory_space<semaphore_mem>>, %arg27: memref<!tpu.dma_semaphore, #tpu.memory_space<semaphore_mem>>, %arg28: memref<!tpu.dma_semaphore, #tpu.memory_space<semaphore_mem>>, %arg29: memref<!tpu.dma_semaphore, #tpu.memory_space<semaphore_mem>>, %arg30: memref<!tpu.semaphore, #tpu.memory_space<semaphore_mem>>) attributes {dimension_semantics = [#tpu.dimension_semantics<core_parallel>, #tpu.dimension_semantics<subcore_parallel>], iteration_bounds = array<i64: 2, 16>, scalar_prefetch = 0 : i64, scratch_operands = 23 : i64, tpu.core_type = #tpu.core_type<sc_vector_subcore>, window_params = [{transform_indices = #map}, {transform_indices = #map1}, {transform_indices = #map1}, {transform_indices = #map1}, {transform_indices = #map1}, {transform_indices = #map1}]} {
    %mul3A = arith.constant 16 : i32
    %mul3A_0 = arith.muli %arg0, %mul3A : i32
    %add3A = arith.addi %mul3A_0, %arg1 : i32
    %mul3A_1 = arith.constant 512 : i32
    %mul3A_2 = arith.muli %add3A, %mul3A_1 : i32
    %dma_start3A = tpu.memref_slice %arg5[%mul3A_2] : memref<16384xi32, #tpu.memory_space<hbm>> -> memref<512xi32, #tpu.memory_space<hbm>>
    %dma_start3A_3 = tpu.memref_slice %arg5[%mul3A_2] : memref<16384xi32, #tpu.memory_space<hbm>> -> memref<512xi32, #tpu.memory_space<hbm>>
    tpu.enqueue_dma source(%dma_start3A_3 : memref<512xi32, #tpu.memory_space<hbm>>) target(%arg12 : memref<512xi32, #tpu.memory_space<vmem>>) target_semaphore(%arg24 : memref<!tpu.dma_semaphore, #tpu.memory_space<semaphore_mem>>)
    %mul3A_4 = arith.constant 128 : i32
    %mul3A_5 = arith.muli %add3A, %mul3A_4 : i32
    %dma_start3A_6 = tpu.memref_slice %arg6[%mul3A_5] : memref<4096xi32, #tpu.memory_space<hbm>> -> memref<128xi32, #tpu.memory_space<hbm>>
    %dma_start3A_7 = tpu.memref_slice %arg6[%mul3A_5] : memref<4096xi32, #tpu.memory_space<hbm>> -> memref<128xi32, #tpu.memory_space<hbm>>
    tpu.enqueue_dma source(%dma_start3A_7 : memref<128xi32, #tpu.memory_space<hbm>>) target(%arg13 : memref<128xi32, #tpu.memory_space<vmem>>) target_semaphore(%arg28 : memref<!tpu.dma_semaphore, #tpu.memory_space<semaphore_mem>>)
    %dma_start3A_8 = tpu.memref_slice %arg3[%mul3A_2] : memref<16384xf32, #tpu.memory_space<hbm>> -> memref<512xf32, #tpu.memory_space<hbm>>
    %dma_start3A_9 = tpu.memref_slice %arg3[%mul3A_2] : memref<16384xf32, #tpu.memory_space<hbm>> -> memref<512xf32, #tpu.memory_space<hbm>>
    tpu.enqueue_dma source(%dma_start3A_9 : memref<512xf32, #tpu.memory_space<hbm>>) target(%arg10 : memref<512xf32, #tpu.memory_space<vmem>>) target_semaphore(%arg29 : memref<!tpu.dma_semaphore, #tpu.memory_space<semaphore_mem>>)
    %dma_start3A_10 = tpu.memref_slice %arg4[%mul3A_2] : memref<16384xf32, #tpu.memory_space<hbm>> -> memref<512xf32, #tpu.memory_space<hbm>>
    %dma_start3A_11 = tpu.memref_slice %arg4[%mul3A_2] : memref<16384xf32, #tpu.memory_space<hbm>> -> memref<512xf32, #tpu.memory_space<hbm>>
    tpu.enqueue_dma source(%dma_start3A_11 : memref<512xf32, #tpu.memory_space<hbm>>) target(%arg11 : memref<512xf32, #tpu.memory_space<vmem>>) target_semaphore(%arg25 : memref<!tpu.dma_semaphore, #tpu.memory_space<semaphore_mem>>)
    %dma_wait3A = tpu.memref_slice %arg5[%mul3A_2] : memref<16384xi32, #tpu.memory_space<hbm>> -> memref<512xi32, #tpu.memory_space<hbm>>
    %dma_wait3A_12 = tpu.memref_slice %arg5[%mul3A_2] : memref<16384xi32, #tpu.memory_space<hbm>> -> memref<512xi32, #tpu.memory_space<hbm>>
    tpu.wait_dma2 semaphore(%arg24 : memref<!tpu.dma_semaphore, #tpu.memory_space<semaphore_mem>>) src(%dma_wait3A_12 : memref<512xi32, #tpu.memory_space<hbm>>) dst(%arg12 : memref<512xi32, #tpu.memory_space<vmem>>)
    %dma_wait3A_13 = tpu.memref_slice %arg4[%mul3A_2] : memref<16384xf32, #tpu.memory_space<hbm>> -> memref<512xf32, #tpu.memory_space<hbm>>
    %dma_wait3A_14 = tpu.memref_slice %arg4[%mul3A_2] : memref<16384xf32, #tpu.memory_space<hbm>> -> memref<512xf32, #tpu.memory_space<hbm>>
    tpu.wait_dma2 semaphore(%arg25 : memref<!tpu.dma_semaphore, #tpu.memory_space<semaphore_mem>>) src(%dma_wait3A_14 : memref<512xf32, #tpu.memory_space<hbm>>) dst(%arg11 : memref<512xf32, #tpu.memory_space<vmem>>)
    %dma_start3A_15 = arith.constant 0 : i32
    %dma_start3A_16 = tpu.memref_slice %arg12[%dma_start3A_15] : memref<512xi32, #tpu.memory_space<vmem>> -> memref<64xi32, #tpu.memory_space<vmem>>
    %dma_start3A_17 = arith.constant 0 : i32
    %dma_start3A_18 = arith.constant 0 : i32
    %dma_start3A_19 = tpu.memref_slice %arg2[%dma_start3A_17, %dma_start3A_18] : memref<100000x256xf32, #tpu.memory_space<hbm>> -> memref<100000x256xf32, #tpu.memory_space<hbm>>
    tpu.enqueue_indirect_dma source(%dma_start3A_19 : memref<100000x256xf32, #tpu.memory_space<hbm>>) target(%arg14 : memref<64x256xf32, #tpu.memory_space<vmem>>) offsets(%dma_start3A_16 : memref<64xi32, #tpu.memory_space<vmem>>) semaphore(%arg24 : memref<!tpu.dma_semaphore, #tpu.memory_space<semaphore_mem>>)
    %dma_start3A_20 = arith.constant 64 : i32
    %dma_start3A_21 = tpu.memref_slice %arg12[%dma_start3A_20] : memref<512xi32, #tpu.memory_space<vmem>> -> memref<64xi32, #tpu.memory_space<vmem>>
    %dma_start3A_22 = arith.constant 0 : i32
    %dma_start3A_23 = arith.constant 0 : i32
    %dma_start3A_24 = tpu.memref_slice %arg2[%dma_start3A_22, %dma_start3A_23] : memref<100000x256xf32, #tpu.memory_space<hbm>> -> memref<100000x256xf32, #tpu.memory_space<hbm>>
    tpu.enqueue_indirect_dma source(%dma_start3A_24 : memref<100000x256xf32, #tpu.memory_space<hbm>>) target(%arg15 : memref<64x256xf32, #tpu.memory_space<vmem>>) offsets(%dma_start3A_21 : memref<64xi32, #tpu.memory_space<vmem>>) semaphore(%arg25 : memref<!tpu.dma_semaphore, #tpu.memory_space<semaphore_mem>>)
    %dma_start3A_25 = arith.constant 128 : i32
    %dma_start3A_26 = tpu.memref_slice %arg12[%dma_start3A_25] : memref<512xi32, #tpu.memory_space<vmem>> -> memref<64xi32, #tpu.memory_space<vmem>>
    %dma_start3A_27 = arith.constant 0 : i32
    %dma_start3A_28 = arith.constant 0 : i32
    %dma_start3A_29 = tpu.memref_slice %arg2[%dma_start3A_27, %dma_start3A_28] : memref<100000x256xf32, #tpu.memory_space<hbm>> -> memref<100000x256xf32, #tpu.memory_space<hbm>>
    tpu.enqueue_indirect_dma source(%dma_start3A_29 : memref<100000x256xf32, #tpu.memory_space<hbm>>) target(%arg16 : memref<64x256xf32, #tpu.memory_space<vmem>>) offsets(%dma_start3A_26 : memref<64xi32, #tpu.memory_space<vmem>>) semaphore(%arg26 : memref<!tpu.dma_semaphore, #tpu.memory_space<semaphore_mem>>)
    %dma_wait3A_30 = tpu.memref_slice %arg6[%mul3A_5] : memref<4096xi32, #tpu.memory_space<hbm>> -> memref<128xi32, #tpu.memory_space<hbm>>
    %dma_wait3A_31 = tpu.memref_slice %arg6[%mul3A_5] : memref<4096xi32, #tpu.memory_space<hbm>> -> memref<128xi32, #tpu.memory_space<hbm>>
    tpu.wait_dma2 semaphore(%arg28 : memref<!tpu.dma_semaphore, #tpu.memory_space<semaphore_mem>>) src(%dma_wait3A_31 : memref<128xi32, #tpu.memory_space<hbm>>) dst(%arg13 : memref<128xi32, #tpu.memory_space<vmem>>)
    %dma_start3A_32 = arith.constant 0 : i32
    %dma_start3A_33 = arith.constant 0 : i32
    %dma_start3A_34 = tpu.memref_slice %arg2[%dma_start3A_32, %dma_start3A_33] : memref<100000x256xf32, #tpu.memory_space<hbm>> -> memref<100000x256xf32, #tpu.memory_space<hbm>>
    tpu.enqueue_indirect_dma source(%dma_start3A_34 : memref<100000x256xf32, #tpu.memory_space<hbm>>) target(%arg18 : memref<128x256xf32, #tpu.memory_space<vmem>>) offsets(%arg13 : memref<128xi32, #tpu.memory_space<vmem>>) semaphore(%arg28 : memref<!tpu.dma_semaphore, #tpu.memory_space<semaphore_mem>>)
    %dma_wait3A_35 = tpu.memref_slice %arg3[%mul3A_2] : memref<16384xf32, #tpu.memory_space<hbm>> -> memref<512xf32, #tpu.memory_space<hbm>>
    %dma_wait3A_36 = tpu.memref_slice %arg3[%mul3A_2] : memref<16384xf32, #tpu.memory_space<hbm>> -> memref<512xf32, #tpu.memory_space<hbm>>
    tpu.wait_dma2 semaphore(%arg29 : memref<!tpu.dma_semaphore, #tpu.memory_space<semaphore_mem>>) src(%dma_wait3A_36 : memref<512xf32, #tpu.memory_space<hbm>>) dst(%arg10 : memref<512xf32, #tpu.memory_space<vmem>>)
    %scan3A = arith.constant 0 : i32
    %scan3A_37 = arith.constant 0 : i32
    %scan3A_38 = arith.constant 16 : i32
    %scan3A_39 = arith.addi %scan3A_37, %scan3A_38 : i32
    %scan3A_40 = arith.constant 1 : i32
    scf.for %scan3A_703 = %scan3A_37 to %scan3A_39 step %scan3A_40  : i32 {
      %mul3A_704 = arith.constant 2 : i32
      %mul3A_705 = arith.muli %scan3A_703, %mul3A_704 : i32
      %add3A_706 = arith.constant 0 : i32
      %add3A_707 = arith.addi %mul3A_705, %add3A_706 : i32
      %mul3A_708 = arith.constant 16 : i32
      %mul3A_709 = arith.muli %add3A_707, %mul3A_708 : i32
      %multiple_of3A = tpu.assume_multiple %mul3A_709, 16 : i32
      %get3A_710 = arith.index_cast %multiple_of3A : i32 to index
      %get3A_711 = tpu.vector_load %arg10[%get3A_710] {strides = array<i32>} : memref<512xf32, #tpu.memory_space<vmem>>, vector<16xf32>,
      %mul3A_712 = arith.constant 6.250000e-02 : f32
      %mul3A_713 = vector.broadcast %mul3A_712 : f32 to vector<16xf32>
      %mul3A_714 = arith.mulf %get3A_711, %mul3A_713 : vector<16xf32>
      %get3A_715 = arith.index_cast %multiple_of3A : i32 to index
      %get3A_716 = tpu.vector_load %arg11[%get3A_715] {strides = array<i32>} : memref<512xf32, #tpu.memory_space<vmem>>, vector<16xf32>,
      %mul3A_717 = arith.constant 4.000000e-02 : f32
      %mul3A_718 = vector.broadcast %mul3A_717 : f32 to vector<16xf32>
      %mul3A_719 = arith.mulf %mul3A_718, %get3A_716 : vector<16xf32>
      %rem3A = arith.constant 6.28318548 : f32
      %rem3A_720 = vector.broadcast %rem3A : f32 to vector<16xf32>
      %rem3A_721 = arith.remf %mul3A_719, %rem3A_720 : vector<16xf32>
      %lt3A_722 = arith.constant 0.000000e+00 : f32
      %lt3A_723 = vector.broadcast %lt3A_722 : f32 to vector<16xf32>
      %lt3A_724 = arith.cmpf olt, %rem3A_721, %lt3A_723 : vector<16xf32>
      %add3A_725 = arith.constant 6.28318548 : f32
      %add3A_726 = vector.broadcast %add3A_725 : f32 to vector<16xf32>
      %add3A_727 = arith.addf %rem3A_721, %add3A_726 : vector<16xf32>
      %select_n3A_728 = arith.select %lt3A_724, %add3A_727, %rem3A_721 : vector<16xi1>, vector<16xf32>
      %sub3A_729 = arith.constant 3.14159274 : f32
      %sub3A_730 = vector.broadcast %sub3A_729 : f32 to vector<16xf32>
      %sub3A_731 = arith.subf %select_n3A_728, %sub3A_730 : vector<16xf32>
      %mul3A_732 = arith.mulf %sub3A_731, %sub3A_731 : vector<16xf32>
      %mul3A_733 = arith.constant 2.49800181E-15 : f32
      %mul3A_734 = vector.broadcast %mul3A_733 : f32 to vector<16xf32>
      %mul3A_735 = arith.mulf %mul3A_734, %mul3A_732 : vector<16xf32>
      %add3A_736 = arith.constant -7.58358653E-13 : f32
      %add3A_737 = vector.broadcast %add3A_736 : f32 to vector<16xf32>
      %add3A_738 = arith.addf %mul3A_735, %add3A_737 : vector<16xf32>
      %mul3A_739 = arith.mulf %add3A_738, %mul3A_732 : vector<16xf32>
      %add3A_740 = arith.constant 1.60542635E-10 : f32
      %add3A_741 = vector.broadcast %add3A_740 : f32 to vector<16xf32>
      %add3A_742 = arith.addf %mul3A_739, %add3A_741 : vector<16xf32>
      %mul3A_743 = arith.mulf %add3A_742, %mul3A_732 : vector<16xf32>
      %add3A_744 = arith.constant -2.50520724E-8 : f32
      %add3A_745 = vector.broadcast %add3A_744 : f32 to vector<16xf32>
      %add3A_746 = arith.addf %mul3A_743, %add3A_745 : vector<16xf32>
      %mul3A_747 = arith.mulf %add3A_746, %mul3A_732 : vector<16xf32>
      %add3A_748 = arith.constant 2.75573325E-6 : f32
      %add3A_749 = vector.broadcast %add3A_748 : f32 to vector<16xf32>
      %add3A_750 = arith.addf %mul3A_747, %add3A_749 : vector<16xf32>
      %mul3A_751 = arith.mulf %add3A_750, %mul3A_732 : vector<16xf32>
      %add3A_752 = arith.constant -1.98412701E-4 : f32
      %add3A_753 = vector.broadcast %add3A_752 : f32 to vector<16xf32>
      %add3A_754 = arith.addf %mul3A_751, %add3A_753 : vector<16xf32>
      %mul3A_755 = arith.mulf %add3A_754, %mul3A_732 : vector<16xf32>
      %add3A_756 = arith.constant 0.00833333377 : f32
      %add3A_757 = vector.broadcast %add3A_756 : f32 to vector<16xf32>
      %add3A_758 = arith.addf %mul3A_755, %add3A_757 : vector<16xf32>
      %mul3A_759 = arith.mulf %add3A_758, %mul3A_732 : vector<16xf32>
      %add3A_760 = arith.constant -0.166666672 : f32
      %add3A_761 = vector.broadcast %add3A_760 : f32 to vector<16xf32>
      %add3A_762 = arith.addf %mul3A_759, %add3A_761 : vector<16xf32>
      %mul3A_763 = arith.mulf %add3A_762, %mul3A_732 : vector<16xf32>
      %add3A_764 = arith.constant 1.000000e+00 : f32
      %add3A_765 = vector.broadcast %add3A_764 : f32 to vector<16xf32>
      %add3A_766 = arith.addf %mul3A_763, %add3A_765 : vector<16xf32>
      %mul3A_767 = arith.constant -2.22044605E-16 : f32
      %mul3A_768 = vector.broadcast %mul3A_767 : f32 to vector<16xf32>
      %mul3A_769 = arith.mulf %mul3A_768, %mul3A_732 : vector<16xf32>
      %add3A_770 = arith.constant 5.26245714E-14 : f32
      %add3A_771 = vector.broadcast %add3A_770 : f32 to vector<16xf32>
      %add3A_772 = arith.addf %mul3A_769, %add3A_771 : vector<16xf32>
      %mul3A_773 = arith.mulf %add3A_772, %mul3A_732 : vector<16xf32>
      %add3A_774 = arith.constant -1.16140049E-11 : f32
      %add3A_775 = vector.broadcast %add3A_774 : f32 to vector<16xf32>
      %add3A_776 = arith.addf %mul3A_773, %add3A_775 : vector<16xf32>
      %mul3A_777 = arith.mulf %add3A_776, %mul3A_732 : vector<16xf32>
      %add3A_778 = arith.constant 2.08986539E-9 : f32
      %add3A_779 = vector.broadcast %add3A_778 : f32 to vector<16xf32>
      %add3A_780 = arith.addf %mul3A_777, %add3A_779 : vector<16xf32>
      %mul3A_781 = arith.mulf %add3A_780, %mul3A_732 : vector<16xf32>
      %add3A_782 = arith.constant -2.75600513E-7 : f32
      %add3A_783 = vector.broadcast %add3A_782 : f32 to vector<16xf32>
      %add3A_784 = arith.addf %mul3A_781, %add3A_783 : vector<16xf32>
      %mul3A_785 = arith.mulf %add3A_784, %mul3A_732 : vector<16xf32>
      %add3A_786 = arith.constant 2.48018732E-5 : f32
      %add3A_787 = vector.broadcast %add3A_786 : f32 to vector<16xf32>
      %add3A_788 = arith.addf %mul3A_785, %add3A_787 : vector<16xf32>
      %mul3A_789 = arith.mulf %add3A_788, %mul3A_732 : vector<16xf32>
      %add3A_790 = arith.constant -0.00138889055 : f32
      %add3A_791 = vector.broadcast %add3A_790 : f32 to vector<16xf32>
      %add3A_792 = arith.addf %mul3A_789, %add3A_791 : vector<16xf32>
      %mul3A_793 = arith.mulf %add3A_792, %mul3A_732 : vector<16xf32>
      %add3A_794 = arith.constant 0.0416666716 : f32
      %add3A_795 = vector.broadcast %add3A_794 : f32 to vector<16xf32>
      %add3A_796 = arith.addf %mul3A_793, %add3A_795 : vector<16xf32>
      %mul3A_797 = arith.mulf %add3A_796, %mul3A_732 : vector<16xf32>
      %add3A_798 = arith.constant -5.000000e-01 : f32
      %add3A_799 = vector.broadcast %add3A_798 : f32 to vector<16xf32>
      %add3A_800 = arith.addf %mul3A_797, %add3A_799 : vector<16xf32>
      %mul3A_801 = arith.mulf %add3A_800, %mul3A_732 : vector<16xf32>
      %add3A_802 = arith.constant 1.000000e+00 : f32
      %add3A_803 = vector.broadcast %add3A_802 : f32 to vector<16xf32>
      %add3A_804 = arith.addf %mul3A_801, %add3A_803 : vector<16xf32>
      %mul3A_805 = arith.mulf %sub3A_731, %add3A_766 : vector<16xf32>
      %neg3A = arith.constant 0.000000e+00 : f32
      %neg3A_806 = vector.broadcast %neg3A : f32 to vector<16xf32>
      %neg3A_807 = arith.subf %neg3A_806, %mul3A_805 : vector<16xf32>
      %neg3A_808 = arith.constant 0.000000e+00 : f32
      %neg3A_809 = vector.broadcast %neg3A_808 : f32 to vector<16xf32>
      %neg3A_810 = arith.subf %neg3A_809, %add3A_804 : vector<16xf32>
      %mul3A_811 = arith.mulf %mul3A_714, %neg3A_810 : vector<16xf32>
      %swap3A_812 = arith.index_cast %multiple_of3A : i32 to index
      %swap3A_813 = tpu.vector_load %arg10[%swap3A_812] {strides = array<i32>} : memref<512xf32, #tpu.memory_space<vmem>>, vector<16xf32>,
      tpu.vector_store %arg10[%swap3A_812], %mul3A_811 {strides = array<i32>} : memref<512xf32, #tpu.memory_space<vmem>>, vector<16xf32>,
      %mul3A_814 = arith.mulf %mul3A_714, %neg3A_807 : vector<16xf32>
      %swap3A_815 = arith.index_cast %multiple_of3A : i32 to index
      %swap3A_816 = tpu.vector_load %arg11[%swap3A_815] {strides = array<i32>} : memref<512xf32, #tpu.memory_space<vmem>>, vector<16xf32>,
      tpu.vector_store %arg11[%swap3A_815], %mul3A_814 {strides = array<i32>} : memref<512xf32, #tpu.memory_space<vmem>>, vector<16xf32>,
      %mul3A_817 = arith.constant 2 : i32
      %mul3A_818 = arith.muli %scan3A_703, %mul3A_817 : i32
      %add3A_819 = arith.constant 1 : i32
      %add3A_820 = arith.addi %mul3A_818, %add3A_819 : i32
      %mul3A_821 = arith.constant 16 : i32
      %mul3A_822 = arith.muli %add3A_820, %mul3A_821 : i32
      %multiple_of3A_823 = tpu.assume_multiple %mul3A_822, 16 : i32
      %get3A_824 = arith.index_cast %multiple_of3A_823 : i32 to index
      %get3A_825 = tpu.vector_load %arg10[%get3A_824] {strides = array<i32>} : memref<512xf32, #tpu.memory_space<vmem>>, vector<16xf32>,
      %mul3A_826 = arith.constant 6.250000e-02 : f32
      %mul3A_827 = vector.broadcast %mul3A_826 : f32 to vector<16xf32>
      %mul3A_828 = arith.mulf %get3A_825, %mul3A_827 : vector<16xf32>
      %get3A_829 = arith.index_cast %multiple_of3A_823 : i32 to index
      %get3A_830 = tpu.vector_load %arg11[%get3A_829] {strides = array<i32>} : memref<512xf32, #tpu.memory_space<vmem>>, vector<16xf32>,
      %mul3A_831 = arith.constant 4.000000e-02 : f32
      %mul3A_832 = vector.broadcast %mul3A_831 : f32 to vector<16xf32>
      %mul3A_833 = arith.mulf %mul3A_832, %get3A_830 : vector<16xf32>
      %rem3A_834 = arith.constant 6.28318548 : f32
      %rem3A_835 = vector.broadcast %rem3A_834 : f32 to vector<16xf32>
      %rem3A_836 = arith.remf %mul3A_833, %rem3A_835 : vector<16xf32>
      %lt3A_837 = arith.constant 0.000000e+00 : f32
      %lt3A_838 = vector.broadcast %lt3A_837 : f32 to vector<16xf32>
      %lt3A_839 = arith.cmpf olt, %rem3A_836, %lt3A_838 : vector<16xf32>
      %add3A_840 = arith.constant 6.28318548 : f32
      %add3A_841 = vector.broadcast %add3A_840 : f32 to vector<16xf32>
      %add3A_842 = arith.addf %rem3A_836, %add3A_841 : vector<16xf32>
      %select_n3A_843 = arith.select %lt3A_839, %add3A_842, %rem3A_836 : vector<16xi1>, vector<16xf32>
      %sub3A_844 = arith.constant 3.14159274 : f32
      %sub3A_845 = vector.broadcast %sub3A_844 : f32 to vector<16xf32>
      %sub3A_846 = arith.subf %select_n3A_843, %sub3A_845 : vector<16xf32>
      %mul3A_847 = arith.mulf %sub3A_846, %sub3A_846 : vector<16xf32>
      %mul3A_848 = arith.constant 2.49800181E-15 : f32
      %mul3A_849 = vector.broadcast %mul3A_848 : f32 to vector<16xf32>
      %mul3A_850 = arith.mulf %mul3A_849, %mul3A_847 : vector<16xf32>
      %add3A_851 = arith.constant -7.58358653E-13 : f32
      %add3A_852 = vector.broadcast %add3A_851 : f32 to vector<16xf32>
      %add3A_853 = arith.addf %mul3A_850, %add3A_852 : vector<16xf32>
      %mul3A_854 = arith.mulf %add3A_853, %mul3A_847 : vector<16xf32>
      %add3A_855 = arith.constant 1.60542635E-10 : f32
      %add3A_856 = vector.broadcast %add3A_855 : f32 to vector<16xf32>
      %add3A_857 = arith.addf %mul3A_854, %add3A_856 : vector<16xf32>
      %mul3A_858 = arith.mulf %add3A_857, %mul3A_847 : vector<16xf32>
      %add3A_859 = arith.constant -2.50520724E-8 : f32
      %add3A_860 = vector.broadcast %add3A_859 : f32 to vector<16xf32>
      %add3A_861 = arith.addf %mul3A_858, %add3A_860 : vector<16xf32>
      %mul3A_862 = arith.mulf %add3A_861, %mul3A_847 : vector<16xf32>
      %add3A_863 = arith.constant 2.75573325E-6 : f32
      %add3A_864 = vector.broadcast %add3A_863 : f32 to vector<16xf32>
      %add3A_865 = arith.addf %mul3A_862, %add3A_864 : vector<16xf32>
      %mul3A_866 = arith.mulf %add3A_865, %mul3A_847 : vector<16xf32>
      %add3A_867 = arith.constant -1.98412701E-4 : f32
      %add3A_868 = vector.broadcast %add3A_867 : f32 to vector<16xf32>
      %add3A_869 = arith.addf %mul3A_866, %add3A_868 : vector<16xf32>
      %mul3A_870 = arith.mulf %add3A_869, %mul3A_847 : vector<16xf32>
      %add3A_871 = arith.constant 0.00833333377 : f32
      %add3A_872 = vector.broadcast %add3A_871 : f32 to vector<16xf32>
      %add3A_873 = arith.addf %mul3A_870, %add3A_872 : vector<16xf32>
      %mul3A_874 = arith.mulf %add3A_873, %mul3A_847 : vector<16xf32>
      %add3A_875 = arith.constant -0.166666672 : f32
      %add3A_876 = vector.broadcast %add3A_875 : f32 to vector<16xf32>
      %add3A_877 = arith.addf %mul3A_874, %add3A_876 : vector<16xf32>
      %mul3A_878 = arith.mulf %add3A_877, %mul3A_847 : vector<16xf32>
      %add3A_879 = arith.constant 1.000000e+00 : f32
      %add3A_880 = vector.broadcast %add3A_879 : f32 to vector<16xf32>
      %add3A_881 = arith.addf %mul3A_878, %add3A_880 : vector<16xf32>
      %mul3A_882 = arith.constant -2.22044605E-16 : f32
      %mul3A_883 = vector.broadcast %mul3A_882 : f32 to vector<16xf32>
      %mul3A_884 = arith.mulf %mul3A_883, %mul3A_847 : vector<16xf32>
      %add3A_885 = arith.constant 5.26245714E-14 : f32
      %add3A_886 = vector.broadcast %add3A_885 : f32 to vector<16xf32>
      %add3A_887 = arith.addf %mul3A_884, %add3A_886 : vector<16xf32>
      %mul3A_888 = arith.mulf %add3A_887, %mul3A_847 : vector<16xf32>
      %add3A_889 = arith.constant -1.16140049E-11 : f32
      %add3A_890 = vector.broadcast %add3A_889 : f32 to vector<16xf32>
      %add3A_891 = arith.addf %mul3A_888, %add3A_890 : vector<16xf32>
      %mul3A_892 = arith.mulf %add3A_891, %mul3A_847 : vector<16xf32>
      %add3A_893 = arith.constant 2.08986539E-9 : f32
      %add3A_894 = vector.broadcast %add3A_893 : f32 to vector<16xf32>
      %add3A_895 = arith.addf %mul3A_892, %add3A_894 : vector<16xf32>
      %mul3A_896 = arith.mulf %add3A_895, %mul3A_847 : vector<16xf32>
      %add3A_897 = arith.constant -2.75600513E-7 : f32
      %add3A_898 = vector.broadcast %add3A_897 : f32 to vector<16xf32>
      %add3A_899 = arith.addf %mul3A_896, %add3A_898 : vector<16xf32>
      %mul3A_900 = arith.mulf %add3A_899, %mul3A_847 : vector<16xf32>
      %add3A_901 = arith.constant 2.48018732E-5 : f32
      %add3A_902 = vector.broadcast %add3A_901 : f32 to vector<16xf32>
      %add3A_903 = arith.addf %mul3A_900, %add3A_902 : vector<16xf32>
      %mul3A_904 = arith.mulf %add3A_903, %mul3A_847 : vector<16xf32>
      %add3A_905 = arith.constant -0.00138889055 : f32
      %add3A_906 = vector.broadcast %add3A_905 : f32 to vector<16xf32>
      %add3A_907 = arith.addf %mul3A_904, %add3A_906 : vector<16xf32>
      %mul3A_908 = arith.mulf %add3A_907, %mul3A_847 : vector<16xf32>
      %add3A_909 = arith.constant 0.0416666716 : f32
      %add3A_910 = vector.broadcast %add3A_909 : f32 to vector<16xf32>
      %add3A_911 = arith.addf %mul3A_908, %add3A_910 : vector<16xf32>
      %mul3A_912 = arith.mulf %add3A_911, %mul3A_847 : vector<16xf32>
      %add3A_913 = arith.constant -5.000000e-01 : f32
      %add3A_914 = vector.broadcast %add3A_913 : f32 to vector<16xf32>
      %add3A_915 = arith.addf %mul3A_912, %add3A_914 : vector<16xf32>
      %mul3A_916 = arith.mulf %add3A_915, %mul3A_847 : vector<16xf32>
      %add3A_917 = arith.constant 1.000000e+00 : f32
      %add3A_918 = vector.broadcast %add3A_917 : f32 to vector<16xf32>
      %add3A_919 = arith.addf %mul3A_916, %add3A_918 : vector<16xf32>
      %mul3A_920 = arith.mulf %sub3A_846, %add3A_881 : vector<16xf32>
      %neg3A_921 = arith.constant 0.000000e+00 : f32
      %neg3A_922 = vector.broadcast %neg3A_921 : f32 to vector<16xf32>
      %neg3A_923 = arith.subf %neg3A_922, %mul3A_920 : vector<16xf32>
      %neg3A_924 = arith.constant 0.000000e+00 : f32
      %neg3A_925 = vector.broadcast %neg3A_924 : f32 to vector<16xf32>
      %neg3A_926 = arith.subf %neg3A_925, %add3A_919 : vector<16xf32>
      %mul3A_927 = arith.mulf %mul3A_828, %neg3A_926 : vector<16xf32>
      %swap3A_928 = arith.index_cast %multiple_of3A_823 : i32 to index
      %swap3A_929 = tpu.vector_load %arg10[%swap3A_928] {strides = array<i32>} : memref<512xf32, #tpu.memory_space<vmem>>, vector<16xf32>,
      tpu.vector_store %arg10[%swap3A_928], %mul3A_927 {strides = array<i32>} : memref<512xf32, #tpu.memory_space<vmem>>, vector<16xf32>,
      %mul3A_930 = arith.mulf %mul3A_828, %neg3A_923 : vector<16xf32>
      %swap3A_931 = arith.index_cast %multiple_of3A_823 : i32 to index
      %swap3A_932 = tpu.vector_load %arg11[%swap3A_931] {strides = array<i32>} : memref<512xf32, #tpu.memory_space<vmem>>, vector<16xf32>,
      tpu.vector_store %arg11[%swap3A_931], %mul3A_930 {strides = array<i32>} : memref<512xf32, #tpu.memory_space<vmem>>, vector<16xf32>,
    }
    %scan3A_41 = arith.constant 16 : i32
    %broadcast_in_dim3A = arith.constant 0.000000e+00 : f32
    %broadcast_in_dim3A_42 = vector.broadcast %broadcast_in_dim3A : f32 to vector<16xf32>
    %broadcast_in_dim3A_43 = arith.constant 0.000000e+00 : f32
    %broadcast_in_dim3A_44 = vector.broadcast %broadcast_in_dim3A_43 : f32 to vector<16xf32>
    %broadcast_in_dim3A_45 = arith.constant 0.000000e+00 : f32
    %broadcast_in_dim3A_46 = vector.broadcast %broadcast_in_dim3A_45 : f32 to vector<16xf32>
    %broadcast_in_dim3A_47 = arith.constant 0.000000e+00 : f32
    %broadcast_in_dim3A_48 = vector.broadcast %broadcast_in_dim3A_47 : f32 to vector<16xf32>
    %broadcast_in_dim3A_49 = arith.constant 0.000000e+00 : f32
    %broadcast_in_dim3A_50 = vector.broadcast %broadcast_in_dim3A_49 : f32 to vector<16xf32>
    %broadcast_in_dim3A_51 = arith.constant 0.000000e+00 : f32
    %broadcast_in_dim3A_52 = vector.broadcast %broadcast_in_dim3A_51 : f32 to vector<16xf32>
    %broadcast_in_dim3A_53 = arith.constant 0.000000e+00 : f32
    %broadcast_in_dim3A_54 = vector.broadcast %broadcast_in_dim3A_53 : f32 to vector<16xf32>
    %broadcast_in_dim3A_55 = arith.constant 0.000000e+00 : f32
    %broadcast_in_dim3A_56 = vector.broadcast %broadcast_in_dim3A_55 : f32 to vector<16xf32>
    %broadcast_in_dim3A_57 = arith.constant 0.000000e+00 : f32
    %broadcast_in_dim3A_58 = vector.broadcast %broadcast_in_dim3A_57 : f32 to vector<16xf32>
    %broadcast_in_dim3A_59 = arith.constant 0.000000e+00 : f32
    %broadcast_in_dim3A_60 = vector.broadcast %broadcast_in_dim3A_59 : f32 to vector<16xf32>
    %broadcast_in_dim3A_61 = arith.constant 0.000000e+00 : f32
    %broadcast_in_dim3A_62 = vector.broadcast %broadcast_in_dim3A_61 : f32 to vector<16xf32>
    %broadcast_in_dim3A_63 = arith.constant 0.000000e+00 : f32
    %broadcast_in_dim3A_64 = vector.broadcast %broadcast_in_dim3A_63 : f32 to vector<16xf32>
    %broadcast_in_dim3A_65 = arith.constant 0.000000e+00 : f32
    %broadcast_in_dim3A_66 = vector.broadcast %broadcast_in_dim3A_65 : f32 to vector<16xf32>
    %broadcast_in_dim3A_67 = arith.constant 0.000000e+00 : f32
    %broadcast_in_dim3A_68 = vector.broadcast %broadcast_in_dim3A_67 : f32 to vector<16xf32>
    %broadcast_in_dim3A_69 = arith.constant 0.000000e+00 : f32
    %broadcast_in_dim3A_70 = vector.broadcast %broadcast_in_dim3A_69 : f32 to vector<16xf32>
    %broadcast_in_dim3A_71 = arith.constant 0.000000e+00 : f32
    %broadcast_in_dim3A_72 = vector.broadcast %broadcast_in_dim3A_71 : f32 to vector<16xf32>
    %broadcast_in_dim3A_73 = arith.constant 0.000000e+00 : f32
    %broadcast_in_dim3A_74 = vector.broadcast %broadcast_in_dim3A_73 : f32 to vector<16xf32>
    %broadcast_in_dim3A_75 = arith.constant 0.000000e+00 : f32
    %broadcast_in_dim3A_76 = vector.broadcast %broadcast_in_dim3A_75 : f32 to vector<16xf32>
    %broadcast_in_dim3A_77 = arith.constant 0.000000e+00 : f32
    %broadcast_in_dim3A_78 = vector.broadcast %broadcast_in_dim3A_77 : f32 to vector<16xf32>
    %broadcast_in_dim3A_79 = arith.constant 0.000000e+00 : f32
    %broadcast_in_dim3A_80 = vector.broadcast %broadcast_in_dim3A_79 : f32 to vector<16xf32>
    %broadcast_in_dim3A_81 = arith.constant 0.000000e+00 : f32
    %broadcast_in_dim3A_82 = vector.broadcast %broadcast_in_dim3A_81 : f32 to vector<16xf32>
    %broadcast_in_dim3A_83 = arith.constant 0.000000e+00 : f32
    %broadcast_in_dim3A_84 = vector.broadcast %broadcast_in_dim3A_83 : f32 to vector<16xf32>
    %broadcast_in_dim3A_85 = arith.constant 0.000000e+00 : f32
    %broadcast_in_dim3A_86 = vector.broadcast %broadcast_in_dim3A_85 : f32 to vector<16xf32>
    %broadcast_in_dim3A_87 = arith.constant 0.000000e+00 : f32
    %broadcast_in_dim3A_88 = vector.broadcast %broadcast_in_dim3A_87 : f32 to vector<16xf32>
    %broadcast_in_dim3A_89 = arith.constant 0.000000e+00 : f32
    %broadcast_in_dim3A_90 = vector.broadcast %broadcast_in_dim3A_89 : f32 to vector<16xf32>
    %broadcast_in_dim3A_91 = arith.constant 0.000000e+00 : f32
    %broadcast_in_dim3A_92 = vector.broadcast %broadcast_in_dim3A_91 : f32 to vector<16xf32>
    %broadcast_in_dim3A_93 = arith.constant 0.000000e+00 : f32
    %broadcast_in_dim3A_94 = vector.broadcast %broadcast_in_dim3A_93 : f32 to vector<16xf32>
    %broadcast_in_dim3A_95 = arith.constant 0.000000e+00 : f32
    %broadcast_in_dim3A_96 = vector.broadcast %broadcast_in_dim3A_95 : f32 to vector<16xf32>
    %broadcast_in_dim3A_97 = arith.constant 0.000000e+00 : f32
    %broadcast_in_dim3A_98 = vector.broadcast %broadcast_in_dim3A_97 : f32 to vector<16xf32>
    %broadcast_in_dim3A_99 = arith.constant 0.000000e+00 : f32
    %broadcast_in_dim3A_100 = vector.broadcast %broadcast_in_dim3A_99 : f32 to vector<16xf32>
    %broadcast_in_dim3A_101 = arith.constant 0.000000e+00 : f32
    %broadcast_in_dim3A_102 = vector.broadcast %broadcast_in_dim3A_101 : f32 to vector<16xf32>
    %broadcast_in_dim3A_103 = arith.constant 0.000000e+00 : f32
    %broadcast_in_dim3A_104 = vector.broadcast %broadcast_in_dim3A_103 : f32 to vector<16xf32>
    %dma_start3A_105 = arith.constant 192 : i32
    %dma_start3A_106 = tpu.memref_slice %arg12[%dma_start3A_105] : memref<512xi32, #tpu.memory_space<vmem>> -> memref<64xi32, #tpu.memory_space<vmem>>
    %dma_start3A_107 = arith.constant 0 : i32
    %dma_start3A_108 = arith.constant 0 : i32
    %dma_start3A_109 = tpu.memref_slice %arg2[%dma_start3A_107, %dma_start3A_108] : memref<100000x256xf32, #tpu.memory_space<hbm>> -> memref<100000x256xf32, #tpu.memory_space<hbm>>
    tpu.enqueue_indirect_dma source(%dma_start3A_109 : memref<100000x256xf32, #tpu.memory_space<hbm>>) target(%arg17 : memref<64x256xf32, #tpu.memory_space<vmem>>) offsets(%dma_start3A_106 : memref<64xi32, #tpu.memory_space<vmem>>) semaphore(%arg27 : memref<!tpu.dma_semaphore, #tpu.memory_space<semaphore_mem>>)
    %dma_wait3A_110 = arith.constant 0 : i32
    %dma_wait3A_111 = tpu.memref_slice %arg12[%dma_wait3A_110] : memref<512xi32, #tpu.memory_space<vmem>> -> memref<64xi32, #tpu.memory_space<vmem>>
    %dma_wait3A_112 = arith.constant 0 : i32
    %dma_wait3A_113 = arith.constant 0 : i32
    %dma_wait3A_114 = tpu.memref_slice %arg2[%dma_wait3A_112, %dma_wait3A_113] : memref<100000x256xf32, #tpu.memory_space<hbm>> -> memref<100000x256xf32, #tpu.memory_space<hbm>>
    tpu.wait_indirect_dma semaphore(%arg24 : memref<!tpu.dma_semaphore, #tpu.memory_space<semaphore_mem>>) src(%dma_wait3A_114 : memref<100000x256xf32, #tpu.memory_space<hbm>>) dst(%arg14 : memref<64x256xf32, #tpu.memory_space<vmem>>)
    %scan3A_115 = arith.constant 0 : i32
    %scan3A_116 = arith.constant 64 : i32
    %scan3A_117 = arith.addi %scan3A_115, %scan3A_116 : i32
    %scan3A_118 = arith.constant 1 : i32
    %scan3A_119:32 = scf.for %scan3A_703 = %scan3A_115 to %scan3A_117 step %scan3A_118 iter_args(%scan3A_704 = %broadcast_in_dim3A_42, %scan3A_705 = %broadcast_in_dim3A_44, %scan3A_706 = %broadcast_in_dim3A_46, %scan3A_707 = %broadcast_in_dim3A_48, %scan3A_708 = %broadcast_in_dim3A_50, %scan3A_709 = %broadcast_in_dim3A_52, %scan3A_710 = %broadcast_in_dim3A_54, %scan3A_711 = %broadcast_in_dim3A_56, %scan3A_712 = %broadcast_in_dim3A_58, %scan3A_713 = %broadcast_in_dim3A_60, %scan3A_714 = %broadcast_in_dim3A_62, %scan3A_715 = %broadcast_in_dim3A_64, %scan3A_716 = %broadcast_in_dim3A_66, %scan3A_717 = %broadcast_in_dim3A_68, %scan3A_718 = %broadcast_in_dim3A_70, %scan3A_719 = %broadcast_in_dim3A_72, %scan3A_720 = %broadcast_in_dim3A_74, %scan3A_721 = %broadcast_in_dim3A_76, %scan3A_722 = %broadcast_in_dim3A_78, %scan3A_723 = %broadcast_in_dim3A_80, %scan3A_724 = %broadcast_in_dim3A_82, %scan3A_725 = %broadcast_in_dim3A_84, %scan3A_726 = %broadcast_in_dim3A_86, %scan3A_727 = %broadcast_in_dim3A_88, %scan3A_728 = %broadcast_in_dim3A_90, %scan3A_729 = %broadcast_in_dim3A_92, %scan3A_730 = %broadcast_in_dim3A_94, %scan3A_731 = %broadcast_in_dim3A_96, %scan3A_732 = %broadcast_in_dim3A_98, %scan3A_733 = %broadcast_in_dim3A_100, %scan3A_734 = %broadcast_in_dim3A_102, %scan3A_735 = %broadcast_in_dim3A_104) -> (vector<16xf32>, vector<16xf32>, vector<16xf32>, vector<16xf32>, vector<16xf32>, vector<16xf32>, vector<16xf32>, vector<16xf32>, vector<16xf32>, vector<16xf32>, vector<16xf32>, vector<16xf32>, vector<16xf32>, vector<16xf32>, vector<16xf32>, vector<16xf32>, vector<16xf32>, vector<16xf32>, vector<16xf32>, vector<16xf32>, vector<16xf32>, vector<16xf32>, vector<16xf32>, vector<16xf32>, vector<16xf32>, vector<16xf32>, vector<16xf32>, vector<16xf32>, vector<16xf32>, vector<16xf32>, vector<16xf32>, vector<16xf32>)  : i32 {
      %add3A_736 = arith.constant 0 : i32
      %add3A_737 = arith.addi %add3A_736, %scan3A_703 : i32
      %broadcast_in_dim3A_738 = vector.broadcast %add3A_737 : i32 to vector<16xi32>
      %gather3A = tpu.vector_load_idx %arg10[%broadcast_in_dim3A_738] : memref<512xf32, #tpu.memory_space<vmem>>[vector<16xi32>], vector<16xf32>,
      %gather3A_739 = tpu.vector_load_idx %arg11[%broadcast_in_dim3A_738] : memref<512xf32, #tpu.memory_space<vmem>>[vector<16xi32>], vector<16xf32>,
      %get3A_740 = arith.index_cast %scan3A_703 : i32 to index
      %get3A_741 = arith.constant 0 : index
      %get3A_742 = tpu.vector_load %arg14[%get3A_740, %get3A_741] {strides = array<i32>} : memref<64x256xf32, #tpu.memory_space<vmem>>, vector<16xf32>,
      %get3A_743 = arith.index_cast %scan3A_703 : i32 to index
      %get3A_744 = arith.constant 16 : index
      %get3A_745 = tpu.vector_load %arg14[%get3A_743, %get3A_744] {strides = array<i32>} : memref<64x256xf32, #tpu.memory_space<vmem>>, vector<16xf32>,
      %get3A_746 = arith.index_cast %scan3A_703 : i32 to index
      %get3A_747 = arith.constant 32 : index
      %get3A_748 = tpu.vector_load %arg14[%get3A_746, %get3A_747] {strides = array<i32>} : memref<64x256xf32, #tpu.memory_space<vmem>>, vector<16xf32>,
      %get3A_749 = arith.index_cast %scan3A_703 : i32 to index
      %get3A_750 = arith.constant 48 : index
      %get3A_751 = tpu.vector_load %arg14[%get3A_749, %get3A_750] {strides = array<i32>} : memref<64x256xf32, #tpu.memory_space<vmem>>, vector<16xf32>,
      %get3A_752 = arith.index_cast %scan3A_703 : i32 to index
      %get3A_753 = arith.constant 64 : index
      %get3A_754 = tpu.vector_load %arg14[%get3A_752, %get3A_753] {strides = array<i32>} : memref<64x256xf32, #tpu.memory_space<vmem>>, vector<16xf32>,
      %get3A_755 = arith.index_cast %scan3A_703 : i32 to index
      %get3A_756 = arith.constant 80 : index
      %get3A_757 = tpu.vector_load %arg14[%get3A_755, %get3A_756] {strides = array<i32>} : memref<64x256xf32, #tpu.memory_space<vmem>>, vector<16xf32>,
      %get3A_758 = arith.index_cast %scan3A_703 : i32 to index
      %get3A_759 = arith.constant 96 : index
      %get3A_760 = tpu.vector_load %arg14[%get3A_758, %get3A_759] {strides = array<i32>} : memref<64x256xf32, #tpu.memory_space<vmem>>, vector<16xf32>,
      %get3A_761 = arith.index_cast %scan3A_703 : i32 to index
      %get3A_762 = arith.constant 112 : index
      %get3A_763 = tpu.vector_load %arg14[%get3A_761, %get3A_762] {strides = array<i32>} : memref<64x256xf32, #tpu.memory_space<vmem>>, vector<16xf32>,
      %get3A_764 = arith.index_cast %scan3A_703 : i32 to index
      %get3A_765 = arith.constant 128 : index
      %get3A_766 = tpu.vector_load %arg14[%get3A_764, %get3A_765] {strides = array<i32>} : memref<64x256xf32, #tpu.memory_space<vmem>>, vector<16xf32>,
      %get3A_767 = arith.index_cast %scan3A_703 : i32 to index
      %get3A_768 = arith.constant 144 : index
      %get3A_769 = tpu.vector_load %arg14[%get3A_767, %get3A_768] {strides = array<i32>} : memref<64x256xf32, #tpu.memory_space<vmem>>, vector<16xf32>,
      %get3A_770 = arith.index_cast %scan3A_703 : i32 to index
      %get3A_771 = arith.constant 160 : index
      %get3A_772 = tpu.vector_load %arg14[%get3A_770, %get3A_771] {strides = array<i32>} : memref<64x256xf32, #tpu.memory_space<vmem>>, vector<16xf32>,
      %get3A_773 = arith.index_cast %scan3A_703 : i32 to index
      %get3A_774 = arith.constant 176 : index
      %get3A_775 = tpu.vector_load %arg14[%get3A_773, %get3A_774] {strides = array<i32>} : memref<64x256xf32, #tpu.memory_space<vmem>>, vector<16xf32>,
      %get3A_776 = arith.index_cast %scan3A_703 : i32 to index
      %get3A_777 = arith.constant 192 : index
      %get3A_778 = tpu.vector_load %arg14[%get3A_776, %get3A_777] {strides = array<i32>} : memref<64x256xf32, #tpu.memory_space<vmem>>, vector<16xf32>,
      %get3A_779 = arith.index_cast %scan3A_703 : i32 to index
      %get3A_780 = arith.constant 208 : index
      %get3A_781 = tpu.vector_load %arg14[%get3A_779, %get3A_780] {strides = array<i32>} : memref<64x256xf32, #tpu.memory_space<vmem>>, vector<16xf32>,
      %get3A_782 = arith.index_cast %scan3A_703 : i32 to index
      %get3A_783 = arith.constant 224 : index
      %get3A_784 = tpu.vector_load %arg14[%get3A_782, %get3A_783] {strides = array<i32>} : memref<64x256xf32, #tpu.memory_space<vmem>>, vector<16xf32>,
      %get3A_785 = arith.index_cast %scan3A_703 : i32 to index
      %get3A_786 = arith.constant 240 : index
      %get3A_787 = tpu.vector_load %arg14[%get3A_785, %get3A_786] {strides = array<i32>} : memref<64x256xf32, #tpu.memory_space<vmem>>, vector<16xf32>,
      %mul3A_788 = arith.mulf %gather3A, %get3A_742 : vector<16xf32>
      %add3A_789 = arith.addf %scan3A_704, %mul3A_788 : vector<16xf32>
      %mul3A_790 = arith.mulf %gather3A, %get3A_745 : vector<16xf32>
      %add3A_791 = arith.addf %scan3A_705, %mul3A_790 : vector<16xf32>
      %mul3A_792 = arith.mulf %gather3A, %get3A_748 : vector<16xf32>
      %add3A_793 = arith.addf %scan3A_706, %mul3A_792 : vector<16xf32>
      %mul3A_794 = arith.mulf %gather3A, %get3A_751 : vector<16xf32>
      %add3A_795 = arith.addf %scan3A_707, %mul3A_794 : vector<16xf32>
      %mul3A_796 = arith.mulf %gather3A, %get3A_754 : vector<16xf32>
      %add3A_797 = arith.addf %scan3A_708, %mul3A_796 : vector<16xf32>
      %mul3A_798 = arith.mulf %gather3A, %get3A_757 : vector<16xf32>
      %add3A_799 = arith.addf %scan3A_709, %mul3A_798 : vector<16xf32>
      %mul3A_800 = arith.mulf %gather3A, %get3A_760 : vector<16xf32>
      %add3A_801 = arith.addf %scan3A_710, %mul3A_800 : vector<16xf32>
      %mul3A_802 = arith.mulf %gather3A, %get3A_763 : vector<16xf32>
      %add3A_803 = arith.addf %scan3A_711, %mul3A_802 : vector<16xf32>
      %mul3A_804 = arith.mulf %gather3A, %get3A_766 : vector<16xf32>
      %add3A_805 = arith.addf %scan3A_712, %mul3A_804 : vector<16xf32>
      %mul3A_806 = arith.mulf %gather3A, %get3A_769 : vector<16xf32>
      %add3A_807 = arith.addf %scan3A_713, %mul3A_806 : vector<16xf32>
      %mul3A_808 = arith.mulf %gather3A, %get3A_772 : vector<16xf32>
      %add3A_809 = arith.addf %scan3A_714, %mul3A_808 : vector<16xf32>
      %mul3A_810 = arith.mulf %gather3A, %get3A_775 : vector<16xf32>
      %add3A_811 = arith.addf %scan3A_715, %mul3A_810 : vector<16xf32>
      %mul3A_812 = arith.mulf %gather3A, %get3A_778 : vector<16xf32>
      %add3A_813 = arith.addf %scan3A_716, %mul3A_812 : vector<16xf32>
      %mul3A_814 = arith.mulf %gather3A, %get3A_781 : vector<16xf32>
      %add3A_815 = arith.addf %scan3A_717, %mul3A_814 : vector<16xf32>
      %mul3A_816 = arith.mulf %gather3A, %get3A_784 : vector<16xf32>
      %add3A_817 = arith.addf %scan3A_718, %mul3A_816 : vector<16xf32>
      %mul3A_818 = arith.mulf %gather3A, %get3A_787 : vector<16xf32>
      %add3A_819 = arith.addf %scan3A_719, %mul3A_818 : vector<16xf32>
      %mul3A_820 = arith.mulf %gather3A_739, %get3A_742 : vector<16xf32>
      %add3A_821 = arith.addf %scan3A_720, %mul3A_820 : vector<16xf32>
      %mul3A_822 = arith.mulf %gather3A_739, %get3A_745 : vector<16xf32>
      %add3A_823 = arith.addf %scan3A_721, %mul3A_822 : vector<16xf32>
      %mul3A_824 = arith.mulf %gather3A_739, %get3A_748 : vector<16xf32>
      %add3A_825 = arith.addf %scan3A_722, %mul3A_824 : vector<16xf32>
      %mul3A_826 = arith.mulf %gather3A_739, %get3A_751 : vector<16xf32>
      %add3A_827 = arith.addf %scan3A_723, %mul3A_826 : vector<16xf32>
      %mul3A_828 = arith.mulf %gather3A_739, %get3A_754 : vector<16xf32>
      %add3A_829 = arith.addf %scan3A_724, %mul3A_828 : vector<16xf32>
      %mul3A_830 = arith.mulf %gather3A_739, %get3A_757 : vector<16xf32>
      %add3A_831 = arith.addf %scan3A_725, %mul3A_830 : vector<16xf32>
      %mul3A_832 = arith.mulf %gather3A_739, %get3A_760 : vector<16xf32>
      %add3A_833 = arith.addf %scan3A_726, %mul3A_832 : vector<16xf32>
      %mul3A_834 = arith.mulf %gather3A_739, %get3A_763 : vector<16xf32>
      %add3A_835 = arith.addf %scan3A_727, %mul3A_834 : vector<16xf32>
      %mul3A_836 = arith.mulf %gather3A_739, %get3A_766 : vector<16xf32>
      %add3A_837 = arith.addf %scan3A_728, %mul3A_836 : vector<16xf32>
      %mul3A_838 = arith.mulf %gather3A_739, %get3A_769 : vector<16xf32>
      %add3A_839 = arith.addf %scan3A_729, %mul3A_838 : vector<16xf32>
      %mul3A_840 = arith.mulf %gather3A_739, %get3A_772 : vector<16xf32>
      %add3A_841 = arith.addf %scan3A_730, %mul3A_840 : vector<16xf32>
      %mul3A_842 = arith.mulf %gather3A_739, %get3A_775 : vector<16xf32>
      %add3A_843 = arith.addf %scan3A_731, %mul3A_842 : vector<16xf32>
      %mul3A_844 = arith.mulf %gather3A_739, %get3A_778 : vector<16xf32>
      %add3A_845 = arith.addf %scan3A_732, %mul3A_844 : vector<16xf32>
      %mul3A_846 = arith.mulf %gather3A_739, %get3A_781 : vector<16xf32>
      %add3A_847 = arith.addf %scan3A_733, %mul3A_846 : vector<16xf32>
      %mul3A_848 = arith.mulf %gather3A_739, %get3A_784 : vector<16xf32>
      %add3A_849 = arith.addf %scan3A_734, %mul3A_848 : vector<16xf32>
      %mul3A_850 = arith.mulf %gather3A_739, %get3A_787 : vector<16xf32>
      %add3A_851 = arith.addf %scan3A_735, %mul3A_850 : vector<16xf32>
      scf.yield %add3A_789, %add3A_791, %add3A_793, %add3A_795, %add3A_797, %add3A_799, %add3A_801, %add3A_803, %add3A_805, %add3A_807, %add3A_809, %add3A_811, %add3A_813, %add3A_815, %add3A_817, %add3A_819, %add3A_821, %add3A_823, %add3A_825, %add3A_827, %add3A_829, %add3A_831, %add3A_833, %add3A_835, %add3A_837, %add3A_839, %add3A_841, %add3A_843, %add3A_845, %add3A_847, %add3A_849, %add3A_851 : vector<16xf32>, vector<16xf32>, vector<16xf32>, vector<16xf32>, vector<16xf32>, vector<16xf32>, vector<16xf32>, vector<16xf32>, vector<16xf32>, vector<16xf32>, vector<16xf32>, vector<16xf32>, vector<16xf32>, vector<16xf32>, vector<16xf32>, vector<16xf32>, vector<16xf32>, vector<16xf32>, vector<16xf32>, vector<16xf32>, vector<16xf32>, vector<16xf32>, vector<16xf32>, vector<16xf32>, vector<16xf32>, vector<16xf32>, vector<16xf32>, vector<16xf32>, vector<16xf32>, vector<16xf32>, vector<16xf32>, vector<16xf32>
    }
    %scan3A_120 = arith.constant 64 : i32
    %dma_start3A_121 = arith.constant 256 : i32
    %dma_start3A_122 = tpu.memref_slice %arg12[%dma_start3A_121] : memref<512xi32, #tpu.memory_space<vmem>> -> memref<64xi32, #tpu.memory_space<vmem>>
    %dma_start3A_123 = arith.constant 0 : i32
    %dma_start3A_124 = arith.constant 0 : i32
    %dma_start3A_125 = tpu.memref_slice %arg2[%dma_start3A_123, %dma_start3A_124] : memref<100000x256xf32, #tpu.memory_space<hbm>> -> memref<100000x256xf32, #tpu.memory_space<hbm>>
    tpu.enqueue_indirect_dma source(%dma_start3A_125 : memref<100000x256xf32, #tpu.memory_space<hbm>>) target(%arg14 : memref<64x256xf32, #tpu.memory_space<vmem>>) offsets(%dma_start3A_122 : memref<64xi32, #tpu.memory_space<vmem>>) semaphore(%arg24 : memref<!tpu.dma_semaphore, #tpu.memory_space<semaphore_mem>>)
    %dma_wait3A_126 = arith.constant 64 : i32
    %dma_wait3A_127 = tpu.memref_slice %arg12[%dma_wait3A_126] : memref<512xi32, #tpu.memory_space<vmem>> -> memref<64xi32, #tpu.memory_space<vmem>>
    %dma_wait3A_128 = arith.constant 0 : i32
    %dma_wait3A_129 = arith.constant 0 : i32
    %dma_wait3A_130 = tpu.memref_slice %arg2[%dma_wait3A_128, %dma_wait3A_129] : memref<100000x256xf32, #tpu.memory_space<hbm>> -> memref<100000x256xf32, #tpu.memory_space<hbm>>
    tpu.wait_indirect_dma semaphore(%arg25 : memref<!tpu.dma_semaphore, #tpu.memory_space<semaphore_mem>>) src(%dma_wait3A_130 : memref<100000x256xf32, #tpu.memory_space<hbm>>) dst(%arg15 : memref<64x256xf32, #tpu.memory_space<vmem>>)
    %scan3A_131 = arith.constant 0 : i32
    %scan3A_132 = arith.constant 64 : i32
    %scan3A_133 = arith.addi %scan3A_131, %scan3A_132 : i32
    %scan3A_134 = arith.constant 1 : i32
    %scan3A_135:32 = scf.for %scan3A_703 = %scan3A_131 to %scan3A_133 step %scan3A_134 iter_args(%scan3A_704 = %scan3A_119#0, %scan3A_705 = %scan3A_119#1, %scan3A_706 = %scan3A_119#2, %scan3A_707 = %scan3A_119#3, %scan3A_708 = %scan3A_119#4, %scan3A_709 = %scan3A_119#5, %scan3A_710 = %scan3A_119#6, %scan3A_711 = %scan3A_119#7, %scan3A_712 = %scan3A_119#8, %scan3A_713 = %scan3A_119#9, %scan3A_714 = %scan3A_119#10, %scan3A_715 = %scan3A_119#11, %scan3A_716 = %scan3A_119#12, %scan3A_717 = %scan3A_119#13, %scan3A_718 = %scan3A_119#14, %scan3A_719 = %scan3A_119#15, %scan3A_720 = %scan3A_119#16, %scan3A_721 = %scan3A_119#17, %scan3A_722 = %scan3A_119#18, %scan3A_723 = %scan3A_119#19, %scan3A_724 = %scan3A_119#20, %scan3A_725 = %scan3A_119#21, %scan3A_726 = %scan3A_119#22, %scan3A_727 = %scan3A_119#23, %scan3A_728 = %scan3A_119#24, %scan3A_729 = %scan3A_119#25, %scan3A_730 = %scan3A_119#26, %scan3A_731 = %scan3A_119#27, %scan3A_732 = %scan3A_119#28, %scan3A_733 = %scan3A_119#29, %scan3A_734 = %scan3A_119#30, %scan3A_735 = %scan3A_119#31) -> (vector<16xf32>, vector<16xf32>, vector<16xf32>, vector<16xf32>, vector<16xf32>, vector<16xf32>, vector<16xf32>, vector<16xf32>, vector<16xf32>, vector<16xf32>, vector<16xf32>, vector<16xf32>, vector<16xf32>, vector<16xf32>, vector<16xf32>, vector<16xf32>, vector<16xf32>, vector<16xf32>, vector<16xf32>, vector<16xf32>, vector<16xf32>, vector<16xf32>, vector<16xf32>, vector<16xf32>, vector<16xf32>, vector<16xf32>, vector<16xf32>, vector<16xf32>, vector<16xf32>, vector<16xf32>, vector<16xf32>, vector<16xf32>)  : i32 {
      %add3A_736 = arith.constant 64 : i32
      %add3A_737 = arith.addi %add3A_736, %scan3A_703 : i32
      %broadcast_in_dim3A_738 = vector.broadcast %add3A_737 : i32 to vector<16xi32>
      %gather3A = tpu.vector_load_idx %arg10[%broadcast_in_dim3A_738] : memref<512xf32, #tpu.memory_space<vmem>>[vector<16xi32>], vector<16xf32>,
      %gather3A_739 = tpu.vector_load_idx %arg11[%broadcast_in_dim3A_738] : memref<512xf32, #tpu.memory_space<vmem>>[vector<16xi32>], vector<16xf32>,
      %get3A_740 = arith.index_cast %scan3A_703 : i32 to index
      %get3A_741 = arith.constant 0 : index
      %get3A_742 = tpu.vector_load %arg15[%get3A_740, %get3A_741] {strides = array<i32>} : memref<64x256xf32, #tpu.memory_space<vmem>>, vector<16xf32>,
      %get3A_743 = arith.index_cast %scan3A_703 : i32 to index
      %get3A_744 = arith.constant 16 : index
      %get3A_745 = tpu.vector_load %arg15[%get3A_743, %get3A_744] {strides = array<i32>} : memref<64x256xf32, #tpu.memory_space<vmem>>, vector<16xf32>,
      %get3A_746 = arith.index_cast %scan3A_703 : i32 to index
      %get3A_747 = arith.constant 32 : index
      %get3A_748 = tpu.vector_load %arg15[%get3A_746, %get3A_747] {strides = array<i32>} : memref<64x256xf32, #tpu.memory_space<vmem>>, vector<16xf32>,
      %get3A_749 = arith.index_cast %scan3A_703 : i32 to index
      %get3A_750 = arith.constant 48 : index
      %get3A_751 = tpu.vector_load %arg15[%get3A_749, %get3A_750] {strides = array<i32>} : memref<64x256xf32, #tpu.memory_space<vmem>>, vector<16xf32>,
      %get3A_752 = arith.index_cast %scan3A_703 : i32 to index
      %get3A_753 = arith.constant 64 : index
      %get3A_754 = tpu.vector_load %arg15[%get3A_752, %get3A_753] {strides = array<i32>} : memref<64x256xf32, #tpu.memory_space<vmem>>, vector<16xf32>,
      %get3A_755 = arith.index_cast %scan3A_703 : i32 to index
      %get3A_756 = arith.constant 80 : index
      %get3A_757 = tpu.vector_load %arg15[%get3A_755, %get3A_756] {strides = array<i32>} : memref<64x256xf32, #tpu.memory_space<vmem>>, vector<16xf32>,
      %get3A_758 = arith.index_cast %scan3A_703 : i32 to index
      %get3A_759 = arith.constant 96 : index
      %get3A_760 = tpu.vector_load %arg15[%get3A_758, %get3A_759] {strides = array<i32>} : memref<64x256xf32, #tpu.memory_space<vmem>>, vector<16xf32>,
      %get3A_761 = arith.index_cast %scan3A_703 : i32 to index
      %get3A_762 = arith.constant 112 : index
      %get3A_763 = tpu.vector_load %arg15[%get3A_761, %get3A_762] {strides = array<i32>} : memref<64x256xf32, #tpu.memory_space<vmem>>, vector<16xf32>,
      %get3A_764 = arith.index_cast %scan3A_703 : i32 to index
      %get3A_765 = arith.constant 128 : index
      %get3A_766 = tpu.vector_load %arg15[%get3A_764, %get3A_765] {strides = array<i32>} : memref<64x256xf32, #tpu.memory_space<vmem>>, vector<16xf32>,
      %get3A_767 = arith.index_cast %scan3A_703 : i32 to index
      %get3A_768 = arith.constant 144 : index
      %get3A_769 = tpu.vector_load %arg15[%get3A_767, %get3A_768] {strides = array<i32>} : memref<64x256xf32, #tpu.memory_space<vmem>>, vector<16xf32>,
      %get3A_770 = arith.index_cast %scan3A_703 : i32 to index
      %get3A_771 = arith.constant 160 : index
      %get3A_772 = tpu.vector_load %arg15[%get3A_770, %get3A_771] {strides = array<i32>} : memref<64x256xf32, #tpu.memory_space<vmem>>, vector<16xf32>,
      %get3A_773 = arith.index_cast %scan3A_703 : i32 to index
      %get3A_774 = arith.constant 176 : index
      %get3A_775 = tpu.vector_load %arg15[%get3A_773, %get3A_774] {strides = array<i32>} : memref<64x256xf32, #tpu.memory_space<vmem>>, vector<16xf32>,
      %get3A_776 = arith.index_cast %scan3A_703 : i32 to index
      %get3A_777 = arith.constant 192 : index
      %get3A_778 = tpu.vector_load %arg15[%get3A_776, %get3A_777] {strides = array<i32>} : memref<64x256xf32, #tpu.memory_space<vmem>>, vector<16xf32>,
      %get3A_779 = arith.index_cast %scan3A_703 : i32 to index
      %get3A_780 = arith.constant 208 : index
      %get3A_781 = tpu.vector_load %arg15[%get3A_779, %get3A_780] {strides = array<i32>} : memref<64x256xf32, #tpu.memory_space<vmem>>, vector<16xf32>,
      %get3A_782 = arith.index_cast %scan3A_703 : i32 to index
      %get3A_783 = arith.constant 224 : index
      %get3A_784 = tpu.vector_load %arg15[%get3A_782, %get3A_783] {strides = array<i32>} : memref<64x256xf32, #tpu.memory_space<vmem>>, vector<16xf32>,
      %get3A_785 = arith.index_cast %scan3A_703 : i32 to index
      %get3A_786 = arith.constant 240 : index
      %get3A_787 = tpu.vector_load %arg15[%get3A_785, %get3A_786] {strides = array<i32>} : memref<64x256xf32, #tpu.memory_space<vmem>>, vector<16xf32>,
      %mul3A_788 = arith.mulf %gather3A, %get3A_742 : vector<16xf32>
      %add3A_789 = arith.addf %scan3A_704, %mul3A_788 : vector<16xf32>
      %mul3A_790 = arith.mulf %gather3A, %get3A_745 : vector<16xf32>
      %add3A_791 = arith.addf %scan3A_705, %mul3A_790 : vector<16xf32>
      %mul3A_792 = arith.mulf %gather3A, %get3A_748 : vector<16xf32>
      %add3A_793 = arith.addf %scan3A_706, %mul3A_792 : vector<16xf32>
      %mul3A_794 = arith.mulf %gather3A, %get3A_751 : vector<16xf32>
      %add3A_795 = arith.addf %scan3A_707, %mul3A_794 : vector<16xf32>
      %mul3A_796 = arith.mulf %gather3A, %get3A_754 : vector<16xf32>
      %add3A_797 = arith.addf %scan3A_708, %mul3A_796 : vector<16xf32>
      %mul3A_798 = arith.mulf %gather3A, %get3A_757 : vector<16xf32>
      %add3A_799 = arith.addf %scan3A_709, %mul3A_798 : vector<16xf32>
      %mul3A_800 = arith.mulf %gather3A, %get3A_760 : vector<16xf32>
      %add3A_801 = arith.addf %scan3A_710, %mul3A_800 : vector<16xf32>
      %mul3A_802 = arith.mulf %gather3A, %get3A_763 : vector<16xf32>
      %add3A_803 = arith.addf %scan3A_711, %mul3A_802 : vector<16xf32>
      %mul3A_804 = arith.mulf %gather3A, %get3A_766 : vector<16xf32>
      %add3A_805 = arith.addf %scan3A_712, %mul3A_804 : vector<16xf32>
      %mul3A_806 = arith.mulf %gather3A, %get3A_769 : vector<16xf32>
      %add3A_807 = arith.addf %scan3A_713, %mul3A_806 : vector<16xf32>
      %mul3A_808 = arith.mulf %gather3A, %get3A_772 : vector<16xf32>
      %add3A_809 = arith.addf %scan3A_714, %mul3A_808 : vector<16xf32>
      %mul3A_810 = arith.mulf %gather3A, %get3A_775 : vector<16xf32>
      %add3A_811 = arith.addf %scan3A_715, %mul3A_810 : vector<16xf32>
      %mul3A_812 = arith.mulf %gather3A, %get3A_778 : vector<16xf32>
      %add3A_813 = arith.addf %scan3A_716, %mul3A_812 : vector<16xf32>
      %mul3A_814 = arith.mulf %gather3A, %get3A_781 : vector<16xf32>
      %add3A_815 = arith.addf %scan3A_717, %mul3A_814 : vector<16xf32>
      %mul3A_816 = arith.mulf %gather3A, %get3A_784 : vector<16xf32>
      %add3A_817 = arith.addf %scan3A_718, %mul3A_816 : vector<16xf32>
      %mul3A_818 = arith.mulf %gather3A, %get3A_787 : vector<16xf32>
      %add3A_819 = arith.addf %scan3A_719, %mul3A_818 : vector<16xf32>
      %mul3A_820 = arith.mulf %gather3A_739, %get3A_742 : vector<16xf32>
      %add3A_821 = arith.addf %scan3A_720, %mul3A_820 : vector<16xf32>
      %mul3A_822 = arith.mulf %gather3A_739, %get3A_745 : vector<16xf32>
      %add3A_823 = arith.addf %scan3A_721, %mul3A_822 : vector<16xf32>
      %mul3A_824 = arith.mulf %gather3A_739, %get3A_748 : vector<16xf32>
      %add3A_825 = arith.addf %scan3A_722, %mul3A_824 : vector<16xf32>
      %mul3A_826 = arith.mulf %gather3A_739, %get3A_751 : vector<16xf32>
      %add3A_827 = arith.addf %scan3A_723, %mul3A_826 : vector<16xf32>
      %mul3A_828 = arith.mulf %gather3A_739, %get3A_754 : vector<16xf32>
      %add3A_829 = arith.addf %scan3A_724, %mul3A_828 : vector<16xf32>
      %mul3A_830 = arith.mulf %gather3A_739, %get3A_757 : vector<16xf32>
      %add3A_831 = arith.addf %scan3A_725, %mul3A_830 : vector<16xf32>
      %mul3A_832 = arith.mulf %gather3A_739, %get3A_760 : vector<16xf32>
      %add3A_833 = arith.addf %scan3A_726, %mul3A_832 : vector<16xf32>
      %mul3A_834 = arith.mulf %gather3A_739, %get3A_763 : vector<16xf32>
      %add3A_835 = arith.addf %scan3A_727, %mul3A_834 : vector<16xf32>
      %mul3A_836 = arith.mulf %gather3A_739, %get3A_766 : vector<16xf32>
      %add3A_837 = arith.addf %scan3A_728, %mul3A_836 : vector<16xf32>
      %mul3A_838 = arith.mulf %gather3A_739, %get3A_769 : vector<16xf32>
      %add3A_839 = arith.addf %scan3A_729, %mul3A_838 : vector<16xf32>
      %mul3A_840 = arith.mulf %gather3A_739, %get3A_772 : vector<16xf32>
      %add3A_841 = arith.addf %scan3A_730, %mul3A_840 : vector<16xf32>
      %mul3A_842 = arith.mulf %gather3A_739, %get3A_775 : vector<16xf32>
      %add3A_843 = arith.addf %scan3A_731, %mul3A_842 : vector<16xf32>
      %mul3A_844 = arith.mulf %gather3A_739, %get3A_778 : vector<16xf32>
      %add3A_845 = arith.addf %scan3A_732, %mul3A_844 : vector<16xf32>
      %mul3A_846 = arith.mulf %gather3A_739, %get3A_781 : vector<16xf32>
      %add3A_847 = arith.addf %scan3A_733, %mul3A_846 : vector<16xf32>
      %mul3A_848 = arith.mulf %gather3A_739, %get3A_784 : vector<16xf32>
      %add3A_849 = arith.addf %scan3A_734, %mul3A_848 : vector<16xf32>
      %mul3A_850 = arith.mulf %gather3A_739, %get3A_787 : vector<16xf32>
      %add3A_851 = arith.addf %scan3A_735, %mul3A_850 : vector<16xf32>
      scf.yield %add3A_789, %add3A_791, %add3A_793, %add3A_795, %add3A_797, %add3A_799, %add3A_801, %add3A_803, %add3A_805, %add3A_807, %add3A_809, %add3A_811, %add3A_813, %add3A_815, %add3A_817, %add3A_819, %add3A_821, %add3A_823, %add3A_825, %add3A_827, %add3A_829, %add3A_831, %add3A_833, %add3A_835, %add3A_837, %add3A_839, %add3A_841, %add3A_843, %add3A_845, %add3A_847, %add3A_849, %add3A_851 : vector<16xf32>, vector<16xf32>, vector<16xf32>, vector<16xf32>, vector<16xf32>, vector<16xf32>, vector<16xf32>, vector<16xf32>, vector<16xf32>, vector<16xf32>, vector<16xf32>, vector<16xf32>, vector<16xf32>, vector<16xf32>, vector<16xf32>, vector<16xf32>, vector<16xf32>, vector<16xf32>, vector<16xf32>, vector<16xf32>, vector<16xf32>, vector<16xf32>, vector<16xf32>, vector<16xf32>, vector<16xf32>, vector<16xf32>, vector<16xf32>, vector<16xf32>, vector<16xf32>, vector<16xf32>, vector<16xf32>, vector<16xf32>
    }
    %scan3A_136 = arith.constant 64 : i32
    %dma_start3A_137 = arith.constant 320 : i32
    %dma_start3A_138 = tpu.memref_slice %arg12[%dma_start3A_137] : memref<512xi32, #tpu.memory_space<vmem>> -> memref<64xi32, #tpu.memory_space<vmem>>
    %dma_start3A_139 = arith.constant 0 : i32
    %dma_start3A_140 = arith.constant 0 : i32
    %dma_start3A_141 = tpu.memref_slice %arg2[%dma_start3A_139, %dma_start3A_140] : memref<100000x256xf32, #tpu.memory_space<hbm>> -> memref<100000x256xf32, #tpu.memory_space<hbm>>
    tpu.enqueue_indirect_dma source(%dma_start3A_141 : memref<100000x256xf32, #tpu.memory_space<hbm>>) target(%arg15 : memref<64x256xf32, #tpu.memory_space<vmem>>) offsets(%dma_start3A_138 : memref<64xi32, #tpu.memory_space<vmem>>) semaphore(%arg25 : memref<!tpu.dma_semaphore, #tpu.memory_space<semaphore_mem>>)
    %dma_wait3A_142 = arith.constant 128 : i32
    %dma_wait3A_143 = tpu.memref_slice %arg12[%dma_wait3A_142] : memref<512xi32, #tpu.memory_space<vmem>> -> memref<64xi32, #tpu.memory_space<vmem>>
    %dma_wait3A_144 = arith.constant 0 : i32
    %dma_wait3A_145 = arith.constant 0 : i32
    %dma_wait3A_146 = tpu.memref_slice %arg2[%dma_wait3A_144, %dma_wait3A_145] : memref<100000x256xf32, #tpu.memory_space<hbm>> -> memref<100000x256xf32, #tpu.memory_space<hbm>>
    tpu.wait_indirect_dma semaphore(%arg26 : memref<!tpu.dma_semaphore, #tpu.memory_space<semaphore_mem>>) src(%dma_wait3A_146 : memref<100000x256xf32, #tpu.memory_space<hbm>>) dst(%arg16 : memref<64x256xf32, #tpu.memory_space<vmem>>)
    %scan3A_147 = arith.constant 0 : i32
    %scan3A_148 = arith.constant 64 : i32
    %scan3A_149 = arith.addi %scan3A_147, %scan3A_148 : i32
    %scan3A_150 = arith.constant 1 : i32
    %scan3A_151:32 = scf.for %scan3A_703 = %scan3A_147 to %scan3A_149 step %scan3A_150 iter_args(%scan3A_704 = %scan3A_135#0, %scan3A_705 = %scan3A_135#1, %scan3A_706 = %scan3A_135#2, %scan3A_707 = %scan3A_135#3, %scan3A_708 = %scan3A_135#4, %scan3A_709 = %scan3A_135#5, %scan3A_710 = %scan3A_135#6, %scan3A_711 = %scan3A_135#7, %scan3A_712 = %scan3A_135#8, %scan3A_713 = %scan3A_135#9, %scan3A_714 = %scan3A_135#10, %scan3A_715 = %scan3A_135#11, %scan3A_716 = %scan3A_135#12, %scan3A_717 = %scan3A_135#13, %scan3A_718 = %scan3A_135#14, %scan3A_719 = %scan3A_135#15, %scan3A_720 = %scan3A_135#16, %scan3A_721 = %scan3A_135#17, %scan3A_722 = %scan3A_135#18, %scan3A_723 = %scan3A_135#19, %scan3A_724 = %scan3A_135#20, %scan3A_725 = %scan3A_135#21, %scan3A_726 = %scan3A_135#22, %scan3A_727 = %scan3A_135#23, %scan3A_728 = %scan3A_135#24, %scan3A_729 = %scan3A_135#25, %scan3A_730 = %scan3A_135#26, %scan3A_731 = %scan3A_135#27, %scan3A_732 = %scan3A_135#28, %scan3A_733 = %scan3A_135#29, %scan3A_734 = %scan3A_135#30, %scan3A_735 = %scan3A_135#31) -> (vector<16xf32>, vector<16xf32>, vector<16xf32>, vector<16xf32>, vector<16xf32>, vector<16xf32>, vector<16xf32>, vector<16xf32>, vector<16xf32>, vector<16xf32>, vector<16xf32>, vector<16xf32>, vector<16xf32>, vector<16xf32>, vector<16xf32>, vector<16xf32>, vector<16xf32>, vector<16xf32>, vector<16xf32>, vector<16xf32>, vector<16xf32>, vector<16xf32>, vector<16xf32>, vector<16xf32>, vector<16xf32>, vector<16xf32>, vector<16xf32>, vector<16xf32>, vector<16xf32>, vector<16xf32>, vector<16xf32>, vector<16xf32>)  : i32 {
      %add3A_736 = arith.constant 128 : i32
      %add3A_737 = arith.addi %add3A_736, %scan3A_703 : i32
      %broadcast_in_dim3A_738 = vector.broadcast %add3A_737 : i32 to vector<16xi32>
      %gather3A = tpu.vector_load_idx %arg10[%broadcast_in_dim3A_738] : memref<512xf32, #tpu.memory_space<vmem>>[vector<16xi32>], vector<16xf32>,
      %gather3A_739 = tpu.vector_load_idx %arg11[%broadcast_in_dim3A_738] : memref<512xf32, #tpu.memory_space<vmem>>[vector<16xi32>], vector<16xf32>,
      %get3A_740 = arith.index_cast %scan3A_703 : i32 to index
      %get3A_741 = arith.constant 0 : index
      %get3A_742 = tpu.vector_load %arg16[%get3A_740, %get3A_741] {strides = array<i32>} : memref<64x256xf32, #tpu.memory_space<vmem>>, vector<16xf32>,
      %get3A_743 = arith.index_cast %scan3A_703 : i32 to index
      %get3A_744 = arith.constant 16 : index
      %get3A_745 = tpu.vector_load %arg16[%get3A_743, %get3A_744] {strides = array<i32>} : memref<64x256xf32, #tpu.memory_space<vmem>>, vector<16xf32>,
      %get3A_746 = arith.index_cast %scan3A_703 : i32 to index
      %get3A_747 = arith.constant 32 : index
      %get3A_748 = tpu.vector_load %arg16[%get3A_746, %get3A_747] {strides = array<i32>} : memref<64x256xf32, #tpu.memory_space<vmem>>, vector<16xf32>,
      %get3A_749 = arith.index_cast %scan3A_703 : i32 to index
      %get3A_750 = arith.constant 48 : index
      %get3A_751 = tpu.vector_load %arg16[%get3A_749, %get3A_750] {strides = array<i32>} : memref<64x256xf32, #tpu.memory_space<vmem>>, vector<16xf32>,
      %get3A_752 = arith.index_cast %scan3A_703 : i32 to index
      %get3A_753 = arith.constant 64 : index
      %get3A_754 = tpu.vector_load %arg16[%get3A_752, %get3A_753] {strides = array<i32>} : memref<64x256xf32, #tpu.memory_space<vmem>>, vector<16xf32>,
      %get3A_755 = arith.index_cast %scan3A_703 : i32 to index
      %get3A_756 = arith.constant 80 : index
      %get3A_757 = tpu.vector_load %arg16[%get3A_755, %get3A_756] {strides = array<i32>} : memref<64x256xf32, #tpu.memory_space<vmem>>, vector<16xf32>,
      %get3A_758 = arith.index_cast %scan3A_703 : i32 to index
      %get3A_759 = arith.constant 96 : index
      %get3A_760 = tpu.vector_load %arg16[%get3A_758, %get3A_759] {strides = array<i32>} : memref<64x256xf32, #tpu.memory_space<vmem>>, vector<16xf32>,
      %get3A_761 = arith.index_cast %scan3A_703 : i32 to index
      %get3A_762 = arith.constant 112 : index
      %get3A_763 = tpu.vector_load %arg16[%get3A_761, %get3A_762] {strides = array<i32>} : memref<64x256xf32, #tpu.memory_space<vmem>>, vector<16xf32>,
      %get3A_764 = arith.index_cast %scan3A_703 : i32 to index
      %get3A_765 = arith.constant 128 : index
      %get3A_766 = tpu.vector_load %arg16[%get3A_764, %get3A_765] {strides = array<i32>} : memref<64x256xf32, #tpu.memory_space<vmem>>, vector<16xf32>,
      %get3A_767 = arith.index_cast %scan3A_703 : i32 to index
      %get3A_768 = arith.constant 144 : index
      %get3A_769 = tpu.vector_load %arg16[%get3A_767, %get3A_768] {strides = array<i32>} : memref<64x256xf32, #tpu.memory_space<vmem>>, vector<16xf32>,
      %get3A_770 = arith.index_cast %scan3A_703 : i32 to index
      %get3A_771 = arith.constant 160 : index
      %get3A_772 = tpu.vector_load %arg16[%get3A_770, %get3A_771] {strides = array<i32>} : memref<64x256xf32, #tpu.memory_space<vmem>>, vector<16xf32>,
      %get3A_773 = arith.index_cast %scan3A_703 : i32 to index
      %get3A_774 = arith.constant 176 : index
      %get3A_775 = tpu.vector_load %arg16[%get3A_773, %get3A_774] {strides = array<i32>} : memref<64x256xf32, #tpu.memory_space<vmem>>, vector<16xf32>,
      %get3A_776 = arith.index_cast %scan3A_703 : i32 to index
      %get3A_777 = arith.constant 192 : index
      %get3A_778 = tpu.vector_load %arg16[%get3A_776, %get3A_777] {strides = array<i32>} : memref<64x256xf32, #tpu.memory_space<vmem>>, vector<16xf32>,
      %get3A_779 = arith.index_cast %scan3A_703 : i32 to index
      %get3A_780 = arith.constant 208 : index
      %get3A_781 = tpu.vector_load %arg16[%get3A_779, %get3A_780] {strides = array<i32>} : memref<64x256xf32, #tpu.memory_space<vmem>>, vector<16xf32>,
      %get3A_782 = arith.index_cast %scan3A_703 : i32 to index
      %get3A_783 = arith.constant 224 : index
      %get3A_784 = tpu.vector_load %arg16[%get3A_782, %get3A_783] {strides = array<i32>} : memref<64x256xf32, #tpu.memory_space<vmem>>, vector<16xf32>,
      %get3A_785 = arith.index_cast %scan3A_703 : i32 to index
      %get3A_786 = arith.constant 240 : index
      %get3A_787 = tpu.vector_load %arg16[%get3A_785, %get3A_786] {strides = array<i32>} : memref<64x256xf32, #tpu.memory_space<vmem>>, vector<16xf32>,
      %mul3A_788 = arith.mulf %gather3A, %get3A_742 : vector<16xf32>
      %add3A_789 = arith.addf %scan3A_704, %mul3A_788 : vector<16xf32>
      %mul3A_790 = arith.mulf %gather3A, %get3A_745 : vector<16xf32>
      %add3A_791 = arith.addf %scan3A_705, %mul3A_790 : vector<16xf32>
      %mul3A_792 = arith.mulf %gather3A, %get3A_748 : vector<16xf32>
      %add3A_793 = arith.addf %scan3A_706, %mul3A_792 : vector<16xf32>
      %mul3A_794 = arith.mulf %gather3A, %get3A_751 : vector<16xf32>
      %add3A_795 = arith.addf %scan3A_707, %mul3A_794 : vector<16xf32>
      %mul3A_796 = arith.mulf %gather3A, %get3A_754 : vector<16xf32>
      %add3A_797 = arith.addf %scan3A_708, %mul3A_796 : vector<16xf32>
      %mul3A_798 = arith.mulf %gather3A, %get3A_757 : vector<16xf32>
      %add3A_799 = arith.addf %scan3A_709, %mul3A_798 : vector<16xf32>
      %mul3A_800 = arith.mulf %gather3A, %get3A_760 : vector<16xf32>
      %add3A_801 = arith.addf %scan3A_710, %mul3A_800 : vector<16xf32>
      %mul3A_802 = arith.mulf %gather3A, %get3A_763 : vector<16xf32>
      %add3A_803 = arith.addf %scan3A_711, %mul3A_802 : vector<16xf32>
      %mul3A_804 = arith.mulf %gather3A, %get3A_766 : vector<16xf32>
      %add3A_805 = arith.addf %scan3A_712, %mul3A_804 : vector<16xf32>
      %mul3A_806 = arith.mulf %gather3A, %get3A_769 : vector<16xf32>
      %add3A_807 = arith.addf %scan3A_713, %mul3A_806 : vector<16xf32>
      %mul3A_808 = arith.mulf %gather3A, %get3A_772 : vector<16xf32>
      %add3A_809 = arith.addf %scan3A_714, %mul3A_808 : vector<16xf32>
      %mul3A_810 = arith.mulf %gather3A, %get3A_775 : vector<16xf32>
      %add3A_811 = arith.addf %scan3A_715, %mul3A_810 : vector<16xf32>
      %mul3A_812 = arith.mulf %gather3A, %get3A_778 : vector<16xf32>
      %add3A_813 = arith.addf %scan3A_716, %mul3A_812 : vector<16xf32>
      %mul3A_814 = arith.mulf %gather3A, %get3A_781 : vector<16xf32>
      %add3A_815 = arith.addf %scan3A_717, %mul3A_814 : vector<16xf32>
      %mul3A_816 = arith.mulf %gather3A, %get3A_784 : vector<16xf32>
      %add3A_817 = arith.addf %scan3A_718, %mul3A_816 : vector<16xf32>
      %mul3A_818 = arith.mulf %gather3A, %get3A_787 : vector<16xf32>
      %add3A_819 = arith.addf %scan3A_719, %mul3A_818 : vector<16xf32>
      %mul3A_820 = arith.mulf %gather3A_739, %get3A_742 : vector<16xf32>
      %add3A_821 = arith.addf %scan3A_720, %mul3A_820 : vector<16xf32>
      %mul3A_822 = arith.mulf %gather3A_739, %get3A_745 : vector<16xf32>
      %add3A_823 = arith.addf %scan3A_721, %mul3A_822 : vector<16xf32>
      %mul3A_824 = arith.mulf %gather3A_739, %get3A_748 : vector<16xf32>
      %add3A_825 = arith.addf %scan3A_722, %mul3A_824 : vector<16xf32>
      %mul3A_826 = arith.mulf %gather3A_739, %get3A_751 : vector<16xf32>
      %add3A_827 = arith.addf %scan3A_723, %mul3A_826 : vector<16xf32>
      %mul3A_828 = arith.mulf %gather3A_739, %get3A_754 : vector<16xf32>
      %add3A_829 = arith.addf %scan3A_724, %mul3A_828 : vector<16xf32>
      %mul3A_830 = arith.mulf %gather3A_739, %get3A_757 : vector<16xf32>
      %add3A_831 = arith.addf %scan3A_725, %mul3A_830 : vector<16xf32>
      %mul3A_832 = arith.mulf %gather3A_739, %get3A_760 : vector<16xf32>
      %add3A_833 = arith.addf %scan3A_726, %mul3A_832 : vector<16xf32>
      %mul3A_834 = arith.mulf %gather3A_739, %get3A_763 : vector<16xf32>
      %add3A_835 = arith.addf %scan3A_727, %mul3A_834 : vector<16xf32>
      %mul3A_836 = arith.mulf %gather3A_739, %get3A_766 : vector<16xf32>
      %add3A_837 = arith.addf %scan3A_728, %mul3A_836 : vector<16xf32>
      %mul3A_838 = arith.mulf %gather3A_739, %get3A_769 : vector<16xf32>
      %add3A_839 = arith.addf %scan3A_729, %mul3A_838 : vector<16xf32>
      %mul3A_840 = arith.mulf %gather3A_739, %get3A_772 : vector<16xf32>
      %add3A_841 = arith.addf %scan3A_730, %mul3A_840 : vector<16xf32>
      %mul3A_842 = arith.mulf %gather3A_739, %get3A_775 : vector<16xf32>
      %add3A_843 = arith.addf %scan3A_731, %mul3A_842 : vector<16xf32>
      %mul3A_844 = arith.mulf %gather3A_739, %get3A_778 : vector<16xf32>
      %add3A_845 = arith.addf %scan3A_732, %mul3A_844 : vector<16xf32>
      %mul3A_846 = arith.mulf %gather3A_739, %get3A_781 : vector<16xf32>
      %add3A_847 = arith.addf %scan3A_733, %mul3A_846 : vector<16xf32>
      %mul3A_848 = arith.mulf %gather3A_739, %get3A_784 : vector<16xf32>
      %add3A_849 = arith.addf %scan3A_734, %mul3A_848 : vector<16xf32>
      %mul3A_850 = arith.mulf %gather3A_739, %get3A_787 : vector<16xf32>
      %add3A_851 = arith.addf %scan3A_735, %mul3A_850 : vector<16xf32>
      scf.yield %add3A_789, %add3A_791, %add3A_793, %add3A_795, %add3A_797, %add3A_799, %add3A_801, %add3A_803, %add3A_805, %add3A_807, %add3A_809, %add3A_811, %add3A_813, %add3A_815, %add3A_817, %add3A_819, %add3A_821, %add3A_823, %add3A_825, %add3A_827, %add3A_829, %add3A_831, %add3A_833, %add3A_835, %add3A_837, %add3A_839, %add3A_841, %add3A_843, %add3A_845, %add3A_847, %add3A_849, %add3A_851 : vector<16xf32>, vector<16xf32>, vector<16xf32>, vector<16xf32>, vector<16xf32>, vector<16xf32>, vector<16xf32>, vector<16xf32>, vector<16xf32>, vector<16xf32>, vector<16xf32>, vector<16xf32>, vector<16xf32>, vector<16xf32>, vector<16xf32>, vector<16xf32>, vector<16xf32>, vector<16xf32>, vector<16xf32>, vector<16xf32>, vector<16xf32>, vector<16xf32>, vector<16xf32>, vector<16xf32>, vector<16xf32>, vector<16xf32>, vector<16xf32>, vector<16xf32>, vector<16xf32>, vector<16xf32>, vector<16xf32>, vector<16xf32>
    }
    %scan3A_152 = arith.constant 64 : i32
    %dma_start3A_153 = arith.constant 384 : i32
    %dma_start3A_154 = tpu.memref_slice %arg12[%dma_start3A_153] : memref<512xi32, #tpu.memory_space<vmem>> -> memref<64xi32, #tpu.memory_space<vmem>>
    %dma_start3A_155 = arith.constant 0 : i32
    %dma_start3A_156 = arith.constant 0 : i32
    %dma_start3A_157 = tpu.memref_slice %arg2[%dma_start3A_155, %dma_start3A_156] : memref<100000x256xf32, #tpu.memory_space<hbm>> -> memref<100000x256xf32, #tpu.memory_space<hbm>>
    tpu.enqueue_indirect_dma source(%dma_start3A_157 : memref<100000x256xf32, #tpu.memory_space<hbm>>) target(%arg16 : memref<64x256xf32, #tpu.memory_space<vmem>>) offsets(%dma_start3A_154 : memref<64xi32, #tpu.memory_space<vmem>>) semaphore(%arg26 : memref<!tpu.dma_semaphore, #tpu.memory_space<semaphore_mem>>)
    %dma_wait3A_158 = arith.constant 192 : i32
    %dma_wait3A_159 = tpu.memref_slice %arg12[%dma_wait3A_158] : memref<512xi32, #tpu.memory_space<vmem>> -> memref<64xi32, #tpu.memory_space<vmem>>
    %dma_wait3A_160 = arith.constant 0 : i32
    %dma_wait3A_161 = arith.constant 0 : i32
    %dma_wait3A_162 = tpu.memref_slice %arg2[%dma_wait3A_160, %dma_wait3A_161] : memref<100000x256xf32, #tpu.memory_space<hbm>> -> memref<100000x256xf32, #tpu.memory_space<hbm>>
    tpu.wait_indirect_dma semaphore(%arg27 : memref<!tpu.dma_semaphore, #tpu.memory_space<semaphore_mem>>) src(%dma_wait3A_162 : memref<100000x256xf32, #tpu.memory_space<hbm>>) dst(%arg17 : memref<64x256xf32, #tpu.memory_space<vmem>>)
    %scan3A_163 = arith.constant 0 : i32
    %scan3A_164 = arith.constant 64 : i32
    %scan3A_165 = arith.addi %scan3A_163, %scan3A_164 : i32
    %scan3A_166 = arith.constant 1 : i32
    %scan3A_167:32 = scf.for %scan3A_703 = %scan3A_163 to %scan3A_165 step %scan3A_166 iter_args(%scan3A_704 = %scan3A_151#0, %scan3A_705 = %scan3A_151#1, %scan3A_706 = %scan3A_151#2, %scan3A_707 = %scan3A_151#3, %scan3A_708 = %scan3A_151#4, %scan3A_709 = %scan3A_151#5, %scan3A_710 = %scan3A_151#6, %scan3A_711 = %scan3A_151#7, %scan3A_712 = %scan3A_151#8, %scan3A_713 = %scan3A_151#9, %scan3A_714 = %scan3A_151#10, %scan3A_715 = %scan3A_151#11, %scan3A_716 = %scan3A_151#12, %scan3A_717 = %scan3A_151#13, %scan3A_718 = %scan3A_151#14, %scan3A_719 = %scan3A_151#15, %scan3A_720 = %scan3A_151#16, %scan3A_721 = %scan3A_151#17, %scan3A_722 = %scan3A_151#18, %scan3A_723 = %scan3A_151#19, %scan3A_724 = %scan3A_151#20, %scan3A_725 = %scan3A_151#21, %scan3A_726 = %scan3A_151#22, %scan3A_727 = %scan3A_151#23, %scan3A_728 = %scan3A_151#24, %scan3A_729 = %scan3A_151#25, %scan3A_730 = %scan3A_151#26, %scan3A_731 = %scan3A_151#27, %scan3A_732 = %scan3A_151#28, %scan3A_733 = %scan3A_151#29, %scan3A_734 = %scan3A_151#30, %scan3A_735 = %scan3A_151#31) -> (vector<16xf32>, vector<16xf32>, vector<16xf32>, vector<16xf32>, vector<16xf32>, vector<16xf32>, vector<16xf32>, vector<16xf32>, vector<16xf32>, vector<16xf32>, vector<16xf32>, vector<16xf32>, vector<16xf32>, vector<16xf32>, vector<16xf32>, vector<16xf32>, vector<16xf32>, vector<16xf32>, vector<16xf32>, vector<16xf32>, vector<16xf32>, vector<16xf32>, vector<16xf32>, vector<16xf32>, vector<16xf32>, vector<16xf32>, vector<16xf32>, vector<16xf32>, vector<16xf32>, vector<16xf32>, vector<16xf32>, vector<16xf32>)  : i32 {
      %add3A_736 = arith.constant 192 : i32
      %add3A_737 = arith.addi %add3A_736, %scan3A_703 : i32
      %broadcast_in_dim3A_738 = vector.broadcast %add3A_737 : i32 to vector<16xi32>
      %gather3A = tpu.vector_load_idx %arg10[%broadcast_in_dim3A_738] : memref<512xf32, #tpu.memory_space<vmem>>[vector<16xi32>], vector<16xf32>,
      %gather3A_739 = tpu.vector_load_idx %arg11[%broadcast_in_dim3A_738] : memref<512xf32, #tpu.memory_space<vmem>>[vector<16xi32>], vector<16xf32>,
      %get3A_740 = arith.index_cast %scan3A_703 : i32 to index
      %get3A_741 = arith.constant 0 : index
      %get3A_742 = tpu.vector_load %arg17[%get3A_740, %get3A_741] {strides = array<i32>} : memref<64x256xf32, #tpu.memory_space<vmem>>, vector<16xf32>,
      %get3A_743 = arith.index_cast %scan3A_703 : i32 to index
      %get3A_744 = arith.constant 16 : index
      %get3A_745 = tpu.vector_load %arg17[%get3A_743, %get3A_744] {strides = array<i32>} : memref<64x256xf32, #tpu.memory_space<vmem>>, vector<16xf32>,
      %get3A_746 = arith.index_cast %scan3A_703 : i32 to index
      %get3A_747 = arith.constant 32 : index
      %get3A_748 = tpu.vector_load %arg17[%get3A_746, %get3A_747] {strides = array<i32>} : memref<64x256xf32, #tpu.memory_space<vmem>>, vector<16xf32>,
      %get3A_749 = arith.index_cast %scan3A_703 : i32 to index
      %get3A_750 = arith.constant 48 : index
      %get3A_751 = tpu.vector_load %arg17[%get3A_749, %get3A_750] {strides = array<i32>} : memref<64x256xf32, #tpu.memory_space<vmem>>, vector<16xf32>,
      %get3A_752 = arith.index_cast %scan3A_703 : i32 to index
      %get3A_753 = arith.constant 64 : index
      %get3A_754 = tpu.vector_load %arg17[%get3A_752, %get3A_753] {strides = array<i32>} : memref<64x256xf32, #tpu.memory_space<vmem>>, vector<16xf32>,
      %get3A_755 = arith.index_cast %scan3A_703 : i32 to index
      %get3A_756 = arith.constant 80 : index
      %get3A_757 = tpu.vector_load %arg17[%get3A_755, %get3A_756] {strides = array<i32>} : memref<64x256xf32, #tpu.memory_space<vmem>>, vector<16xf32>,
      %get3A_758 = arith.index_cast %scan3A_703 : i32 to index
      %get3A_759 = arith.constant 96 : index
      %get3A_760 = tpu.vector_load %arg17[%get3A_758, %get3A_759] {strides = array<i32>} : memref<64x256xf32, #tpu.memory_space<vmem>>, vector<16xf32>,
      %get3A_761 = arith.index_cast %scan3A_703 : i32 to index
      %get3A_762 = arith.constant 112 : index
      %get3A_763 = tpu.vector_load %arg17[%get3A_761, %get3A_762] {strides = array<i32>} : memref<64x256xf32, #tpu.memory_space<vmem>>, vector<16xf32>,
      %get3A_764 = arith.index_cast %scan3A_703 : i32 to index
      %get3A_765 = arith.constant 128 : index
      %get3A_766 = tpu.vector_load %arg17[%get3A_764, %get3A_765] {strides = array<i32>} : memref<64x256xf32, #tpu.memory_space<vmem>>, vector<16xf32>,
      %get3A_767 = arith.index_cast %scan3A_703 : i32 to index
      %get3A_768 = arith.constant 144 : index
      %get3A_769 = tpu.vector_load %arg17[%get3A_767, %get3A_768] {strides = array<i32>} : memref<64x256xf32, #tpu.memory_space<vmem>>, vector<16xf32>,
      %get3A_770 = arith.index_cast %scan3A_703 : i32 to index
      %get3A_771 = arith.constant 160 : index
      %get3A_772 = tpu.vector_load %arg17[%get3A_770, %get3A_771] {strides = array<i32>} : memref<64x256xf32, #tpu.memory_space<vmem>>, vector<16xf32>,
      %get3A_773 = arith.index_cast %scan3A_703 : i32 to index
      %get3A_774 = arith.constant 176 : index
      %get3A_775 = tpu.vector_load %arg17[%get3A_773, %get3A_774] {strides = array<i32>} : memref<64x256xf32, #tpu.memory_space<vmem>>, vector<16xf32>,
      %get3A_776 = arith.index_cast %scan3A_703 : i32 to index
      %get3A_777 = arith.constant 192 : index
      %get3A_778 = tpu.vector_load %arg17[%get3A_776, %get3A_777] {strides = array<i32>} : memref<64x256xf32, #tpu.memory_space<vmem>>, vector<16xf32>,
      %get3A_779 = arith.index_cast %scan3A_703 : i32 to index
      %get3A_780 = arith.constant 208 : index
      %get3A_781 = tpu.vector_load %arg17[%get3A_779, %get3A_780] {strides = array<i32>} : memref<64x256xf32, #tpu.memory_space<vmem>>, vector<16xf32>,
      %get3A_782 = arith.index_cast %scan3A_703 : i32 to index
      %get3A_783 = arith.constant 224 : index
      %get3A_784 = tpu.vector_load %arg17[%get3A_782, %get3A_783] {strides = array<i32>} : memref<64x256xf32, #tpu.memory_space<vmem>>, vector<16xf32>,
      %get3A_785 = arith.index_cast %scan3A_703 : i32 to index
      %get3A_786 = arith.constant 240 : index
      %get3A_787 = tpu.vector_load %arg17[%get3A_785, %get3A_786] {strides = array<i32>} : memref<64x256xf32, #tpu.memory_space<vmem>>, vector<16xf32>,
      %mul3A_788 = arith.mulf %gather3A, %get3A_742 : vector<16xf32>
      %add3A_789 = arith.addf %scan3A_704, %mul3A_788 : vector<16xf32>
      %mul3A_790 = arith.mulf %gather3A, %get3A_745 : vector<16xf32>
      %add3A_791 = arith.addf %scan3A_705, %mul3A_790 : vector<16xf32>
      %mul3A_792 = arith.mulf %gather3A, %get3A_748 : vector<16xf32>
      %add3A_793 = arith.addf %scan3A_706, %mul3A_792 : vector<16xf32>
      %mul3A_794 = arith.mulf %gather3A, %get3A_751 : vector<16xf32>
      %add3A_795 = arith.addf %scan3A_707, %mul3A_794 : vector<16xf32>
      %mul3A_796 = arith.mulf %gather3A, %get3A_754 : vector<16xf32>
      %add3A_797 = arith.addf %scan3A_708, %mul3A_796 : vector<16xf32>
      %mul3A_798 = arith.mulf %gather3A, %get3A_757 : vector<16xf32>
      %add3A_799 = arith.addf %scan3A_709, %mul3A_798 : vector<16xf32>
      %mul3A_800 = arith.mulf %gather3A, %get3A_760 : vector<16xf32>
      %add3A_801 = arith.addf %scan3A_710, %mul3A_800 : vector<16xf32>
      %mul3A_802 = arith.mulf %gather3A, %get3A_763 : vector<16xf32>
      %add3A_803 = arith.addf %scan3A_711, %mul3A_802 : vector<16xf32>
      %mul3A_804 = arith.mulf %gather3A, %get3A_766 : vector<16xf32>
      %add3A_805 = arith.addf %scan3A_712, %mul3A_804 : vector<16xf32>
      %mul3A_806 = arith.mulf %gather3A, %get3A_769 : vector<16xf32>
      %add3A_807 = arith.addf %scan3A_713, %mul3A_806 : vector<16xf32>
      %mul3A_808 = arith.mulf %gather3A, %get3A_772 : vector<16xf32>
      %add3A_809 = arith.addf %scan3A_714, %mul3A_808 : vector<16xf32>
      %mul3A_810 = arith.mulf %gather3A, %get3A_775 : vector<16xf32>
      %add3A_811 = arith.addf %scan3A_715, %mul3A_810 : vector<16xf32>
      %mul3A_812 = arith.mulf %gather3A, %get3A_778 : vector<16xf32>
      %add3A_813 = arith.addf %scan3A_716, %mul3A_812 : vector<16xf32>
      %mul3A_814 = arith.mulf %gather3A, %get3A_781 : vector<16xf32>
      %add3A_815 = arith.addf %scan3A_717, %mul3A_814 : vector<16xf32>
      %mul3A_816 = arith.mulf %gather3A, %get3A_784 : vector<16xf32>
      %add3A_817 = arith.addf %scan3A_718, %mul3A_816 : vector<16xf32>
      %mul3A_818 = arith.mulf %gather3A, %get3A_787 : vector<16xf32>
      %add3A_819 = arith.addf %scan3A_719, %mul3A_818 : vector<16xf32>
      %mul3A_820 = arith.mulf %gather3A_739, %get3A_742 : vector<16xf32>
      %add3A_821 = arith.addf %scan3A_720, %mul3A_820 : vector<16xf32>
      %mul3A_822 = arith.mulf %gather3A_739, %get3A_745 : vector<16xf32>
      %add3A_823 = arith.addf %scan3A_721, %mul3A_822 : vector<16xf32>
      %mul3A_824 = arith.mulf %gather3A_739, %get3A_748 : vector<16xf32>
      %add3A_825 = arith.addf %scan3A_722, %mul3A_824 : vector<16xf32>
      %mul3A_826 = arith.mulf %gather3A_739, %get3A_751 : vector<16xf32>
      %add3A_827 = arith.addf %scan3A_723, %mul3A_826 : vector<16xf32>
      %mul3A_828 = arith.mulf %gather3A_739, %get3A_754 : vector<16xf32>
      %add3A_829 = arith.addf %scan3A_724, %mul3A_828 : vector<16xf32>
      %mul3A_830 = arith.mulf %gather3A_739, %get3A_757 : vector<16xf32>
      %add3A_831 = arith.addf %scan3A_725, %mul3A_830 : vector<16xf32>
      %mul3A_832 = arith.mulf %gather3A_739, %get3A_760 : vector<16xf32>
      %add3A_833 = arith.addf %scan3A_726, %mul3A_832 : vector<16xf32>
      %mul3A_834 = arith.mulf %gather3A_739, %get3A_763 : vector<16xf32>
      %add3A_835 = arith.addf %scan3A_727, %mul3A_834 : vector<16xf32>
      %mul3A_836 = arith.mulf %gather3A_739, %get3A_766 : vector<16xf32>
      %add3A_837 = arith.addf %scan3A_728, %mul3A_836 : vector<16xf32>
      %mul3A_838 = arith.mulf %gather3A_739, %get3A_769 : vector<16xf32>
      %add3A_839 = arith.addf %scan3A_729, %mul3A_838 : vector<16xf32>
      %mul3A_840 = arith.mulf %gather3A_739, %get3A_772 : vector<16xf32>
      %add3A_841 = arith.addf %scan3A_730, %mul3A_840 : vector<16xf32>
      %mul3A_842 = arith.mulf %gather3A_739, %get3A_775 : vector<16xf32>
      %add3A_843 = arith.addf %scan3A_731, %mul3A_842 : vector<16xf32>
      %mul3A_844 = arith.mulf %gather3A_739, %get3A_778 : vector<16xf32>
      %add3A_845 = arith.addf %scan3A_732, %mul3A_844 : vector<16xf32>
      %mul3A_846 = arith.mulf %gather3A_739, %get3A_781 : vector<16xf32>
      %add3A_847 = arith.addf %scan3A_733, %mul3A_846 : vector<16xf32>
      %mul3A_848 = arith.mulf %gather3A_739, %get3A_784 : vector<16xf32>
      %add3A_849 = arith.addf %scan3A_734, %mul3A_848 : vector<16xf32>
      %mul3A_850 = arith.mulf %gather3A_739, %get3A_787 : vector<16xf32>
      %add3A_851 = arith.addf %scan3A_735, %mul3A_850 : vector<16xf32>
      scf.yield %add3A_789, %add3A_791, %add3A_793, %add3A_795, %add3A_797, %add3A_799, %add3A_801, %add3A_803, %add3A_805, %add3A_807, %add3A_809, %add3A_811, %add3A_813, %add3A_815, %add3A_817, %add3A_819, %add3A_821, %add3A_823, %add3A_825, %add3A_827, %add3A_829, %add3A_831, %add3A_833, %add3A_835, %add3A_837, %add3A_839, %add3A_841, %add3A_843, %add3A_845, %add3A_847, %add3A_849, %add3A_851 : vector<16xf32>, vector<16xf32>, vector<16xf32>, vector<16xf32>, vector<16xf32>, vector<16xf32>, vector<16xf32>, vector<16xf32>, vector<16xf32>, vector<16xf32>, vector<16xf32>, vector<16xf32>, vector<16xf32>, vector<16xf32>, vector<16xf32>, vector<16xf32>, vector<16xf32>, vector<16xf32>, vector<16xf32>, vector<16xf32>, vector<16xf32>, vector<16xf32>, vector<16xf32>, vector<16xf32>, vector<16xf32>, vector<16xf32>, vector<16xf32>, vector<16xf32>, vector<16xf32>, vector<16xf32>, vector<16xf32>, vector<16xf32>
    }
    %scan3A_168 = arith.constant 64 : i32
    %dma_start3A_169 = arith.constant 448 : i32
    %dma_start3A_170 = tpu.memref_slice %arg12[%dma_start3A_169] : memref<512xi32, #tpu.memory_space<vmem>> -> memref<64xi32, #tpu.memory_space<vmem>>
    %dma_start3A_171 = arith.constant 0 : i32
    %dma_start3A_172 = arith.constant 0 : i32
    %dma_start3A_173 = tpu.memref_slice %arg2[%dma_start3A_171, %dma_start3A_172] : memref<100000x256xf32, #tpu.memory_space<hbm>> -> memref<100000x256xf32, #tpu.memory_space<hbm>>
    tpu.enqueue_indirect_dma source(%dma_start3A_173 : memref<100000x256xf32, #tpu.memory_space<hbm>>) target(%arg17 : memref<64x256xf32, #tpu.memory_space<vmem>>) offsets(%dma_start3A_170 : memref<64xi32, #tpu.memory_space<vmem>>) semaphore(%arg27 : memref<!tpu.dma_semaphore, #tpu.memory_space<semaphore_mem>>)
    %dma_wait3A_174 = arith.constant 256 : i32
    %dma_wait3A_175 = tpu.memref_slice %arg12[%dma_wait3A_174] : memref<512xi32, #tpu.memory_space<vmem>> -> memref<64xi32, #tpu.memory_space<vmem>>
    %dma_wait3A_176 = arith.constant 0 : i32
    %dma_wait3A_177 = arith.constant 0 : i32
    %dma_wait3A_178 = tpu.memref_slice %arg2[%dma_wait3A_176, %dma_wait3A_177] : memref<100000x256xf32, #tpu.memory_space<hbm>> -> memref<100000x256xf32, #tpu.memory_space<hbm>>
    tpu.wait_indirect_dma semaphore(%arg24 : memref<!tpu.dma_semaphore, #tpu.memory_space<semaphore_mem>>) src(%dma_wait3A_178 : memref<100000x256xf32, #tpu.memory_space<hbm>>) dst(%arg14 : memref<64x256xf32, #tpu.memory_space<vmem>>)
    %scan3A_179 = arith.constant 0 : i32
    %scan3A_180 = arith.constant 64 : i32
    %scan3A_181 = arith.addi %scan3A_179, %scan3A_180 : i32
    %scan3A_182 = arith.constant 1 : i32
    %scan3A_183:32 = scf.for %scan3A_703 = %scan3A_179 to %scan3A_181 step %scan3A_182 iter_args(%scan3A_704 = %scan3A_167#0, %scan3A_705 = %scan3A_167#1, %scan3A_706 = %scan3A_167#2, %scan3A_707 = %scan3A_167#3, %scan3A_708 = %scan3A_167#4, %scan3A_709 = %scan3A_167#5, %scan3A_710 = %scan3A_167#6, %scan3A_711 = %scan3A_167#7, %scan3A_712 = %scan3A_167#8, %scan3A_713 = %scan3A_167#9, %scan3A_714 = %scan3A_167#10, %scan3A_715 = %scan3A_167#11, %scan3A_716 = %scan3A_167#12, %scan3A_717 = %scan3A_167#13, %scan3A_718 = %scan3A_167#14, %scan3A_719 = %scan3A_167#15, %scan3A_720 = %scan3A_167#16, %scan3A_721 = %scan3A_167#17, %scan3A_722 = %scan3A_167#18, %scan3A_723 = %scan3A_167#19, %scan3A_724 = %scan3A_167#20, %scan3A_725 = %scan3A_167#21, %scan3A_726 = %scan3A_167#22, %scan3A_727 = %scan3A_167#23, %scan3A_728 = %scan3A_167#24, %scan3A_729 = %scan3A_167#25, %scan3A_730 = %scan3A_167#26, %scan3A_731 = %scan3A_167#27, %scan3A_732 = %scan3A_167#28, %scan3A_733 = %scan3A_167#29, %scan3A_734 = %scan3A_167#30, %scan3A_735 = %scan3A_167#31) -> (vector<16xf32>, vector<16xf32>, vector<16xf32>, vector<16xf32>, vector<16xf32>, vector<16xf32>, vector<16xf32>, vector<16xf32>, vector<16xf32>, vector<16xf32>, vector<16xf32>, vector<16xf32>, vector<16xf32>, vector<16xf32>, vector<16xf32>, vector<16xf32>, vector<16xf32>, vector<16xf32>, vector<16xf32>, vector<16xf32>, vector<16xf32>, vector<16xf32>, vector<16xf32>, vector<16xf32>, vector<16xf32>, vector<16xf32>, vector<16xf32>, vector<16xf32>, vector<16xf32>, vector<16xf32>, vector<16xf32>, vector<16xf32>)  : i32 {
      %add3A_736 = arith.constant 256 : i32
      %add3A_737 = arith.addi %add3A_736, %scan3A_703 : i32
      %broadcast_in_dim3A_738 = vector.broadcast %add3A_737 : i32 to vector<16xi32>
      %gather3A = tpu.vector_load_idx %arg10[%broadcast_in_dim3A_738] : memref<512xf32, #tpu.memory_space<vmem>>[vector<16xi32>], vector<16xf32>,
      %gather3A_739 = tpu.vector_load_idx %arg11[%broadcast_in_dim3A_738] : memref<512xf32, #tpu.memory_space<vmem>>[vector<16xi32>], vector<16xf32>,
      %get3A_740 = arith.index_cast %scan3A_703 : i32 to index
      %get3A_741 = arith.constant 0 : index
      %get3A_742 = tpu.vector_load %arg14[%get3A_740, %get3A_741] {strides = array<i32>} : memref<64x256xf32, #tpu.memory_space<vmem>>, vector<16xf32>,
      %get3A_743 = arith.index_cast %scan3A_703 : i32 to index
      %get3A_744 = arith.constant 16 : index
      %get3A_745 = tpu.vector_load %arg14[%get3A_743, %get3A_744] {strides = array<i32>} : memref<64x256xf32, #tpu.memory_space<vmem>>, vector<16xf32>,
      %get3A_746 = arith.index_cast %scan3A_703 : i32 to index
      %get3A_747 = arith.constant 32 : index
      %get3A_748 = tpu.vector_load %arg14[%get3A_746, %get3A_747] {strides = array<i32>} : memref<64x256xf32, #tpu.memory_space<vmem>>, vector<16xf32>,
      %get3A_749 = arith.index_cast %scan3A_703 : i32 to index
      %get3A_750 = arith.constant 48 : index
      %get3A_751 = tpu.vector_load %arg14[%get3A_749, %get3A_750] {strides = array<i32>} : memref<64x256xf32, #tpu.memory_space<vmem>>, vector<16xf32>,
      %get3A_752 = arith.index_cast %scan3A_703 : i32 to index
      %get3A_753 = arith.constant 64 : index
      %get3A_754 = tpu.vector_load %arg14[%get3A_752, %get3A_753] {strides = array<i32>} : memref<64x256xf32, #tpu.memory_space<vmem>>, vector<16xf32>,
      %get3A_755 = arith.index_cast %scan3A_703 : i32 to index
      %get3A_756 = arith.constant 80 : index
      %get3A_757 = tpu.vector_load %arg14[%get3A_755, %get3A_756] {strides = array<i32>} : memref<64x256xf32, #tpu.memory_space<vmem>>, vector<16xf32>,
      %get3A_758 = arith.index_cast %scan3A_703 : i32 to index
      %get3A_759 = arith.constant 96 : index
      %get3A_760 = tpu.vector_load %arg14[%get3A_758, %get3A_759] {strides = array<i32>} : memref<64x256xf32, #tpu.memory_space<vmem>>, vector<16xf32>,
      %get3A_761 = arith.index_cast %scan3A_703 : i32 to index
      %get3A_762 = arith.constant 112 : index
      %get3A_763 = tpu.vector_load %arg14[%get3A_761, %get3A_762] {strides = array<i32>} : memref<64x256xf32, #tpu.memory_space<vmem>>, vector<16xf32>,
      %get3A_764 = arith.index_cast %scan3A_703 : i32 to index
      %get3A_765 = arith.constant 128 : index
      %get3A_766 = tpu.vector_load %arg14[%get3A_764, %get3A_765] {strides = array<i32>} : memref<64x256xf32, #tpu.memory_space<vmem>>, vector<16xf32>,
      %get3A_767 = arith.index_cast %scan3A_703 : i32 to index
      %get3A_768 = arith.constant 144 : index
      %get3A_769 = tpu.vector_load %arg14[%get3A_767, %get3A_768] {strides = array<i32>} : memref<64x256xf32, #tpu.memory_space<vmem>>, vector<16xf32>,
      %get3A_770 = arith.index_cast %scan3A_703 : i32 to index
      %get3A_771 = arith.constant 160 : index
      %get3A_772 = tpu.vector_load %arg14[%get3A_770, %get3A_771] {strides = array<i32>} : memref<64x256xf32, #tpu.memory_space<vmem>>, vector<16xf32>,
      %get3A_773 = arith.index_cast %scan3A_703 : i32 to index
      %get3A_774 = arith.constant 176 : index
      %get3A_775 = tpu.vector_load %arg14[%get3A_773, %get3A_774] {strides = array<i32>} : memref<64x256xf32, #tpu.memory_space<vmem>>, vector<16xf32>,
      %get3A_776 = arith.index_cast %scan3A_703 : i32 to index
      %get3A_777 = arith.constant 192 : index
      %get3A_778 = tpu.vector_load %arg14[%get3A_776, %get3A_777] {strides = array<i32>} : memref<64x256xf32, #tpu.memory_space<vmem>>, vector<16xf32>,
      %get3A_779 = arith.index_cast %scan3A_703 : i32 to index
      %get3A_780 = arith.constant 208 : index
      %get3A_781 = tpu.vector_load %arg14[%get3A_779, %get3A_780] {strides = array<i32>} : memref<64x256xf32, #tpu.memory_space<vmem>>, vector<16xf32>,
      %get3A_782 = arith.index_cast %scan3A_703 : i32 to index
      %get3A_783 = arith.constant 224 : index
      %get3A_784 = tpu.vector_load %arg14[%get3A_782, %get3A_783] {strides = array<i32>} : memref<64x256xf32, #tpu.memory_space<vmem>>, vector<16xf32>,
      %get3A_785 = arith.index_cast %scan3A_703 : i32 to index
      %get3A_786 = arith.constant 240 : index
      %get3A_787 = tpu.vector_load %arg14[%get3A_785, %get3A_786] {strides = array<i32>} : memref<64x256xf32, #tpu.memory_space<vmem>>, vector<16xf32>,
      %mul3A_788 = arith.mulf %gather3A, %get3A_742 : vector<16xf32>
      %add3A_789 = arith.addf %scan3A_704, %mul3A_788 : vector<16xf32>
      %mul3A_790 = arith.mulf %gather3A, %get3A_745 : vector<16xf32>
      %add3A_791 = arith.addf %scan3A_705, %mul3A_790 : vector<16xf32>
      %mul3A_792 = arith.mulf %gather3A, %get3A_748 : vector<16xf32>
      %add3A_793 = arith.addf %scan3A_706, %mul3A_792 : vector<16xf32>
      %mul3A_794 = arith.mulf %gather3A, %get3A_751 : vector<16xf32>
      %add3A_795 = arith.addf %scan3A_707, %mul3A_794 : vector<16xf32>
      %mul3A_796 = arith.mulf %gather3A, %get3A_754 : vector<16xf32>
      %add3A_797 = arith.addf %scan3A_708, %mul3A_796 : vector<16xf32>
      %mul3A_798 = arith.mulf %gather3A, %get3A_757 : vector<16xf32>
      %add3A_799 = arith.addf %scan3A_709, %mul3A_798 : vector<16xf32>
      %mul3A_800 = arith.mulf %gather3A, %get3A_760 : vector<16xf32>
      %add3A_801 = arith.addf %scan3A_710, %mul3A_800 : vector<16xf32>
      %mul3A_802 = arith.mulf %gather3A, %get3A_763 : vector<16xf32>
      %add3A_803 = arith.addf %scan3A_711, %mul3A_802 : vector<16xf32>
      %mul3A_804 = arith.mulf %gather3A, %get3A_766 : vector<16xf32>
      %add3A_805 = arith.addf %scan3A_712, %mul3A_804 : vector<16xf32>
      %mul3A_806 = arith.mulf %gather3A, %get3A_769 : vector<16xf32>
      %add3A_807 = arith.addf %scan3A_713, %mul3A_806 : vector<16xf32>
      %mul3A_808 = arith.mulf %gather3A, %get3A_772 : vector<16xf32>
      %add3A_809 = arith.addf %scan3A_714, %mul3A_808 : vector<16xf32>
      %mul3A_810 = arith.mulf %gather3A, %get3A_775 : vector<16xf32>
      %add3A_811 = arith.addf %scan3A_715, %mul3A_810 : vector<16xf32>
      %mul3A_812 = arith.mulf %gather3A, %get3A_778 : vector<16xf32>
      %add3A_813 = arith.addf %scan3A_716, %mul3A_812 : vector<16xf32>
      %mul3A_814 = arith.mulf %gather3A, %get3A_781 : vector<16xf32>
      %add3A_815 = arith.addf %scan3A_717, %mul3A_814 : vector<16xf32>
      %mul3A_816 = arith.mulf %gather3A, %get3A_784 : vector<16xf32>
      %add3A_817 = arith.addf %scan3A_718, %mul3A_816 : vector<16xf32>
      %mul3A_818 = arith.mulf %gather3A, %get3A_787 : vector<16xf32>
      %add3A_819 = arith.addf %scan3A_719, %mul3A_818 : vector<16xf32>
      %mul3A_820 = arith.mulf %gather3A_739, %get3A_742 : vector<16xf32>
      %add3A_821 = arith.addf %scan3A_720, %mul3A_820 : vector<16xf32>
      %mul3A_822 = arith.mulf %gather3A_739, %get3A_745 : vector<16xf32>
      %add3A_823 = arith.addf %scan3A_721, %mul3A_822 : vector<16xf32>
      %mul3A_824 = arith.mulf %gather3A_739, %get3A_748 : vector<16xf32>
      %add3A_825 = arith.addf %scan3A_722, %mul3A_824 : vector<16xf32>
      %mul3A_826 = arith.mulf %gather3A_739, %get3A_751 : vector<16xf32>
      %add3A_827 = arith.addf %scan3A_723, %mul3A_826 : vector<16xf32>
      %mul3A_828 = arith.mulf %gather3A_739, %get3A_754 : vector<16xf32>
      %add3A_829 = arith.addf %scan3A_724, %mul3A_828 : vector<16xf32>
      %mul3A_830 = arith.mulf %gather3A_739, %get3A_757 : vector<16xf32>
      %add3A_831 = arith.addf %scan3A_725, %mul3A_830 : vector<16xf32>
      %mul3A_832 = arith.mulf %gather3A_739, %get3A_760 : vector<16xf32>
      %add3A_833 = arith.addf %scan3A_726, %mul3A_832 : vector<16xf32>
      %mul3A_834 = arith.mulf %gather3A_739, %get3A_763 : vector<16xf32>
      %add3A_835 = arith.addf %scan3A_727, %mul3A_834 : vector<16xf32>
      %mul3A_836 = arith.mulf %gather3A_739, %get3A_766 : vector<16xf32>
      %add3A_837 = arith.addf %scan3A_728, %mul3A_836 : vector<16xf32>
      %mul3A_838 = arith.mulf %gather3A_739, %get3A_769 : vector<16xf32>
      %add3A_839 = arith.addf %scan3A_729, %mul3A_838 : vector<16xf32>
      %mul3A_840 = arith.mulf %gather3A_739, %get3A_772 : vector<16xf32>
      %add3A_841 = arith.addf %scan3A_730, %mul3A_840 : vector<16xf32>
      %mul3A_842 = arith.mulf %gather3A_739, %get3A_775 : vector<16xf32>
      %add3A_843 = arith.addf %scan3A_731, %mul3A_842 : vector<16xf32>
      %mul3A_844 = arith.mulf %gather3A_739, %get3A_778 : vector<16xf32>
      %add3A_845 = arith.addf %scan3A_732, %mul3A_844 : vector<16xf32>
      %mul3A_846 = arith.mulf %gather3A_739, %get3A_781 : vector<16xf32>
      %add3A_847 = arith.addf %scan3A_733, %mul3A_846 : vector<16xf32>
      %mul3A_848 = arith.mulf %gather3A_739, %get3A_784 : vector<16xf32>
      %add3A_849 = arith.addf %scan3A_734, %mul3A_848 : vector<16xf32>
      %mul3A_850 = arith.mulf %gather3A_739, %get3A_787 : vector<16xf32>
      %add3A_851 = arith.addf %scan3A_735, %mul3A_850 : vector<16xf32>
      scf.yield %add3A_789, %add3A_791, %add3A_793, %add3A_795, %add3A_797, %add3A_799, %add3A_801, %add3A_803, %add3A_805, %add3A_807, %add3A_809, %add3A_811, %add3A_813, %add3A_815, %add3A_817, %add3A_819, %add3A_821, %add3A_823, %add3A_825, %add3A_827, %add3A_829, %add3A_831, %add3A_833, %add3A_835, %add3A_837, %add3A_839, %add3A_841, %add3A_843, %add3A_845, %add3A_847, %add3A_849, %add3A_851 : vector<16xf32>, vector<16xf32>, vector<16xf32>, vector<16xf32>, vector<16xf32>, vector<16xf32>, vector<16xf32>, vector<16xf32>, vector<16xf32>, vector<16xf32>, vector<16xf32>, vector<16xf32>, vector<16xf32>, vector<16xf32>, vector<16xf32>, vector<16xf32>, vector<16xf32>, vector<16xf32>, vector<16xf32>, vector<16xf32>, vector<16xf32>, vector<16xf32>, vector<16xf32>, vector<16xf32>, vector<16xf32>, vector<16xf32>, vector<16xf32>, vector<16xf32>, vector<16xf32>, vector<16xf32>, vector<16xf32>, vector<16xf32>
    }
    %scan3A_184 = arith.constant 64 : i32
    %dma_wait3A_185 = arith.constant 320 : i32
    %dma_wait3A_186 = tpu.memref_slice %arg12[%dma_wait3A_185] : memref<512xi32, #tpu.memory_space<vmem>> -> memref<64xi32, #tpu.memory_space<vmem>>
    %dma_wait3A_187 = arith.constant 0 : i32
    %dma_wait3A_188 = arith.constant 0 : i32
    %dma_wait3A_189 = tpu.memref_slice %arg2[%dma_wait3A_187, %dma_wait3A_188] : memref<100000x256xf32, #tpu.memory_space<hbm>> -> memref<100000x256xf32, #tpu.memory_space<hbm>>
    tpu.wait_indirect_dma semaphore(%arg25 : memref<!tpu.dma_semaphore, #tpu.memory_space<semaphore_mem>>) src(%dma_wait3A_189 : memref<100000x256xf32, #tpu.memory_space<hbm>>) dst(%arg15 : memref<64x256xf32, #tpu.memory_space<vmem>>)
    %scan3A_190 = arith.constant 0 : i32
    %scan3A_191 = arith.constant 64 : i32
    %scan3A_192 = arith.addi %scan3A_190, %scan3A_191 : i32
    %scan3A_193 = arith.constant 1 : i32
    %scan3A_194:32 = scf.for %scan3A_703 = %scan3A_190 to %scan3A_192 step %scan3A_193 iter_args(%scan3A_704 = %scan3A_183#0, %scan3A_705 = %scan3A_183#1, %scan3A_706 = %scan3A_183#2, %scan3A_707 = %scan3A_183#3, %scan3A_708 = %scan3A_183#4, %scan3A_709 = %scan3A_183#5, %scan3A_710 = %scan3A_183#6, %scan3A_711 = %scan3A_183#7, %scan3A_712 = %scan3A_183#8, %scan3A_713 = %scan3A_183#9, %scan3A_714 = %scan3A_183#10, %scan3A_715 = %scan3A_183#11, %scan3A_716 = %scan3A_183#12, %scan3A_717 = %scan3A_183#13, %scan3A_718 = %scan3A_183#14, %scan3A_719 = %scan3A_183#15, %scan3A_720 = %scan3A_183#16, %scan3A_721 = %scan3A_183#17, %scan3A_722 = %scan3A_183#18, %scan3A_723 = %scan3A_183#19, %scan3A_724 = %scan3A_183#20, %scan3A_725 = %scan3A_183#21, %scan3A_726 = %scan3A_183#22, %scan3A_727 = %scan3A_183#23, %scan3A_728 = %scan3A_183#24, %scan3A_729 = %scan3A_183#25, %scan3A_730 = %scan3A_183#26, %scan3A_731 = %scan3A_183#27, %scan3A_732 = %scan3A_183#28, %scan3A_733 = %scan3A_183#29, %scan3A_734 = %scan3A_183#30, %scan3A_735 = %scan3A_183#31) -> (vector<16xf32>, vector<16xf32>, vector<16xf32>, vector<16xf32>, vector<16xf32>, vector<16xf32>, vector<16xf32>, vector<16xf32>, vector<16xf32>, vector<16xf32>, vector<16xf32>, vector<16xf32>, vector<16xf32>, vector<16xf32>, vector<16xf32>, vector<16xf32>, vector<16xf32>, vector<16xf32>, vector<16xf32>, vector<16xf32>, vector<16xf32>, vector<16xf32>, vector<16xf32>, vector<16xf32>, vector<16xf32>, vector<16xf32>, vector<16xf32>, vector<16xf32>, vector<16xf32>, vector<16xf32>, vector<16xf32>, vector<16xf32>)  : i32 {
      %add3A_736 = arith.constant 320 : i32
      %add3A_737 = arith.addi %add3A_736, %scan3A_703 : i32
      %broadcast_in_dim3A_738 = vector.broadcast %add3A_737 : i32 to vector<16xi32>
      %gather3A = tpu.vector_load_idx %arg10[%broadcast_in_dim3A_738] : memref<512xf32, #tpu.memory_space<vmem>>[vector<16xi32>], vector<16xf32>,
      %gather3A_739 = tpu.vector_load_idx %arg11[%broadcast_in_dim3A_738] : memref<512xf32, #tpu.memory_space<vmem>>[vector<16xi32>], vector<16xf32>,
      %get3A_740 = arith.index_cast %scan3A_703 : i32 to index
      %get3A_741 = arith.constant 0 : index
      %get3A_742 = tpu.vector_load %arg15[%get3A_740, %get3A_741] {strides = array<i32>} : memref<64x256xf32, #tpu.memory_space<vmem>>, vector<16xf32>,
      %get3A_743 = arith.index_cast %scan3A_703 : i32 to index
      %get3A_744 = arith.constant 16 : index
      %get3A_745 = tpu.vector_load %arg15[%get3A_743, %get3A_744] {strides = array<i32>} : memref<64x256xf32, #tpu.memory_space<vmem>>, vector<16xf32>,
      %get3A_746 = arith.index_cast %scan3A_703 : i32 to index
      %get3A_747 = arith.constant 32 : index
      %get3A_748 = tpu.vector_load %arg15[%get3A_746, %get3A_747] {strides = array<i32>} : memref<64x256xf32, #tpu.memory_space<vmem>>, vector<16xf32>,
      %get3A_749 = arith.index_cast %scan3A_703 : i32 to index
      %get3A_750 = arith.constant 48 : index
      %get3A_751 = tpu.vector_load %arg15[%get3A_749, %get3A_750] {strides = array<i32>} : memref<64x256xf32, #tpu.memory_space<vmem>>, vector<16xf32>,
      %get3A_752 = arith.index_cast %scan3A_703 : i32 to index
      %get3A_753 = arith.constant 64 : index
      %get3A_754 = tpu.vector_load %arg15[%get3A_752, %get3A_753] {strides = array<i32>} : memref<64x256xf32, #tpu.memory_space<vmem>>, vector<16xf32>,
      %get3A_755 = arith.index_cast %scan3A_703 : i32 to index
      %get3A_756 = arith.constant 80 : index
      %get3A_757 = tpu.vector_load %arg15[%get3A_755, %get3A_756] {strides = array<i32>} : memref<64x256xf32, #tpu.memory_space<vmem>>, vector<16xf32>,
      %get3A_758 = arith.index_cast %scan3A_703 : i32 to index
      %get3A_759 = arith.constant 96 : index
      %get3A_760 = tpu.vector_load %arg15[%get3A_758, %get3A_759] {strides = array<i32>} : memref<64x256xf32, #tpu.memory_space<vmem>>, vector<16xf32>,
      %get3A_761 = arith.index_cast %scan3A_703 : i32 to index
      %get3A_762 = arith.constant 112 : index
      %get3A_763 = tpu.vector_load %arg15[%get3A_761, %get3A_762] {strides = array<i32>} : memref<64x256xf32, #tpu.memory_space<vmem>>, vector<16xf32>,
      %get3A_764 = arith.index_cast %scan3A_703 : i32 to index
      %get3A_765 = arith.constant 128 : index
      %get3A_766 = tpu.vector_load %arg15[%get3A_764, %get3A_765] {strides = array<i32>} : memref<64x256xf32, #tpu.memory_space<vmem>>, vector<16xf32>,
      %get3A_767 = arith.index_cast %scan3A_703 : i32 to index
      %get3A_768 = arith.constant 144 : index
      %get3A_769 = tpu.vector_load %arg15[%get3A_767, %get3A_768] {strides = array<i32>} : memref<64x256xf32, #tpu.memory_space<vmem>>, vector<16xf32>,
      %get3A_770 = arith.index_cast %scan3A_703 : i32 to index
      %get3A_771 = arith.constant 160 : index
      %get3A_772 = tpu.vector_load %arg15[%get3A_770, %get3A_771] {strides = array<i32>} : memref<64x256xf32, #tpu.memory_space<vmem>>, vector<16xf32>,
      %get3A_773 = arith.index_cast %scan3A_703 : i32 to index
      %get3A_774 = arith.constant 176 : index
      %get3A_775 = tpu.vector_load %arg15[%get3A_773, %get3A_774] {strides = array<i32>} : memref<64x256xf32, #tpu.memory_space<vmem>>, vector<16xf32>,
      %get3A_776 = arith.index_cast %scan3A_703 : i32 to index
      %get3A_777 = arith.constant 192 : index
      %get3A_778 = tpu.vector_load %arg15[%get3A_776, %get3A_777] {strides = array<i32>} : memref<64x256xf32, #tpu.memory_space<vmem>>, vector<16xf32>,
      %get3A_779 = arith.index_cast %scan3A_703 : i32 to index
      %get3A_780 = arith.constant 208 : index
      %get3A_781 = tpu.vector_load %arg15[%get3A_779, %get3A_780] {strides = array<i32>} : memref<64x256xf32, #tpu.memory_space<vmem>>, vector<16xf32>,
      %get3A_782 = arith.index_cast %scan3A_703 : i32 to index
      %get3A_783 = arith.constant 224 : index
      %get3A_784 = tpu.vector_load %arg15[%get3A_782, %get3A_783] {strides = array<i32>} : memref<64x256xf32, #tpu.memory_space<vmem>>, vector<16xf32>,
      %get3A_785 = arith.index_cast %scan3A_703 : i32 to index
      %get3A_786 = arith.constant 240 : index
      %get3A_787 = tpu.vector_load %arg15[%get3A_785, %get3A_786] {strides = array<i32>} : memref<64x256xf32, #tpu.memory_space<vmem>>, vector<16xf32>,
      %mul3A_788 = arith.mulf %gather3A, %get3A_742 : vector<16xf32>
      %add3A_789 = arith.addf %scan3A_704, %mul3A_788 : vector<16xf32>
      %mul3A_790 = arith.mulf %gather3A, %get3A_745 : vector<16xf32>
      %add3A_791 = arith.addf %scan3A_705, %mul3A_790 : vector<16xf32>
      %mul3A_792 = arith.mulf %gather3A, %get3A_748 : vector<16xf32>
      %add3A_793 = arith.addf %scan3A_706, %mul3A_792 : vector<16xf32>
      %mul3A_794 = arith.mulf %gather3A, %get3A_751 : vector<16xf32>
      %add3A_795 = arith.addf %scan3A_707, %mul3A_794 : vector<16xf32>
      %mul3A_796 = arith.mulf %gather3A, %get3A_754 : vector<16xf32>
      %add3A_797 = arith.addf %scan3A_708, %mul3A_796 : vector<16xf32>
      %mul3A_798 = arith.mulf %gather3A, %get3A_757 : vector<16xf32>
      %add3A_799 = arith.addf %scan3A_709, %mul3A_798 : vector<16xf32>
      %mul3A_800 = arith.mulf %gather3A, %get3A_760 : vector<16xf32>
      %add3A_801 = arith.addf %scan3A_710, %mul3A_800 : vector<16xf32>
      %mul3A_802 = arith.mulf %gather3A, %get3A_763 : vector<16xf32>
      %add3A_803 = arith.addf %scan3A_711, %mul3A_802 : vector<16xf32>
      %mul3A_804 = arith.mulf %gather3A, %get3A_766 : vector<16xf32>
      %add3A_805 = arith.addf %scan3A_712, %mul3A_804 : vector<16xf32>
      %mul3A_806 = arith.mulf %gather3A, %get3A_769 : vector<16xf32>
      %add3A_807 = arith.addf %scan3A_713, %mul3A_806 : vector<16xf32>
      %mul3A_808 = arith.mulf %gather3A, %get3A_772 : vector<16xf32>
      %add3A_809 = arith.addf %scan3A_714, %mul3A_808 : vector<16xf32>
      %mul3A_810 = arith.mulf %gather3A, %get3A_775 : vector<16xf32>
      %add3A_811 = arith.addf %scan3A_715, %mul3A_810 : vector<16xf32>
      %mul3A_812 = arith.mulf %gather3A, %get3A_778 : vector<16xf32>
      %add3A_813 = arith.addf %scan3A_716, %mul3A_812 : vector<16xf32>
      %mul3A_814 = arith.mulf %gather3A, %get3A_781 : vector<16xf32>
      %add3A_815 = arith.addf %scan3A_717, %mul3A_814 : vector<16xf32>
      %mul3A_816 = arith.mulf %gather3A, %get3A_784 : vector<16xf32>
      %add3A_817 = arith.addf %scan3A_718, %mul3A_816 : vector<16xf32>
      %mul3A_818 = arith.mulf %gather3A, %get3A_787 : vector<16xf32>
      %add3A_819 = arith.addf %scan3A_719, %mul3A_818 : vector<16xf32>
      %mul3A_820 = arith.mulf %gather3A_739, %get3A_742 : vector<16xf32>
      %add3A_821 = arith.addf %scan3A_720, %mul3A_820 : vector<16xf32>
      %mul3A_822 = arith.mulf %gather3A_739, %get3A_745 : vector<16xf32>
      %add3A_823 = arith.addf %scan3A_721, %mul3A_822 : vector<16xf32>
      %mul3A_824 = arith.mulf %gather3A_739, %get3A_748 : vector<16xf32>
      %add3A_825 = arith.addf %scan3A_722, %mul3A_824 : vector<16xf32>
      %mul3A_826 = arith.mulf %gather3A_739, %get3A_751 : vector<16xf32>
      %add3A_827 = arith.addf %scan3A_723, %mul3A_826 : vector<16xf32>
      %mul3A_828 = arith.mulf %gather3A_739, %get3A_754 : vector<16xf32>
      %add3A_829 = arith.addf %scan3A_724, %mul3A_828 : vector<16xf32>
      %mul3A_830 = arith.mulf %gather3A_739, %get3A_757 : vector<16xf32>
      %add3A_831 = arith.addf %scan3A_725, %mul3A_830 : vector<16xf32>
      %mul3A_832 = arith.mulf %gather3A_739, %get3A_760 : vector<16xf32>
      %add3A_833 = arith.addf %scan3A_726, %mul3A_832 : vector<16xf32>
      %mul3A_834 = arith.mulf %gather3A_739, %get3A_763 : vector<16xf32>
      %add3A_835 = arith.addf %scan3A_727, %mul3A_834 : vector<16xf32>
      %mul3A_836 = arith.mulf %gather3A_739, %get3A_766 : vector<16xf32>
      %add3A_837 = arith.addf %scan3A_728, %mul3A_836 : vector<16xf32>
      %mul3A_838 = arith.mulf %gather3A_739, %get3A_769 : vector<16xf32>
      %add3A_839 = arith.addf %scan3A_729, %mul3A_838 : vector<16xf32>
      %mul3A_840 = arith.mulf %gather3A_739, %get3A_772 : vector<16xf32>
      %add3A_841 = arith.addf %scan3A_730, %mul3A_840 : vector<16xf32>
      %mul3A_842 = arith.mulf %gather3A_739, %get3A_775 : vector<16xf32>
      %add3A_843 = arith.addf %scan3A_731, %mul3A_842 : vector<16xf32>
      %mul3A_844 = arith.mulf %gather3A_739, %get3A_778 : vector<16xf32>
      %add3A_845 = arith.addf %scan3A_732, %mul3A_844 : vector<16xf32>
      %mul3A_846 = arith.mulf %gather3A_739, %get3A_781 : vector<16xf32>
      %add3A_847 = arith.addf %scan3A_733, %mul3A_846 : vector<16xf32>
      %mul3A_848 = arith.mulf %gather3A_739, %get3A_784 : vector<16xf32>
      %add3A_849 = arith.addf %scan3A_734, %mul3A_848 : vector<16xf32>
      %mul3A_850 = arith.mulf %gather3A_739, %get3A_787 : vector<16xf32>
      %add3A_851 = arith.addf %scan3A_735, %mul3A_850 : vector<16xf32>
      scf.yield %add3A_789, %add3A_791, %add3A_793, %add3A_795, %add3A_797, %add3A_799, %add3A_801, %add3A_803, %add3A_805, %add3A_807, %add3A_809, %add3A_811, %add3A_813, %add3A_815, %add3A_817, %add3A_819, %add3A_821, %add3A_823, %add3A_825, %add3A_827, %add3A_829, %add3A_831, %add3A_833, %add3A_835, %add3A_837, %add3A_839, %add3A_841, %add3A_843, %add3A_845, %add3A_847, %add3A_849, %add3A_851 : vector<16xf32>, vector<16xf32>, vector<16xf32>, vector<16xf32>, vector<16xf32>, vector<16xf32>, vector<16xf32>, vector<16xf32>, vector<16xf32>, vector<16xf32>, vector<16xf32>, vector<16xf32>, vector<16xf32>, vector<16xf32>, vector<16xf32>, vector<16xf32>, vector<16xf32>, vector<16xf32>, vector<16xf32>, vector<16xf32>, vector<16xf32>, vector<16xf32>, vector<16xf32>, vector<16xf32>, vector<16xf32>, vector<16xf32>, vector<16xf32>, vector<16xf32>, vector<16xf32>, vector<16xf32>, vector<16xf32>, vector<16xf32>
    }
    %scan3A_195 = arith.constant 64 : i32
    %dma_wait3A_196 = arith.constant 384 : i32
    %dma_wait3A_197 = tpu.memref_slice %arg12[%dma_wait3A_196] : memref<512xi32, #tpu.memory_space<vmem>> -> memref<64xi32, #tpu.memory_space<vmem>>
    %dma_wait3A_198 = arith.constant 0 : i32
    %dma_wait3A_199 = arith.constant 0 : i32
    %dma_wait3A_200 = tpu.memref_slice %arg2[%dma_wait3A_198, %dma_wait3A_199] : memref<100000x256xf32, #tpu.memory_space<hbm>> -> memref<100000x256xf32, #tpu.memory_space<hbm>>
    tpu.wait_indirect_dma semaphore(%arg26 : memref<!tpu.dma_semaphore, #tpu.memory_space<semaphore_mem>>) src(%dma_wait3A_200 : memref<100000x256xf32, #tpu.memory_space<hbm>>) dst(%arg16 : memref<64x256xf32, #tpu.memory_space<vmem>>)
    %scan3A_201 = arith.constant 0 : i32
    %scan3A_202 = arith.constant 64 : i32
    %scan3A_203 = arith.addi %scan3A_201, %scan3A_202 : i32
    %scan3A_204 = arith.constant 1 : i32
    %scan3A_205:32 = scf.for %scan3A_703 = %scan3A_201 to %scan3A_203 step %scan3A_204 iter_args(%scan3A_704 = %scan3A_194#0, %scan3A_705 = %scan3A_194#1, %scan3A_706 = %scan3A_194#2, %scan3A_707 = %scan3A_194#3, %scan3A_708 = %scan3A_194#4, %scan3A_709 = %scan3A_194#5, %scan3A_710 = %scan3A_194#6, %scan3A_711 = %scan3A_194#7, %scan3A_712 = %scan3A_194#8, %scan3A_713 = %scan3A_194#9, %scan3A_714 = %scan3A_194#10, %scan3A_715 = %scan3A_194#11, %scan3A_716 = %scan3A_194#12, %scan3A_717 = %scan3A_194#13, %scan3A_718 = %scan3A_194#14, %scan3A_719 = %scan3A_194#15, %scan3A_720 = %scan3A_194#16, %scan3A_721 = %scan3A_194#17, %scan3A_722 = %scan3A_194#18, %scan3A_723 = %scan3A_194#19, %scan3A_724 = %scan3A_194#20, %scan3A_725 = %scan3A_194#21, %scan3A_726 = %scan3A_194#22, %scan3A_727 = %scan3A_194#23, %scan3A_728 = %scan3A_194#24, %scan3A_729 = %scan3A_194#25, %scan3A_730 = %scan3A_194#26, %scan3A_731 = %scan3A_194#27, %scan3A_732 = %scan3A_194#28, %scan3A_733 = %scan3A_194#29, %scan3A_734 = %scan3A_194#30, %scan3A_735 = %scan3A_194#31) -> (vector<16xf32>, vector<16xf32>, vector<16xf32>, vector<16xf32>, vector<16xf32>, vector<16xf32>, vector<16xf32>, vector<16xf32>, vector<16xf32>, vector<16xf32>, vector<16xf32>, vector<16xf32>, vector<16xf32>, vector<16xf32>, vector<16xf32>, vector<16xf32>, vector<16xf32>, vector<16xf32>, vector<16xf32>, vector<16xf32>, vector<16xf32>, vector<16xf32>, vector<16xf32>, vector<16xf32>, vector<16xf32>, vector<16xf32>, vector<16xf32>, vector<16xf32>, vector<16xf32>, vector<16xf32>, vector<16xf32>, vector<16xf32>)  : i32 {
      %add3A_736 = arith.constant 384 : i32
      %add3A_737 = arith.addi %add3A_736, %scan3A_703 : i32
      %broadcast_in_dim3A_738 = vector.broadcast %add3A_737 : i32 to vector<16xi32>
      %gather3A = tpu.vector_load_idx %arg10[%broadcast_in_dim3A_738] : memref<512xf32, #tpu.memory_space<vmem>>[vector<16xi32>], vector<16xf32>,
      %gather3A_739 = tpu.vector_load_idx %arg11[%broadcast_in_dim3A_738] : memref<512xf32, #tpu.memory_space<vmem>>[vector<16xi32>], vector<16xf32>,
      %get3A_740 = arith.index_cast %scan3A_703 : i32 to index
      %get3A_741 = arith.constant 0 : index
      %get3A_742 = tpu.vector_load %arg16[%get3A_740, %get3A_741] {strides = array<i32>} : memref<64x256xf32, #tpu.memory_space<vmem>>, vector<16xf32>,
      %get3A_743 = arith.index_cast %scan3A_703 : i32 to index
      %get3A_744 = arith.constant 16 : index
      %get3A_745 = tpu.vector_load %arg16[%get3A_743, %get3A_744] {strides = array<i32>} : memref<64x256xf32, #tpu.memory_space<vmem>>, vector<16xf32>,
      %get3A_746 = arith.index_cast %scan3A_703 : i32 to index
      %get3A_747 = arith.constant 32 : index
      %get3A_748 = tpu.vector_load %arg16[%get3A_746, %get3A_747] {strides = array<i32>} : memref<64x256xf32, #tpu.memory_space<vmem>>, vector<16xf32>,
      %get3A_749 = arith.index_cast %scan3A_703 : i32 to index
      %get3A_750 = arith.constant 48 : index
      %get3A_751 = tpu.vector_load %arg16[%get3A_749, %get3A_750] {strides = array<i32>} : memref<64x256xf32, #tpu.memory_space<vmem>>, vector<16xf32>,
      %get3A_752 = arith.index_cast %scan3A_703 : i32 to index
      %get3A_753 = arith.constant 64 : index
      %get3A_754 = tpu.vector_load %arg16[%get3A_752, %get3A_753] {strides = array<i32>} : memref<64x256xf32, #tpu.memory_space<vmem>>, vector<16xf32>,
      %get3A_755 = arith.index_cast %scan3A_703 : i32 to index
      %get3A_756 = arith.constant 80 : index
      %get3A_757 = tpu.vector_load %arg16[%get3A_755, %get3A_756] {strides = array<i32>} : memref<64x256xf32, #tpu.memory_space<vmem>>, vector<16xf32>,
      %get3A_758 = arith.index_cast %scan3A_703 : i32 to index
      %get3A_759 = arith.constant 96 : index
      %get3A_760 = tpu.vector_load %arg16[%get3A_758, %get3A_759] {strides = array<i32>} : memref<64x256xf32, #tpu.memory_space<vmem>>, vector<16xf32>,
      %get3A_761 = arith.index_cast %scan3A_703 : i32 to index
      %get3A_762 = arith.constant 112 : index
      %get3A_763 = tpu.vector_load %arg16[%get3A_761, %get3A_762] {strides = array<i32>} : memref<64x256xf32, #tpu.memory_space<vmem>>, vector<16xf32>,
      %get3A_764 = arith.index_cast %scan3A_703 : i32 to index
      %get3A_765 = arith.constant 128 : index
      %get3A_766 = tpu.vector_load %arg16[%get3A_764, %get3A_765] {strides = array<i32>} : memref<64x256xf32, #tpu.memory_space<vmem>>, vector<16xf32>,
      %get3A_767 = arith.index_cast %scan3A_703 : i32 to index
      %get3A_768 = arith.constant 144 : index
      %get3A_769 = tpu.vector_load %arg16[%get3A_767, %get3A_768] {strides = array<i32>} : memref<64x256xf32, #tpu.memory_space<vmem>>, vector<16xf32>,
      %get3A_770 = arith.index_cast %scan3A_703 : i32 to index
      %get3A_771 = arith.constant 160 : index
      %get3A_772 = tpu.vector_load %arg16[%get3A_770, %get3A_771] {strides = array<i32>} : memref<64x256xf32, #tpu.memory_space<vmem>>, vector<16xf32>,
      %get3A_773 = arith.index_cast %scan3A_703 : i32 to index
      %get3A_774 = arith.constant 176 : index
      %get3A_775 = tpu.vector_load %arg16[%get3A_773, %get3A_774] {strides = array<i32>} : memref<64x256xf32, #tpu.memory_space<vmem>>, vector<16xf32>,
      %get3A_776 = arith.index_cast %scan3A_703 : i32 to index
      %get3A_777 = arith.constant 192 : index
      %get3A_778 = tpu.vector_load %arg16[%get3A_776, %get3A_777] {strides = array<i32>} : memref<64x256xf32, #tpu.memory_space<vmem>>, vector<16xf32>,
      %get3A_779 = arith.index_cast %scan3A_703 : i32 to index
      %get3A_780 = arith.constant 208 : index
      %get3A_781 = tpu.vector_load %arg16[%get3A_779, %get3A_780] {strides = array<i32>} : memref<64x256xf32, #tpu.memory_space<vmem>>, vector<16xf32>,
      %get3A_782 = arith.index_cast %scan3A_703 : i32 to index
      %get3A_783 = arith.constant 224 : index
      %get3A_784 = tpu.vector_load %arg16[%get3A_782, %get3A_783] {strides = array<i32>} : memref<64x256xf32, #tpu.memory_space<vmem>>, vector<16xf32>,
      %get3A_785 = arith.index_cast %scan3A_703 : i32 to index
      %get3A_786 = arith.constant 240 : index
      %get3A_787 = tpu.vector_load %arg16[%get3A_785, %get3A_786] {strides = array<i32>} : memref<64x256xf32, #tpu.memory_space<vmem>>, vector<16xf32>,
      %mul3A_788 = arith.mulf %gather3A, %get3A_742 : vector<16xf32>
      %add3A_789 = arith.addf %scan3A_704, %mul3A_788 : vector<16xf32>
      %mul3A_790 = arith.mulf %gather3A, %get3A_745 : vector<16xf32>
      %add3A_791 = arith.addf %scan3A_705, %mul3A_790 : vector<16xf32>
      %mul3A_792 = arith.mulf %gather3A, %get3A_748 : vector<16xf32>
      %add3A_793 = arith.addf %scan3A_706, %mul3A_792 : vector<16xf32>
      %mul3A_794 = arith.mulf %gather3A, %get3A_751 : vector<16xf32>
      %add3A_795 = arith.addf %scan3A_707, %mul3A_794 : vector<16xf32>
      %mul3A_796 = arith.mulf %gather3A, %get3A_754 : vector<16xf32>
      %add3A_797 = arith.addf %scan3A_708, %mul3A_796 : vector<16xf32>
      %mul3A_798 = arith.mulf %gather3A, %get3A_757 : vector<16xf32>
      %add3A_799 = arith.addf %scan3A_709, %mul3A_798 : vector<16xf32>
      %mul3A_800 = arith.mulf %gather3A, %get3A_760 : vector<16xf32>
      %add3A_801 = arith.addf %scan3A_710, %mul3A_800 : vector<16xf32>
      %mul3A_802 = arith.mulf %gather3A, %get3A_763 : vector<16xf32>
      %add3A_803 = arith.addf %scan3A_711, %mul3A_802 : vector<16xf32>
      %mul3A_804 = arith.mulf %gather3A, %get3A_766 : vector<16xf32>
      %add3A_805 = arith.addf %scan3A_712, %mul3A_804 : vector<16xf32>
      %mul3A_806 = arith.mulf %gather3A, %get3A_769 : vector<16xf32>
      %add3A_807 = arith.addf %scan3A_713, %mul3A_806 : vector<16xf32>
      %mul3A_808 = arith.mulf %gather3A, %get3A_772 : vector<16xf32>
      %add3A_809 = arith.addf %scan3A_714, %mul3A_808 : vector<16xf32>
      %mul3A_810 = arith.mulf %gather3A, %get3A_775 : vector<16xf32>
      %add3A_811 = arith.addf %scan3A_715, %mul3A_810 : vector<16xf32>
      %mul3A_812 = arith.mulf %gather3A, %get3A_778 : vector<16xf32>
      %add3A_813 = arith.addf %scan3A_716, %mul3A_812 : vector<16xf32>
      %mul3A_814 = arith.mulf %gather3A, %get3A_781 : vector<16xf32>
      %add3A_815 = arith.addf %scan3A_717, %mul3A_814 : vector<16xf32>
      %mul3A_816 = arith.mulf %gather3A, %get3A_784 : vector<16xf32>
      %add3A_817 = arith.addf %scan3A_718, %mul3A_816 : vector<16xf32>
      %mul3A_818 = arith.mulf %gather3A, %get3A_787 : vector<16xf32>
      %add3A_819 = arith.addf %scan3A_719, %mul3A_818 : vector<16xf32>
      %mul3A_820 = arith.mulf %gather3A_739, %get3A_742 : vector<16xf32>
      %add3A_821 = arith.addf %scan3A_720, %mul3A_820 : vector<16xf32>
      %mul3A_822 = arith.mulf %gather3A_739, %get3A_745 : vector<16xf32>
      %add3A_823 = arith.addf %scan3A_721, %mul3A_822 : vector<16xf32>
      %mul3A_824 = arith.mulf %gather3A_739, %get3A_748 : vector<16xf32>
      %add3A_825 = arith.addf %scan3A_722, %mul3A_824 : vector<16xf32>
      %mul3A_826 = arith.mulf %gather3A_739, %get3A_751 : vector<16xf32>
      %add3A_827 = arith.addf %scan3A_723, %mul3A_826 : vector<16xf32>
      %mul3A_828 = arith.mulf %gather3A_739, %get3A_754 : vector<16xf32>
      %add3A_829 = arith.addf %scan3A_724, %mul3A_828 : vector<16xf32>
      %mul3A_830 = arith.mulf %gather3A_739, %get3A_757 : vector<16xf32>
      %add3A_831 = arith.addf %scan3A_725, %mul3A_830 : vector<16xf32>
      %mul3A_832 = arith.mulf %gather3A_739, %get3A_760 : vector<16xf32>
      %add3A_833 = arith.addf %scan3A_726, %mul3A_832 : vector<16xf32>
      %mul3A_834 = arith.mulf %gather3A_739, %get3A_763 : vector<16xf32>
      %add3A_835 = arith.addf %scan3A_727, %mul3A_834 : vector<16xf32>
      %mul3A_836 = arith.mulf %gather3A_739, %get3A_766 : vector<16xf32>
      %add3A_837 = arith.addf %scan3A_728, %mul3A_836 : vector<16xf32>
      %mul3A_838 = arith.mulf %gather3A_739, %get3A_769 : vector<16xf32>
      %add3A_839 = arith.addf %scan3A_729, %mul3A_838 : vector<16xf32>
      %mul3A_840 = arith.mulf %gather3A_739, %get3A_772 : vector<16xf32>
      %add3A_841 = arith.addf %scan3A_730, %mul3A_840 : vector<16xf32>
      %mul3A_842 = arith.mulf %gather3A_739, %get3A_775 : vector<16xf32>
      %add3A_843 = arith.addf %scan3A_731, %mul3A_842 : vector<16xf32>
      %mul3A_844 = arith.mulf %gather3A_739, %get3A_778 : vector<16xf32>
      %add3A_845 = arith.addf %scan3A_732, %mul3A_844 : vector<16xf32>
      %mul3A_846 = arith.mulf %gather3A_739, %get3A_781 : vector<16xf32>
      %add3A_847 = arith.addf %scan3A_733, %mul3A_846 : vector<16xf32>
      %mul3A_848 = arith.mulf %gather3A_739, %get3A_784 : vector<16xf32>
      %add3A_849 = arith.addf %scan3A_734, %mul3A_848 : vector<16xf32>
      %mul3A_850 = arith.mulf %gather3A_739, %get3A_787 : vector<16xf32>
      %add3A_851 = arith.addf %scan3A_735, %mul3A_850 : vector<16xf32>
      scf.yield %add3A_789, %add3A_791, %add3A_793, %add3A_795, %add3A_797, %add3A_799, %add3A_801, %add3A_803, %add3A_805, %add3A_807, %add3A_809, %add3A_811, %add3A_813, %add3A_815, %add3A_817, %add3A_819, %add3A_821, %add3A_823, %add3A_825, %add3A_827, %add3A_829, %add3A_831, %add3A_833, %add3A_835, %add3A_837, %add3A_839, %add3A_841, %add3A_843, %add3A_845, %add3A_847, %add3A_849, %add3A_851 : vector<16xf32>, vector<16xf32>, vector<16xf32>, vector<16xf32>, vector<16xf32>, vector<16xf32>, vector<16xf32>, vector<16xf32>, vector<16xf32>, vector<16xf32>, vector<16xf32>, vector<16xf32>, vector<16xf32>, vector<16xf32>, vector<16xf32>, vector<16xf32>, vector<16xf32>, vector<16xf32>, vector<16xf32>, vector<16xf32>, vector<16xf32>, vector<16xf32>, vector<16xf32>, vector<16xf32>, vector<16xf32>, vector<16xf32>, vector<16xf32>, vector<16xf32>, vector<16xf32>, vector<16xf32>, vector<16xf32>, vector<16xf32>
    }
    %scan3A_206 = arith.constant 64 : i32
    %dma_wait3A_207 = arith.constant 448 : i32
    %dma_wait3A_208 = tpu.memref_slice %arg12[%dma_wait3A_207] : memref<512xi32, #tpu.memory_space<vmem>> -> memref<64xi32, #tpu.memory_space<vmem>>
    %dma_wait3A_209 = arith.constant 0 : i32
    %dma_wait3A_210 = arith.constant 0 : i32
    %dma_wait3A_211 = tpu.memref_slice %arg2[%dma_wait3A_209, %dma_wait3A_210] : memref<100000x256xf32, #tpu.memory_space<hbm>> -> memref<100000x256xf32, #tpu.memory_space<hbm>>
    tpu.wait_indirect_dma semaphore(%arg27 : memref<!tpu.dma_semaphore, #tpu.memory_space<semaphore_mem>>) src(%dma_wait3A_211 : memref<100000x256xf32, #tpu.memory_space<hbm>>) dst(%arg17 : memref<64x256xf32, #tpu.memory_space<vmem>>)
    %scan3A_212 = arith.constant 0 : i32
    %scan3A_213 = arith.constant 64 : i32
    %scan3A_214 = arith.addi %scan3A_212, %scan3A_213 : i32
    %scan3A_215 = arith.constant 1 : i32
    %scan3A_216:32 = scf.for %scan3A_703 = %scan3A_212 to %scan3A_214 step %scan3A_215 iter_args(%scan3A_704 = %scan3A_205#0, %scan3A_705 = %scan3A_205#1, %scan3A_706 = %scan3A_205#2, %scan3A_707 = %scan3A_205#3, %scan3A_708 = %scan3A_205#4, %scan3A_709 = %scan3A_205#5, %scan3A_710 = %scan3A_205#6, %scan3A_711 = %scan3A_205#7, %scan3A_712 = %scan3A_205#8, %scan3A_713 = %scan3A_205#9, %scan3A_714 = %scan3A_205#10, %scan3A_715 = %scan3A_205#11, %scan3A_716 = %scan3A_205#12, %scan3A_717 = %scan3A_205#13, %scan3A_718 = %scan3A_205#14, %scan3A_719 = %scan3A_205#15, %scan3A_720 = %scan3A_205#16, %scan3A_721 = %scan3A_205#17, %scan3A_722 = %scan3A_205#18, %scan3A_723 = %scan3A_205#19, %scan3A_724 = %scan3A_205#20, %scan3A_725 = %scan3A_205#21, %scan3A_726 = %scan3A_205#22, %scan3A_727 = %scan3A_205#23, %scan3A_728 = %scan3A_205#24, %scan3A_729 = %scan3A_205#25, %scan3A_730 = %scan3A_205#26, %scan3A_731 = %scan3A_205#27, %scan3A_732 = %scan3A_205#28, %scan3A_733 = %scan3A_205#29, %scan3A_734 = %scan3A_205#30, %scan3A_735 = %scan3A_205#31) -> (vector<16xf32>, vector<16xf32>, vector<16xf32>, vector<16xf32>, vector<16xf32>, vector<16xf32>, vector<16xf32>, vector<16xf32>, vector<16xf32>, vector<16xf32>, vector<16xf32>, vector<16xf32>, vector<16xf32>, vector<16xf32>, vector<16xf32>, vector<16xf32>, vector<16xf32>, vector<16xf32>, vector<16xf32>, vector<16xf32>, vector<16xf32>, vector<16xf32>, vector<16xf32>, vector<16xf32>, vector<16xf32>, vector<16xf32>, vector<16xf32>, vector<16xf32>, vector<16xf32>, vector<16xf32>, vector<16xf32>, vector<16xf32>)  : i32 {
      %add3A_736 = arith.constant 448 : i32
      %add3A_737 = arith.addi %add3A_736, %scan3A_703 : i32
      %broadcast_in_dim3A_738 = vector.broadcast %add3A_737 : i32 to vector<16xi32>
      %gather3A = tpu.vector_load_idx %arg10[%broadcast_in_dim3A_738] : memref<512xf32, #tpu.memory_space<vmem>>[vector<16xi32>], vector<16xf32>,
      %gather3A_739 = tpu.vector_load_idx %arg11[%broadcast_in_dim3A_738] : memref<512xf32, #tpu.memory_space<vmem>>[vector<16xi32>], vector<16xf32>,
      %get3A_740 = arith.index_cast %scan3A_703 : i32 to index
      %get3A_741 = arith.constant 0 : index
      %get3A_742 = tpu.vector_load %arg17[%get3A_740, %get3A_741] {strides = array<i32>} : memref<64x256xf32, #tpu.memory_space<vmem>>, vector<16xf32>,
      %get3A_743 = arith.index_cast %scan3A_703 : i32 to index
      %get3A_744 = arith.constant 16 : index
      %get3A_745 = tpu.vector_load %arg17[%get3A_743, %get3A_744] {strides = array<i32>} : memref<64x256xf32, #tpu.memory_space<vmem>>, vector<16xf32>,
      %get3A_746 = arith.index_cast %scan3A_703 : i32 to index
      %get3A_747 = arith.constant 32 : index
      %get3A_748 = tpu.vector_load %arg17[%get3A_746, %get3A_747] {strides = array<i32>} : memref<64x256xf32, #tpu.memory_space<vmem>>, vector<16xf32>,
      %get3A_749 = arith.index_cast %scan3A_703 : i32 to index
      %get3A_750 = arith.constant 48 : index
      %get3A_751 = tpu.vector_load %arg17[%get3A_749, %get3A_750] {strides = array<i32>} : memref<64x256xf32, #tpu.memory_space<vmem>>, vector<16xf32>,
      %get3A_752 = arith.index_cast %scan3A_703 : i32 to index
      %get3A_753 = arith.constant 64 : index
      %get3A_754 = tpu.vector_load %arg17[%get3A_752, %get3A_753] {strides = array<i32>} : memref<64x256xf32, #tpu.memory_space<vmem>>, vector<16xf32>,
      %get3A_755 = arith.index_cast %scan3A_703 : i32 to index
      %get3A_756 = arith.constant 80 : index
      %get3A_757 = tpu.vector_load %arg17[%get3A_755, %get3A_756] {strides = array<i32>} : memref<64x256xf32, #tpu.memory_space<vmem>>, vector<16xf32>,
      %get3A_758 = arith.index_cast %scan3A_703 : i32 to index
      %get3A_759 = arith.constant 96 : index
      %get3A_760 = tpu.vector_load %arg17[%get3A_758, %get3A_759] {strides = array<i32>} : memref<64x256xf32, #tpu.memory_space<vmem>>, vector<16xf32>,
      %get3A_761 = arith.index_cast %scan3A_703 : i32 to index
      %get3A_762 = arith.constant 112 : index
      %get3A_763 = tpu.vector_load %arg17[%get3A_761, %get3A_762] {strides = array<i32>} : memref<64x256xf32, #tpu.memory_space<vmem>>, vector<16xf32>,
      %get3A_764 = arith.index_cast %scan3A_703 : i32 to index
      %get3A_765 = arith.constant 128 : index
      %get3A_766 = tpu.vector_load %arg17[%get3A_764, %get3A_765] {strides = array<i32>} : memref<64x256xf32, #tpu.memory_space<vmem>>, vector<16xf32>,
      %get3A_767 = arith.index_cast %scan3A_703 : i32 to index
      %get3A_768 = arith.constant 144 : index
      %get3A_769 = tpu.vector_load %arg17[%get3A_767, %get3A_768] {strides = array<i32>} : memref<64x256xf32, #tpu.memory_space<vmem>>, vector<16xf32>,
      %get3A_770 = arith.index_cast %scan3A_703 : i32 to index
      %get3A_771 = arith.constant 160 : index
      %get3A_772 = tpu.vector_load %arg17[%get3A_770, %get3A_771] {strides = array<i32>} : memref<64x256xf32, #tpu.memory_space<vmem>>, vector<16xf32>,
      %get3A_773 = arith.index_cast %scan3A_703 : i32 to index
      %get3A_774 = arith.constant 176 : index
      %get3A_775 = tpu.vector_load %arg17[%get3A_773, %get3A_774] {strides = array<i32>} : memref<64x256xf32, #tpu.memory_space<vmem>>, vector<16xf32>,
      %get3A_776 = arith.index_cast %scan3A_703 : i32 to index
      %get3A_777 = arith.constant 192 : index
      %get3A_778 = tpu.vector_load %arg17[%get3A_776, %get3A_777] {strides = array<i32>} : memref<64x256xf32, #tpu.memory_space<vmem>>, vector<16xf32>,
      %get3A_779 = arith.index_cast %scan3A_703 : i32 to index
      %get3A_780 = arith.constant 208 : index
      %get3A_781 = tpu.vector_load %arg17[%get3A_779, %get3A_780] {strides = array<i32>} : memref<64x256xf32, #tpu.memory_space<vmem>>, vector<16xf32>,
      %get3A_782 = arith.index_cast %scan3A_703 : i32 to index
      %get3A_783 = arith.constant 224 : index
      %get3A_784 = tpu.vector_load %arg17[%get3A_782, %get3A_783] {strides = array<i32>} : memref<64x256xf32, #tpu.memory_space<vmem>>, vector<16xf32>,
      %get3A_785 = arith.index_cast %scan3A_703 : i32 to index
      %get3A_786 = arith.constant 240 : index
      %get3A_787 = tpu.vector_load %arg17[%get3A_785, %get3A_786] {strides = array<i32>} : memref<64x256xf32, #tpu.memory_space<vmem>>, vector<16xf32>,
      %mul3A_788 = arith.mulf %gather3A, %get3A_742 : vector<16xf32>
      %add3A_789 = arith.addf %scan3A_704, %mul3A_788 : vector<16xf32>
      %mul3A_790 = arith.mulf %gather3A, %get3A_745 : vector<16xf32>
      %add3A_791 = arith.addf %scan3A_705, %mul3A_790 : vector<16xf32>
      %mul3A_792 = arith.mulf %gather3A, %get3A_748 : vector<16xf32>
      %add3A_793 = arith.addf %scan3A_706, %mul3A_792 : vector<16xf32>
      %mul3A_794 = arith.mulf %gather3A, %get3A_751 : vector<16xf32>
      %add3A_795 = arith.addf %scan3A_707, %mul3A_794 : vector<16xf32>
      %mul3A_796 = arith.mulf %gather3A, %get3A_754 : vector<16xf32>
      %add3A_797 = arith.addf %scan3A_708, %mul3A_796 : vector<16xf32>
      %mul3A_798 = arith.mulf %gather3A, %get3A_757 : vector<16xf32>
      %add3A_799 = arith.addf %scan3A_709, %mul3A_798 : vector<16xf32>
      %mul3A_800 = arith.mulf %gather3A, %get3A_760 : vector<16xf32>
      %add3A_801 = arith.addf %scan3A_710, %mul3A_800 : vector<16xf32>
      %mul3A_802 = arith.mulf %gather3A, %get3A_763 : vector<16xf32>
      %add3A_803 = arith.addf %scan3A_711, %mul3A_802 : vector<16xf32>
      %mul3A_804 = arith.mulf %gather3A, %get3A_766 : vector<16xf32>
      %add3A_805 = arith.addf %scan3A_712, %mul3A_804 : vector<16xf32>
      %mul3A_806 = arith.mulf %gather3A, %get3A_769 : vector<16xf32>
      %add3A_807 = arith.addf %scan3A_713, %mul3A_806 : vector<16xf32>
      %mul3A_808 = arith.mulf %gather3A, %get3A_772 : vector<16xf32>
      %add3A_809 = arith.addf %scan3A_714, %mul3A_808 : vector<16xf32>
      %mul3A_810 = arith.mulf %gather3A, %get3A_775 : vector<16xf32>
      %add3A_811 = arith.addf %scan3A_715, %mul3A_810 : vector<16xf32>
      %mul3A_812 = arith.mulf %gather3A, %get3A_778 : vector<16xf32>
      %add3A_813 = arith.addf %scan3A_716, %mul3A_812 : vector<16xf32>
      %mul3A_814 = arith.mulf %gather3A, %get3A_781 : vector<16xf32>
      %add3A_815 = arith.addf %scan3A_717, %mul3A_814 : vector<16xf32>
      %mul3A_816 = arith.mulf %gather3A, %get3A_784 : vector<16xf32>
      %add3A_817 = arith.addf %scan3A_718, %mul3A_816 : vector<16xf32>
      %mul3A_818 = arith.mulf %gather3A, %get3A_787 : vector<16xf32>
      %add3A_819 = arith.addf %scan3A_719, %mul3A_818 : vector<16xf32>
      %mul3A_820 = arith.mulf %gather3A_739, %get3A_742 : vector<16xf32>
      %add3A_821 = arith.addf %scan3A_720, %mul3A_820 : vector<16xf32>
      %mul3A_822 = arith.mulf %gather3A_739, %get3A_745 : vector<16xf32>
      %add3A_823 = arith.addf %scan3A_721, %mul3A_822 : vector<16xf32>
      %mul3A_824 = arith.mulf %gather3A_739, %get3A_748 : vector<16xf32>
      %add3A_825 = arith.addf %scan3A_722, %mul3A_824 : vector<16xf32>
      %mul3A_826 = arith.mulf %gather3A_739, %get3A_751 : vector<16xf32>
      %add3A_827 = arith.addf %scan3A_723, %mul3A_826 : vector<16xf32>
      %mul3A_828 = arith.mulf %gather3A_739, %get3A_754 : vector<16xf32>
      %add3A_829 = arith.addf %scan3A_724, %mul3A_828 : vector<16xf32>
      %mul3A_830 = arith.mulf %gather3A_739, %get3A_757 : vector<16xf32>
      %add3A_831 = arith.addf %scan3A_725, %mul3A_830 : vector<16xf32>
      %mul3A_832 = arith.mulf %gather3A_739, %get3A_760 : vector<16xf32>
      %add3A_833 = arith.addf %scan3A_726, %mul3A_832 : vector<16xf32>
      %mul3A_834 = arith.mulf %gather3A_739, %get3A_763 : vector<16xf32>
      %add3A_835 = arith.addf %scan3A_727, %mul3A_834 : vector<16xf32>
      %mul3A_836 = arith.mulf %gather3A_739, %get3A_766 : vector<16xf32>
      %add3A_837 = arith.addf %scan3A_728, %mul3A_836 : vector<16xf32>
      %mul3A_838 = arith.mulf %gather3A_739, %get3A_769 : vector<16xf32>
      %add3A_839 = arith.addf %scan3A_729, %mul3A_838 : vector<16xf32>
      %mul3A_840 = arith.mulf %gather3A_739, %get3A_772 : vector<16xf32>
      %add3A_841 = arith.addf %scan3A_730, %mul3A_840 : vector<16xf32>
      %mul3A_842 = arith.mulf %gather3A_739, %get3A_775 : vector<16xf32>
      %add3A_843 = arith.addf %scan3A_731, %mul3A_842 : vector<16xf32>
      %mul3A_844 = arith.mulf %gather3A_739, %get3A_778 : vector<16xf32>
      %add3A_845 = arith.addf %scan3A_732, %mul3A_844 : vector<16xf32>
      %mul3A_846 = arith.mulf %gather3A_739, %get3A_781 : vector<16xf32>
      %add3A_847 = arith.addf %scan3A_733, %mul3A_846 : vector<16xf32>
      %mul3A_848 = arith.mulf %gather3A_739, %get3A_784 : vector<16xf32>
      %add3A_849 = arith.addf %scan3A_734, %mul3A_848 : vector<16xf32>
      %mul3A_850 = arith.mulf %gather3A_739, %get3A_787 : vector<16xf32>
      %add3A_851 = arith.addf %scan3A_735, %mul3A_850 : vector<16xf32>
      scf.yield %add3A_789, %add3A_791, %add3A_793, %add3A_795, %add3A_797, %add3A_799, %add3A_801, %add3A_803, %add3A_805, %add3A_807, %add3A_809, %add3A_811, %add3A_813, %add3A_815, %add3A_817, %add3A_819, %add3A_821, %add3A_823, %add3A_825, %add3A_827, %add3A_829, %add3A_831, %add3A_833, %add3A_835, %add3A_837, %add3A_839, %add3A_841, %add3A_843, %add3A_845, %add3A_847, %add3A_849, %add3A_851 : vector<16xf32>, vector<16xf32>, vector<16xf32>, vector<16xf32>, vector<16xf32>, vector<16xf32>, vector<16xf32>, vector<16xf32>, vector<16xf32>, vector<16xf32>, vector<16xf32>, vector<16xf32>, vector<16xf32>, vector<16xf32>, vector<16xf32>, vector<16xf32>, vector<16xf32>, vector<16xf32>, vector<16xf32>, vector<16xf32>, vector<16xf32>, vector<16xf32>, vector<16xf32>, vector<16xf32>, vector<16xf32>, vector<16xf32>, vector<16xf32>, vector<16xf32>, vector<16xf32>, vector<16xf32>, vector<16xf32>, vector<16xf32>
    }
    %scan3A_217 = arith.constant 64 : i32
    %swap3A = arith.constant 0 : index
    %swap3A_218 = tpu.vector_load %arg22[%swap3A] {strides = array<i32>} : memref<512xf32, #tpu.memory_space<vmem>>, vector<16xf32>,
    tpu.vector_store %arg22[%swap3A], %scan3A_216#0 {strides = array<i32>} : memref<512xf32, #tpu.memory_space<vmem>>, vector<16xf32>,
    %swap3A_219 = arith.constant 16 : index
    %swap3A_220 = tpu.vector_load %arg22[%swap3A_219] {strides = array<i32>} : memref<512xf32, #tpu.memory_space<vmem>>, vector<16xf32>,
    tpu.vector_store %arg22[%swap3A_219], %scan3A_216#1 {strides = array<i32>} : memref<512xf32, #tpu.memory_space<vmem>>, vector<16xf32>,
    %swap3A_221 = arith.constant 32 : index
    %swap3A_222 = tpu.vector_load %arg22[%swap3A_221] {strides = array<i32>} : memref<512xf32, #tpu.memory_space<vmem>>, vector<16xf32>,
    tpu.vector_store %arg22[%swap3A_221], %scan3A_216#2 {strides = array<i32>} : memref<512xf32, #tpu.memory_space<vmem>>, vector<16xf32>,
    %swap3A_223 = arith.constant 48 : index
    %swap3A_224 = tpu.vector_load %arg22[%swap3A_223] {strides = array<i32>} : memref<512xf32, #tpu.memory_space<vmem>>, vector<16xf32>,
    tpu.vector_store %arg22[%swap3A_223], %scan3A_216#3 {strides = array<i32>} : memref<512xf32, #tpu.memory_space<vmem>>, vector<16xf32>,
    %swap3A_225 = arith.constant 64 : index
    %swap3A_226 = tpu.vector_load %arg22[%swap3A_225] {strides = array<i32>} : memref<512xf32, #tpu.memory_space<vmem>>, vector<16xf32>,
    tpu.vector_store %arg22[%swap3A_225], %scan3A_216#4 {strides = array<i32>} : memref<512xf32, #tpu.memory_space<vmem>>, vector<16xf32>,
    %swap3A_227 = arith.constant 80 : index
    %swap3A_228 = tpu.vector_load %arg22[%swap3A_227] {strides = array<i32>} : memref<512xf32, #tpu.memory_space<vmem>>, vector<16xf32>,
    tpu.vector_store %arg22[%swap3A_227], %scan3A_216#5 {strides = array<i32>} : memref<512xf32, #tpu.memory_space<vmem>>, vector<16xf32>,
    %swap3A_229 = arith.constant 96 : index
    %swap3A_230 = tpu.vector_load %arg22[%swap3A_229] {strides = array<i32>} : memref<512xf32, #tpu.memory_space<vmem>>, vector<16xf32>,
    tpu.vector_store %arg22[%swap3A_229], %scan3A_216#6 {strides = array<i32>} : memref<512xf32, #tpu.memory_space<vmem>>, vector<16xf32>,
    %swap3A_231 = arith.constant 112 : index
    %swap3A_232 = tpu.vector_load %arg22[%swap3A_231] {strides = array<i32>} : memref<512xf32, #tpu.memory_space<vmem>>, vector<16xf32>,
    tpu.vector_store %arg22[%swap3A_231], %scan3A_216#7 {strides = array<i32>} : memref<512xf32, #tpu.memory_space<vmem>>, vector<16xf32>,
    %swap3A_233 = arith.constant 128 : index
    %swap3A_234 = tpu.vector_load %arg22[%swap3A_233] {strides = array<i32>} : memref<512xf32, #tpu.memory_space<vmem>>, vector<16xf32>,
    tpu.vector_store %arg22[%swap3A_233], %scan3A_216#8 {strides = array<i32>} : memref<512xf32, #tpu.memory_space<vmem>>, vector<16xf32>,
    %swap3A_235 = arith.constant 144 : index
    %swap3A_236 = tpu.vector_load %arg22[%swap3A_235] {strides = array<i32>} : memref<512xf32, #tpu.memory_space<vmem>>, vector<16xf32>,
    tpu.vector_store %arg22[%swap3A_235], %scan3A_216#9 {strides = array<i32>} : memref<512xf32, #tpu.memory_space<vmem>>, vector<16xf32>,
    %swap3A_237 = arith.constant 160 : index
    %swap3A_238 = tpu.vector_load %arg22[%swap3A_237] {strides = array<i32>} : memref<512xf32, #tpu.memory_space<vmem>>, vector<16xf32>,
    tpu.vector_store %arg22[%swap3A_237], %scan3A_216#10 {strides = array<i32>} : memref<512xf32, #tpu.memory_space<vmem>>, vector<16xf32>,
    %swap3A_239 = arith.constant 176 : index
    %swap3A_240 = tpu.vector_load %arg22[%swap3A_239] {strides = array<i32>} : memref<512xf32, #tpu.memory_space<vmem>>, vector<16xf32>,
    tpu.vector_store %arg22[%swap3A_239], %scan3A_216#11 {strides = array<i32>} : memref<512xf32, #tpu.memory_space<vmem>>, vector<16xf32>,
    %swap3A_241 = arith.constant 192 : index
    %swap3A_242 = tpu.vector_load %arg22[%swap3A_241] {strides = array<i32>} : memref<512xf32, #tpu.memory_space<vmem>>, vector<16xf32>,
    tpu.vector_store %arg22[%swap3A_241], %scan3A_216#12 {strides = array<i32>} : memref<512xf32, #tpu.memory_space<vmem>>, vector<16xf32>,
    %swap3A_243 = arith.constant 208 : index
    %swap3A_244 = tpu.vector_load %arg22[%swap3A_243] {strides = array<i32>} : memref<512xf32, #tpu.memory_space<vmem>>, vector<16xf32>,
    tpu.vector_store %arg22[%swap3A_243], %scan3A_216#13 {strides = array<i32>} : memref<512xf32, #tpu.memory_space<vmem>>, vector<16xf32>,
    %swap3A_245 = arith.constant 224 : index
    %swap3A_246 = tpu.vector_load %arg22[%swap3A_245] {strides = array<i32>} : memref<512xf32, #tpu.memory_space<vmem>>, vector<16xf32>,
    tpu.vector_store %arg22[%swap3A_245], %scan3A_216#14 {strides = array<i32>} : memref<512xf32, #tpu.memory_space<vmem>>, vector<16xf32>,
    %swap3A_247 = arith.constant 240 : index
    %swap3A_248 = tpu.vector_load %arg22[%swap3A_247] {strides = array<i32>} : memref<512xf32, #tpu.memory_space<vmem>>, vector<16xf32>,
    tpu.vector_store %arg22[%swap3A_247], %scan3A_216#15 {strides = array<i32>} : memref<512xf32, #tpu.memory_space<vmem>>, vector<16xf32>,
    %swap3A_249 = arith.constant 256 : index
    %swap3A_250 = tpu.vector_load %arg22[%swap3A_249] {strides = array<i32>} : memref<512xf32, #tpu.memory_space<vmem>>, vector<16xf32>,
    tpu.vector_store %arg22[%swap3A_249], %scan3A_216#16 {strides = array<i32>} : memref<512xf32, #tpu.memory_space<vmem>>, vector<16xf32>,
    %swap3A_251 = arith.constant 272 : index
    %swap3A_252 = tpu.vector_load %arg22[%swap3A_251] {strides = array<i32>} : memref<512xf32, #tpu.memory_space<vmem>>, vector<16xf32>,
    tpu.vector_store %arg22[%swap3A_251], %scan3A_216#17 {strides = array<i32>} : memref<512xf32, #tpu.memory_space<vmem>>, vector<16xf32>,
    %swap3A_253 = arith.constant 288 : index
    %swap3A_254 = tpu.vector_load %arg22[%swap3A_253] {strides = array<i32>} : memref<512xf32, #tpu.memory_space<vmem>>, vector<16xf32>,
    tpu.vector_store %arg22[%swap3A_253], %scan3A_216#18 {strides = array<i32>} : memref<512xf32, #tpu.memory_space<vmem>>, vector<16xf32>,
    %swap3A_255 = arith.constant 304 : index
    %swap3A_256 = tpu.vector_load %arg22[%swap3A_255] {strides = array<i32>} : memref<512xf32, #tpu.memory_space<vmem>>, vector<16xf32>,
    tpu.vector_store %arg22[%swap3A_255], %scan3A_216#19 {strides = array<i32>} : memref<512xf32, #tpu.memory_space<vmem>>, vector<16xf32>,
    %swap3A_257 = arith.constant 320 : index
    %swap3A_258 = tpu.vector_load %arg22[%swap3A_257] {strides = array<i32>} : memref<512xf32, #tpu.memory_space<vmem>>, vector<16xf32>,
    tpu.vector_store %arg22[%swap3A_257], %scan3A_216#20 {strides = array<i32>} : memref<512xf32, #tpu.memory_space<vmem>>, vector<16xf32>,
    %swap3A_259 = arith.constant 336 : index
    %swap3A_260 = tpu.vector_load %arg22[%swap3A_259] {strides = array<i32>} : memref<512xf32, #tpu.memory_space<vmem>>, vector<16xf32>,
    tpu.vector_store %arg22[%swap3A_259], %scan3A_216#21 {strides = array<i32>} : memref<512xf32, #tpu.memory_space<vmem>>, vector<16xf32>,
    %swap3A_261 = arith.constant 352 : index
    %swap3A_262 = tpu.vector_load %arg22[%swap3A_261] {strides = array<i32>} : memref<512xf32, #tpu.memory_space<vmem>>, vector<16xf32>,
    tpu.vector_store %arg22[%swap3A_261], %scan3A_216#22 {strides = array<i32>} : memref<512xf32, #tpu.memory_space<vmem>>, vector<16xf32>,
    %swap3A_263 = arith.constant 368 : index
    %swap3A_264 = tpu.vector_load %arg22[%swap3A_263] {strides = array<i32>} : memref<512xf32, #tpu.memory_space<vmem>>, vector<16xf32>,
    tpu.vector_store %arg22[%swap3A_263], %scan3A_216#23 {strides = array<i32>} : memref<512xf32, #tpu.memory_space<vmem>>, vector<16xf32>,
    %swap3A_265 = arith.constant 384 : index
    %swap3A_266 = tpu.vector_load %arg22[%swap3A_265] {strides = array<i32>} : memref<512xf32, #tpu.memory_space<vmem>>, vector<16xf32>,
    tpu.vector_store %arg22[%swap3A_265], %scan3A_216#24 {strides = array<i32>} : memref<512xf32, #tpu.memory_space<vmem>>, vector<16xf32>,
    %swap3A_267 = arith.constant 400 : index
    %swap3A_268 = tpu.vector_load %arg22[%swap3A_267] {strides = array<i32>} : memref<512xf32, #tpu.memory_space<vmem>>, vector<16xf32>,
    tpu.vector_store %arg22[%swap3A_267], %scan3A_216#25 {strides = array<i32>} : memref<512xf32, #tpu.memory_space<vmem>>, vector<16xf32>,
    %swap3A_269 = arith.constant 416 : index
    %swap3A_270 = tpu.vector_load %arg22[%swap3A_269] {strides = array<i32>} : memref<512xf32, #tpu.memory_space<vmem>>, vector<16xf32>,
    tpu.vector_store %arg22[%swap3A_269], %scan3A_216#26 {strides = array<i32>} : memref<512xf32, #tpu.memory_space<vmem>>, vector<16xf32>,
    %swap3A_271 = arith.constant 432 : index
    %swap3A_272 = tpu.vector_load %arg22[%swap3A_271] {strides = array<i32>} : memref<512xf32, #tpu.memory_space<vmem>>, vector<16xf32>,
    tpu.vector_store %arg22[%swap3A_271], %scan3A_216#27 {strides = array<i32>} : memref<512xf32, #tpu.memory_space<vmem>>, vector<16xf32>,
    %swap3A_273 = arith.constant 448 : index
    %swap3A_274 = tpu.vector_load %arg22[%swap3A_273] {strides = array<i32>} : memref<512xf32, #tpu.memory_space<vmem>>, vector<16xf32>,
    tpu.vector_store %arg22[%swap3A_273], %scan3A_216#28 {strides = array<i32>} : memref<512xf32, #tpu.memory_space<vmem>>, vector<16xf32>,
    %swap3A_275 = arith.constant 464 : index
    %swap3A_276 = tpu.vector_load %arg22[%swap3A_275] {strides = array<i32>} : memref<512xf32, #tpu.memory_space<vmem>>, vector<16xf32>,
    tpu.vector_store %arg22[%swap3A_275], %scan3A_216#29 {strides = array<i32>} : memref<512xf32, #tpu.memory_space<vmem>>, vector<16xf32>,
    %swap3A_277 = arith.constant 480 : index
    %swap3A_278 = tpu.vector_load %arg22[%swap3A_277] {strides = array<i32>} : memref<512xf32, #tpu.memory_space<vmem>>, vector<16xf32>,
    tpu.vector_store %arg22[%swap3A_277], %scan3A_216#30 {strides = array<i32>} : memref<512xf32, #tpu.memory_space<vmem>>, vector<16xf32>,
    %swap3A_279 = arith.constant 496 : index
    %swap3A_280 = tpu.vector_load %arg22[%swap3A_279] {strides = array<i32>} : memref<512xf32, #tpu.memory_space<vmem>>, vector<16xf32>,
    tpu.vector_store %arg22[%swap3A_279], %scan3A_216#31 {strides = array<i32>} : memref<512xf32, #tpu.memory_space<vmem>>, vector<16xf32>,
    "tpu.region"() ({
      %run_scoped3A = tpu.sem_alloc : memref<!tpu.dma_semaphore, #tpu.memory_space<semaphore_mem>>
      %dma_start3A_703 = arith.constant 0 : i32
      %dma_start3A_704 = tpu.memref_slice %arg8[%add3A, %dma_start3A_703] : memref<32x512xf32, #tpu.memory_space<hbm>> -> memref<1x512xf32, #tpu.memory_space<hbm>>
      %dma_start3A_705 = tpu.memref_squeeze %dma_start3A_704 : memref<1x512xf32, #tpu.memory_space<hbm>> -> memref<512xf32, #tpu.memory_space<hbm>>
      %dma_start3A_706 = arith.constant 0 : i32
      %dma_start3A_707 = tpu.memref_slice %arg8[%add3A, %dma_start3A_706] : memref<32x512xf32, #tpu.memory_space<hbm>> -> memref<1x512xf32, #tpu.memory_space<hbm>>
      %dma_start3A_708 = tpu.memref_squeeze %dma_start3A_707 : memref<1x512xf32, #tpu.memory_space<hbm>> -> memref<512xf32, #tpu.memory_space<hbm>>
      tpu.enqueue_dma source(%arg22 : memref<512xf32, #tpu.memory_space<vmem>>) target(%dma_start3A_708 : memref<512xf32, #tpu.memory_space<hbm>>) target_semaphore(%run_scoped3A : memref<!tpu.dma_semaphore, #tpu.memory_space<semaphore_mem>>)
      %dma_wait3A_709 = arith.constant 0 : i32
      %dma_wait3A_710 = tpu.memref_slice %arg8[%add3A, %dma_wait3A_709] : memref<32x512xf32, #tpu.memory_space<hbm>> -> memref<1x512xf32, #tpu.memory_space<hbm>>
      %dma_wait3A_711 = tpu.memref_squeeze %dma_wait3A_710 : memref<1x512xf32, #tpu.memory_space<hbm>> -> memref<512xf32, #tpu.memory_space<hbm>>
      %dma_wait3A_712 = arith.constant 0 : i32
      %dma_wait3A_713 = tpu.memref_slice %arg8[%add3A, %dma_wait3A_712] : memref<32x512xf32, #tpu.memory_space<hbm>> -> memref<1x512xf32, #tpu.memory_space<hbm>>
      %dma_wait3A_714 = tpu.memref_squeeze %dma_wait3A_713 : memref<1x512xf32, #tpu.memory_space<hbm>> -> memref<512xf32, #tpu.memory_space<hbm>>
      tpu.wait_dma2 semaphore(%run_scoped3A : memref<!tpu.dma_semaphore, #tpu.memory_space<semaphore_mem>>) src(%arg22 : memref<512xf32, #tpu.memory_space<vmem>>) dst(%dma_wait3A_714 : memref<512xf32, #tpu.memory_space<hbm>>)
      tpu.yield
    }) : () -> ()
    %barrier3A = arith.constant 0 : index
    tpu.barrier barrier_id(%barrier3A)
    %lt3A = arith.constant 4 : i32
    %lt3A_281 = arith.cmpi slt, %arg1, %lt3A : i32
    %convert_element_type3A = arith.extui %lt3A_281 : i1 to i32
    %cond3A = arith.constant 0 : i32
    %cond3A_282 = arith.cmpi ne, %convert_element_type3A, %cond3A : i32
    scf.if %cond3A_282 {
      %mul3A_703 = arith.constant 16 : i32
      %mul3A_704 = arith.muli %arg0, %mul3A_703 : i32
      %mul3A_705 = arith.constant 128 : i32
      %mul3A_706 = arith.muli %arg1, %mul3A_705 : i32
      "tpu.region"() ({
        %run_scoped3A = tpu.sem_alloc : memref<!tpu.dma_semaphore, #tpu.memory_space<semaphore_mem>>
        %dma_start3A_733 = tpu.memref_slice %arg8[%mul3A_704, %mul3A_706] : memref<32x512xf32, #tpu.memory_space<hbm>> -> memref<16x128xf32, #tpu.memory_space<hbm>>
        %dma_start3A_734 = tpu.memref_slice %arg8[%mul3A_704, %mul3A_706] : memref<32x512xf32, #tpu.memory_space<hbm>> -> memref<16x128xf32, #tpu.memory_space<hbm>>
        tpu.enqueue_dma source(%dma_start3A_734 : memref<16x128xf32, #tpu.memory_space<hbm>>) target(%arg19 : memref<16x128xf32, #tpu.memory_space<vmem>>) target_semaphore(%run_scoped3A : memref<!tpu.dma_semaphore, #tpu.memory_space<semaphore_mem>>)
        %dma_wait3A_735 = tpu.memref_slice %arg8[%mul3A_704, %mul3A_706] : memref<32x512xf32, #tpu.memory_space<hbm>> -> memref<16x128xf32, #tpu.memory_space<hbm>>
        %dma_wait3A_736 = tpu.memref_slice %arg8[%mul3A_704, %mul3A_706] : memref<32x512xf32, #tpu.memory_space<hbm>> -> memref<16x128xf32, #tpu.memory_space<hbm>>
        tpu.wait_dma2 semaphore(%run_scoped3A : memref<!tpu.dma_semaphore, #tpu.memory_space<semaphore_mem>>) src(%dma_wait3A_736 : memref<16x128xf32, #tpu.memory_space<hbm>>) dst(%arg19 : memref<16x128xf32, #tpu.memory_space<vmem>>)
        tpu.yield
      }) : () -> ()
      %broadcast_in_dim3A_707 = arith.constant 0.000000e+00 : f32
      %broadcast_in_dim3A_708 = vector.broadcast %broadcast_in_dim3A_707 : f32 to vector<16xf32>
      %scan3A_709 = arith.constant 0 : i32
      %scan3A_710 = arith.constant 16 : i32
      %scan3A_711 = arith.addi %scan3A_709, %scan3A_710 : i32
      %scan3A_712 = arith.constant 1 : i32
      %scan3A_713:8 = scf.for %scan3A_733 = %scan3A_709 to %scan3A_711 step %scan3A_712 iter_args(%scan3A_734 = %broadcast_in_dim3A_708, %scan3A_735 = %broadcast_in_dim3A_708, %scan3A_736 = %broadcast_in_dim3A_708, %scan3A_737 = %broadcast_in_dim3A_708, %scan3A_738 = %broadcast_in_dim3A_708, %scan3A_739 = %broadcast_in_dim3A_708, %scan3A_740 = %broadcast_in_dim3A_708, %scan3A_741 = %broadcast_in_dim3A_708) -> (vector<16xf32>, vector<16xf32>, vector<16xf32>, vector<16xf32>, vector<16xf32>, vector<16xf32>, vector<16xf32>, vector<16xf32>)  : i32 {
        %get3A_742 = arith.index_cast %scan3A_733 : i32 to index
        %get3A_743 = arith.constant 0 : index
        %get3A_744 = tpu.vector_load %arg19[%get3A_742, %get3A_743] {strides = array<i32>} : memref<16x128xf32, #tpu.memory_space<vmem>>, vector<16xf32>,
        %add3A_745 = arith.addf %scan3A_734, %get3A_744 : vector<16xf32>
        %get3A_746 = arith.index_cast %scan3A_733 : i32 to index
        %get3A_747 = arith.constant 16 : index
        %get3A_748 = tpu.vector_load %arg19[%get3A_746, %get3A_747] {strides = array<i32>} : memref<16x128xf32, #tpu.memory_space<vmem>>, vector<16xf32>,
        %add3A_749 = arith.addf %scan3A_735, %get3A_748 : vector<16xf32>
        %get3A_750 = arith.index_cast %scan3A_733 : i32 to index
        %get3A_751 = arith.constant 32 : index
        %get3A_752 = tpu.vector_load %arg19[%get3A_750, %get3A_751] {strides = array<i32>} : memref<16x128xf32, #tpu.memory_space<vmem>>, vector<16xf32>,
        %add3A_753 = arith.addf %scan3A_736, %get3A_752 : vector<16xf32>
        %get3A_754 = arith.index_cast %scan3A_733 : i32 to index
        %get3A_755 = arith.constant 48 : index
        %get3A_756 = tpu.vector_load %arg19[%get3A_754, %get3A_755] {strides = array<i32>} : memref<16x128xf32, #tpu.memory_space<vmem>>, vector<16xf32>,
        %add3A_757 = arith.addf %scan3A_737, %get3A_756 : vector<16xf32>
        %get3A_758 = arith.index_cast %scan3A_733 : i32 to index
        %get3A_759 = arith.constant 64 : index
        %get3A_760 = tpu.vector_load %arg19[%get3A_758, %get3A_759] {strides = array<i32>} : memref<16x128xf32, #tpu.memory_space<vmem>>, vector<16xf32>,
        %add3A_761 = arith.addf %scan3A_738, %get3A_760 : vector<16xf32>
        %get3A_762 = arith.index_cast %scan3A_733 : i32 to index
        %get3A_763 = arith.constant 80 : index
        %get3A_764 = tpu.vector_load %arg19[%get3A_762, %get3A_763] {strides = array<i32>} : memref<16x128xf32, #tpu.memory_space<vmem>>, vector<16xf32>,
        %add3A_765 = arith.addf %scan3A_739, %get3A_764 : vector<16xf32>
        %get3A_766 = arith.index_cast %scan3A_733 : i32 to index
        %get3A_767 = arith.constant 96 : index
        %get3A_768 = tpu.vector_load %arg19[%get3A_766, %get3A_767] {strides = array<i32>} : memref<16x128xf32, #tpu.memory_space<vmem>>, vector<16xf32>,
        %add3A_769 = arith.addf %scan3A_740, %get3A_768 : vector<16xf32>
        %get3A_770 = arith.index_cast %scan3A_733 : i32 to index
        %get3A_771 = arith.constant 112 : index
        %get3A_772 = tpu.vector_load %arg19[%get3A_770, %get3A_771] {strides = array<i32>} : memref<16x128xf32, #tpu.memory_space<vmem>>, vector<16xf32>,
        %add3A_773 = arith.addf %scan3A_741, %get3A_772 : vector<16xf32>
        scf.yield %add3A_745, %add3A_749, %add3A_753, %add3A_757, %add3A_761, %add3A_765, %add3A_769, %add3A_773 : vector<16xf32>, vector<16xf32>, vector<16xf32>, vector<16xf32>, vector<16xf32>, vector<16xf32>, vector<16xf32>, vector<16xf32>
      }
      %scan3A_714 = arith.constant 16 : i32
      %swap3A_715 = arith.constant 0 : index
      %swap3A_716 = tpu.vector_load %arg22[%swap3A_715] {strides = array<i32>} : memref<512xf32, #tpu.memory_space<vmem>>, vector<16xf32>,
      tpu.vector_store %arg22[%swap3A_715], %scan3A_713#0 {strides = array<i32>} : memref<512xf32, #tpu.memory_space<vmem>>, vector<16xf32>,
      %swap3A_717 = arith.constant 16 : index
      %swap3A_718 = tpu.vector_load %arg22[%swap3A_717] {strides = array<i32>} : memref<512xf32, #tpu.memory_space<vmem>>, vector<16xf32>,
      tpu.vector_store %arg22[%swap3A_717], %scan3A_713#1 {strides = array<i32>} : memref<512xf32, #tpu.memory_space<vmem>>, vector<16xf32>,
      %swap3A_719 = arith.constant 32 : index
      %swap3A_720 = tpu.vector_load %arg22[%swap3A_719] {strides = array<i32>} : memref<512xf32, #tpu.memory_space<vmem>>, vector<16xf32>,
      tpu.vector_store %arg22[%swap3A_719], %scan3A_713#2 {strides = array<i32>} : memref<512xf32, #tpu.memory_space<vmem>>, vector<16xf32>,
      %swap3A_721 = arith.constant 48 : index
      %swap3A_722 = tpu.vector_load %arg22[%swap3A_721] {strides = array<i32>} : memref<512xf32, #tpu.memory_space<vmem>>, vector<16xf32>,
      tpu.vector_store %arg22[%swap3A_721], %scan3A_713#3 {strides = array<i32>} : memref<512xf32, #tpu.memory_space<vmem>>, vector<16xf32>,
      %swap3A_723 = arith.constant 64 : index
      %swap3A_724 = tpu.vector_load %arg22[%swap3A_723] {strides = array<i32>} : memref<512xf32, #tpu.memory_space<vmem>>, vector<16xf32>,
      tpu.vector_store %arg22[%swap3A_723], %scan3A_713#4 {strides = array<i32>} : memref<512xf32, #tpu.memory_space<vmem>>, vector<16xf32>,
      %swap3A_725 = arith.constant 80 : index
      %swap3A_726 = tpu.vector_load %arg22[%swap3A_725] {strides = array<i32>} : memref<512xf32, #tpu.memory_space<vmem>>, vector<16xf32>,
      tpu.vector_store %arg22[%swap3A_725], %scan3A_713#5 {strides = array<i32>} : memref<512xf32, #tpu.memory_space<vmem>>, vector<16xf32>,
      %swap3A_727 = arith.constant 96 : index
      %swap3A_728 = tpu.vector_load %arg22[%swap3A_727] {strides = array<i32>} : memref<512xf32, #tpu.memory_space<vmem>>, vector<16xf32>,
      tpu.vector_store %arg22[%swap3A_727], %scan3A_713#6 {strides = array<i32>} : memref<512xf32, #tpu.memory_space<vmem>>, vector<16xf32>,
      %swap3A_729 = arith.constant 112 : index
      %swap3A_730 = tpu.vector_load %arg22[%swap3A_729] {strides = array<i32>} : memref<512xf32, #tpu.memory_space<vmem>>, vector<16xf32>,
      tpu.vector_store %arg22[%swap3A_729], %scan3A_713#7 {strides = array<i32>} : memref<512xf32, #tpu.memory_space<vmem>>, vector<16xf32>,
      %mul3A_731 = arith.constant 128 : i32
      %mul3A_732 = arith.muli %arg1, %mul3A_731 : i32
      "tpu.region"() ({
        %run_scoped3A = tpu.sem_alloc : memref<!tpu.dma_semaphore, #tpu.memory_space<semaphore_mem>>
        %dma_start3A_733 = arith.constant 0 : i32
        %dma_start3A_734 = tpu.memref_slice %arg22[%dma_start3A_733] : memref<512xf32, #tpu.memory_space<vmem>> -> memref<128xf32, #tpu.memory_space<vmem>>
        %dma_start3A_735 = tpu.memref_slice %arg9[%arg0, %mul3A_732] : memref<2x512xf32, #tpu.memory_space<hbm>> -> memref<1x128xf32, #tpu.memory_space<hbm>>
        %dma_start3A_736 = tpu.memref_squeeze %dma_start3A_735 : memref<1x128xf32, #tpu.memory_space<hbm>> -> memref<128xf32, #tpu.memory_space<hbm>>
        %dma_start3A_737 = tpu.memref_slice %arg9[%arg0, %mul3A_732] : memref<2x512xf32, #tpu.memory_space<hbm>> -> memref<1x128xf32, #tpu.memory_space<hbm>>
        %dma_start3A_738 = tpu.memref_squeeze %dma_start3A_737 : memref<1x128xf32, #tpu.memory_space<hbm>> -> memref<128xf32, #tpu.memory_space<hbm>>
        %dma_start3A_739 = arith.constant 0 : i32
        %dma_start3A_740 = tpu.memref_slice %arg22[%dma_start3A_739] : memref<512xf32, #tpu.memory_space<vmem>> -> memref<128xf32, #tpu.memory_space<vmem>>
        tpu.enqueue_dma source(%dma_start3A_740 : memref<128xf32, #tpu.memory_space<vmem>>) target(%dma_start3A_738 : memref<128xf32, #tpu.memory_space<hbm>>) target_semaphore(%run_scoped3A : memref<!tpu.dma_semaphore, #tpu.memory_space<semaphore_mem>>)
        %dma_wait3A_741 = arith.constant 0 : i32
        %dma_wait3A_742 = tpu.memref_slice %arg22[%dma_wait3A_741] : memref<512xf32, #tpu.memory_space<vmem>> -> memref<128xf32, #tpu.memory_space<vmem>>
        %dma_wait3A_743 = tpu.memref_slice %arg9[%arg0, %mul3A_732] : memref<2x512xf32, #tpu.memory_space<hbm>> -> memref<1x128xf32, #tpu.memory_space<hbm>>
        %dma_wait3A_744 = tpu.memref_squeeze %dma_wait3A_743 : memref<1x128xf32, #tpu.memory_space<hbm>> -> memref<128xf32, #tpu.memory_space<hbm>>
        %dma_wait3A_745 = tpu.memref_slice %arg9[%arg0, %mul3A_732] : memref<2x512xf32, #tpu.memory_space<hbm>> -> memref<1x128xf32, #tpu.memory_space<hbm>>
        %dma_wait3A_746 = tpu.memref_squeeze %dma_wait3A_745 : memref<1x128xf32, #tpu.memory_space<hbm>> -> memref<128xf32, #tpu.memory_space<hbm>>
        %dma_wait3A_747 = arith.constant 0 : i32
        %dma_wait3A_748 = tpu.memref_slice %arg22[%dma_wait3A_747] : memref<512xf32, #tpu.memory_space<vmem>> -> memref<128xf32, #tpu.memory_space<vmem>>
        tpu.wait_dma2 semaphore(%run_scoped3A : memref<!tpu.dma_semaphore, #tpu.memory_space<semaphore_mem>>) src(%dma_wait3A_748 : memref<128xf32, #tpu.memory_space<vmem>>) dst(%dma_wait3A_746 : memref<128xf32, #tpu.memory_space<hbm>>)
        tpu.yield
      }) : () -> ()
    } else {
    }
    %barrier3A_283 = arith.constant 0 : index
    tpu.barrier barrier_id(%barrier3A_283)
    %sub3A = arith.constant 1 : i32
    %sub3A_284 = arith.subi %sub3A, %arg0 : i32
    %semaphore_signal3A = arith.constant 1 : i32
    tpu.sem_signal %arg30, %semaphore_signal3A core_id %sub3A_284 : memref<!tpu.semaphore, #tpu.memory_space<semaphore_mem>>
    %semaphore_wait3A = arith.constant 1 : i32
    %semaphore_wait3A_285 = arith.constant true
    tpu.sem_wait %arg30, %semaphore_wait3A : memref<!tpu.semaphore, #tpu.memory_space<semaphore_mem>>
    %dma_wait3A_286 = arith.constant 0 : i32
    %dma_wait3A_287 = arith.constant 0 : i32
    %dma_wait3A_288 = tpu.memref_slice %arg2[%dma_wait3A_286, %dma_wait3A_287] : memref<100000x256xf32, #tpu.memory_space<hbm>> -> memref<100000x256xf32, #tpu.memory_space<hbm>>
    tpu.wait_indirect_dma semaphore(%arg28 : memref<!tpu.dma_semaphore, #tpu.memory_space<semaphore_mem>>) src(%dma_wait3A_288 : memref<100000x256xf32, #tpu.memory_space<hbm>>) dst(%arg18 : memref<128x256xf32, #tpu.memory_space<vmem>>)
    "tpu.region"() ({
      %run_scoped3A = tpu.sem_alloc : memref<!tpu.dma_semaphore, #tpu.memory_space<semaphore_mem>>
      tpu.enqueue_dma source(%arg9 : memref<2x512xf32, #tpu.memory_space<hbm>>) target(%arg20 : memref<2x512xf32, #tpu.memory_space<vmem>>) target_semaphore(%run_scoped3A : memref<!tpu.dma_semaphore, #tpu.memory_space<semaphore_mem>>)
      tpu.wait_dma2 semaphore(%run_scoped3A : memref<!tpu.dma_semaphore, #tpu.memory_space<semaphore_mem>>) src(%arg9 : memref<2x512xf32, #tpu.memory_space<hbm>>) dst(%arg20 : memref<2x512xf32, #tpu.memory_space<vmem>>)
      tpu.yield
    }) : () -> ()
    %get3A = arith.constant 0 : i32
    %get3A_289 = arith.index_cast %get3A : i32 to index
    %get3A_290 = arith.constant 0 : index
    %get3A_291 = tpu.vector_load %arg20[%get3A_289, %get3A_290] {strides = array<i32>} : memref<2x512xf32, #tpu.memory_space<vmem>>, vector<16xf32>,
    %get3A_292 = arith.constant 1 : i32
    %get3A_293 = arith.index_cast %get3A_292 : i32 to index
    %get3A_294 = arith.constant 0 : index
    %get3A_295 = tpu.vector_load %arg20[%get3A_293, %get3A_294] {strides = array<i32>} : memref<2x512xf32, #tpu.memory_space<vmem>>, vector<16xf32>,
    %add3A_296 = arith.addf %get3A_291, %get3A_295 : vector<16xf32>
    %get3A_297 = arith.constant 0 : i32
    %get3A_298 = arith.index_cast %get3A_297 : i32 to index
    %get3A_299 = arith.constant 16 : index
    %get3A_300 = tpu.vector_load %arg20[%get3A_298, %get3A_299] {strides = array<i32>} : memref<2x512xf32, #tpu.memory_space<vmem>>, vector<16xf32>,
    %get3A_301 = arith.constant 1 : i32
    %get3A_302 = arith.index_cast %get3A_301 : i32 to index
    %get3A_303 = arith.constant 16 : index
    %get3A_304 = tpu.vector_load %arg20[%get3A_302, %get3A_303] {strides = array<i32>} : memref<2x512xf32, #tpu.memory_space<vmem>>, vector<16xf32>,
    %add3A_305 = arith.addf %get3A_300, %get3A_304 : vector<16xf32>
    %get3A_306 = arith.constant 0 : i32
    %get3A_307 = arith.index_cast %get3A_306 : i32 to index
    %get3A_308 = arith.constant 32 : index
    %get3A_309 = tpu.vector_load %arg20[%get3A_307, %get3A_308] {strides = array<i32>} : memref<2x512xf32, #tpu.memory_space<vmem>>, vector<16xf32>,
    %get3A_310 = arith.constant 1 : i32
    %get3A_311 = arith.index_cast %get3A_310 : i32 to index
    %get3A_312 = arith.constant 32 : index
    %get3A_313 = tpu.vector_load %arg20[%get3A_311, %get3A_312] {strides = array<i32>} : memref<2x512xf32, #tpu.memory_space<vmem>>, vector<16xf32>,
    %add3A_314 = arith.addf %get3A_309, %get3A_313 : vector<16xf32>
    %get3A_315 = arith.constant 0 : i32
    %get3A_316 = arith.index_cast %get3A_315 : i32 to index
    %get3A_317 = arith.constant 48 : index
    %get3A_318 = tpu.vector_load %arg20[%get3A_316, %get3A_317] {strides = array<i32>} : memref<2x512xf32, #tpu.memory_space<vmem>>, vector<16xf32>,
    %get3A_319 = arith.constant 1 : i32
    %get3A_320 = arith.index_cast %get3A_319 : i32 to index
    %get3A_321 = arith.constant 48 : index
    %get3A_322 = tpu.vector_load %arg20[%get3A_320, %get3A_321] {strides = array<i32>} : memref<2x512xf32, #tpu.memory_space<vmem>>, vector<16xf32>,
    %add3A_323 = arith.addf %get3A_318, %get3A_322 : vector<16xf32>
    %get3A_324 = arith.constant 0 : i32
    %get3A_325 = arith.index_cast %get3A_324 : i32 to index
    %get3A_326 = arith.constant 64 : index
    %get3A_327 = tpu.vector_load %arg20[%get3A_325, %get3A_326] {strides = array<i32>} : memref<2x512xf32, #tpu.memory_space<vmem>>, vector<16xf32>,
    %get3A_328 = arith.constant 1 : i32
    %get3A_329 = arith.index_cast %get3A_328 : i32 to index
    %get3A_330 = arith.constant 64 : index
    %get3A_331 = tpu.vector_load %arg20[%get3A_329, %get3A_330] {strides = array<i32>} : memref<2x512xf32, #tpu.memory_space<vmem>>, vector<16xf32>,
    %add3A_332 = arith.addf %get3A_327, %get3A_331 : vector<16xf32>
    %get3A_333 = arith.constant 0 : i32
    %get3A_334 = arith.index_cast %get3A_333 : i32 to index
    %get3A_335 = arith.constant 80 : index
    %get3A_336 = tpu.vector_load %arg20[%get3A_334, %get3A_335] {strides = array<i32>} : memref<2x512xf32, #tpu.memory_space<vmem>>, vector<16xf32>,
    %get3A_337 = arith.constant 1 : i32
    %get3A_338 = arith.index_cast %get3A_337 : i32 to index
    %get3A_339 = arith.constant 80 : index
    %get3A_340 = tpu.vector_load %arg20[%get3A_338, %get3A_339] {strides = array<i32>} : memref<2x512xf32, #tpu.memory_space<vmem>>, vector<16xf32>,
    %add3A_341 = arith.addf %get3A_336, %get3A_340 : vector<16xf32>
    %get3A_342 = arith.constant 0 : i32
    %get3A_343 = arith.index_cast %get3A_342 : i32 to index
    %get3A_344 = arith.constant 96 : index
    %get3A_345 = tpu.vector_load %arg20[%get3A_343, %get3A_344] {strides = array<i32>} : memref<2x512xf32, #tpu.memory_space<vmem>>, vector<16xf32>,
    %get3A_346 = arith.constant 1 : i32
    %get3A_347 = arith.index_cast %get3A_346 : i32 to index
    %get3A_348 = arith.constant 96 : index
    %get3A_349 = tpu.vector_load %arg20[%get3A_347, %get3A_348] {strides = array<i32>} : memref<2x512xf32, #tpu.memory_space<vmem>>, vector<16xf32>,
    %add3A_350 = arith.addf %get3A_345, %get3A_349 : vector<16xf32>
    %get3A_351 = arith.constant 0 : i32
    %get3A_352 = arith.index_cast %get3A_351 : i32 to index
    %get3A_353 = arith.constant 112 : index
    %get3A_354 = tpu.vector_load %arg20[%get3A_352, %get3A_353] {strides = array<i32>} : memref<2x512xf32, #tpu.memory_space<vmem>>, vector<16xf32>,
    %get3A_355 = arith.constant 1 : i32
    %get3A_356 = arith.index_cast %get3A_355 : i32 to index
    %get3A_357 = arith.constant 112 : index
    %get3A_358 = tpu.vector_load %arg20[%get3A_356, %get3A_357] {strides = array<i32>} : memref<2x512xf32, #tpu.memory_space<vmem>>, vector<16xf32>,
    %add3A_359 = arith.addf %get3A_354, %get3A_358 : vector<16xf32>
    %get3A_360 = arith.constant 0 : i32
    %get3A_361 = arith.index_cast %get3A_360 : i32 to index
    %get3A_362 = arith.constant 128 : index
    %get3A_363 = tpu.vector_load %arg20[%get3A_361, %get3A_362] {strides = array<i32>} : memref<2x512xf32, #tpu.memory_space<vmem>>, vector<16xf32>,
    %get3A_364 = arith.constant 1 : i32
    %get3A_365 = arith.index_cast %get3A_364 : i32 to index
    %get3A_366 = arith.constant 128 : index
    %get3A_367 = tpu.vector_load %arg20[%get3A_365, %get3A_366] {strides = array<i32>} : memref<2x512xf32, #tpu.memory_space<vmem>>, vector<16xf32>,
    %add3A_368 = arith.addf %get3A_363, %get3A_367 : vector<16xf32>
    %get3A_369 = arith.constant 0 : i32
    %get3A_370 = arith.index_cast %get3A_369 : i32 to index
    %get3A_371 = arith.constant 144 : index
    %get3A_372 = tpu.vector_load %arg20[%get3A_370, %get3A_371] {strides = array<i32>} : memref<2x512xf32, #tpu.memory_space<vmem>>, vector<16xf32>,
    %get3A_373 = arith.constant 1 : i32
    %get3A_374 = arith.index_cast %get3A_373 : i32 to index
    %get3A_375 = arith.constant 144 : index
    %get3A_376 = tpu.vector_load %arg20[%get3A_374, %get3A_375] {strides = array<i32>} : memref<2x512xf32, #tpu.memory_space<vmem>>, vector<16xf32>,
    %add3A_377 = arith.addf %get3A_372, %get3A_376 : vector<16xf32>
    %get3A_378 = arith.constant 0 : i32
    %get3A_379 = arith.index_cast %get3A_378 : i32 to index
    %get3A_380 = arith.constant 160 : index
    %get3A_381 = tpu.vector_load %arg20[%get3A_379, %get3A_380] {strides = array<i32>} : memref<2x512xf32, #tpu.memory_space<vmem>>, vector<16xf32>,
    %get3A_382 = arith.constant 1 : i32
    %get3A_383 = arith.index_cast %get3A_382 : i32 to index
    %get3A_384 = arith.constant 160 : index
    %get3A_385 = tpu.vector_load %arg20[%get3A_383, %get3A_384] {strides = array<i32>} : memref<2x512xf32, #tpu.memory_space<vmem>>, vector<16xf32>,
    %add3A_386 = arith.addf %get3A_381, %get3A_385 : vector<16xf32>
    %get3A_387 = arith.constant 0 : i32
    %get3A_388 = arith.index_cast %get3A_387 : i32 to index
    %get3A_389 = arith.constant 176 : index
    %get3A_390 = tpu.vector_load %arg20[%get3A_388, %get3A_389] {strides = array<i32>} : memref<2x512xf32, #tpu.memory_space<vmem>>, vector<16xf32>,
    %get3A_391 = arith.constant 1 : i32
    %get3A_392 = arith.index_cast %get3A_391 : i32 to index
    %get3A_393 = arith.constant 176 : index
    %get3A_394 = tpu.vector_load %arg20[%get3A_392, %get3A_393] {strides = array<i32>} : memref<2x512xf32, #tpu.memory_space<vmem>>, vector<16xf32>,
    %add3A_395 = arith.addf %get3A_390, %get3A_394 : vector<16xf32>
    %get3A_396 = arith.constant 0 : i32
    %get3A_397 = arith.index_cast %get3A_396 : i32 to index
    %get3A_398 = arith.constant 192 : index
    %get3A_399 = tpu.vector_load %arg20[%get3A_397, %get3A_398] {strides = array<i32>} : memref<2x512xf32, #tpu.memory_space<vmem>>, vector<16xf32>,
    %get3A_400 = arith.constant 1 : i32
    %get3A_401 = arith.index_cast %get3A_400 : i32 to index
    %get3A_402 = arith.constant 192 : index
    %get3A_403 = tpu.vector_load %arg20[%get3A_401, %get3A_402] {strides = array<i32>} : memref<2x512xf32, #tpu.memory_space<vmem>>, vector<16xf32>,
    %add3A_404 = arith.addf %get3A_399, %get3A_403 : vector<16xf32>
    %get3A_405 = arith.constant 0 : i32
    %get3A_406 = arith.index_cast %get3A_405 : i32 to index
    %get3A_407 = arith.constant 208 : index
    %get3A_408 = tpu.vector_load %arg20[%get3A_406, %get3A_407] {strides = array<i32>} : memref<2x512xf32, #tpu.memory_space<vmem>>, vector<16xf32>,
    %get3A_409 = arith.constant 1 : i32
    %get3A_410 = arith.index_cast %get3A_409 : i32 to index
    %get3A_411 = arith.constant 208 : index
    %get3A_412 = tpu.vector_load %arg20[%get3A_410, %get3A_411] {strides = array<i32>} : memref<2x512xf32, #tpu.memory_space<vmem>>, vector<16xf32>,
    %add3A_413 = arith.addf %get3A_408, %get3A_412 : vector<16xf32>
    %get3A_414 = arith.constant 0 : i32
    %get3A_415 = arith.index_cast %get3A_414 : i32 to index
    %get3A_416 = arith.constant 224 : index
    %get3A_417 = tpu.vector_load %arg20[%get3A_415, %get3A_416] {strides = array<i32>} : memref<2x512xf32, #tpu.memory_space<vmem>>, vector<16xf32>,
    %get3A_418 = arith.constant 1 : i32
    %get3A_419 = arith.index_cast %get3A_418 : i32 to index
    %get3A_420 = arith.constant 224 : index
    %get3A_421 = tpu.vector_load %arg20[%get3A_419, %get3A_420] {strides = array<i32>} : memref<2x512xf32, #tpu.memory_space<vmem>>, vector<16xf32>,
    %add3A_422 = arith.addf %get3A_417, %get3A_421 : vector<16xf32>
    %get3A_423 = arith.constant 0 : i32
    %get3A_424 = arith.index_cast %get3A_423 : i32 to index
    %get3A_425 = arith.constant 240 : index
    %get3A_426 = tpu.vector_load %arg20[%get3A_424, %get3A_425] {strides = array<i32>} : memref<2x512xf32, #tpu.memory_space<vmem>>, vector<16xf32>,
    %get3A_427 = arith.constant 1 : i32
    %get3A_428 = arith.index_cast %get3A_427 : i32 to index
    %get3A_429 = arith.constant 240 : index
    %get3A_430 = tpu.vector_load %arg20[%get3A_428, %get3A_429] {strides = array<i32>} : memref<2x512xf32, #tpu.memory_space<vmem>>, vector<16xf32>,
    %add3A_431 = arith.addf %get3A_426, %get3A_430 : vector<16xf32>
    %get3A_432 = arith.constant 0 : i32
    %get3A_433 = arith.index_cast %get3A_432 : i32 to index
    %get3A_434 = arith.constant 256 : index
    %get3A_435 = tpu.vector_load %arg20[%get3A_433, %get3A_434] {strides = array<i32>} : memref<2x512xf32, #tpu.memory_space<vmem>>, vector<16xf32>,
    %get3A_436 = arith.constant 1 : i32
    %get3A_437 = arith.index_cast %get3A_436 : i32 to index
    %get3A_438 = arith.constant 256 : index
    %get3A_439 = tpu.vector_load %arg20[%get3A_437, %get3A_438] {strides = array<i32>} : memref<2x512xf32, #tpu.memory_space<vmem>>, vector<16xf32>,
    %add3A_440 = arith.addf %get3A_435, %get3A_439 : vector<16xf32>
    %get3A_441 = arith.constant 0 : i32
    %get3A_442 = arith.index_cast %get3A_441 : i32 to index
    %get3A_443 = arith.constant 272 : index
    %get3A_444 = tpu.vector_load %arg20[%get3A_442, %get3A_443] {strides = array<i32>} : memref<2x512xf32, #tpu.memory_space<vmem>>, vector<16xf32>,
    %get3A_445 = arith.constant 1 : i32
    %get3A_446 = arith.index_cast %get3A_445 : i32 to index
    %get3A_447 = arith.constant 272 : index
    %get3A_448 = tpu.vector_load %arg20[%get3A_446, %get3A_447] {strides = array<i32>} : memref<2x512xf32, #tpu.memory_space<vmem>>, vector<16xf32>,
    %add3A_449 = arith.addf %get3A_444, %get3A_448 : vector<16xf32>
    %get3A_450 = arith.constant 0 : i32
    %get3A_451 = arith.index_cast %get3A_450 : i32 to index
    %get3A_452 = arith.constant 288 : index
    %get3A_453 = tpu.vector_load %arg20[%get3A_451, %get3A_452] {strides = array<i32>} : memref<2x512xf32, #tpu.memory_space<vmem>>, vector<16xf32>,
    %get3A_454 = arith.constant 1 : i32
    %get3A_455 = arith.index_cast %get3A_454 : i32 to index
    %get3A_456 = arith.constant 288 : index
    %get3A_457 = tpu.vector_load %arg20[%get3A_455, %get3A_456] {strides = array<i32>} : memref<2x512xf32, #tpu.memory_space<vmem>>, vector<16xf32>,
    %add3A_458 = arith.addf %get3A_453, %get3A_457 : vector<16xf32>
    %get3A_459 = arith.constant 0 : i32
    %get3A_460 = arith.index_cast %get3A_459 : i32 to index
    %get3A_461 = arith.constant 304 : index
    %get3A_462 = tpu.vector_load %arg20[%get3A_460, %get3A_461] {strides = array<i32>} : memref<2x512xf32, #tpu.memory_space<vmem>>, vector<16xf32>,
    %get3A_463 = arith.constant 1 : i32
    %get3A_464 = arith.index_cast %get3A_463 : i32 to index
    %get3A_465 = arith.constant 304 : index
    %get3A_466 = tpu.vector_load %arg20[%get3A_464, %get3A_465] {strides = array<i32>} : memref<2x512xf32, #tpu.memory_space<vmem>>, vector<16xf32>,
    %add3A_467 = arith.addf %get3A_462, %get3A_466 : vector<16xf32>
    %get3A_468 = arith.constant 0 : i32
    %get3A_469 = arith.index_cast %get3A_468 : i32 to index
    %get3A_470 = arith.constant 320 : index
    %get3A_471 = tpu.vector_load %arg20[%get3A_469, %get3A_470] {strides = array<i32>} : memref<2x512xf32, #tpu.memory_space<vmem>>, vector<16xf32>,
    %get3A_472 = arith.constant 1 : i32
    %get3A_473 = arith.index_cast %get3A_472 : i32 to index
    %get3A_474 = arith.constant 320 : index
    %get3A_475 = tpu.vector_load %arg20[%get3A_473, %get3A_474] {strides = array<i32>} : memref<2x512xf32, #tpu.memory_space<vmem>>, vector<16xf32>,
    %add3A_476 = arith.addf %get3A_471, %get3A_475 : vector<16xf32>
    %get3A_477 = arith.constant 0 : i32
    %get3A_478 = arith.index_cast %get3A_477 : i32 to index
    %get3A_479 = arith.constant 336 : index
    %get3A_480 = tpu.vector_load %arg20[%get3A_478, %get3A_479] {strides = array<i32>} : memref<2x512xf32, #tpu.memory_space<vmem>>, vector<16xf32>,
    %get3A_481 = arith.constant 1 : i32
    %get3A_482 = arith.index_cast %get3A_481 : i32 to index
    %get3A_483 = arith.constant 336 : index
    %get3A_484 = tpu.vector_load %arg20[%get3A_482, %get3A_483] {strides = array<i32>} : memref<2x512xf32, #tpu.memory_space<vmem>>, vector<16xf32>,
    %add3A_485 = arith.addf %get3A_480, %get3A_484 : vector<16xf32>
    %get3A_486 = arith.constant 0 : i32
    %get3A_487 = arith.index_cast %get3A_486 : i32 to index
    %get3A_488 = arith.constant 352 : index
    %get3A_489 = tpu.vector_load %arg20[%get3A_487, %get3A_488] {strides = array<i32>} : memref<2x512xf32, #tpu.memory_space<vmem>>, vector<16xf32>,
    %get3A_490 = arith.constant 1 : i32
    %get3A_491 = arith.index_cast %get3A_490 : i32 to index
    %get3A_492 = arith.constant 352 : index
    %get3A_493 = tpu.vector_load %arg20[%get3A_491, %get3A_492] {strides = array<i32>} : memref<2x512xf32, #tpu.memory_space<vmem>>, vector<16xf32>,
    %add3A_494 = arith.addf %get3A_489, %get3A_493 : vector<16xf32>
    %get3A_495 = arith.constant 0 : i32
    %get3A_496 = arith.index_cast %get3A_495 : i32 to index
    %get3A_497 = arith.constant 368 : index
    %get3A_498 = tpu.vector_load %arg20[%get3A_496, %get3A_497] {strides = array<i32>} : memref<2x512xf32, #tpu.memory_space<vmem>>, vector<16xf32>,
    %get3A_499 = arith.constant 1 : i32
    %get3A_500 = arith.index_cast %get3A_499 : i32 to index
    %get3A_501 = arith.constant 368 : index
    %get3A_502 = tpu.vector_load %arg20[%get3A_500, %get3A_501] {strides = array<i32>} : memref<2x512xf32, #tpu.memory_space<vmem>>, vector<16xf32>,
    %add3A_503 = arith.addf %get3A_498, %get3A_502 : vector<16xf32>
    %get3A_504 = arith.constant 0 : i32
    %get3A_505 = arith.index_cast %get3A_504 : i32 to index
    %get3A_506 = arith.constant 384 : index
    %get3A_507 = tpu.vector_load %arg20[%get3A_505, %get3A_506] {strides = array<i32>} : memref<2x512xf32, #tpu.memory_space<vmem>>, vector<16xf32>,
    %get3A_508 = arith.constant 1 : i32
    %get3A_509 = arith.index_cast %get3A_508 : i32 to index
    %get3A_510 = arith.constant 384 : index
    %get3A_511 = tpu.vector_load %arg20[%get3A_509, %get3A_510] {strides = array<i32>} : memref<2x512xf32, #tpu.memory_space<vmem>>, vector<16xf32>,
    %add3A_512 = arith.addf %get3A_507, %get3A_511 : vector<16xf32>
    %get3A_513 = arith.constant 0 : i32
    %get3A_514 = arith.index_cast %get3A_513 : i32 to index
    %get3A_515 = arith.constant 400 : index
    %get3A_516 = tpu.vector_load %arg20[%get3A_514, %get3A_515] {strides = array<i32>} : memref<2x512xf32, #tpu.memory_space<vmem>>, vector<16xf32>,
    %get3A_517 = arith.constant 1 : i32
    %get3A_518 = arith.index_cast %get3A_517 : i32 to index
    %get3A_519 = arith.constant 400 : index
    %get3A_520 = tpu.vector_load %arg20[%get3A_518, %get3A_519] {strides = array<i32>} : memref<2x512xf32, #tpu.memory_space<vmem>>, vector<16xf32>,
    %add3A_521 = arith.addf %get3A_516, %get3A_520 : vector<16xf32>
    %get3A_522 = arith.constant 0 : i32
    %get3A_523 = arith.index_cast %get3A_522 : i32 to index
    %get3A_524 = arith.constant 416 : index
    %get3A_525 = tpu.vector_load %arg20[%get3A_523, %get3A_524] {strides = array<i32>} : memref<2x512xf32, #tpu.memory_space<vmem>>, vector<16xf32>,
    %get3A_526 = arith.constant 1 : i32
    %get3A_527 = arith.index_cast %get3A_526 : i32 to index
    %get3A_528 = arith.constant 416 : index
    %get3A_529 = tpu.vector_load %arg20[%get3A_527, %get3A_528] {strides = array<i32>} : memref<2x512xf32, #tpu.memory_space<vmem>>, vector<16xf32>,
    %add3A_530 = arith.addf %get3A_525, %get3A_529 : vector<16xf32>
    %get3A_531 = arith.constant 0 : i32
    %get3A_532 = arith.index_cast %get3A_531 : i32 to index
    %get3A_533 = arith.constant 432 : index
    %get3A_534 = tpu.vector_load %arg20[%get3A_532, %get3A_533] {strides = array<i32>} : memref<2x512xf32, #tpu.memory_space<vmem>>, vector<16xf32>,
    %get3A_535 = arith.constant 1 : i32
    %get3A_536 = arith.index_cast %get3A_535 : i32 to index
    %get3A_537 = arith.constant 432 : index
    %get3A_538 = tpu.vector_load %arg20[%get3A_536, %get3A_537] {strides = array<i32>} : memref<2x512xf32, #tpu.memory_space<vmem>>, vector<16xf32>,
    %add3A_539 = arith.addf %get3A_534, %get3A_538 : vector<16xf32>
    %get3A_540 = arith.constant 0 : i32
    %get3A_541 = arith.index_cast %get3A_540 : i32 to index
    %get3A_542 = arith.constant 448 : index
    %get3A_543 = tpu.vector_load %arg20[%get3A_541, %get3A_542] {strides = array<i32>} : memref<2x512xf32, #tpu.memory_space<vmem>>, vector<16xf32>,
    %get3A_544 = arith.constant 1 : i32
    %get3A_545 = arith.index_cast %get3A_544 : i32 to index
    %get3A_546 = arith.constant 448 : index
    %get3A_547 = tpu.vector_load %arg20[%get3A_545, %get3A_546] {strides = array<i32>} : memref<2x512xf32, #tpu.memory_space<vmem>>, vector<16xf32>,
    %add3A_548 = arith.addf %get3A_543, %get3A_547 : vector<16xf32>
    %get3A_549 = arith.constant 0 : i32
    %get3A_550 = arith.index_cast %get3A_549 : i32 to index
    %get3A_551 = arith.constant 464 : index
    %get3A_552 = tpu.vector_load %arg20[%get3A_550, %get3A_551] {strides = array<i32>} : memref<2x512xf32, #tpu.memory_space<vmem>>, vector<16xf32>,
    %get3A_553 = arith.constant 1 : i32
    %get3A_554 = arith.index_cast %get3A_553 : i32 to index
    %get3A_555 = arith.constant 464 : index
    %get3A_556 = tpu.vector_load %arg20[%get3A_554, %get3A_555] {strides = array<i32>} : memref<2x512xf32, #tpu.memory_space<vmem>>, vector<16xf32>,
    %add3A_557 = arith.addf %get3A_552, %get3A_556 : vector<16xf32>
    %get3A_558 = arith.constant 0 : i32
    %get3A_559 = arith.index_cast %get3A_558 : i32 to index
    %get3A_560 = arith.constant 480 : index
    %get3A_561 = tpu.vector_load %arg20[%get3A_559, %get3A_560] {strides = array<i32>} : memref<2x512xf32, #tpu.memory_space<vmem>>, vector<16xf32>,
    %get3A_562 = arith.constant 1 : i32
    %get3A_563 = arith.index_cast %get3A_562 : i32 to index
    %get3A_564 = arith.constant 480 : index
    %get3A_565 = tpu.vector_load %arg20[%get3A_563, %get3A_564] {strides = array<i32>} : memref<2x512xf32, #tpu.memory_space<vmem>>, vector<16xf32>,
    %add3A_566 = arith.addf %get3A_561, %get3A_565 : vector<16xf32>
    %get3A_567 = arith.constant 0 : i32
    %get3A_568 = arith.index_cast %get3A_567 : i32 to index
    %get3A_569 = arith.constant 496 : index
    %get3A_570 = tpu.vector_load %arg20[%get3A_568, %get3A_569] {strides = array<i32>} : memref<2x512xf32, #tpu.memory_space<vmem>>, vector<16xf32>,
    %get3A_571 = arith.constant 1 : i32
    %get3A_572 = arith.index_cast %get3A_571 : i32 to index
    %get3A_573 = arith.constant 496 : index
    %get3A_574 = tpu.vector_load %arg20[%get3A_572, %get3A_573] {strides = array<i32>} : memref<2x512xf32, #tpu.memory_space<vmem>>, vector<16xf32>,
    %add3A_575 = arith.addf %get3A_570, %get3A_574 : vector<16xf32>
    %broadcast_in_dim3A_576 = arith.constant 0.000000e+00 : f32
    %broadcast_in_dim3A_577 = vector.broadcast %broadcast_in_dim3A_576 : f32 to vector<16xf32>
    %mul3A_578 = arith.mulf %add3A_296, %add3A_296 : vector<16xf32>
    %add3A_579 = arith.addf %broadcast_in_dim3A_577, %mul3A_578 : vector<16xf32>
    %mul3A_580 = arith.mulf %add3A_305, %add3A_305 : vector<16xf32>
    %add3A_581 = arith.addf %add3A_579, %mul3A_580 : vector<16xf32>
    %mul3A_582 = arith.mulf %add3A_314, %add3A_314 : vector<16xf32>
    %add3A_583 = arith.addf %add3A_581, %mul3A_582 : vector<16xf32>
    %mul3A_584 = arith.mulf %add3A_323, %add3A_323 : vector<16xf32>
    %add3A_585 = arith.addf %add3A_583, %mul3A_584 : vector<16xf32>
    %mul3A_586 = arith.mulf %add3A_332, %add3A_332 : vector<16xf32>
    %add3A_587 = arith.addf %add3A_585, %mul3A_586 : vector<16xf32>
    %mul3A_588 = arith.mulf %add3A_341, %add3A_341 : vector<16xf32>
    %add3A_589 = arith.addf %add3A_587, %mul3A_588 : vector<16xf32>
    %mul3A_590 = arith.mulf %add3A_350, %add3A_350 : vector<16xf32>
    %add3A_591 = arith.addf %add3A_589, %mul3A_590 : vector<16xf32>
    %mul3A_592 = arith.mulf %add3A_359, %add3A_359 : vector<16xf32>
    %add3A_593 = arith.addf %add3A_591, %mul3A_592 : vector<16xf32>
    %mul3A_594 = arith.mulf %add3A_368, %add3A_368 : vector<16xf32>
    %add3A_595 = arith.addf %add3A_593, %mul3A_594 : vector<16xf32>
    %mul3A_596 = arith.mulf %add3A_377, %add3A_377 : vector<16xf32>
    %add3A_597 = arith.addf %add3A_595, %mul3A_596 : vector<16xf32>
    %mul3A_598 = arith.mulf %add3A_386, %add3A_386 : vector<16xf32>
    %add3A_599 = arith.addf %add3A_597, %mul3A_598 : vector<16xf32>
    %mul3A_600 = arith.mulf %add3A_395, %add3A_395 : vector<16xf32>
    %add3A_601 = arith.addf %add3A_599, %mul3A_600 : vector<16xf32>
    %mul3A_602 = arith.mulf %add3A_404, %add3A_404 : vector<16xf32>
    %add3A_603 = arith.addf %add3A_601, %mul3A_602 : vector<16xf32>
    %mul3A_604 = arith.mulf %add3A_413, %add3A_413 : vector<16xf32>
    %add3A_605 = arith.addf %add3A_603, %mul3A_604 : vector<16xf32>
    %mul3A_606 = arith.mulf %add3A_422, %add3A_422 : vector<16xf32>
    %add3A_607 = arith.addf %add3A_605, %mul3A_606 : vector<16xf32>
    %mul3A_608 = arith.mulf %add3A_431, %add3A_431 : vector<16xf32>
    %add3A_609 = arith.addf %add3A_607, %mul3A_608 : vector<16xf32>
    %mul3A_610 = arith.mulf %add3A_440, %add3A_440 : vector<16xf32>
    %add3A_611 = arith.addf %add3A_609, %mul3A_610 : vector<16xf32>
    %mul3A_612 = arith.mulf %add3A_449, %add3A_449 : vector<16xf32>
    %add3A_613 = arith.addf %add3A_611, %mul3A_612 : vector<16xf32>
    %mul3A_614 = arith.mulf %add3A_458, %add3A_458 : vector<16xf32>
    %add3A_615 = arith.addf %add3A_613, %mul3A_614 : vector<16xf32>
    %mul3A_616 = arith.mulf %add3A_467, %add3A_467 : vector<16xf32>
    %add3A_617 = arith.addf %add3A_615, %mul3A_616 : vector<16xf32>
    %mul3A_618 = arith.mulf %add3A_476, %add3A_476 : vector<16xf32>
    %add3A_619 = arith.addf %add3A_617, %mul3A_618 : vector<16xf32>
    %mul3A_620 = arith.mulf %add3A_485, %add3A_485 : vector<16xf32>
    %add3A_621 = arith.addf %add3A_619, %mul3A_620 : vector<16xf32>
    %mul3A_622 = arith.mulf %add3A_494, %add3A_494 : vector<16xf32>
    %add3A_623 = arith.addf %add3A_621, %mul3A_622 : vector<16xf32>
    %mul3A_624 = arith.mulf %add3A_503, %add3A_503 : vector<16xf32>
    %add3A_625 = arith.addf %add3A_623, %mul3A_624 : vector<16xf32>
    %mul3A_626 = arith.mulf %add3A_512, %add3A_512 : vector<16xf32>
    %add3A_627 = arith.addf %add3A_625, %mul3A_626 : vector<16xf32>
    %mul3A_628 = arith.mulf %add3A_521, %add3A_521 : vector<16xf32>
    %add3A_629 = arith.addf %add3A_627, %mul3A_628 : vector<16xf32>
    %mul3A_630 = arith.mulf %add3A_530, %add3A_530 : vector<16xf32>
    %add3A_631 = arith.addf %add3A_629, %mul3A_630 : vector<16xf32>
    %mul3A_632 = arith.mulf %add3A_539, %add3A_539 : vector<16xf32>
    %add3A_633 = arith.addf %add3A_631, %mul3A_632 : vector<16xf32>
    %mul3A_634 = arith.mulf %add3A_548, %add3A_548 : vector<16xf32>
    %add3A_635 = arith.addf %add3A_633, %mul3A_634 : vector<16xf32>
    %mul3A_636 = arith.mulf %add3A_557, %add3A_557 : vector<16xf32>
    %add3A_637 = arith.addf %add3A_635, %mul3A_636 : vector<16xf32>
    %mul3A_638 = arith.mulf %add3A_566, %add3A_566 : vector<16xf32>
    %add3A_639 = arith.addf %add3A_637, %mul3A_638 : vector<16xf32>
    %mul3A_640 = arith.mulf %add3A_575, %add3A_575 : vector<16xf32>
    %add3A_641 = arith.addf %add3A_639, %mul3A_640 : vector<16xf32>
    %reduce_sum3A = arith.constant true
    %reduce_sum3A_642 = vector.broadcast %reduce_sum3A : i1 to vector<16xi1>
    %reduce_sum3A_643 = tpu.scan <sum>, %add3A_641 masked %reduce_sum3A_642 : vector<16xf32>, vector<16xi1> -> vector<16xf32>
    %reduce_sum3A_644 = vector.extract %reduce_sum3A_643[15] : f32 from vector<16xf32>
    %broadcast_in_dim3A_645 = vector.broadcast %reduce_sum3A_644 : f32 to vector<16xf32>
    %bitcast3A = vector.bitcast %broadcast_in_dim3A_645 : vector<16xf32> to vector<16xi32>
    %shift_right_arithmetic3A = arith.constant 1 : i32
    %shift_right_arithmetic3A_646 = vector.broadcast %shift_right_arithmetic3A : i32 to vector<16xi32>
    %shift_right_arithmetic3A_647 = arith.shrsi %bitcast3A, %shift_right_arithmetic3A_646 : vector<16xi32>
    %sub3A_648 = arith.constant 1597463007 : i32
    %sub3A_649 = vector.broadcast %sub3A_648 : i32 to vector<16xi32>
    %sub3A_650 = arith.subi %sub3A_649, %shift_right_arithmetic3A_647 : vector<16xi32>
    %bitcast3A_651 = vector.bitcast %sub3A_650 : vector<16xi32> to vector<16xf32>
    %mul3A_652 = arith.constant 5.000000e-01 : f32
    %mul3A_653 = vector.broadcast %mul3A_652 : f32 to vector<16xf32>
    %mul3A_654 = arith.mulf %mul3A_653, %broadcast_in_dim3A_645 : vector<16xf32>
    %mul3A_655 = arith.mulf %mul3A_654, %bitcast3A_651 : vector<16xf32>
    %mul3A_656 = arith.mulf %mul3A_655, %bitcast3A_651 : vector<16xf32>
    %sub3A_657 = arith.constant 1.500000e+00 : f32
    %sub3A_658 = vector.broadcast %sub3A_657 : f32 to vector<16xf32>
    %sub3A_659 = arith.subf %sub3A_658, %mul3A_656 : vector<16xf32>
    %mul3A_660 = arith.mulf %bitcast3A_651, %sub3A_659 : vector<16xf32>
    %mul3A_661 = arith.mulf %mul3A_654, %mul3A_660 : vector<16xf32>
    %mul3A_662 = arith.mulf %mul3A_661, %mul3A_660 : vector<16xf32>
    %sub3A_663 = arith.constant 1.500000e+00 : f32
    %sub3A_664 = vector.broadcast %sub3A_663 : f32 to vector<16xf32>
    %sub3A_665 = arith.subf %sub3A_664, %mul3A_662 : vector<16xf32>
    %mul3A_666 = arith.mulf %mul3A_660, %sub3A_665 : vector<16xf32>
    %mul3A_667 = arith.mulf %mul3A_654, %mul3A_666 : vector<16xf32>
    %mul3A_668 = arith.mulf %mul3A_667, %mul3A_666 : vector<16xf32>
    %sub3A_669 = arith.constant 1.500000e+00 : f32
    %sub3A_670 = vector.broadcast %sub3A_669 : f32 to vector<16xf32>
    %sub3A_671 = arith.subf %sub3A_670, %mul3A_668 : vector<16xf32>
    %mul3A_672 = arith.mulf %mul3A_666, %sub3A_671 : vector<16xf32>
    %gt3A = arith.constant 2.500000e+01 : f32
    %gt3A_673 = vector.broadcast %gt3A : f32 to vector<16xf32>
    %gt3A_674 = arith.cmpf ogt, %broadcast_in_dim3A_645, %gt3A_673 : vector<16xf32>
    %mul3A_675 = arith.constant 5.000000e+00 : f32
    %mul3A_676 = vector.broadcast %mul3A_675 : f32 to vector<16xf32>
    %mul3A_677 = arith.mulf %mul3A_676, %mul3A_672 : vector<16xf32>
    %jit3A = arith.constant 1.000000e+00 : f32
    %broadcast_in_dim3A_678 = vector.broadcast %jit3A : f32 to vector<16xf32>
    %select_n3A = arith.select %gt3A_674, %mul3A_677, %broadcast_in_dim3A_678 : vector<16xi1>, vector<16xf32>
    %mul3A_679 = arith.mulf %add3A_296, %select_n3A : vector<16xf32>
    %mul3A_680 = arith.mulf %add3A_305, %select_n3A : vector<16xf32>
    %mul3A_681 = arith.mulf %add3A_314, %select_n3A : vector<16xf32>
    %mul3A_682 = arith.mulf %add3A_323, %select_n3A : vector<16xf32>
    %mul3A_683 = arith.mulf %add3A_332, %select_n3A : vector<16xf32>
    %mul3A_684 = arith.mulf %add3A_341, %select_n3A : vector<16xf32>
    %mul3A_685 = arith.mulf %add3A_350, %select_n3A : vector<16xf32>
    %mul3A_686 = arith.mulf %add3A_359, %select_n3A : vector<16xf32>
    %mul3A_687 = arith.mulf %add3A_368, %select_n3A : vector<16xf32>
    %mul3A_688 = arith.mulf %add3A_377, %select_n3A : vector<16xf32>
    %mul3A_689 = arith.mulf %add3A_386, %select_n3A : vector<16xf32>
    %mul3A_690 = arith.mulf %add3A_395, %select_n3A : vector<16xf32>
    %mul3A_691 = arith.mulf %add3A_404, %select_n3A : vector<16xf32>
    %mul3A_692 = arith.mulf %add3A_413, %select_n3A : vector<16xf32>
    %mul3A_693 = arith.mulf %add3A_422, %select_n3A : vector<16xf32>
    %mul3A_694 = arith.mulf %add3A_431, %select_n3A : vector<16xf32>
    %iota3A = tpu.iota {dimensions = array<i32: 0>} : vector<16xi32>
    %scan3A_695 = arith.constant 0 : i32
    %scan3A_696 = arith.constant 0 : i32
    %scan3A_697 = arith.constant 8 : i32
    %scan3A_698 = arith.addi %scan3A_696, %scan3A_697 : i32
    %scan3A_699 = arith.constant 1 : i32
    scf.for %scan3A_703 = %scan3A_696 to %scan3A_698 step %scan3A_699  : i32 {
      %scan3A_704 = arith.constant 0 : i32
      %scan3A_705 = arith.constant 0 : i32
      %scan3A_706 = arith.constant 8 : i32
      %scan3A_707 = arith.addi %scan3A_705, %scan3A_706 : i32
      %scan3A_708 = arith.constant 1 : i32
      scf.for %scan3A_793 = %scan3A_705 to %scan3A_707 step %scan3A_708  : i32 {
        %mul3A_794 = arith.constant 2 : i32
        %mul3A_795 = arith.muli %scan3A_793, %mul3A_794 : i32
        %add3A_796 = arith.constant 0 : i32
        %add3A_797 = arith.addi %mul3A_795, %add3A_796 : i32
        %mul3A_798 = arith.constant 16 : i32
        %mul3A_799 = arith.muli %scan3A_703, %mul3A_798 : i32
        %add3A_800 = arith.addi %mul3A_799, %add3A_797 : i32
        %get3A_801 = arith.index_cast %add3A_800 : i32 to index
        %get3A_802 = arith.constant 0 : index
        %get3A_803 = tpu.vector_load %arg18[%get3A_801, %get3A_802] {strides = array<i32>} : memref<128x256xf32, #tpu.memory_space<vmem>>, vector<16xf32>,
        %mul3A_804 = arith.mulf %mul3A_679, %get3A_803 : vector<16xf32>
        %get3A_805 = arith.index_cast %add3A_800 : i32 to index
        %get3A_806 = arith.constant 16 : index
        %get3A_807 = tpu.vector_load %arg18[%get3A_805, %get3A_806] {strides = array<i32>} : memref<128x256xf32, #tpu.memory_space<vmem>>, vector<16xf32>,
        %mul3A_808 = arith.mulf %mul3A_680, %get3A_807 : vector<16xf32>
        %get3A_809 = arith.index_cast %add3A_800 : i32 to index
        %get3A_810 = arith.constant 32 : index
        %get3A_811 = tpu.vector_load %arg18[%get3A_809, %get3A_810] {strides = array<i32>} : memref<128x256xf32, #tpu.memory_space<vmem>>, vector<16xf32>,
        %mul3A_812 = arith.mulf %mul3A_681, %get3A_811 : vector<16xf32>
        %get3A_813 = arith.index_cast %add3A_800 : i32 to index
        %get3A_814 = arith.constant 48 : index
        %get3A_815 = tpu.vector_load %arg18[%get3A_813, %get3A_814] {strides = array<i32>} : memref<128x256xf32, #tpu.memory_space<vmem>>, vector<16xf32>,
        %mul3A_816 = arith.mulf %mul3A_682, %get3A_815 : vector<16xf32>
        %get3A_817 = arith.index_cast %add3A_800 : i32 to index
        %get3A_818 = arith.constant 64 : index
        %get3A_819 = tpu.vector_load %arg18[%get3A_817, %get3A_818] {strides = array<i32>} : memref<128x256xf32, #tpu.memory_space<vmem>>, vector<16xf32>,
        %mul3A_820 = arith.mulf %mul3A_683, %get3A_819 : vector<16xf32>
        %get3A_821 = arith.index_cast %add3A_800 : i32 to index
        %get3A_822 = arith.constant 80 : index
        %get3A_823 = tpu.vector_load %arg18[%get3A_821, %get3A_822] {strides = array<i32>} : memref<128x256xf32, #tpu.memory_space<vmem>>, vector<16xf32>,
        %mul3A_824 = arith.mulf %mul3A_684, %get3A_823 : vector<16xf32>
        %get3A_825 = arith.index_cast %add3A_800 : i32 to index
        %get3A_826 = arith.constant 96 : index
        %get3A_827 = tpu.vector_load %arg18[%get3A_825, %get3A_826] {strides = array<i32>} : memref<128x256xf32, #tpu.memory_space<vmem>>, vector<16xf32>,
        %mul3A_828 = arith.mulf %mul3A_685, %get3A_827 : vector<16xf32>
        %get3A_829 = arith.index_cast %add3A_800 : i32 to index
        %get3A_830 = arith.constant 112 : index
        %get3A_831 = tpu.vector_load %arg18[%get3A_829, %get3A_830] {strides = array<i32>} : memref<128x256xf32, #tpu.memory_space<vmem>>, vector<16xf32>,
        %mul3A_832 = arith.mulf %mul3A_686, %get3A_831 : vector<16xf32>
        %get3A_833 = arith.index_cast %add3A_800 : i32 to index
        %get3A_834 = arith.constant 128 : index
        %get3A_835 = tpu.vector_load %arg18[%get3A_833, %get3A_834] {strides = array<i32>} : memref<128x256xf32, #tpu.memory_space<vmem>>, vector<16xf32>,
        %mul3A_836 = arith.mulf %mul3A_687, %get3A_835 : vector<16xf32>
        %get3A_837 = arith.index_cast %add3A_800 : i32 to index
        %get3A_838 = arith.constant 144 : index
        %get3A_839 = tpu.vector_load %arg18[%get3A_837, %get3A_838] {strides = array<i32>} : memref<128x256xf32, #tpu.memory_space<vmem>>, vector<16xf32>,
        %mul3A_840 = arith.mulf %mul3A_688, %get3A_839 : vector<16xf32>
        %get3A_841 = arith.index_cast %add3A_800 : i32 to index
        %get3A_842 = arith.constant 160 : index
        %get3A_843 = tpu.vector_load %arg18[%get3A_841, %get3A_842] {strides = array<i32>} : memref<128x256xf32, #tpu.memory_space<vmem>>, vector<16xf32>,
        %mul3A_844 = arith.mulf %mul3A_689, %get3A_843 : vector<16xf32>
        %get3A_845 = arith.index_cast %add3A_800 : i32 to index
        %get3A_846 = arith.constant 176 : index
        %get3A_847 = tpu.vector_load %arg18[%get3A_845, %get3A_846] {strides = array<i32>} : memref<128x256xf32, #tpu.memory_space<vmem>>, vector<16xf32>,
        %mul3A_848 = arith.mulf %mul3A_690, %get3A_847 : vector<16xf32>
        %get3A_849 = arith.index_cast %add3A_800 : i32 to index
        %get3A_850 = arith.constant 192 : index
        %get3A_851 = tpu.vector_load %arg18[%get3A_849, %get3A_850] {strides = array<i32>} : memref<128x256xf32, #tpu.memory_space<vmem>>, vector<16xf32>,
        %mul3A_852 = arith.mulf %mul3A_691, %get3A_851 : vector<16xf32>
        %get3A_853 = arith.index_cast %add3A_800 : i32 to index
        %get3A_854 = arith.constant 208 : index
        %get3A_855 = tpu.vector_load %arg18[%get3A_853, %get3A_854] {strides = array<i32>} : memref<128x256xf32, #tpu.memory_space<vmem>>, vector<16xf32>,
        %mul3A_856 = arith.mulf %mul3A_692, %get3A_855 : vector<16xf32>
        %get3A_857 = arith.index_cast %add3A_800 : i32 to index
        %get3A_858 = arith.constant 224 : index
        %get3A_859 = tpu.vector_load %arg18[%get3A_857, %get3A_858] {strides = array<i32>} : memref<128x256xf32, #tpu.memory_space<vmem>>, vector<16xf32>,
        %mul3A_860 = arith.mulf %mul3A_693, %get3A_859 : vector<16xf32>
        %get3A_861 = arith.index_cast %add3A_800 : i32 to index
        %get3A_862 = arith.constant 240 : index
        %get3A_863 = tpu.vector_load %arg18[%get3A_861, %get3A_862] {strides = array<i32>} : memref<128x256xf32, #tpu.memory_space<vmem>>, vector<16xf32>,
        %mul3A_864 = arith.mulf %mul3A_694, %get3A_863 : vector<16xf32>
        %add3A_865 = arith.addf %mul3A_804, %mul3A_808 : vector<16xf32>
        %add3A_866 = arith.addf %mul3A_812, %mul3A_816 : vector<16xf32>
        %add3A_867 = arith.addf %mul3A_820, %mul3A_824 : vector<16xf32>
        %add3A_868 = arith.addf %mul3A_828, %mul3A_832 : vector<16xf32>
        %add3A_869 = arith.addf %mul3A_836, %mul3A_840 : vector<16xf32>
        %add3A_870 = arith.addf %mul3A_844, %mul3A_848 : vector<16xf32>
        %add3A_871 = arith.addf %mul3A_852, %mul3A_856 : vector<16xf32>
        %add3A_872 = arith.addf %mul3A_860, %mul3A_864 : vector<16xf32>
        %add3A_873 = arith.addf %add3A_865, %add3A_866 : vector<16xf32>
        %add3A_874 = arith.addf %add3A_867, %add3A_868 : vector<16xf32>
        %add3A_875 = arith.addf %add3A_869, %add3A_870 : vector<16xf32>
        %add3A_876 = arith.addf %add3A_871, %add3A_872 : vector<16xf32>
        %add3A_877 = arith.addf %add3A_873, %add3A_874 : vector<16xf32>
        %add3A_878 = arith.addf %add3A_875, %add3A_876 : vector<16xf32>
        %add3A_879 = arith.addf %add3A_877, %add3A_878 : vector<16xf32>
        %broadcast_in_dim3A_880 = vector.broadcast %add3A_797 : i32 to vector<16xi32>
        tpu.vector_store_idx %arg23[%iota3A, %broadcast_in_dim3A_880], %add3A_879 : memref<16x16xf32, #tpu.memory_space<vmem>>[vector<16xi32>, vector<16xi32>], vector<16xf32>,
        %mul3A_881 = arith.constant 2 : i32
        %mul3A_882 = arith.muli %scan3A_793, %mul3A_881 : i32
        %add3A_883 = arith.constant 1 : i32
        %add3A_884 = arith.addi %mul3A_882, %add3A_883 : i32
        %mul3A_885 = arith.constant 16 : i32
        %mul3A_886 = arith.muli %scan3A_703, %mul3A_885 : i32
        %add3A_887 = arith.addi %mul3A_886, %add3A_884 : i32
        %get3A_888 = arith.index_cast %add3A_887 : i32 to index
        %get3A_889 = arith.constant 0 : index
        %get3A_890 = tpu.vector_load %arg18[%get3A_888, %get3A_889] {strides = array<i32>} : memref<128x256xf32, #tpu.memory_space<vmem>>, vector<16xf32>,
        %mul3A_891 = arith.mulf %mul3A_679, %get3A_890 : vector<16xf32>
        %get3A_892 = arith.index_cast %add3A_887 : i32 to index
        %get3A_893 = arith.constant 16 : index
        %get3A_894 = tpu.vector_load %arg18[%get3A_892, %get3A_893] {strides = array<i32>} : memref<128x256xf32, #tpu.memory_space<vmem>>, vector<16xf32>,
        %mul3A_895 = arith.mulf %mul3A_680, %get3A_894 : vector<16xf32>
        %get3A_896 = arith.index_cast %add3A_887 : i32 to index
        %get3A_897 = arith.constant 32 : index
        %get3A_898 = tpu.vector_load %arg18[%get3A_896, %get3A_897] {strides = array<i32>} : memref<128x256xf32, #tpu.memory_space<vmem>>, vector<16xf32>,
        %mul3A_899 = arith.mulf %mul3A_681, %get3A_898 : vector<16xf32>
        %get3A_900 = arith.index_cast %add3A_887 : i32 to index
        %get3A_901 = arith.constant 48 : index
        %get3A_902 = tpu.vector_load %arg18[%get3A_900, %get3A_901] {strides = array<i32>} : memref<128x256xf32, #tpu.memory_space<vmem>>, vector<16xf32>,
        %mul3A_903 = arith.mulf %mul3A_682, %get3A_902 : vector<16xf32>
        %get3A_904 = arith.index_cast %add3A_887 : i32 to index
        %get3A_905 = arith.constant 64 : index
        %get3A_906 = tpu.vector_load %arg18[%get3A_904, %get3A_905] {strides = array<i32>} : memref<128x256xf32, #tpu.memory_space<vmem>>, vector<16xf32>,
        %mul3A_907 = arith.mulf %mul3A_683, %get3A_906 : vector<16xf32>
        %get3A_908 = arith.index_cast %add3A_887 : i32 to index
        %get3A_909 = arith.constant 80 : index
        %get3A_910 = tpu.vector_load %arg18[%get3A_908, %get3A_909] {strides = array<i32>} : memref<128x256xf32, #tpu.memory_space<vmem>>, vector<16xf32>,
        %mul3A_911 = arith.mulf %mul3A_684, %get3A_910 : vector<16xf32>
        %get3A_912 = arith.index_cast %add3A_887 : i32 to index
        %get3A_913 = arith.constant 96 : index
        %get3A_914 = tpu.vector_load %arg18[%get3A_912, %get3A_913] {strides = array<i32>} : memref<128x256xf32, #tpu.memory_space<vmem>>, vector<16xf32>,
        %mul3A_915 = arith.mulf %mul3A_685, %get3A_914 : vector<16xf32>
        %get3A_916 = arith.index_cast %add3A_887 : i32 to index
        %get3A_917 = arith.constant 112 : index
        %get3A_918 = tpu.vector_load %arg18[%get3A_916, %get3A_917] {strides = array<i32>} : memref<128x256xf32, #tpu.memory_space<vmem>>, vector<16xf32>,
        %mul3A_919 = arith.mulf %mul3A_686, %get3A_918 : vector<16xf32>
        %get3A_920 = arith.index_cast %add3A_887 : i32 to index
        %get3A_921 = arith.constant 128 : index
        %get3A_922 = tpu.vector_load %arg18[%get3A_920, %get3A_921] {strides = array<i32>} : memref<128x256xf32, #tpu.memory_space<vmem>>, vector<16xf32>,
        %mul3A_923 = arith.mulf %mul3A_687, %get3A_922 : vector<16xf32>
        %get3A_924 = arith.index_cast %add3A_887 : i32 to index
        %get3A_925 = arith.constant 144 : index
        %get3A_926 = tpu.vector_load %arg18[%get3A_924, %get3A_925] {strides = array<i32>} : memref<128x256xf32, #tpu.memory_space<vmem>>, vector<16xf32>,
        %mul3A_927 = arith.mulf %mul3A_688, %get3A_926 : vector<16xf32>
        %get3A_928 = arith.index_cast %add3A_887 : i32 to index
        %get3A_929 = arith.constant 160 : index
        %get3A_930 = tpu.vector_load %arg18[%get3A_928, %get3A_929] {strides = array<i32>} : memref<128x256xf32, #tpu.memory_space<vmem>>, vector<16xf32>,
        %mul3A_931 = arith.mulf %mul3A_689, %get3A_930 : vector<16xf32>
        %get3A_932 = arith.index_cast %add3A_887 : i32 to index
        %get3A_933 = arith.constant 176 : index
        %get3A_934 = tpu.vector_load %arg18[%get3A_932, %get3A_933] {strides = array<i32>} : memref<128x256xf32, #tpu.memory_space<vmem>>, vector<16xf32>,
        %mul3A_935 = arith.mulf %mul3A_690, %get3A_934 : vector<16xf32>
        %get3A_936 = arith.index_cast %add3A_887 : i32 to index
        %get3A_937 = arith.constant 192 : index
        %get3A_938 = tpu.vector_load %arg18[%get3A_936, %get3A_937] {strides = array<i32>} : memref<128x256xf32, #tpu.memory_space<vmem>>, vector<16xf32>,
        %mul3A_939 = arith.mulf %mul3A_691, %get3A_938 : vector<16xf32>
        %get3A_940 = arith.index_cast %add3A_887 : i32 to index
        %get3A_941 = arith.constant 208 : index
        %get3A_942 = tpu.vector_load %arg18[%get3A_940, %get3A_941] {strides = array<i32>} : memref<128x256xf32, #tpu.memory_space<vmem>>, vector<16xf32>,
        %mul3A_943 = arith.mulf %mul3A_692, %get3A_942 : vector<16xf32>
        %get3A_944 = arith.index_cast %add3A_887 : i32 to index
        %get3A_945 = arith.constant 224 : index
        %get3A_946 = tpu.vector_load %arg18[%get3A_944, %get3A_945] {strides = array<i32>} : memref<128x256xf32, #tpu.memory_space<vmem>>, vector<16xf32>,
        %mul3A_947 = arith.mulf %mul3A_693, %get3A_946 : vector<16xf32>
        %get3A_948 = arith.index_cast %add3A_887 : i32 to index
        %get3A_949 = arith.constant 240 : index
        %get3A_950 = tpu.vector_load %arg18[%get3A_948, %get3A_949] {strides = array<i32>} : memref<128x256xf32, #tpu.memory_space<vmem>>, vector<16xf32>,
        %mul3A_951 = arith.mulf %mul3A_694, %get3A_950 : vector<16xf32>
        %add3A_952 = arith.addf %mul3A_891, %mul3A_895 : vector<16xf32>
        %add3A_953 = arith.addf %mul3A_899, %mul3A_903 : vector<16xf32>
        %add3A_954 = arith.addf %mul3A_907, %mul3A_911 : vector<16xf32>
        %add3A_955 = arith.addf %mul3A_915, %mul3A_919 : vector<16xf32>
        %add3A_956 = arith.addf %mul3A_923, %mul3A_927 : vector<16xf32>
        %add3A_957 = arith.addf %mul3A_931, %mul3A_935 : vector<16xf32>
        %add3A_958 = arith.addf %mul3A_939, %mul3A_943 : vector<16xf32>
        %add3A_959 = arith.addf %mul3A_947, %mul3A_951 : vector<16xf32>
        %add3A_960 = arith.addf %add3A_952, %add3A_953 : vector<16xf32>
        %add3A_961 = arith.addf %add3A_954, %add3A_955 : vector<16xf32>
        %add3A_962 = arith.addf %add3A_956, %add3A_957 : vector<16xf32>
        %add3A_963 = arith.addf %add3A_958, %add3A_959 : vector<16xf32>
        %add3A_964 = arith.addf %add3A_960, %add3A_961 : vector<16xf32>
        %add3A_965 = arith.addf %add3A_962, %add3A_963 : vector<16xf32>
        %add3A_966 = arith.addf %add3A_964, %add3A_965 : vector<16xf32>
        %broadcast_in_dim3A_967 = vector.broadcast %add3A_884 : i32 to vector<16xi32>
        tpu.vector_store_idx %arg23[%iota3A, %broadcast_in_dim3A_967], %add3A_966 : memref<16x16xf32, #tpu.memory_space<vmem>>[vector<16xi32>, vector<16xi32>], vector<16xf32>,
      }
      %scan3A_709 = arith.constant 8 : i32
      %get3A_710 = arith.constant 0 : i32
      %get3A_711 = arith.index_cast %get3A_710 : i32 to index
      %get3A_712 = arith.constant 0 : index
      %get3A_713 = tpu.vector_load %arg23[%get3A_711, %get3A_712] {strides = array<i32>} : memref<16x16xf32, #tpu.memory_space<vmem>>, vector<16xf32>,
      %get3A_714 = arith.constant 1 : i32
      %get3A_715 = arith.index_cast %get3A_714 : i32 to index
      %get3A_716 = arith.constant 0 : index
      %get3A_717 = tpu.vector_load %arg23[%get3A_715, %get3A_716] {strides = array<i32>} : memref<16x16xf32, #tpu.memory_space<vmem>>, vector<16xf32>,
      %get3A_718 = arith.constant 2 : i32
      %get3A_719 = arith.index_cast %get3A_718 : i32 to index
      %get3A_720 = arith.constant 0 : index
      %get3A_721 = tpu.vector_load %arg23[%get3A_719, %get3A_720] {strides = array<i32>} : memref<16x16xf32, #tpu.memory_space<vmem>>, vector<16xf32>,
      %get3A_722 = arith.constant 3 : i32
      %get3A_723 = arith.index_cast %get3A_722 : i32 to index
      %get3A_724 = arith.constant 0 : index
      %get3A_725 = tpu.vector_load %arg23[%get3A_723, %get3A_724] {strides = array<i32>} : memref<16x16xf32, #tpu.memory_space<vmem>>, vector<16xf32>,
      %get3A_726 = arith.constant 4 : i32
      %get3A_727 = arith.index_cast %get3A_726 : i32 to index
      %get3A_728 = arith.constant 0 : index
      %get3A_729 = tpu.vector_load %arg23[%get3A_727, %get3A_728] {strides = array<i32>} : memref<16x16xf32, #tpu.memory_space<vmem>>, vector<16xf32>,
      %get3A_730 = arith.constant 5 : i32
      %get3A_731 = arith.index_cast %get3A_730 : i32 to index
      %get3A_732 = arith.constant 0 : index
      %get3A_733 = tpu.vector_load %arg23[%get3A_731, %get3A_732] {strides = array<i32>} : memref<16x16xf32, #tpu.memory_space<vmem>>, vector<16xf32>,
      %get3A_734 = arith.constant 6 : i32
      %get3A_735 = arith.index_cast %get3A_734 : i32 to index
      %get3A_736 = arith.constant 0 : index
      %get3A_737 = tpu.vector_load %arg23[%get3A_735, %get3A_736] {strides = array<i32>} : memref<16x16xf32, #tpu.memory_space<vmem>>, vector<16xf32>,
      %get3A_738 = arith.constant 7 : i32
      %get3A_739 = arith.index_cast %get3A_738 : i32 to index
      %get3A_740 = arith.constant 0 : index
      %get3A_741 = tpu.vector_load %arg23[%get3A_739, %get3A_740] {strides = array<i32>} : memref<16x16xf32, #tpu.memory_space<vmem>>, vector<16xf32>,
      %get3A_742 = arith.constant 8 : i32
      %get3A_743 = arith.index_cast %get3A_742 : i32 to index
      %get3A_744 = arith.constant 0 : index
      %get3A_745 = tpu.vector_load %arg23[%get3A_743, %get3A_744] {strides = array<i32>} : memref<16x16xf32, #tpu.memory_space<vmem>>, vector<16xf32>,
      %get3A_746 = arith.constant 9 : i32
      %get3A_747 = arith.index_cast %get3A_746 : i32 to index
      %get3A_748 = arith.constant 0 : index
      %get3A_749 = tpu.vector_load %arg23[%get3A_747, %get3A_748] {strides = array<i32>} : memref<16x16xf32, #tpu.memory_space<vmem>>, vector<16xf32>,
      %get3A_750 = arith.constant 10 : i32
      %get3A_751 = arith.index_cast %get3A_750 : i32 to index
      %get3A_752 = arith.constant 0 : index
      %get3A_753 = tpu.vector_load %arg23[%get3A_751, %get3A_752] {strides = array<i32>} : memref<16x16xf32, #tpu.memory_space<vmem>>, vector<16xf32>,
      %get3A_754 = arith.constant 11 : i32
      %get3A_755 = arith.index_cast %get3A_754 : i32 to index
      %get3A_756 = arith.constant 0 : index
      %get3A_757 = tpu.vector_load %arg23[%get3A_755, %get3A_756] {strides = array<i32>} : memref<16x16xf32, #tpu.memory_space<vmem>>, vector<16xf32>,
      %get3A_758 = arith.constant 12 : i32
      %get3A_759 = arith.index_cast %get3A_758 : i32 to index
      %get3A_760 = arith.constant 0 : index
      %get3A_761 = tpu.vector_load %arg23[%get3A_759, %get3A_760] {strides = array<i32>} : memref<16x16xf32, #tpu.memory_space<vmem>>, vector<16xf32>,
      %get3A_762 = arith.constant 13 : i32
      %get3A_763 = arith.index_cast %get3A_762 : i32 to index
      %get3A_764 = arith.constant 0 : index
      %get3A_765 = tpu.vector_load %arg23[%get3A_763, %get3A_764] {strides = array<i32>} : memref<16x16xf32, #tpu.memory_space<vmem>>, vector<16xf32>,
      %get3A_766 = arith.constant 14 : i32
      %get3A_767 = arith.index_cast %get3A_766 : i32 to index
      %get3A_768 = arith.constant 0 : index
      %get3A_769 = tpu.vector_load %arg23[%get3A_767, %get3A_768] {strides = array<i32>} : memref<16x16xf32, #tpu.memory_space<vmem>>, vector<16xf32>,
      %get3A_770 = arith.constant 15 : i32
      %get3A_771 = arith.index_cast %get3A_770 : i32 to index
      %get3A_772 = arith.constant 0 : index
      %get3A_773 = tpu.vector_load %arg23[%get3A_771, %get3A_772] {strides = array<i32>} : memref<16x16xf32, #tpu.memory_space<vmem>>, vector<16xf32>,
      %add3A_774 = arith.addf %get3A_713, %get3A_717 : vector<16xf32>
      %add3A_775 = arith.addf %get3A_721, %get3A_725 : vector<16xf32>
      %add3A_776 = arith.addf %get3A_729, %get3A_733 : vector<16xf32>
      %add3A_777 = arith.addf %get3A_737, %get3A_741 : vector<16xf32>
      %add3A_778 = arith.addf %get3A_745, %get3A_749 : vector<16xf32>
      %add3A_779 = arith.addf %get3A_753, %get3A_757 : vector<16xf32>
      %add3A_780 = arith.addf %get3A_761, %get3A_765 : vector<16xf32>
      %add3A_781 = arith.addf %get3A_769, %get3A_773 : vector<16xf32>
      %add3A_782 = arith.addf %add3A_774, %add3A_775 : vector<16xf32>
      %add3A_783 = arith.addf %add3A_776, %add3A_777 : vector<16xf32>
      %add3A_784 = arith.addf %add3A_778, %add3A_779 : vector<16xf32>
      %add3A_785 = arith.addf %add3A_780, %add3A_781 : vector<16xf32>
      %add3A_786 = arith.addf %add3A_782, %add3A_783 : vector<16xf32>
      %add3A_787 = arith.addf %add3A_784, %add3A_785 : vector<16xf32>
      %add3A_788 = arith.addf %add3A_786, %add3A_787 : vector<16xf32>
      %mul3A_789 = arith.constant 16 : i32
      %mul3A_790 = arith.muli %scan3A_703, %mul3A_789 : i32
      %multiple_of3A = tpu.assume_multiple %mul3A_790, 16 : i32
      %swap3A_791 = arith.index_cast %multiple_of3A : i32 to index
      %swap3A_792 = tpu.vector_load %arg21[%swap3A_791] {strides = array<i32>} : memref<128xf32, #tpu.memory_space<vmem>>, vector<16xf32>,
      tpu.vector_store %arg21[%swap3A_791], %add3A_788 {strides = array<i32>} : memref<128xf32, #tpu.memory_space<vmem>>, vector<16xf32>,
    }
    %scan3A_700 = arith.constant 8 : i32
    %mul3A_701 = arith.constant 128 : i32
    %mul3A_702 = arith.muli %add3A, %mul3A_701 : i32
    "tpu.region"() ({
      %run_scoped3A = tpu.sem_alloc : memref<!tpu.dma_semaphore, #tpu.memory_space<semaphore_mem>>
      %dma_start3A_703 = tpu.memref_slice %arg7[%mul3A_702] : memref<4096xf32, #tpu.memory_space<hbm>> -> memref<128xf32, #tpu.memory_space<hbm>>
      %dma_start3A_704 = tpu.memref_slice %arg7[%mul3A_702] : memref<4096xf32, #tpu.memory_space<hbm>> -> memref<128xf32, #tpu.memory_space<hbm>>
      tpu.enqueue_dma source(%arg21 : memref<128xf32, #tpu.memory_space<vmem>>) target(%dma_start3A_704 : memref<128xf32, #tpu.memory_space<hbm>>) target_semaphore(%run_scoped3A : memref<!tpu.dma_semaphore, #tpu.memory_space<semaphore_mem>>)
      %dma_wait3A_705 = tpu.memref_slice %arg7[%mul3A_702] : memref<4096xf32, #tpu.memory_space<hbm>> -> memref<128xf32, #tpu.memory_space<hbm>>
      %dma_wait3A_706 = tpu.memref_slice %arg7[%mul3A_702] : memref<4096xf32, #tpu.memory_space<hbm>> -> memref<128xf32, #tpu.memory_space<hbm>>
      tpu.wait_dma2 semaphore(%run_scoped3A : memref<!tpu.dma_semaphore, #tpu.memory_space<semaphore_mem>>) src(%arg21 : memref<128xf32, #tpu.memory_space<vmem>>) dst(%dma_wait3A_706 : memref<128xf32, #tpu.memory_space<hbm>>)
      tpu.yield
    }) : () -> ()
    return
  }
}

</mosaic_0001>

<sc_bundles>
// kernel: kernel.3.cloned.1.call-start
scs
__scs_entry_jumppad:
0x0: {  	(pc) =	sbr.rel $0x88, $3  }
0x1: {  	(tag) =	ssettag $0x0;
	lr =	simm.s32 $0x1  }
0x2: {  	[smem:$0x3F9C] =	sst lr;
	_ =	strace $0xD0000000  }
0x3: {  	_ = 	snop  }
0x4: {  	_ = 	snop  }
0x5: {  	_ = 	snop  }
0x6: {  	_ = 	snop  }
0x7: {  	_ = 	snop  }
__scs_overlays_trampoline_lowered:
0x8: {  	[smem:$0x3FAB] =	sst s0  }
0x9: {  	[smem:$0x3FAC] =	sst s1  }
0xa: {  	[smem:$0x3FAD] =	sst s2  }
0xb: {  	[smem:$0x3FAE] =	sst s3  }
0xc: {  	[smem:$0x3FAF] =	sst s4  }
0xd: {  	[smem:$0x3FB0] =	sst s5  }
0xe: {  	[smem:$0x3FB1] =	sst s6  }
0xf: {  	[smem:$0x3FB2] =	sst s7  }
0x10: {  	[smem:$0x3FB3] =	sst s8  }
0x11: {  	[smem:$0x3FB4] =	sst s9;
	s0 =	simm.s32 @!p0 $0x0  }
0x12: {  	s1 =	sld [smem:$0x3F9A];
	s0 =	simm.s32 @p0 $0x1  }
0x13: {  	[smem:$0x3FB5] =	sst s0;
	s0 =	simm.s32 @!p1 $0x0  }
0x14: {  	s2 =	sld [smem:$0x3F99];
	s0 =	simm.s32 @p1 $0x1  }
0x15: {  	[smem:$0x3FB6] =	sst s0;
	s0 =	simm.s32 @!p2 $0x0  }
0x16: {  	s3 =	sld [smem:$0x3FDB];
	s0 =	simm.s32 @p2 $0x1  }
0x17: {  	s4 =	simm.s32 $0x1BF5;
	[smem:$0x3FB8] =	sst s0  }
0x18: {  	s0 =	sld [smem:$0x3F9B];
	_ =	swait.ge [sflag:s4], $0x0  }
0x19: {  	s7 =	sld [smem:$0x3F9C]  }
0x1a: {  	s8 =	sadd.s32 $0xFFFFE003, lr  }
0x1b: {  	s9 =	sadd.s32 $0xFFFFFEF7, lr;
	s5 =	simm.s32 $0xFFFFFFFF;
	p2 =	slt.u32 s8, $0xFFFFF086  }
0x1c: {  	p1 =	slt.u32 s9, $0xF7A;
	s5 =	simm.s32 @!p2 $0x0  }
0x1d: {  	s5 =	simm.s32 @p1 $0x1;
	p0 =	seq.s32 s7, s2  }
0x1e: {  	s7 =	smul.u32 @!p0 $0xF7A, s2;
	p2 =	seq.s32 @!p0 s5, $0x0  }
0x1f: {  	s9 =	smul.u32 $0xF7A, s1;
	s8 =	simm.s32 @!p0 $0x1BF5;
	p2 =	por !p2, p0  }
0x20: {  	[sflag:s8] =	ssyncset.s32 @!p0 $0xFFFFF086;
	s6 =	sadd.s32 @!p0 s3, s7;
	s7 =	simm.s32 @!p0 $0x108  }
0x21: {  	s3 =	sadd.s32 s3, s9;
	s6 =	sadd.s32 @!p0 $0x88, s6;
	s7 =	simm.s32 @p2 $0x1082  }
0x22: {  	[simem:s7], [sflag:s8] =	dma.local @!p0 [hbm:s6], $0xF7A  }
0x23: {  	s9 =	sor.u32 $0xD0000000, s2;
	s6 =	simm.s32 $0x108;
	_ =	swait.ge @!p0 [sflag:s8], $0x0  }
0x24: {  	s3 =	sadd.s32 $0x88, s3;
	s6 =	simm.s32 @!p1 $0x1082;
	[sflag:s4] =	ssyncset.s32 $0xFFFFF086  }
0x25: {  	[simem:s6], [sflag:s4] =	dma.local [hbm:s3], $0xF7A  }
0x26: {  	[smem:$0x3F9C] =	sst s1;
	(tag) =	ssettag s2;
	_ =	strace s9  }
0x27: {  	s1 =	sld [smem:$0x3FAC]  }
0x28: {  	s2 =	sld [smem:$0x3FAD]  }
0x29: {  	s4 =	sld [smem:$0x3FAF]  }
0x2a: {  	p0 =	seq.s32 s5, $0x0;
	s5 =	sld [smem:$0x3FB0]  }
0x2b: {  	s6 =	sld [smem:$0x3FB1]  }
0x2c: {  	s7 =	sld [smem:$0x3FB2]  }
0x2d: {  	s3 =	simm.s32 $0x108;
	s8 =	sld [smem:$0x3FB3]  }
0x2e: {  	s3 =	simm.s32 @!p0 $0x1082;
	s9 =	sld [smem:$0x3FB4]  }
0x2f: {  	lr =	sadd.s32 s0, s3;
	s0 =	sld [smem:$0x3FAB]  }
0x30: {  	s3 =	sld [smem:$0x3FAE]  }
0x31: {  	[smem:$0x3FB7] =	sst s10  }
0x32: {  	s10 =	sld [smem:$0x3FB5];
	_ =	sdelay $0x3  }
0x33: {  	p0 =	seq.s32 s10, $0x1;
	s10 =	sld [smem:$0x3FB7];
	_ =	sdelay $0x3  }
0x34: {  	[smem:$0x3FB7] =	sst s10  }
0x35: {  	s10 =	sld [smem:$0x3FB6];
	_ =	sdelay $0x3  }
0x36: {  	p1 =	seq.s32 s10, $0x1;
	s10 =	sld [smem:$0x3FB7];
	_ =	sdelay $0x3  }
0x37: {  	[smem:$0x3FB7] =	sst s10  }
0x38: {  	s10 =	sld [smem:$0x3FB8]  }
0x39: {  	_ = 	snop;
	(pc) =	sbr.ind lr, $3  }
0x3a: {  	_ = 	snop  }
0x3b: {  	_ = 	snop  }
0x3c: {  	p2 =	seq.s32 s10, $0x1;
	s10 =	sld [smem:$0x3FB7]  }
0x3d: {  	_ =	shalt  }
0x3e: {  	_ =	shalt  }
0x3f: {  	_ =	shalt  }
0x40: {  	_ =	shalt  }
0x41: {  	_ =	shalt  }
0x42: {  	_ =	shalt  }
0x43: {  	_ =	shalt  }
0x44: {  	_ =	shalt  }
0x45: {  	_ =	shalt  }
0x46: {  	_ =	shalt  }
0x47: {  	_ =	shalt  }
0x48: {  	_ =	shalt  }
0x49: {  	_ =	shalt  }
0x4a: {  	_ =	shalt  }
0x4b: {  	_ =	shalt  }
0x4c: {  	_ =	shalt  }
0x4d: {  	_ =	shalt  }
0x4e: {  	_ =	shalt  }
0x4f: {  	_ =	shalt  }
0x50: {  	_ =	shalt  }
0x51: {  	_ =	shalt  }
0x52: {  	_ =	shalt  }
0x53: {  	_ =	shalt  }
0x54: {  	_ =	shalt  }
0x55: {  	_ =	shalt  }
0x56: {  	_ =	shalt  }
0x57: {  	_ =	shalt  }
0x58: {  	_ =	shalt  }
0x59: {  	_ =	shalt  }
0x5a: {  	_ =	shalt  }
0x5b: {  	_ =	shalt  }
0x5c: {  	_ =	shalt  }
0x5d: {  	_ =	shalt  }
0x5e: {  	_ =	shalt  }
0x5f: {  	_ =	shalt  }
0x60: {  	_ =	shalt  }
0x61: {  	_ =	shalt  }
0x62: {  	_ =	shalt  }
0x63: {  	_ =	shalt  }
0x64: {  	_ =	shalt  }
0x65: {  	_ =	shalt  }
0x66: {  	_ =	shalt  }
0x67: {  	_ =	shalt  }
0x68: {  	_ =	shalt  }
0x69: {  	_ =	shalt  }
0x6a: {  	_ =	shalt  }
0x6b: {  	_ =	shalt  }
0x6c: {  	_ =	shalt  }
0x6d: {  	_ =	shalt  }
0x6e: {  	_ =	shalt  }
0x6f: {  	_ =	shalt  }
0x70: {  	_ =	shalt  }
0x71: {  	_ =	shalt  }
0x72: {  	_ =	shalt  }
0x73: {  	_ =	shalt  }
0x74: {  	_ =	shalt  }
0x75: {  	_ =	shalt  }
0x76: {  	_ =	shalt  }
0x77: {  	_ =	shalt  }
0x78: {  	_ =	shalt  }
0x79: {  	_ =	shalt  }
0x7a: {  	_ =	shalt  }
0x7b: {  	_ =	shalt  }
0x7c: {  	_ =	shalt  }
0x7d: {  	_ =	shalt  }
0x7e: {  	_ =	shalt  }
0x7f: {  	_ =	shalt  }
0x80: {  	_ =	shalt  }
0x81: {  	_ =	shalt  }
0x82: {  	_ =	shalt  }
0x83: {  	_ =	shalt  }
0x84: {  	_ =	shalt  }
0x85: {  	_ =	shalt  }
0x86: {  	_ =	shalt  }
0x87: {  	_ =	shalt  }
.Lfunc_end0:
.L_simem_size_0:
called_computation_lowered:
.L_overlay_start_0:
0x88: {  	s2 =	sld [smem:$0x3FD9]  }
0x89: {  	s3 =	sld [smem:$0x3FFE];
	_ =	sdelay $0x1  }
0x8a: {  	s1 =	srdreg.scid  }
0x8b: {  	s0 =	sand.u32 $0x1, s1  }
0x8c: {  	s18 =	sshll.u32 s0, $0xA;
	s2 =	sadd.s32 s3, s2  }
0x8d: {  	s3 =	sadd.s32 s2, s18  }
0x8e: {  	[smem:$0x3FC3] =	sst s3  }
0x8f: {  	_ = 	snop  }
0x90: {  	s3 =	sld [smem:$0x3FC9]  }
0x91: {  	s4 =	sld [smem:$0x3FC8]  }
0x92: {  	s5 =	sld [smem:$0x3FC7]  }
0x93: {  	s6 =	sld [smem:$0x3FC6]  }
0x94: {  	s7 =	sld [smem:$0x3FC5]  }
0x95: {  	s8 =	sld [smem:$0x3FD0];
	(tm) =	ssettm $0x1  }
0x96: {  	s9 =	sld [smem:$0x3FFB];
	_ =	sdelay $0x3  }
0x97: {  	_ =	strace s9  }
0x98: {  	s9 =	sld [smem:$0x3FFC];
	_ =	sdelay $0x3  }
0x99: {  	_ =	strace s9  }
0x9a: {  	s9 =	sld [smem:$0x3FFD];
	_ =	sdelay $0x3  }
0x9b: {  	_ =	strace s9  }
0x9c: {  	_ =	strace $0x8FFFFFFF  }
0x9d: {  	s19 =	sld [smem:$0x3FDB];
	_ =	sdelay $0x1  }
0x9e: {  	s10 =	simm.s32 $_scs_section_size  }
0x9f: {  	s11 =	simm.s32 $_size__tile_overlayer_lowered;
	s12 =	simm.s32 $_tile_overlayer_lowered  }
0xa0: {  	s22 =	simm.s32 $0x1BFF;
	s21 =	sshll.u32 s12, $0x1;
	s9 =	sadd.s32 s10, s19  }
0xa1: {  	s13 =	simm.s32 $0x0;
	s20 =	sshll.u32 s11, $0x1;
	s11 =	sadd.s32 s21, s9  }
0xa2: {  	[timem:s13], [sflag:s22] =	dma.local [hbm:s11], s20  }
0xa3: {  	_ =	swait.ge [sflag:s22], s20  }
0xa4: {  	s10 =	ssub.s32 $0x0, s20;
	[sflag:s22] =	ssyncset.done $0x0  }
0xa5: {  	[sflag:s22] =	ssyncadd.s32 s10;
	_ =	sdelay $0x1  }
0xa6: {  	s23 =	simm.s32 $0x1B8B  }
0xa7: {  	_ =	swait.ge [sflag:s23], $0x1  }
0xa8: {  	[sflag:s23] =	ssyncset.done $0x0  }
0xa9: {  	s24 =	simm.s32 $0x1B8E;
	[sflag:s23] =	ssyncadd.s32 $0xFFFFFFFF  }
0xaa: {  	s25 =	simm.s32 $execute0_lowered;
	[smem:$0x3FD2] =	sst s24  }
0xab: {  	s10 =	sshll.u32 s25, $0x1;
	_ =	strace $0x80000046;
	[dreg:$0x1] =	wrdreg $0xFFFFFFFF  }
0xac: {  	s26 =	simm.s32 $_size_execute0_lowered;
	s9 =	sadd.s32 s9, s10;
	[dreg:$0x0] =	wrdreg $0x0  }
0xad: {  	s10 =	sshll.u32 s26, $0x1;
	[dreg:$0x2] =	wrdreg s9  }
0xae: {  	[dreg:$0x3] =	wrdreg s10  }
0xaf: {  	[dreg:$0x4] =	wrdreg $0xC0  }
0xb0: {  	_ =	task [dreg:s13], $0x5FFFF  }
0xb1: {  	[dreg:$0x1] =	wrdreg $0xFFFFFFFF  }
0xb2: {  	[dreg:$0x0] =	wrdreg $0x60  }
0xb3: {  	[dreg:$0x2] =	wrdreg s3  }
0xb4: {  	[dreg:$0x3] =	wrdreg s4  }
0xb5: {  	[dreg:$0x4] =	wrdreg s5  }
0xb6: {  	[dreg:$0x5] =	wrdreg s6  }
0xb7: {  	[dreg:$0x6] =	wrdreg s7  }
0xb8: {  	s28 =	sadd.s32 $0x800, s2;
	[dreg:$0x7] =	wrdreg s8  }
0xb9: {  	s2 =	sadd.s32 $0x1000, s2;
	[dreg:$0x8] =	wrdreg s28  }
0xba: {  	[dreg:$0x9] =	wrdreg s2  }
0xbb: {  	[dreg:$0xa] =	wrdreg $0x9  }
0xbc: {  	_ =	task.clear_ibuf [dreg:s13], $0xBFFFF;
	_ =	strace $0x90000046  }
0xbd: {  	s29 =	simm.s32 $0x9;
	_ =	strace $0x80000048  }
0xbe: {  	_ =	swait.ge [sflag:s29], $0x1  }
0xbf: {  	[sflag:s29] =	ssyncadd.s32 $0xFFFFFFFF  }
0xc0: {  	_ =	strace $0x90000048  }
0xc1: {  	_ =	sfence  }
0xc2: {  	s30 =	sld [smem:$0x0];
	_ =	sdelay $0x2  }
0xc3: {  	s31 =	sshll.u32 s1, $0xD;
	s1 =	sshrl.u32 s1, $0x2  }
0xc4: {  	s3 =	sand.u32 $0x4000, s31;
	s1 =	sadd.s32 s1, s30  }
0xc5: {  	s0 =	sor.u32 s3, s0;
	s1 =	sshll.u32 s1, $0x11  }
0xc6: {  	s0 =	sor.u32 s1, s0  }
0xc7: {  	s0 =	sadd.s32 $0x8F2B, s0  }
0xc8: {  	[sflag:s0] =	ssyncadd.remote.s32 $0x1  }
0xc9: {  	_ =	sfence.sel $0xFFFF  }
0xca: {  	[dreg:$0x0] =	wrdreg $0xFFFFFFFF;
	(pc) =	sbr.abs _section_cstart, $3  }
0xcb: {  	[dreg:$0x1] =	wrdreg $0xFFFFFFFF  }
0xcc: {  	_ =	task.clear_ibuf [dreg:s13], $0x2FFFF;
	_ =	strace $0x9FFFFFFF  }
0xcd: {  	(tm) =	ssettm $0x7FFFFFFF  }
tec
execute0_lowered:
.L_overlay_start_1:
0x0: {  	(tag) =	ssettag $0x1  }
0x1: {  	s0 =	rddreg [dreg:$0x0]  }
0x2: {  	s1 =	rddreg [dreg:$0x1]  }
0x3: {  	s2 =	rddreg [dreg:$0x2]  }
0x4: {  	s3 =	rddreg [dreg:$0x3]  }
0x5: {  	s5 =	rddreg [dreg:$0x4]  }
0x6: {  	s6 =	rddreg [dreg:$0x5]  }
0x7: {  	s7 =	rddreg [dreg:$0x6]  }
0x8: {  	s17 =	rddreg [dreg:$0x7]  }
0x9: {  	s8 =	srdreg.scid;
	s4 =	simm.s32 $0x0;
	s18 =	stileid.u32  }
0xa: {  	s14 =	simm.s32 $0x200;
	s30 =	simm.s32 $0x5;
	s31 =	simm.s32 $0x6  }
0xb: {  	s28 =	simm.s32 $0x19500;
	s29 =	simm.s32 $0x0;
	s9 =	sand.u32 $0x1, s8  }
0xc: {  	[smem:$0x7FF] =	sst s4;
	s23 =	sshll.u32 s18, $0x4;
	s20 =	sshll.u32 s18, $0x7  }
0xd: {  	s21 =	sand.u32 $0x2, s8;
	s22 =	sshll.u32 s18, $0x5;
	s8 =	sshrl.u32 s8, $0x2  }
0xe: {  	p0 =	sgt.u32 s18, $0x3;
	s10 =	ssub.s32 $0x2, s9;
	s11 =	sshll.u32 s9, $0x4  }
0xf: {  	_ =	strace $0x80000047;
	s19 =	sshll.u32 s9, $0xA;
	[dreg:$0xd] =	wrdreg s8  }
0x10: {  	s12 =	sshrl.u32 s10, $0x1;
	s13 =	sor.u32 s18, s11;
	s18 =	simm.s32 $0xFE80  }
0x11: {  	s12 =	ssub.s32 s10, s12;
	s15 =	sshll.u32 s13, $0x6;
	s16 =	sshll.u32 s13, $0x4  }
0x12: {  	s13 =	sand.u32 $0x70, s23;
	s10 =	ssub.s32 s21, s9;
	s9 =	simm.s32 $0x680  }
0x13: {  	v0 =	vimm.f32 $6.283185480e+00;
	s3 =	sadd.s32 s3, s15;
	s5 =	sadd.s32 s5, s16;
	s24 =	sand.u32 $0x600, s15  }
0x14: {  	(erf) = vrcp.f32 v0;
	s1 =	sadd.s32 s1, s15;
	s25 =	sadd.s32 s2, s15;
	s2 =	sadd.s32 s20, s19  }
0x15: {  	s23 =	sadd.s32 $0x5, s10;
	s10 =	sadd.s32 s6, s16;
	[dreg:$0x9] =	wrdreg s3  }
0x16: {  	s15 =	simm.s32 $0x1;
	s16 =	simm.s32 $0x2;
	[dreg:$0xa] =	wrdreg s5  }
0x17: {  	s19 =	simm.s32 $0x3;
	s20 =	simm.s32 $0x4;
	[dreg:$0xb] =	wrdreg s1  }
0x18: {  	[dreg:$0xc] =	wrdreg s25;
	s26 =	sor.u32 s13, s24;
	s5 =	sor.u32 s11, s22  }
0x19: {  	v0 =	vlaneseq.u32;
	s11 =	smax.u32 s12, $0x1;
	s12 =	simm.s32 $0x400;
	s13 =	simm.s32 $0xE80  }
0x1a: {  	v63 =	vand.u32 $0x7, v0;
	v3 =	vshrl.u32 v0, $0x3;
	v0 =	vor.u32 $0x8, v0;
	s22 =	simm.s32 $0x1680;
	s24 =	simm.s32 $0x1E80;
	s25 =	sadd.s32 s7, s2  }
0x1b: {  	v1 =	vmul.u32 $0x8, v3;
	[tilespmem:$0x1FFE0] =	vst v0;
	s3 =	simm.s32 $0xEE80;
	s21 =	sadd.s32 s7, s26;
	[dreg:$0xe] =	wrdreg s25  }
0x1c: {  	[tilespmem:$0x1FFF0] =	vst v63;
	s26 =	sadd.s32 s17, s5;
	s25 =	sshll.u32 s23, $0xE;
	s17 =	simm.s32 $0xF680  }
0x1d: {  	vm0 =	vmmov $0xffff;
	s23 =	simm.s32 $0x8;
	[tilespmem:$0x1FFD0] =	vst v1;
	[dreg:$0xf] =	wrdreg s26;
	s26 =	simm.s32 $0x7;
	v2 =	vpop (erf)  }
.LBB2_1:
0x1e: {  	s1 =	rddreg [dreg:$0x9]  }
0x1f: {  	[tilespmem:s12], [sflag:$0x1] =	stream.linear.gather [hbm4b:s1+s4], $0x200, $0x38;
	[tilespmem:$0x19D00] =	vst v63  }
0x20: {  	s5 =	rddreg [dreg:$0xa];
	s2 =	simm.s32 $0x600  }
0x21: {  	[tilespmem:s2], [sflag:$0x5] =	stream.linear.gather [hbm4b:s5+s4], $0x80, $0x38;
	[tilespmem:$0x19D00] =	vst v63  }
0x22: {  	s6 =	rddreg [dreg:$0xb]  }
0x23: {  	[tilespmem:s4], [sflag:$0x6] =	stream.linear.gather [hbm4b:s6+s4], $0x200, $0x38;
	[tilespmem:$0x19D00] =	vst v63  }
0x24: {  	s7 =	rddreg [dreg:$0xc]  }
0x25: {  	[tilespmem:s14], [sflag:$0x2] =	stream.linear.gather [hbm4b:s7+s4], $0x200, $0x38;
	[tilespmem:$0x19D00] =	vst v63  }
0x26: {  	_ =	swait.ge [sflag:s15], $0x200  }
0x27: {  	[sflag:s15] =	ssyncset.done $0x0  }
0x28: {  	[sflag:s15] =	ssyncadd.s32 $0xFFFFFE00  }
0x29: {  	_ =	swait.ge [sflag:s16], $0x200  }
0x2a: {  	[sflag:s16] =	ssyncset.done $0x0  }
0x2b: {  	[sflag:s16] =	ssyncadd.s32 $0xFFFFFE00  }
0x2c: {  	v5 =	vld [tilespmem:$0x400];
	_ =	sdelay $0x3  }
0x2d: {  	v1 =	vld [tilespmem:$0x1FFD0]  }
0x2e: {  	v0 =	vld [tilespmem:$0x1FFE0];
	v6 =	vshll.u32 v5, $0x1  }
0x2f: {  	v5 =	vand.u32 $0x7, v5;
	v6 =	vand.u32 $0xFFFFFFF0, v6  }
0x30: {  	v5 =	vor.u32 v5, v6  }
0x31: {  	v6 =	vperm.xlane v5, v63;
	_ =	sdelay $0x1  }
0x32: {  	v5 =	vperm.xlane v5, v0;
	v6 =	vadd.s32 v1, v6;
	_ =	sdelay $0x1  }
0x33: {  	v5 =	vadd.s32 v1, v5;
	_ =	sdelay $0x2  }
0x34: {  	[tilespmem:s9], [sflag:$0x1] =	stream.indirect_vreg.gather [hbm4b:s0+s4], $0x80, v6, vm0, $0xb8;
	[tilespmem:$0x19D00] =	vst v63  }
0x35: {  	_ = 	snop  }
0x36: {  	[tilespmem:s13], [sflag:$0x1] =	stream.indirect_vreg.gather [hbm4b:s0+s4], $0x80, v5, vm0, $0xb8;
	[tilespmem:$0x19D00] =	vst v63  }
0x37: {  	v5 =	vld [tilespmem:$0x410];
	_ =	sdelay $0x4  }
0x38: {  	v6 =	vshll.u32 v5, $0x1  }
0x39: {  	v5 =	vand.u32 $0x7, v5;
	v6 =	vand.u32 $0xFFFFFFF0, v6  }
0x3a: {  	v5 =	vor.u32 v5, v6  }
0x3b: {  	v6 =	vperm.xlane v5, v63;
	_ =	sdelay $0x1  }
0x3c: {  	v5 =	vperm.xlane v5, v0;
	v6 =	vadd.s32 v1, v6;
	_ =	sdelay $0x1  }
0x3d: {  	v5 =	vadd.s32 v1, v5;
	_ =	sdelay $0x2  }
0x3e: {  	[tilespmem:s22], [sflag:$0x1] =	stream.indirect_vreg.gather [hbm4b:s0+s4], $0x80, v6, vm0, $0xb8;
	[tilespmem:$0x19D00] =	vst v63  }
0x3f: {  	_ = 	snop  }
0x40: {  	[tilespmem:s24], [sflag:$0x1] =	stream.indirect_vreg.gather [hbm4b:s0+s4], $0x80, v5, vm0, $0xb8;
	[tilespmem:$0x19D00] =	vst v63  }
0x41: {  	v5 =	vld [tilespmem:$0x420];
	_ =	sdelay $0x4  }
0x42: {  	v6 =	vshll.u32 v5, $0x1  }
0x43: {  	v5 =	vand.u32 $0x7, v5;
	v6 =	vand.u32 $0xFFFFFFF0, v6  }
0x44: {  	v5 =	vor.u32 v5, v6  }
0x45: {  	v6 =	vperm.xlane v5, v63;
	_ =	sdelay $0x1  }
0x46: {  	v5 =	vperm.xlane v5, v0;
	v6 =	vadd.s32 v1, v6;
	_ =	sdelay $0x1  }
0x47: {  	v5 =	vadd.s32 v1, v5;
	_ =	sdelay $0x1  }
0x48: {  	s8 =	simm.s32 $0x2680  }
0x49: {  	[tilespmem:s8], [sflag:$0x1] =	stream.indirect_vreg.gather [hbm4b:s0+s4], $0x80, v6, vm0, $0xb8;
	[tilespmem:$0x19D00] =	vst v63  }
0x4a: {  	s2 =	simm.s32 $0x2E80  }
0x4b: {  	[tilespmem:s2], [sflag:$0x1] =	stream.indirect_vreg.gather [hbm4b:s0+s4], $0x80, v5, vm0, $0xb8;
	[tilespmem:$0x19D00] =	vst v63  }
0x4c: {  	v5 =	vld [tilespmem:$0x430];
	_ =	sdelay $0x4  }
0x4d: {  	v6 =	vshll.u32 v5, $0x1  }
0x4e: {  	v5 =	vand.u32 $0x7, v5;
	v6 =	vand.u32 $0xFFFFFFF0, v6  }
0x4f: {  	v5 =	vor.u32 v5, v6  }
0x50: {  	v6 =	vperm.xlane v5, v63;
	_ =	sdelay $0x1  }
0x51: {  	v5 =	vperm.xlane v5, v0;
	v6 =	vadd.s32 v1, v6;
	_ =	sdelay $0x1  }
0x52: {  	v5 =	vadd.s32 v1, v5;
	_ =	sdelay $0x1  }
0x53: {  	s5 =	simm.s32 $0x3680  }
0x54: {  	[tilespmem:s5], [sflag:$0x1] =	stream.indirect_vreg.gather [hbm4b:s0+s4], $0x80, v6, vm0, $0xb8;
	[tilespmem:$0x19D00] =	vst v63  }
0x55: {  	s6 =	simm.s32 $0x3E80  }
0x56: {  	[tilespmem:s6], [sflag:$0x1] =	stream.indirect_vreg.gather [hbm4b:s0+s4], $0x80, v5, vm0, $0xb8;
	[tilespmem:$0x19D00] =	vst v63  }
0x57: {  	v5 =	vld [tilespmem:$0x440];
	_ =	sdelay $0x4  }
0x58: {  	v6 =	vshll.u32 v5, $0x1  }
0x59: {  	v5 =	vand.u32 $0x7, v5;
	v6 =	vand.u32 $0xFFFFFFF0, v6  }
0x5a: {  	v5 =	vor.u32 v5, v6  }
0x5b: {  	v6 =	vperm.xlane v5, v63;
	_ =	sdelay $0x1  }
0x5c: {  	v5 =	vperm.xlane v5, v0;
	v6 =	vadd.s32 v1, v6;
	_ =	sdelay $0x1  }
0x5d: {  	v5 =	vadd.s32 v1, v5;
	_ =	sdelay $0x1  }
0x5e: {  	s7 =	simm.s32 $0x4680  }
0x5f: {  	[tilespmem:s7], [sflag:$0x2] =	stream.indirect_vreg.gather [hbm4b:s0+s4], $0x80, v6, vm0, $0xb8;
	[tilespmem:$0x19D00] =	vst v63  }
0x60: {  	s8 =	simm.s32 $0x4E80  }
0x61: {  	[tilespmem:s8], [sflag:$0x2] =	stream.indirect_vreg.gather [hbm4b:s0+s4], $0x80, v5, vm0, $0xb8;
	[tilespmem:$0x19D00] =	vst v63  }
0x62: {  	v5 =	vld [tilespmem:$0x450];
	_ =	sdelay $0x4  }
0x63: {  	v6 =	vshll.u32 v5, $0x1  }
0x64: {  	v5 =	vand.u32 $0x7, v5;
	v6 =	vand.u32 $0xFFFFFFF0, v6  }
0x65: {  	v5 =	vor.u32 v5, v6  }
0x66: {  	v6 =	vperm.xlane v5, v63;
	_ =	sdelay $0x1  }
0x67: {  	v5 =	vperm.xlane v5, v0;
	v6 =	vadd.s32 v1, v6;
	_ =	sdelay $0x1  }
0x68: {  	v5 =	vadd.s32 v1, v5;
	_ =	sdelay $0x1  }
0x69: {  	s2 =	simm.s32 $0x5680  }
0x6a: {  	[tilespmem:s2], [sflag:$0x2] =	stream.indirect_vreg.gather [hbm4b:s0+s4], $0x80, v6, vm0, $0xb8;
	[tilespmem:$0x19D00] =	vst v63  }
0x6b: {  	s5 =	simm.s32 $0x5E80  }
0x6c: {  	[tilespmem:s5], [sflag:$0x2] =	stream.indirect_vreg.gather [hbm4b:s0+s4], $0x80, v5, vm0, $0xb8;
	[tilespmem:$0x19D00] =	vst v63  }
0x6d: {  	v5 =	vld [tilespmem:$0x460];
	_ =	sdelay $0x4  }
0x6e: {  	v6 =	vshll.u32 v5, $0x1  }
0x6f: {  	v5 =	vand.u32 $0x7, v5;
	v6 =	vand.u32 $0xFFFFFFF0, v6  }
0x70: {  	v5 =	vor.u32 v5, v6  }
0x71: {  	v6 =	vperm.xlane v5, v63;
	_ =	sdelay $0x1  }
0x72: {  	v5 =	vperm.xlane v5, v0;
	v6 =	vadd.s32 v1, v6;
	_ =	sdelay $0x1  }
0x73: {  	v5 =	vadd.s32 v1, v5;
	_ =	sdelay $0x1  }
0x74: {  	s6 =	simm.s32 $0x6680  }
0x75: {  	[tilespmem:s6], [sflag:$0x2] =	stream.indirect_vreg.gather [hbm4b:s0+s4], $0x80, v6, vm0, $0xb8;
	[tilespmem:$0x19D00] =	vst v63  }
0x76: {  	s7 =	simm.s32 $0x6E80  }
0x77: {  	[tilespmem:s7], [sflag:$0x2] =	stream.indirect_vreg.gather [hbm4b:s0+s4], $0x80, v5, vm0, $0xb8;
	[tilespmem:$0x19D00] =	vst v63  }
0x78: {  	v5 =	vld [tilespmem:$0x470];
	_ =	sdelay $0x4  }
0x79: {  	v6 =	vshll.u32 v5, $0x1  }
0x7a: {  	v5 =	vand.u32 $0x7, v5;
	v6 =	vand.u32 $0xFFFFFFF0, v6  }
0x7b: {  	v5 =	vor.u32 v5, v6  }
0x7c: {  	v6 =	vperm.xlane v5, v63;
	_ =	sdelay $0x1  }
0x7d: {  	v5 =	vperm.xlane v5, v0;
	v6 =	vadd.s32 v1, v6;
	_ =	sdelay $0x1  }
0x7e: {  	v5 =	vadd.s32 v1, v5;
	_ =	sdelay $0x1  }
0x7f: {  	s8 =	simm.s32 $0x7680  }
0x80: {  	[tilespmem:s8], [sflag:$0x2] =	stream.indirect_vreg.gather [hbm4b:s0+s4], $0x80, v6, vm0, $0xb8;
	[tilespmem:$0x19D00] =	vst v63  }
0x81: {  	s2 =	simm.s32 $0x7E80  }
0x82: {  	[tilespmem:s2], [sflag:$0x2] =	stream.indirect_vreg.gather [hbm4b:s0+s4], $0x80, v5, vm0, $0xb8;
	[tilespmem:$0x19D00] =	vst v63  }
0x83: {  	v5 =	vld [tilespmem:$0x480];
	_ =	sdelay $0x4  }
0x84: {  	v6 =	vshll.u32 v5, $0x1  }
0x85: {  	v5 =	vand.u32 $0x7, v5;
	v6 =	vand.u32 $0xFFFFFFF0, v6  }
0x86: {  	v5 =	vor.u32 v5, v6  }
0x87: {  	v6 =	vperm.xlane v5, v63;
	_ =	sdelay $0x1  }
0x88: {  	v5 =	vperm.xlane v5, v0;
	v6 =	vadd.s32 v1, v6;
	_ =	sdelay $0x1  }
0x89: {  	v5 =	vadd.s32 v1, v5;
	_ =	sdelay $0x1  }
0x8a: {  	s5 =	simm.s32 $0x8680  }
0x8b: {  	[tilespmem:s5], [sflag:$0x3] =	stream.indirect_vreg.gather [hbm4b:s0+s4], $0x80, v6, vm0, $0xb8;
	[tilespmem:$0x19D00] =	vst v63  }
0x8c: {  	s6 =	simm.s32 $0x8E80  }
0x8d: {  	[tilespmem:s6], [sflag:$0x3] =	stream.indirect_vreg.gather [hbm4b:s0+s4], $0x80, v5, vm0, $0xb8;
	[tilespmem:$0x19D00] =	vst v63  }
0x8e: {  	v5 =	vld [tilespmem:$0x490];
	_ =	sdelay $0x4  }
0x8f: {  	v6 =	vshll.u32 v5, $0x1  }
0x90: {  	v5 =	vand.u32 $0x7, v5;
	v6 =	vand.u32 $0xFFFFFFF0, v6  }
0x91: {  	v5 =	vor.u32 v5, v6  }
0x92: {  	v6 =	vperm.xlane v5, v63;
	_ =	sdelay $0x1  }
0x93: {  	v5 =	vperm.xlane v5, v0;
	v6 =	vadd.s32 v1, v6;
	_ =	sdelay $0x1  }
0x94: {  	v5 =	vadd.s32 v1, v5;
	_ =	sdelay $0x1  }
0x95: {  	s7 =	simm.s32 $0x9680  }
0x96: {  	[tilespmem:s7], [sflag:$0x3] =	stream.indirect_vreg.gather [hbm4b:s0+s4], $0x80, v6, vm0, $0xb8;
	[tilespmem:$0x19D00] =	vst v63  }
0x97: {  	s8 =	simm.s32 $0x9E80  }
0x98: {  	[tilespmem:s8], [sflag:$0x3] =	stream.indirect_vreg.gather [hbm4b:s0+s4], $0x80, v5, vm0, $0xb8;
	[tilespmem:$0x19D00] =	vst v63  }
0x99: {  	v5 =	vld [tilespmem:$0x4A0];
	_ =	sdelay $0x4  }
0x9a: {  	v6 =	vshll.u32 v5, $0x1  }
0x9b: {  	v5 =	vand.u32 $0x7, v5;
	v6 =	vand.u32 $0xFFFFFFF0, v6  }
0x9c: {  	v5 =	vor.u32 v5, v6  }
0x9d: {  	v6 =	vperm.xlane v5, v63;
	_ =	sdelay $0x1  }
0x9e: {  	v5 =	vperm.xlane v5, v0;
	v6 =	vadd.s32 v1, v6;
	_ =	sdelay $0x1  }
0x9f: {  	v5 =	vadd.s32 v1, v5;
	_ =	sdelay $0x1  }
0xa0: {  	s2 =	simm.s32 $0xA680  }
0xa1: {  	[tilespmem:s2], [sflag:$0x3] =	stream.indirect_vreg.gather [hbm4b:s0+s4], $0x80, v6, vm0, $0xb8;
	[tilespmem:$0x19D00] =	vst v63  }
0xa2: {  	s5 =	simm.s32 $0xAE80  }
0xa3: {  	[tilespmem:s5], [sflag:$0x3] =	stream.indirect_vreg.gather [hbm4b:s0+s4], $0x80, v5, vm0, $0xb8;
	[tilespmem:$0x19D00] =	vst v63  }
0xa4: {  	v5 =	vld [tilespmem:$0x4B0];
	_ =	sdelay $0x4  }
0xa5: {  	v6 =	vshll.u32 v5, $0x1  }
0xa6: {  	v5 =	vand.u32 $0x7, v5;
	v6 =	vand.u32 $0xFFFFFFF0, v6  }
0xa7: {  	v5 =	vor.u32 v5, v6  }
0xa8: {  	v6 =	vperm.xlane v5, v63;
	_ =	sdelay $0x1  }
0xa9: {  	v5 =	vperm.xlane v5, v0;
	v6 =	vadd.s32 v1, v6;
	_ =	sdelay $0x1  }
0xaa: {  	v5 =	vadd.s32 v1, v5;
	_ =	sdelay $0x1  }
0xab: {  	s6 =	simm.s32 $0xB680  }
0xac: {  	[tilespmem:s6], [sflag:$0x3] =	stream.indirect_vreg.gather [hbm4b:s0+s4], $0x80, v6, vm0, $0xb8;
	[tilespmem:$0x19D00] =	vst v63  }
0xad: {  	s7 =	simm.s32 $0xBE80  }
0xae: {  	[tilespmem:s7], [sflag:$0x3] =	stream.indirect_vreg.gather [hbm4b:s0+s4], $0x80, v5, vm0, $0xb8;
	[tilespmem:$0x19D00] =	vst v63  }
0xaf: {  	_ =	swait.ge [sflag:s30], $0x80  }
0xb0: {  	[sflag:s30] =	ssyncset.done $0x0  }
0xb1: {  	[sflag:s30] =	ssyncadd.s32 $0xFFFFFF80  }
0xb2: {  	v5 =	vld [tilespmem:$0x600];
	_ =	sdelay $0x4  }
0xb3: {  	v6 =	vshll.u32 v5, $0x1  }
0xb4: {  	v5 =	vand.u32 $0x7, v5;
	v6 =	vand.u32 $0xFFFFFFF0, v6  }
0xb5: {  	v5 =	vor.u32 v5, v6  }
0xb6: {  	v6 =	vperm.xlane v5, v63;
	_ =	sdelay $0x1  }
0xb7: {  	v5 =	vperm.xlane v5, v0;
	v6 =	vadd.s32 v1, v6;
	_ =	sdelay $0x1  }
0xb8: {  	v5 =	vadd.s32 v1, v5;
	_ =	sdelay $0x1  }
0xb9: {  	s8 =	simm.s32 $0x10680  }
0xba: {  	[tilespmem:s8], [sflag:$0x5] =	stream.indirect_vreg.gather [hbm4b:s0+s4], $0x80, v6, vm0, $0xb8;
	[tilespmem:$0x19D00] =	vst v63  }
0xbb: {  	s2 =	simm.s32 $0x10E80  }
0xbc: {  	[tilespmem:s2], [sflag:$0x5] =	stream.indirect_vreg.gather [hbm4b:s0+s4], $0x80, v5, vm0, $0xb8;
	[tilespmem:$0x19D00] =	vst v63  }
0xbd: {  	v5 =	vld [tilespmem:$0x610];
	_ =	sdelay $0x4  }
0xbe: {  	v6 =	vshll.u32 v5, $0x1  }
0xbf: {  	v5 =	vand.u32 $0x7, v5;
	v6 =	vand.u32 $0xFFFFFFF0, v6  }
0xc0: {  	v5 =	vor.u32 v5, v6  }
0xc1: {  	v6 =	vperm.xlane v5, v63;
	_ =	sdelay $0x1  }
0xc2: {  	v5 =	vperm.xlane v5, v0;
	v6 =	vadd.s32 v1, v6;
	_ =	sdelay $0x1  }
0xc3: {  	v5 =	vadd.s32 v1, v5;
	_ =	sdelay $0x1  }
0xc4: {  	s5 =	simm.s32 $0x11680  }
0xc5: {  	[tilespmem:s5], [sflag:$0x5] =	stream.indirect_vreg.gather [hbm4b:s0+s4], $0x80, v6, vm0, $0xb8;
	[tilespmem:$0x19D00] =	vst v63  }
0xc6: {  	s6 =	simm.s32 $0x11E80  }
0xc7: {  	[tilespmem:s6], [sflag:$0x5] =	stream.indirect_vreg.gather [hbm4b:s0+s4], $0x80, v5, vm0, $0xb8;
	[tilespmem:$0x19D00] =	vst v63  }
0xc8: {  	v5 =	vld [tilespmem:$0x620];
	_ =	sdelay $0x4  }
0xc9: {  	v6 =	vshll.u32 v5, $0x1  }
0xca: {  	v5 =	vand.u32 $0x7, v5;
	v6 =	vand.u32 $0xFFFFFFF0, v6  }
0xcb: {  	v5 =	vor.u32 v5, v6  }
0xcc: {  	v6 =	vperm.xlane v5, v63;
	_ =	sdelay $0x1  }
0xcd: {  	v5 =	vperm.xlane v5, v0;
	v6 =	vadd.s32 v1, v6;
	_ =	sdelay $0x1  }
0xce: {  	v5 =	vadd.s32 v1, v5;
	_ =	sdelay $0x1  }
0xcf: {  	s7 =	simm.s32 $0x12680  }
0xd0: {  	[tilespmem:s7], [sflag:$0x5] =	stream.indirect_vreg.gather [hbm4b:s0+s4], $0x80, v6, vm0, $0xb8;
	[tilespmem:$0x19D00] =	vst v63  }
0xd1: {  	s8 =	simm.s32 $0x12E80  }
0xd2: {  	[tilespmem:s8], [sflag:$0x5] =	stream.indirect_vreg.gather [hbm4b:s0+s4], $0x80, v5, vm0, $0xb8;
	[tilespmem:$0x19D00] =	vst v63  }
0xd3: {  	v5 =	vld [tilespmem:$0x630];
	_ =	sdelay $0x4  }
0xd4: {  	v6 =	vshll.u32 v5, $0x1  }
0xd5: {  	v5 =	vand.u32 $0x7, v5;
	v6 =	vand.u32 $0xFFFFFFF0, v6  }
0xd6: {  	v5 =	vor.u32 v5, v6  }
0xd7: {  	v6 =	vperm.xlane v5, v63;
	_ =	sdelay $0x1  }
0xd8: {  	v5 =	vperm.xlane v5, v0;
	v6 =	vadd.s32 v1, v6;
	_ =	sdelay $0x1  }
0xd9: {  	v5 =	vadd.s32 v1, v5;
	_ =	sdelay $0x1  }
0xda: {  	s2 =	simm.s32 $0x13680  }
0xdb: {  	[tilespmem:s2], [sflag:$0x5] =	stream.indirect_vreg.gather [hbm4b:s0+s4], $0x80, v6, vm0, $0xb8;
	[tilespmem:$0x19D00] =	vst v63  }
0xdc: {  	s5 =	simm.s32 $0x13E80  }
0xdd: {  	[tilespmem:s5], [sflag:$0x5] =	stream.indirect_vreg.gather [hbm4b:s0+s4], $0x80, v5, vm0, $0xb8;
	[tilespmem:$0x19D00] =	vst v63  }
0xde: {  	v5 =	vld [tilespmem:$0x640];
	_ =	sdelay $0x4  }
0xdf: {  	v6 =	vshll.u32 v5, $0x1  }
0xe0: {  	v5 =	vand.u32 $0x7, v5;
	v6 =	vand.u32 $0xFFFFFFF0, v6  }
0xe1: {  	v5 =	vor.u32 v5, v6  }
0xe2: {  	v6 =	vperm.xlane v5, v63;
	_ =	sdelay $0x1  }
0xe3: {  	v5 =	vperm.xlane v5, v0;
	v6 =	vadd.s32 v1, v6;
	_ =	sdelay $0x1  }
0xe4: {  	v5 =	vadd.s32 v1, v5;
	_ =	sdelay $0x1  }
0xe5: {  	s6 =	simm.s32 $0x14680  }
0xe6: {  	[tilespmem:s6], [sflag:$0x5] =	stream.indirect_vreg.gather [hbm4b:s0+s4], $0x80, v6, vm0, $0xb8;
	[tilespmem:$0x19D00] =	vst v63  }
0xe7: {  	s7 =	simm.s32 $0x14E80  }
0xe8: {  	[tilespmem:s7], [sflag:$0x5] =	stream.indirect_vreg.gather [hbm4b:s0+s4], $0x80, v5, vm0, $0xb8;
	[tilespmem:$0x19D00] =	vst v63  }
0xe9: {  	v5 =	vld [tilespmem:$0x650];
	_ =	sdelay $0x4  }
0xea: {  	v6 =	vshll.u32 v5, $0x1  }
0xeb: {  	v5 =	vand.u32 $0x7, v5;
	v6 =	vand.u32 $0xFFFFFFF0, v6  }
0xec: {  	v5 =	vor.u32 v5, v6  }
0xed: {  	v6 =	vperm.xlane v5, v63;
	_ =	sdelay $0x1  }
0xee: {  	v5 =	vperm.xlane v5, v0;
	v6 =	vadd.s32 v1, v6;
	_ =	sdelay $0x1  }
0xef: {  	v5 =	vadd.s32 v1, v5;
	_ =	sdelay $0x1  }
0xf0: {  	s8 =	simm.s32 $0x15680  }
0xf1: {  	[tilespmem:s8], [sflag:$0x5] =	stream.indirect_vreg.gather [hbm4b:s0+s4], $0x80, v6, vm0, $0xb8;
	[tilespmem:$0x19D00] =	vst v63  }
0xf2: {  	s2 =	simm.s32 $0x15E80  }
0xf3: {  	[tilespmem:s2], [sflag:$0x5] =	stream.indirect_vreg.gather [hbm4b:s0+s4], $0x80, v5, vm0, $0xb8;
	[tilespmem:$0x19D00] =	vst v63  }
0xf4: {  	v5 =	vld [tilespmem:$0x660];
	_ =	sdelay $0x4  }
0xf5: {  	v6 =	vshll.u32 v5, $0x1  }
0xf6: {  	v5 =	vand.u32 $0x7, v5;
	v6 =	vand.u32 $0xFFFFFFF0, v6  }
0xf7: {  	v5 =	vor.u32 v5, v6  }
0xf8: {  	v6 =	vperm.xlane v5, v63;
	_ =	sdelay $0x1  }
0xf9: {  	v5 =	vperm.xlane v5, v0;
	v6 =	vadd.s32 v1, v6;
	_ =	sdelay $0x1  }
0xfa: {  	v5 =	vadd.s32 v1, v5;
	_ =	sdelay $0x1  }
0xfb: {  	s5 =	simm.s32 $0x16680  }
0xfc: {  	[tilespmem:s5], [sflag:$0x5] =	stream.indirect_vreg.gather [hbm4b:s0+s4], $0x80, v6, vm0, $0xb8;
	[tilespmem:$0x19D00] =	vst v63  }
0xfd: {  	s6 =	simm.s32 $0x16E80  }
0xfe: {  	[tilespmem:s6], [sflag:$0x5] =	stream.indirect_vreg.gather [hbm4b:s0+s4], $0x80, v5, vm0, $0xb8;
	[tilespmem:$0x19D00] =	vst v63  }
0xff: {  	v5 =	vld [tilespmem:$0x670];
	_ =	sdelay $0x4  }
0x100: {  	v6 =	vshll.u32 v5, $0x1  }
0x101: {  	v5 =	vand.u32 $0x7, v5;
	v6 =	vand.u32 $0xFFFFFFF0, v6  }
0x102: {  	v5 =	vor.u32 v5, v6  }
0x103: {  	v6 =	vperm.xlane v5, v63;
	_ =	sdelay $0x1  }
0x104: {  	v5 =	vperm.xlane v5, v0;
	v6 =	vadd.s32 v1, v6;
	_ =	sdelay $0x1  }
0x105: {  	v5 =	vadd.s32 v1, v5;
	_ =	sdelay $0x1  }
0x106: {  	s7 =	simm.s32 $0x17680  }
0x107: {  	[tilespmem:s7], [sflag:$0x5] =	stream.indirect_vreg.gather [hbm4b:s0+s4], $0x80, v6, vm0, $0xb8;
	[tilespmem:$0x19D00] =	vst v63  }
0x108: {  	s8 =	simm.s32 $0x17E80  }
0x109: {  	[tilespmem:s8], [sflag:$0x5] =	stream.indirect_vreg.gather [hbm4b:s0+s4], $0x80, v5, vm0, $0xb8;
	[tilespmem:$0x19D00] =	vst v63  }
0x10a: {  	_ =	swait.ge [sflag:s31], $0x200  }
0x10b: {  	[sflag:s31] =	ssyncset.done $0x0  }
0x10c: {  	s5 =	simm.s32 $0x0;
	[sflag:s31] =	ssyncadd.s32 $0xFFFFFE00  }
0x10d: {  	v5 =	vld [tilespmem:s5+$0x200]  }
0x10e: {  	v6 =	vld [tilespmem:s5+$0x210];
	_ =	sdelay $0x3  }
0x10f: {  	v5 =	vmul.f32 $3.999999910e-02, v5  }
0x110: {  	v6 =	vmul.f32 $3.999999910e-02, v6  }
0x111: {  	v7 =	vand.u32 $0x7FFFFFFF, v5  }
0x112: {  	v9 =	vand.u32 $0x7FFFFFFF, v6;
	v8 =	vmul.f32 v7, v2  }
0x113: {  	v10 =	vmul.f32 v9, v2  }
0x114: {  	v8 =	vfloor.f32 v8  }
0x115: {  	v10 =	vfloor.f32 v10;
	v8 =	vmul.f32 $6.283185480e+00, v8  }
0x116: {  	v10 =	vmul.f32 $6.283185480e+00, v10  }
0x117: {  	v7 =	vsub.f32 v7, v8  }
0x118: {  	v8 =	vsub.f32 v9, v10  }
0x119: {  	vm1 =	veq.f32 v7, $6.283185480e+00  }
0x11a: {  	v7 =	vsel vm1, $0x0, v7;
	vm1 =	veq.f32 v8, $6.283185480e+00  }
0x11b: {  	v5 =	vand.u32 $0x80000000, v5;
	v7 =	vand.u32 $0x7FFFFFFF, v7;
	v8 =	vsel vm1, $0x0, v8  }
0x11c: {  	v6 =	vand.u32 $0x80000000, v6;
	v5 =	vor.u32 v5, v7;
	v7 =	vand.u32 $0x7FFFFFFF, v8  }
0x11d: {  	v8 =	vadd.f32 $6.283185480e+00, v5;
	v6 =	vor.u32 v6, v7  }
0x11e: {  	vm1 =	vlt.f32 v5, $0.0e+00;
	v7 =	vadd.f32 $6.283185480e+00, v6  }
0x11f: {  	vm2 =	vlt.f32 v6, $0.0e+00;
	v5 =	vsel vm1, v8, v5  }
0x120: {  	v5 =	vadd.f32 $-3.141592740e+00, v5;
	v6 =	vsel vm2, v7, v6  }
0x121: {  	v6 =	vadd.f32 $-3.141592740e+00, v6  }
0x122: {  	v7 =	vmul.f32 v5, v5  }
0x123: {  	v8 =	vmul.f32 v6, v6  }
0x124: {  	v57 =	vmul.f32 $2.498001810e-15, v7;
	v58 =	vmul.f32 $2.220446050e-16, v7  }
0x125: {  	v11 =	vmul.f32 $2.220446050e-16, v8;
	v12 =	vmul.f32 $2.498001810e-15, v8  }
0x126: {  	v9 =	vadd.f32 $-7.583586530e-13, v57;
	v10 =	vsub.f32 $5.262457140e-14, v58  }
0x127: {  	v11 =	vsub.f32 $5.262457140e-14, v11;
	v12 =	vadd.f32 $-7.583586530e-13, v12  }
0x128: {  	v9 =	vmul.f32 v9, v7;
	v10 =	vmul.f32 v10, v7  }
0x129: {  	v11 =	vmul.f32 v11, v8;
	v12 =	vmul.f32 v12, v8  }
0x12a: {  	v9 =	vadd.f32 $1.605426350e-10, v9;
	v10 =	vadd.f32 $-1.161400490e-11, v10  }
0x12b: {  	v11 =	vadd.f32 $-1.161400490e-11, v11;
	v12 =	vadd.f32 $1.605426350e-10, v12  }
0x12c: {  	v9 =	vmul.f32 v9, v7;
	v10 =	vmul.f32 v10, v7  }
0x12d: {  	v11 =	vmul.f32 v11, v8;
	v12 =	vmul.f32 v12, v8  }
0x12e: {  	v9 =	vadd.f32 $-2.505207240e-08, v9;
	v10 =	vadd.f32 $2.089865390e-09, v10  }
0x12f: {  	v11 =	vadd.f32 $2.089865390e-09, v11;
	v12 =	vadd.f32 $-2.505207240e-08, v12  }
0x130: {  	v9 =	vmul.f32 v9, v7;
	v10 =	vmul.f32 v10, v7  }
0x131: {  	v11 =	vmul.f32 v11, v8;
	v12 =	vmul.f32 v12, v8  }
0x132: {  	v9 =	vadd.f32 $2.755733250e-06, v9;
	v10 =	vadd.f32 $-2.756005130e-07, v10  }
0x133: {  	v11 =	vadd.f32 $-2.756005130e-07, v11;
	v12 =	vadd.f32 $2.755733250e-06, v12  }
0x134: {  	v9 =	vmul.f32 v9, v7;
	v10 =	vmul.f32 v10, v7  }
0x135: {  	v11 =	vmul.f32 v11, v8;
	v12 =	vmul.f32 v12, v8  }
0x136: {  	v9 =	vadd.f32 $-1.984127010e-04, v9;
	v10 =	vadd.f32 $2.480187320e-05, v10  }
0x137: {  	v11 =	vadd.f32 $2.480187320e-05, v11;
	v12 =	vadd.f32 $-1.984127010e-04, v12  }
0x138: {  	v9 =	vmul.f32 v9, v7;
	v10 =	vmul.f32 v10, v7  }
0x139: {  	v11 =	vmul.f32 v11, v8;
	v12 =	vmul.f32 v12, v8  }
0x13a: {  	v9 =	vadd.f32 $8.333333770e-03, v9;
	v10 =	vadd.f32 $-1.388890550e-03, v10  }
0x13b: {  	v11 =	vadd.f32 $-1.388890550e-03, v11;
	v12 =	vadd.f32 $8.333333770e-03, v12  }
0x13c: {  	v9 =	vmul.f32 v9, v7;
	v10 =	vmul.f32 v10, v7  }
0x13d: {  	v11 =	vmul.f32 v11, v8;
	v12 =	vmul.f32 v12, v8  }
0x13e: {  	v9 =	vadd.f32 $-1.666666720e-01, v9;
	v10 =	vadd.f32 $4.166667160e-02, v10  }
0x13f: {  	v11 =	vadd.f32 $4.166667160e-02, v11;
	v12 =	vadd.f32 $-1.666666720e-01, v12  }
0x140: {  	v9 =	vmul.f32 v9, v7;
	v10 =	vmul.f32 v10, v7  }
0x141: {  	v13 =	vld [tilespmem:s5+$0x0];
	v11 =	vmul.f32 v11, v8;
	v12 =	vmul.f32 v12, v8  }
0x142: {  	v14 =	vld [tilespmem:s5+$0x10];
	v9 =	vadd.f32 $1.000000000e+00, v9;
	v10 =	vadd.f32 $-5.000000000e-01, v10  }
0x143: {  	v11 =	vadd.f32 $-5.000000000e-01, v11;
	v12 =	vadd.f32 $1.000000000e+00, v12  }
0x144: {  	v5 =	vmul.f32 v9, v5;
	v7 =	vmul.f32 v10, v7  }
0x145: {  	v8 =	vmul.f32 v11, v8;
	v6 =	vmul.f32 v12, v6  }
0x146: {  	v59 =	vmul.f32 $6.250000000e-02, v13;
	v5 =	vsub.f32 $0.0e+00, v5;
	v7 =	vadd.f32 $1.000000000e+00, v7  }
0x147: {  	v60 =	vmul.f32 $6.250000000e-02, v14;
	v8 =	vadd.f32 $1.000000000e+00, v8;
	v6 =	vsub.f32 $0.0e+00, v6  }
0x148: {  	v5 =	vmul.f32 v5, v59;
	v61 =	vsub.f32 $0.0e+00, v7  }
0x149: {  	v8 =	vsub.f32 $0.0e+00, v8;
	v62 =	vmul.f32 v6, v60  }
0x14a: {  	s2 =	simm.s32 $0x20;
	[tilespmem:s5+$0x200] =	vst v5;
	v6 =	vmul.f32 v61, v59  }
0x14b: {  	s6 =	simm.s32 $0x100;
	v7 =	vld [tilespmem:s2+$0x200];
	v5 =	vmul.f32 v8, v60;
	[tilespmem:s5+$0x210] =	vst v62  }
.LBB2_2:
0x14c: {  	p1 =	sne.s32 s6, $0x780;
	v8 =	vld [tilespmem:s2+$0x210];
	[tilespmem:s5+$0x0] =	vst v6;
	s1 =	smov.u32 s6;
	s6 =	sadd.s32 $0x80, s6  }
0x14d: {  	[tilespmem:s5+$0x10] =	vst v5;
	s5 =	smov.u32 s2;
	_ =	sdelay $0x2  }
0x14e: {  	v5 =	vmul.f32 $3.999999910e-02, v7  }
0x14f: {  	v6 =	vmul.f32 $3.999999910e-02, v8  }
0x150: {  	v7 =	vand.u32 $0x7FFFFFFF, v5  }
0x151: {  	v8 =	vmul.f32 v7, v2;
	v9 =	vand.u32 $0x7FFFFFFF, v6  }
0x152: {  	v10 =	vmul.f32 v9, v2  }
0x153: {  	v8 =	vfloor.f32 v8  }
0x154: {  	v8 =	vmul.f32 $6.283185480e+00, v8;
	v10 =	vfloor.f32 v10  }
0x155: {  	v10 =	vmul.f32 $6.283185480e+00, v10  }
0x156: {  	v7 =	vsub.f32 v7, v8  }
0x157: {  	v8 =	vsub.f32 v9, v10  }
0x158: {  	vm1 =	veq.f32 v7, $6.283185480e+00  }
0x159: {  	v5 =	vand.u32 $0x80000000, v5;
	v7 =	vsel vm1, $0x0, v7;
	vm1 =	veq.f32 v8, $6.283185480e+00  }
0x15a: {  	v6 =	vand.u32 $0x80000000, v6;
	v7 =	vand.u32 $0x7FFFFFFF, v7;
	v8 =	vsel vm1, $0x0, v8  }
0x15b: {  	v5 =	vor.u32 v5, v7;
	v7 =	vand.u32 $0x7FFFFFFF, v8  }
0x15c: {  	v8 =	vadd.f32 $6.283185480e+00, v5;
	v6 =	vor.u32 v6, v7  }
0x15d: {  	vm1 =	vlt.f32 v5, $0.0e+00;
	vm2 =	vlt.f32 v6, $0.0e+00;
	v7 =	vadd.f32 $6.283185480e+00, v6  }
0x15e: {  	v5 =	vsel vm1, v8, v5  }
0x15f: {  	v5 =	vadd.f32 $-3.141592740e+00, v5;
	v6 =	vsel vm2, v7, v6  }
0x160: {  	v6 =	vadd.f32 $-3.141592740e+00, v6  }
0x161: {  	v7 =	vmul.f32 v5, v5  }
0x162: {  	v8 =	vmul.f32 v6, v6  }
0x163: {  	v9 =	vmul.f32 $2.498001810e-15, v7;
	v10 =	vmul.f32 $2.220446050e-16, v7  }
0x164: {  	v11 =	vmul.f32 $2.498001810e-15, v8;
	v12 =	vmul.f32 $2.220446050e-16, v8  }
0x165: {  	v9 =	vadd.f32 $-7.583586530e-13, v9;
	v10 =	vsub.f32 $5.262457140e-14, v10  }
0x166: {  	v11 =	vadd.f32 $-7.583586530e-13, v11;
	v12 =	vsub.f32 $5.262457140e-14, v12  }
0x167: {  	v9 =	vmul.f32 v9, v7;
	v10 =	vmul.f32 v10, v7  }
0x168: {  	v11 =	vmul.f32 v11, v8;
	v12 =	vmul.f32 v12, v8  }
0x169: {  	v9 =	vadd.f32 $1.605426350e-10, v9;
	v10 =	vadd.f32 $-1.161400490e-11, v10  }
0x16a: {  	v11 =	vadd.f32 $1.605426350e-10, v11;
	v12 =	vadd.f32 $-1.161400490e-11, v12  }
0x16b: {  	v9 =	vmul.f32 v9, v7;
	v10 =	vmul.f32 v10, v7  }
0x16c: {  	v11 =	vmul.f32 v11, v8;
	v12 =	vmul.f32 v12, v8  }
0x16d: {  	v9 =	vadd.f32 $-2.505207240e-08, v9;
	v10 =	vadd.f32 $2.089865390e-09, v10  }
0x16e: {  	v11 =	vadd.f32 $-2.505207240e-08, v11;
	v12 =	vadd.f32 $2.089865390e-09, v12  }
0x16f: {  	v9 =	vmul.f32 v9, v7;
	v10 =	vmul.f32 v10, v7  }
0x170: {  	v11 =	vmul.f32 v11, v8;
	v12 =	vmul.f32 v12, v8  }
0x171: {  	v9 =	vadd.f32 $2.755733250e-06, v9;
	v10 =	vadd.f32 $-2.756005130e-07, v10  }
0x172: {  	v11 =	vadd.f32 $2.755733250e-06, v11;
	v12 =	vadd.f32 $-2.756005130e-07, v12  }
0x173: {  	v9 =	vmul.f32 v9, v7;
	v10 =	vmul.f32 v10, v7  }
0x174: {  	v11 =	vmul.f32 v11, v8;
	v12 =	vmul.f32 v12, v8  }
0x175: {  	v9 =	vadd.f32 $-1.984127010e-04, v9;
	v10 =	vadd.f32 $2.480187320e-05, v10  }
0x176: {  	v11 =	vadd.f32 $-1.984127010e-04, v11;
	v12 =	vadd.f32 $2.480187320e-05, v12  }
0x177: {  	v9 =	vmul.f32 v9, v7;
	v10 =	vmul.f32 v10, v7  }
0x178: {  	v11 =	vmul.f32 v11, v8;
	v12 =	vmul.f32 v12, v8  }
0x179: {  	v9 =	vadd.f32 $8.333333770e-03, v9;
	v10 =	vadd.f32 $-1.388890550e-03, v10  }
0x17a: {  	v11 =	vadd.f32 $8.333333770e-03, v11;
	v12 =	vadd.f32 $-1.388890550e-03, v12  }
0x17b: {  	v9 =	vmul.f32 v9, v7;
	v10 =	vmul.f32 v10, v7  }
0x17c: {  	v11 =	vmul.f32 v11, v8;
	v12 =	vmul.f32 v12, v8  }
0x17d: {  	v9 =	vadd.f32 $-1.666666720e-01, v9;
	v10 =	vadd.f32 $4.166667160e-02, v10  }
0x17e: {  	v11 =	vadd.f32 $-1.666666720e-01, v11;
	v12 =	vadd.f32 $4.166667160e-02, v12  }
0x17f: {  	v13 =	vld [tilespmem:s5+$0x0];
	v9 =	vmul.f32 v9, v7;
	v10 =	vmul.f32 v10, v7  }
0x180: {  	v14 =	vld [tilespmem:s5+$0x10];
	v11 =	vmul.f32 v11, v8;
	v12 =	vmul.f32 v12, v8  }
0x181: {  	v9 =	vadd.f32 $1.000000000e+00, v9;
	v10 =	vadd.f32 $-5.000000000e-01, v10  }
0x182: {  	v11 =	vadd.f32 $1.000000000e+00, v11;
	v12 =	vadd.f32 $-5.000000000e-01, v12  }
0x183: {  	v7 =	vmul.f32 v10, v7;
	v5 =	vmul.f32 v9, v5  }
0x184: {  	v8 =	vmul.f32 v12, v8;
	v6 =	vmul.f32 v11, v6  }
0x185: {  	v9 =	vmul.f32 $6.250000000e-02, v13;
	v7 =	vadd.f32 $1.000000000e+00, v7;
	v5 =	vsub.f32 $0.0e+00, v5  }
.Ltmp0:
0x186: {  	v10 =	vmul.f32 $6.250000000e-02, v14;
	v8 =	vadd.f32 $1.000000000e+00, v8;
	v6 =	vsub.f32 $0.0e+00, v6;
	(pc) =	sbr.rel @p1 .LBB2_2-.Ltmp0, $4  }
0x187: {  	v7 =	vsub.f32 $0.0e+00, v7;
	v5 =	vmul.f32 v5, v9  }
0x188: {  	v8 =	vsub.f32 $0.0e+00, v8;
	v11 =	vmul.f32 v6, v10  }
0x189: {  	s2 =	sshra.s32 s1, $0x2;
	v6 =	vmul.f32 v7, v9;
	[tilespmem:s5+$0x200] =	vst v5  }
0x18a: {  	v7 =	vld [tilespmem:s2+$0x200];
	v5 =	vmul.f32 v8, v10;
	[tilespmem:s5+$0x210] =	vst v11  }
0x18b: {  	v8 =	vld [tilespmem:s2+$0x210];
	_ =	sdelay $0x3  }
0x18c: {  	v7 =	vmul.f32 $3.999999910e-02, v7  }
0x18d: {  	v8 =	vmul.f32 $3.999999910e-02, v8  }
0x18e: {  	v9 =	vand.u32 $0x7FFFFFFF, v7  }
0x18f: {  	v10 =	vmul.f32 v9, v2;
	v11 =	vand.u32 $0x7FFFFFFF, v8  }
0x190: {  	v12 =	vmul.f32 v11, v2  }
0x191: {  	v10 =	vfloor.f32 v10  }
0x192: {  	v10 =	vmul.f32 $6.283185480e+00, v10;
	v12 =	vfloor.f32 v12  }
0x193: {  	v12 =	vmul.f32 $6.283185480e+00, v12  }
0x194: {  	v9 =	vsub.f32 v9, v10  }
0x195: {  	v10 =	vsub.f32 v11, v12  }
0x196: {  	vm1 =	veq.f32 v9, $6.283185480e+00  }
0x197: {  	v9 =	vsel vm1, $0x0, v9;
	vm1 =	veq.f32 v10, $6.283185480e+00  }
0x198: {  	v7 =	vand.u32 $0x80000000, v7;
	v9 =	vand.u32 $0x7FFFFFFF, v9;
	v10 =	vsel vm1, $0x0, v10  }
0x199: {  	v8 =	vand.u32 $0x80000000, v8;
	v7 =	vor.u32 v7, v9;
	v9 =	vand.u32 $0x7FFFFFFF, v10  }
0x19a: {  	v10 =	vadd.f32 $6.283185480e+00, v7;
	v8 =	vor.u32 v8, v9  }
0x19b: {  	vm1 =	vlt.f32 v7, $0.0e+00;
	v9 =	vadd.f32 $6.283185480e+00, v8  }
0x19c: {  	vm2 =	vlt.f32 v8, $0.0e+00;
	v7 =	vsel vm1, v10, v7  }
0x19d: {  	v7 =	vadd.f32 $-3.141592740e+00, v7;
	v8 =	vsel vm2, v9, v8  }
0x19e: {  	v8 =	vadd.f32 $-3.141592740e+00, v8  }
0x19f: {  	v9 =	vmul.f32 v7, v7  }
0x1a0: {  	v10 =	vmul.f32 v8, v8  }
0x1a1: {  	v11 =	vmul.f32 $2.498001810e-15, v9;
	v12 =	vmul.f32 $2.220446050e-16, v9  }
0x1a2: {  	v13 =	vmul.f32 $2.498001810e-15, v10;
	v14 =	vmul.f32 $2.220446050e-16, v10  }
0x1a3: {  	v11 =	vadd.f32 $-7.583586530e-13, v11;
	v12 =	vsub.f32 $5.262457140e-14, v12  }
0x1a4: {  	v13 =	vadd.f32 $-7.583586530e-13, v13;
	v14 =	vsub.f32 $5.262457140e-14, v14  }
0x1a5: {  	v11 =	vmul.f32 v11, v9;
	v12 =	vmul.f32 v12, v9  }
0x1a6: {  	v13 =	vmul.f32 v13, v10;
	v14 =	vmul.f32 v14, v10  }
0x1a7: {  	v11 =	vadd.f32 $1.605426350e-10, v11;
	v12 =	vadd.f32 $-1.161400490e-11, v12  }
0x1a8: {  	v13 =	vadd.f32 $1.605426350e-10, v13;
	v14 =	vadd.f32 $-1.161400490e-11, v14  }
0x1a9: {  	v11 =	vmul.f32 v11, v9;
	v12 =	vmul.f32 v12, v9  }
0x1aa: {  	v13 =	vmul.f32 v13, v10;
	v14 =	vmul.f32 v14, v10  }
0x1ab: {  	v11 =	vadd.f32 $-2.505207240e-08, v11;
	v12 =	vadd.f32 $2.089865390e-09, v12  }
0x1ac: {  	v13 =	vadd.f32 $-2.505207240e-08, v13;
	v14 =	vadd.f32 $2.089865390e-09, v14  }
0x1ad: {  	v11 =	vmul.f32 v11, v9;
	v12 =	vmul.f32 v12, v9  }
0x1ae: {  	v13 =	vmul.f32 v13, v10;
	v14 =	vmul.f32 v14, v10  }
0x1af: {  	v11 =	vadd.f32 $2.755733250e-06, v11;
	v12 =	vadd.f32 $-2.756005130e-07, v12  }
0x1b0: {  	v13 =	vadd.f32 $2.755733250e-06, v13;
	v14 =	vadd.f32 $-2.756005130e-07, v14  }
0x1b1: {  	v11 =	vmul.f32 v11, v9;
	v12 =	vmul.f32 v12, v9  }
0x1b2: {  	v13 =	vmul.f32 v13, v10;
	v14 =	vmul.f32 v14, v10  }
0x1b3: {  	v11 =	vadd.f32 $-1.984127010e-04, v11;
	v12 =	vadd.f32 $2.480187320e-05, v12  }
0x1b4: {  	v13 =	vadd.f32 $-1.984127010e-04, v13;
	v14 =	vadd.f32 $2.480187320e-05, v14  }
0x1b5: {  	v11 =	vmul.f32 v11, v9;
	v12 =	vmul.f32 v12, v9  }
0x1b6: {  	v13 =	vmul.f32 v13, v10;
	v14 =	vmul.f32 v14, v10  }
0x1b7: {  	v11 =	vadd.f32 $8.333333770e-03, v11;
	v12 =	vadd.f32 $-1.388890550e-03, v12  }
0x1b8: {  	v13 =	vadd.f32 $8.333333770e-03, v13;
	v14 =	vadd.f32 $-1.388890550e-03, v14  }
0x1b9: {  	v11 =	vmul.f32 v11, v9;
	v12 =	vmul.f32 v12, v9  }
0x1ba: {  	v13 =	vmul.f32 v13, v10;
	v14 =	vmul.f32 v14, v10  }
0x1bb: {  	v11 =	vadd.f32 $-1.666666720e-01, v11;
	v12 =	vadd.f32 $4.166667160e-02, v12  }
0x1bc: {  	[tilespmem:s5+$0x0] =	vst v6;
	v6 =	vadd.f32 $-1.666666720e-01, v13;
	v13 =	vadd.f32 $4.166667160e-02, v14  }
0x1bd: {  	[tilespmem:s5+$0x10] =	vst v5;
	v5 =	vmul.f32 v11, v9;
	v11 =	vmul.f32 v12, v9  }
0x1be: {  	v12 =	vld [tilespmem:s2+$0x0];
	v6 =	vmul.f32 v6, v10;
	v13 =	vmul.f32 v13, v10  }
0x1bf: {  	v14 =	vld [tilespmem:s2+$0x10];
	v5 =	vadd.f32 $1.000000000e+00, v5;
	v11 =	vadd.f32 $-5.000000000e-01, v11  }
0x1c0: {  	v6 =	vadd.f32 $1.000000000e+00, v6;
	v13 =	vadd.f32 $-5.000000000e-01, v13  }
0x1c1: {  	v9 =	vmul.f32 v11, v9;
	v5 =	vmul.f32 v5, v7  }
0x1c2: {  	v7 =	vmul.f32 v13, v10;
	v6 =	vmul.f32 v6, v8  }
0x1c3: {  	v8 =	vmul.f32 $6.250000000e-02, v12;
	v9 =	vadd.f32 $1.000000000e+00, v9;
	v5 =	vsub.f32 $0.0e+00, v5  }
0x1c4: {  	v10 =	vmul.f32 $6.250000000e-02, v14;
	v7 =	vadd.f32 $1.000000000e+00, v7;
	v6 =	vsub.f32 $0.0e+00, v6  }
0x1c5: {  	v9 =	vsub.f32 $0.0e+00, v9;
	v5 =	vmul.f32 v5, v8  }
0x1c6: {  	v7 =	vsub.f32 $0.0e+00, v7;
	v6 =	vmul.f32 v6, v10  }
0x1c7: {  	v8 =	vmul.f32 v9, v8;
	[tilespmem:s2+$0x200] =	vst v5  }
0x1c8: {  	v5 =	vmul.f32 v7, v10;
	[tilespmem:s2+$0x210] =	vst v6  }
0x1c9: {  	[tilespmem:s2+$0x0] =	vst v8  }
0x1ca: {  	[tilespmem:s2+$0x10] =	vst v5  }
0x1cb: {  	v5 =	vld [tilespmem:$0x4C0];
	_ =	sdelay $0x3  }
0x1cc: {  	v1 =	vld [tilespmem:$0x1FFD0]  }
0x1cd: {  	v0 =	vld [tilespmem:$0x1FFE0];
	v6 =	vshll.u32 v5, $0x1  }
0x1ce: {  	v5 =	vand.u32 $0x7, v5;
	v6 =	vand.u32 $0xFFFFFFF0, v6  }
0x1cf: {  	v5 =	vor.u32 v5, v6  }
0x1d0: {  	v6 =	vperm.xlane v5, v63;
	_ =	sdelay $0x1  }
0x1d1: {  	v5 =	vperm.xlane v5, v0;
	v6 =	vadd.s32 v1, v6;
	_ =	sdelay $0x1  }
0x1d2: {  	v5 =	vadd.s32 v1, v5;
	_ =	sdelay $0x1  }
0x1d3: {  	s1 =	simm.s32 $0x0;
	s5 =	simm.s32 $0xC680  }
0x1d4: {  	[tilespmem:s5], [sflag:$0x4] =	stream.indirect_vreg.gather [hbm4b:s0+s1], $0x80, v6, vm0, $0xb8;
	[tilespmem:$0x19D00] =	vst v63  }
0x1d5: {  	s6 =	simm.s32 $0xCE80  }
0x1d6: {  	[tilespmem:s6], [sflag:$0x4] =	stream.indirect_vreg.gather [hbm4b:s0+s1], $0x80, v5, vm0, $0xb8;
	[tilespmem:$0x19D00] =	vst v63  }
0x1d7: {  	v5 =	vld [tilespmem:$0x4D0];
	_ =	sdelay $0x4  }
0x1d8: {  	v6 =	vshll.u32 v5, $0x1  }
0x1d9: {  	v5 =	vand.u32 $0x7, v5;
	v6 =	vand.u32 $0xFFFFFFF0, v6  }
0x1da: {  	v5 =	vor.u32 v5, v6  }
0x1db: {  	v6 =	vperm.xlane v5, v63;
	_ =	sdelay $0x1  }
0x1dc: {  	v5 =	vperm.xlane v5, v0;
	v6 =	vadd.s32 v1, v6;
	_ =	sdelay $0x1  }
0x1dd: {  	v5 =	vadd.s32 v1, v5;
	_ =	sdelay $0x1  }
0x1de: {  	s7 =	simm.s32 $0xD680  }
0x1df: {  	[tilespmem:s7], [sflag:$0x4] =	stream.indirect_vreg.gather [hbm4b:s0+s1], $0x80, v6, vm0, $0xb8;
	[tilespmem:$0x19D00] =	vst v63  }
0x1e0: {  	s8 =	simm.s32 $0xDE80  }
0x1e1: {  	[tilespmem:s8], [sflag:$0x4] =	stream.indirect_vreg.gather [hbm4b:s0+s1], $0x80, v5, vm0, $0xb8;
	[tilespmem:$0x19D00] =	vst v63  }
0x1e2: {  	v5 =	vld [tilespmem:$0x4E0];
	_ =	sdelay $0x4  }
0x1e3: {  	v6 =	vshll.u32 v5, $0x1  }
0x1e4: {  	v5 =	vand.u32 $0x7, v5;
	v6 =	vand.u32 $0xFFFFFFF0, v6  }
0x1e5: {  	v5 =	vor.u32 v5, v6  }
0x1e6: {  	v6 =	vperm.xlane v5, v63;
	_ =	sdelay $0x1  }
0x1e7: {  	v5 =	vperm.xlane v5, v0;
	v6 =	vadd.s32 v1, v6;
	_ =	sdelay $0x1  }
0x1e8: {  	v5 =	vadd.s32 v1, v5;
	_ =	sdelay $0x1  }
0x1e9: {  	s5 =	simm.s32 $0xE680  }
0x1ea: {  	[tilespmem:s5], [sflag:$0x4] =	stream.indirect_vreg.gather [hbm4b:s0+s1], $0x80, v6, vm0, $0xb8;
	[tilespmem:$0x19D00] =	vst v63  }
0x1eb: {  	_ = 	snop  }
0x1ec: {  	[tilespmem:s3], [sflag:$0x4] =	stream.indirect_vreg.gather [hbm4b:s0+s1], $0x80, v5, vm0, $0xb8;
	[tilespmem:$0x19D00] =	vst v63  }
0x1ed: {  	v5 =	vld [tilespmem:$0x4F0];
	_ =	sdelay $0x4  }
0x1ee: {  	v6 =	vshll.u32 v5, $0x1  }
0x1ef: {  	v5 =	vand.u32 $0x7, v5;
	v6 =	vand.u32 $0xFFFFFFF0, v6  }
0x1f0: {  	v5 =	vor.u32 v5, v6  }
0x1f1: {  	v6 =	vperm.xlane v5, v63;
	_ =	sdelay $0x1  }
0x1f2: {  	v5 =	vperm.xlane v5, v0;
	v6 =	vadd.s32 v1, v6;
	_ =	sdelay $0x1  }
0x1f3: {  	v5 =	vadd.s32 v1, v5;
	_ =	sdelay $0x2  }
0x1f4: {  	[tilespmem:s17], [sflag:$0x4] =	stream.indirect_vreg.gather [hbm4b:s0+s1], $0x80, v6, vm0, $0xb8;
	[tilespmem:$0x19D00] =	vst v63  }
0x1f5: {  	v6 =	vmov s1  }
0x1f6: {  	[tilespmem:s18], [sflag:$0x4] =	stream.indirect_vreg.gather [hbm4b:s0+s1], $0x80, v5, vm0, $0xb8;
	[tilespmem:$0x19D00] =	vst v63  }
0x1f7: {  	_ =	swait.ge [sflag:s15], $0x4000  }
0x1f8: {  	[sflag:s15] =	ssyncset.done $0x0  }
0x1f9: {  	s6 =	sand.u32 $0x3800, s1;
	s1 =	sand.u32 $0x380, s1;
	[sflag:s15] =	ssyncadd.s32 $0xFFFFC000  }
0x1fa: {  	s1 =	sor.u32 s1, s6;
	v14 =	vld.idx.msk [tilespmem:v6+s4+$0x0], $0xffff  }
0x1fb: {  	v5 =	vld [tilespmem:s1+$0xAC0]  }
0x1fc: {  	v9 =	vld [tilespmem:s1+$0xAB0]  }
0x1fd: {  	v39 =	vld [tilespmem:s1+$0xAE0]  }
0x1fe: {  	v31 =	vld [tilespmem:s1+$0xAD0]  }
0x1ff: {  	v8 =	vld [tilespmem:s1+$0x6B0]  }
0x200: {  	v7 =	vld [tilespmem:s1+$0x690]  }
0x201: {  	v33 =	vld.idx.msk [tilespmem:v6+s14+$0x0], $0xffff  }
0x202: {  	v6 =	vld [tilespmem:s1+$0xAA0]  }
0x203: {  	v19 =	vld [tilespmem:s1+$0xA80]  }
0x204: {  	v23 =	vld [tilespmem:s1+$0x6A0];
	v10 =	vmul.f32 v39, v14  }
0x205: {  	v34 =	vld [tilespmem:s1+$0x6F0];
	v13 =	vmul.f32 v9, v14;
	v16 =	vmul.f32 v7, v14  }
0x206: {  	v47 =	vld [tilespmem:s1+$0x6E0];
	v17 =	vmul.f32 v8, v14;
	v18 =	vmul.f32 v31, v14  }
0x207: {  	v41 =	vld [tilespmem:s1+$0xAF0];
	v21 =	vmul.f32 v6, v14;
	v35 =	vmul.f32 v5, v33  }
0x208: {  	v15 =	vld [tilespmem:s1+$0x680];
	v5 =	vmul.f32 v5, v14;
	v7 =	vmul.f32 v7, v33  }
0x209: {  	v32 =	vimm.f32 $0.0e+00;
	v22 =	vmul.f32 v19, v14;
	v30 =	vmul.f32 v23, v33  }
0x20a: {  	v46 =	vimm.f32 $0.0e+00;
	v37 =	vmul.f32 v34, v14;
	v19 =	vmul.f32 v19, v33  }
0x20b: {  	v45 =	vimm.f32 $0.0e+00;
	v12 =	vld [tilespmem:s1+$0xA90];
	v42 =	vmul.f32 v9, v33;
	v9 =	vmul.f32 v47, v14  }
0x20c: {  	v44 =	vimm.f32 $0.0e+00;
	s7 =	simm.s32 $0x1;
	v11 =	vld [tilespmem:s1+$0x6C0];
	v62 =	vmul.f32 v23, v14;
	v43 =	vmul.f32 v41, v14  }
0x20d: {  	v40 =	vmov s7;
	v50 =	vmul.f32 v34, v33;
	v52 =	vmul.f32 v15, v14  }
0x20e: {  	v53 =	vmul.f32 v39, v33;
	v20 =	vadd.f32 v10, v32;
	v25 =	vadd.f32 v13, v32  }
0x20f: {  	v10 =	vmul.f32 v15, v33;
	v26 =	vadd.f32 v17, v32;
	v27 =	vadd.f32 v18, v32  }
0x210: {  	v13 =	vmul.f32 v12, v14;
	v18 =	vld [tilespmem:s1+$0x6D0];
	v28 =	vadd.f32 v16, v32;
	v19 =	vadd.f32 v19, v32  }
0x211: {  	s2 =	simm.s32 $0x80;
	s5 =	simm.s32 $0x100;
	v17 =	vmul.f32 v11, v14;
	v23 =	vadd.f32 v9, v32;
	v9 =	vadd.f32 v62, v32  }
0x212: {  	s8 =	sand.u32 $0x3800, s5;
	s6 =	sand.u32 $0x380, s2;
	v11 =	vmul.f32 v11, v33;
	v15 =	vadd.f32 v43, v32;
	v29 =	vadd.f32 v10, v32  }
0x213: {  	v51 =	vmul.f32 v41, v33;
	v39 =	vld.idx.msk [tilespmem:v40+s14+$0x0], $0xffff;
	s1 =	sor.u32 s6, s8;
	v24 =	vadd.f32 v17, v32;
	v10 =	vadd.f32 v21, v32  }
0x214: {  	v41 =	vimm.f32 $0.0e+00;
	v36 =	vld [tilespmem:s1+$0xAC0];
	v21 =	vadd.f32 v11, v32;
	v16 =	vadd.f32 v13, v32  }
0x215: {  	v38 =	vld [tilespmem:s1+$0xAE0];
	v17 =	vadd.f32 v7, v32;
	v49 =	vmul.f32 v18, v33;
	v18 =	vmul.f32 v18, v14  }
0x216: {  	v34 =	vld [tilespmem:s1+$0x6B0];
	v13 =	vmul.f32 v6, v33;
	v6 =	vadd.f32 v30, v32;
	v7 =	vadd.f32 v22, v32  }
0x217: {  	v30 =	vmul.f32 v8, v33;
	v22 =	vadd.f32 v18, v32;
	v18 =	vadd.f32 v37, v32;
	v37 =	vld [tilespmem:s1+$0xAD0]  }
0x218: {  	v11 =	vadd.f32 v5, v32;
	v5 =	vld.idx.msk [tilespmem:v40+s4+$0x0], $0xffff;
	v8 =	vadd.f32 v13, v32;
	v13 =	vmul.f32 v12, v33  }
0x219: {  	v43 =	vimm.f32 $0.0e+00;
	v40 =	vimm.f32 $0.0e+00;
	v12 =	vadd.f32 v30, v32;
	v30 =	vld [tilespmem:s1+$0xAB0]  }
0x21a: {  	s6 =	simm.s32 $0x2;
	v48 =	vld [tilespmem:s1+$0x690];
	v14 =	vadd.f32 v42, v32;
	v42 =	vimm.f32 $0.0e+00;
	v13 =	vadd.f32 v13, v32  }
.LBB2_4:
0x21b: {  	p1 =	sne.s32 s6, $0x3F;
	v54 =	vld [tilespmem:s1+$0x680];
	s2 =	sadd.s32 $0x80, s2;
	s5 =	sadd.s32 $0x100, s5;
	v32 =	vadd.f32 v49, v32;
	v46 =	vadd.f32 v35, v46;
	v35 =	vmul.f32 v31, v33;
	v55 =	vmovc v38  }
0x21c: {  	v45 =	vadd.f32 v52, v45;
	v33 =	vmul.f32 v47, v33;
	s7 =	smov.u32 s6;
	s6 =	sadd.s32 $0x1, s6;
	v38 =	vld [tilespmem:s1+$0xAA0];
	v42 =	vadd.f32 v53, v42;
	v31 =	vmovc v37  }
0x21d: {  	v41 =	vadd.f32 v50, v41;
	v47 =	vmul.f32 v55, v5;
	v44 =	vadd.f32 v51, v44;
	v37 =	vld [tilespmem:s1+$0xA90]  }
0x21e: {  	v50 =	vmul.f32 v30, v5;
	v43 =	vadd.f32 v33, v43;
	v40 =	vadd.f32 v35, v40;
	v49 =	vld [tilespmem:s1+$0x6C0]  }
0x21f: {  	v52 =	vmul.f32 v34, v5;
	v51 =	vmul.f32 v48, v5;
	v20 =	vadd.f32 v47, v20  }
0x220: {  	v47 =	vmul.f32 v31, v5;
	v33 =	vmov v39;
	v53 =	vld [tilespmem:s1+$0xA80];
	v56 =	vmul.f32 v54, v39  }
0x221: {  	v25 =	vadd.f32 v50, v25;
	v35 =	vmul.f32 v36, v33;
	v39 =	vld [tilespmem:s1+$0x6A0];
	v57 =	vmul.f32 v38, v5  }
0x222: {  	v26 =	vadd.f32 v52, v26;
	v27 =	vadd.f32 v47, v27;
	v50 =	vmul.f32 v37, v5  }
0x223: {  	v28 =	vadd.f32 v51, v28;
	v52 =	vld [tilespmem:s1+$0x6D0];
	v47 =	vmul.f32 v49, v5;
	v49 =	vmul.f32 v49, v33  }
0x224: {  	v51 =	vmov s7;
	v36 =	vmul.f32 v36, v5;
	v29 =	vadd.f32 v56, v29  }
0x225: {  	v48 =	vmul.f32 v48, v33;
	v10 =	vadd.f32 v57, v10;
	v56 =	vld [tilespmem:s1+$0x6F0];
	v24 =	vadd.f32 v47, v24  }
0x226: {  	v57 =	vmul.f32 v53, v5;
	v21 =	vadd.f32 v49, v21;
	v58 =	vmul.f32 v39, v33  }
0x227: {  	v38 =	vmul.f32 v38, v33;
	v17 =	vadd.f32 v48, v17;
	v16 =	vadd.f32 v50, v16;
	v47 =	vld [tilespmem:s1+$0x6E0]  }
0x228: {  	s8 =	sand.u32 $0x380, s2;
	s7 =	sand.u32 $0x3800, s5;
	v11 =	vadd.f32 v36, v11;
	v59 =	vld [tilespmem:s1+$0xAF0];
	v6 =	vadd.f32 v58, v6;
	v49 =	vmul.f32 v52, v33  }
0x229: {  	v34 =	vmul.f32 v34, v33;
	v7 =	vadd.f32 v57, v7;
	s1 =	sor.u32 s8, s7;
	v48 =	vmul.f32 v52, v5;
	v58 =	vld.idx.msk [tilespmem:v51+s4+$0x0], $0xffff  }
0x22a: {  	v8 =	vadd.f32 v38, v8;
	v52 =	vmul.f32 v53, v33;
	v36 =	vld [tilespmem:s1+$0xAC0];
	v50 =	vmul.f32 v56, v5  }
0x22b: {  	v53 =	vmul.f32 v30, v33;
	v22 =	vadd.f32 v48, v22;
	v48 =	vmul.f32 v37, v33;
	v30 =	vld [tilespmem:s1+$0xAB0]  }
.Ltmp1:
0x22c: {  	v12 =	vadd.f32 v34, v12;
	v38 =	vld [tilespmem:s1+$0xAE0];
	v57 =	vmul.f32 v47, v5;
	v18 =	vadd.f32 v50, v18;
	(pc) =	sbr.rel @p1 .LBB2_4-.Ltmp1, $4  }
0x22d: {  	v39 =	vmul.f32 v39, v5;
	v19 =	vadd.f32 v52, v19;
	v13 =	vadd.f32 v48, v13;
	v37 =	vld [tilespmem:s1+$0xAD0]  }
0x22e: {  	v50 =	vmul.f32 v56, v33;
	v34 =	vld [tilespmem:s1+$0x6B0];
	v23 =	vadd.f32 v57, v23;
	v57 =	vmul.f32 v59, v5  }
0x22f: {  	v9 =	vadd.f32 v39, v9;
	v52 =	vmul.f32 v54, v5;
	v14 =	vadd.f32 v53, v14;
	v5 =	vmovc v58;
	v48 =	vld [tilespmem:s1+$0x690]  }
0x230: {  	v53 =	vmul.f32 v55, v33;
	v39 =	vld.idx.msk [tilespmem:v51+s14+$0x0], $0xffff;
	v15 =	vadd.f32 v57, v15;
	v51 =	vmul.f32 v59, v33  }
0x231: {  	v54 =	vld [tilespmem:$0x500];
	_ =	sdelay $0x3  }
0x232: {  	v0 =	vld [tilespmem:$0x1FFD0]  }
0x233: {  	v3 =	vld [tilespmem:$0x1FFE0];
	v56 =	vshll.u32 v54, $0x1  }
0x234: {  	v1 =	vld [tilespmem:s1+$0x680];
	v54 =	vand.u32 $0x7, v54;
	v56 =	vand.u32 $0xFFFFFFF0, v56  }
0x235: {  	v57 =	vld [tilespmem:s1+$0xAA0];
	v54 =	vor.u32 v54, v56  }
0x236: {  	v55 =	vld [tilespmem:s1+$0x6E0];
	v59 =	vperm.xlane v54, v63  }
0x237: {  	v58 =	vld [tilespmem:s1+$0xA90]  }
0x238: {  	v60 =	vld [tilespmem:s1+$0xA80];
	v54 =	vperm.xlane v54, v3;
	v59 =	vadd.s32 v0, v59  }
0x239: {  	v61 =	vld [tilespmem:s1+$0x6A0]  }
0x23a: {  	v62 =	vld [tilespmem:s1+$0x6D0];
	v54 =	vadd.s32 v0, v54  }
0x23b: {  	[tilespmem:$0x1FFC0] =	vst v55;
	v55 =	vld [tilespmem:s1+$0xAF0]  }
0x23c: {  	s6 =	simm.s32 $0x0;
	v56 =	vld [tilespmem:s1+$0x6C0]  }
0x23d: {  	v4 =	vmov v63;
	v63 =	vld [tilespmem:s1+$0x6F0];
	[tilespmem:s9], [sflag:$0x1] =	stream.indirect_vreg.gather [hbm4b:s0+s6], $0x80, v59, vm0, $0xb8  }
0x23e: {  	_ = 	snop  }
0x23f: {  	[tilespmem:s13], [sflag:$0x1] =	stream.indirect_vreg.gather [hbm4b:s0+s6], $0x80, v54, vm0, $0xb8;
	[tilespmem:$0x19D00] =	vst v63  }
0x240: {  	v54 =	vld [tilespmem:$0x510];
	_ =	sdelay $0x4  }
0x241: {  	v59 =	vshll.u32 v54, $0x1  }
0x242: {  	v54 =	vand.u32 $0x7, v54;
	v59 =	vand.u32 $0xFFFFFFF0, v59  }
0x243: {  	v54 =	vor.u32 v54, v59  }
0x244: {  	v59 =	vperm.xlane v54, v4;
	_ =	sdelay $0x1  }
0x245: {  	v54 =	vperm.xlane v54, v3;
	v59 =	vadd.s32 v0, v59;
	_ =	sdelay $0x1  }
0x246: {  	v54 =	vadd.s32 v0, v54;
	_ =	sdelay $0x2  }
0x247: {  	[tilespmem:s22], [sflag:$0x1] =	stream.indirect_vreg.gather [hbm4b:s0+s6], $0x80, v59, vm0, $0xb8;
	[tilespmem:$0x19D00] =	vst v63  }
0x248: {  	_ = 	snop  }
0x249: {  	[tilespmem:s24], [sflag:$0x1] =	stream.indirect_vreg.gather [hbm4b:s0+s6], $0x80, v54, vm0, $0xb8;
	[tilespmem:$0x19D00] =	vst v63  }
0x24a: {  	v54 =	vld [tilespmem:$0x520];
	_ =	sdelay $0x4  }
0x24b: {  	v59 =	vshll.u32 v54, $0x1  }
0x24c: {  	v54 =	vand.u32 $0x7, v54;
	v59 =	vand.u32 $0xFFFFFFF0, v59  }
0x24d: {  	v54 =	vor.u32 v54, v59  }
0x24e: {  	v59 =	vperm.xlane v54, v4;
	_ =	sdelay $0x1  }
0x24f: {  	v54 =	vperm.xlane v54, v3;
	v59 =	vadd.s32 v0, v59;
	_ =	sdelay $0x1  }
0x250: {  	v54 =	vadd.s32 v0, v54;
	_ =	sdelay $0x1  }
0x251: {  	s2 =	simm.s32 $0x2680  }
0x252: {  	[tilespmem:s2], [sflag:$0x1] =	stream.indirect_vreg.gather [hbm4b:s0+s6], $0x80, v59, vm0, $0xb8;
	[tilespmem:$0x19D00] =	vst v63  }
0x253: {  	s7 =	simm.s32 $0x2E80  }
0x254: {  	[tilespmem:s7], [sflag:$0x1] =	stream.indirect_vreg.gather [hbm4b:s0+s6], $0x80, v54, vm0, $0xb8;
	[tilespmem:$0x19D00] =	vst v63  }
0x255: {  	v54 =	vld [tilespmem:$0x530];
	_ =	sdelay $0x1  }
0x256: {  	v32 =	vadd.f32 v49, v32  }
0x257: {  	v35 =	vadd.f32 v35, v46;
	v45 =	vadd.f32 v52, v45  }
0x258: {  	v31 =	vmul.f32 v31, v33;
	v41 =	vadd.f32 v50, v41;
	v52 =	vmul.f32 v38, v5  }
0x259: {  	v42 =	vadd.f32 v53, v42;
	v44 =	vadd.f32 v51, v44;
	v49 =	vshll.u32 v54, $0x1  }
0x25a: {  	v53 =	vmul.f32 v30, v5;
	v59 =	vand.u32 $0x7, v54;
	v49 =	vand.u32 $0xFFFFFFF0, v49  }
0x25b: {  	v20 =	vadd.f32 v52, v20;
	v52 =	vmul.f32 v48, v5;
	v46 =	vor.u32 v59, v49  }
0x25c: {  	v25 =	vadd.f32 v53, v25;
	v53 =	vmul.f32 v1, v39;
	v59 =	vperm.xlane v46, v4  }
0x25d: {  	v31 =	vadd.f32 v31, v40;
	v30 =	vmul.f32 v30, v39;
	v54 =	vmul.f32 v47, v33  }
0x25e: {  	v29 =	vadd.f32 v53, v29;
	v46 =	vperm.xlane v46, v3;
	v47 =	vadd.s32 v0, v59  }
0x25f: {  	v53 =	vmul.f32 v36, v5;
	v33 =	vadd.f32 v54, v43;
	v54 =	vmul.f32 v34, v5  }
0x260: {  	v49 =	vmul.f32 v57, v5;
	v43 =	vmul.f32 v60, v5;
	v40 =	vadd.s32 v0, v46  }
0x261: {  	v28 =	vadd.f32 v52, v28;
	v34 =	vmul.f32 v34, v39;
	v60 =	vmul.f32 v60, v39  }
0x262: {  	s8 =	simm.s32 $0x3680;
	s9 =	simm.s32 $0x40;
	v26 =	vadd.f32 v54, v26;
	v54 =	vmul.f32 v56, v5;
	v10 =	vadd.f32 v49, v10  }
0x263: {  	v50 =	vadd.f32 v43, v7;
	v7 =	vmul.f32 v63, v5;
	[tilespmem:s8], [sflag:$0x1] =	stream.indirect_vreg.gather [hbm4b:s0+s6], $0x80, v47, vm0, $0xb8;
	[tilespmem:$0x19D00] =	vst v63  }
0x264: {  	s13 =	simm.s32 $0x3E80;
	v59 =	vmul.f32 v37, v5;
	v51 =	vadd.f32 v54, v24;
	v24 =	vmov s9  }
0x265: {  	v34 =	vadd.f32 v34, v12;
	v46 =	vmul.f32 v58, v5;
	[tilespmem:s13], [sflag:$0x1] =	stream.indirect_vreg.gather [hbm4b:s0+s6], $0x80, v40, vm0, $0xb8;
	[tilespmem:$0x19D00] =	vst v63  }
0x266: {  	v54 =	vmul.f32 v48, v39;
	v27 =	vadd.f32 v59, v27;
	v59 =	vmul.f32 v56, v39;
	_ =	swait.ge [sflag:s16], $0x4000  }
0x267: {  	v56 =	vmul.f32 v61, v39;
	v16 =	vadd.f32 v46, v16;
	v46 =	vadd.f32 v53, v11;
	[sflag:s16] =	ssyncset.done $0x0  }
0x268: {  	s1 =	sand.u32 $0x380, s6;
	s22 =	sand.u32 $0x3800, s6;
	v12 =	vmul.f32 v63, v39;
	v17 =	vadd.f32 v54, v17;
	v21 =	vadd.f32 v59, v21;
	v4 =	vld [tilespmem:$0x1FFC0];
	[sflag:s16] =	ssyncadd.s32 $0xFFFFC000  }
0x269: {  	s1 =	sor.u32 s1, s22;
	v59 =	vmul.f32 v57, v39;
	v49 =	vadd.f32 v56, v6;
	v6 =	vmul.f32 v62, v5;
	v52 =	vld.idx.msk [tilespmem:v24+s4+$0x0], $0xffff  }
0x26a: {  	v56 =	vadd.f32 v7, v18;
	v7 =	vmul.f32 v61, v5;
	v61 =	vadd.f32 v30, v14;
	v48 =	vld [tilespmem:s1+$0x4AC0]  }
0x26b: {  	v14 =	vmul.f32 v37, v39;
	v47 =	vmul.f32 v36, v39;
	v53 =	vadd.f32 v59, v8;
	v54 =	vld [tilespmem:s1+$0x4AB0]  }
0x26c: {  	v22 =	vadd.f32 v6, v22;
	v8 =	vmul.f32 v58, v39;
	v58 =	vadd.f32 v60, v19;
	v57 =	vld [tilespmem:s1+$0x4AE0]  }
0x26d: {  	v3 =	vadd.f32 v7, v9;
	v7 =	vmul.f32 v38, v39;
	v14 =	vadd.f32 v14, v31;
	v60 =	vld [tilespmem:s1+$0x46B0]  }
0x26e: {  	v11 =	vmul.f32 v62, v39;
	v18 =	vadd.f32 v47, v35;
	v59 =	vadd.f32 v8, v13;
	v19 =	vld [tilespmem:s1+$0x4690]  }
0x26f: {  	v8 =	vmul.f32 v55, v5;
	v7 =	vadd.f32 v7, v42;
	v40 =	vld.idx.msk [tilespmem:v24+s14+$0x0], $0xffff;
	v62 =	vmul.f32 v4, v5  }
0x270: {  	v24 =	vadd.f32 v11, v32;
	v63 =	vld [tilespmem:s1+$0x4680];
	v5 =	vmul.f32 v1, v5;
	v1 =	vmul.f32 v55, v39  }
0x271: {  	v6 =	vld [tilespmem:s1+$0x4AD0];
	v0 =	vmul.f32 v4, v39;
	v23 =	vadd.f32 v62, v23;
	v62 =	vadd.f32 v8, v15  }
0x272: {  	v13 =	vadd.f32 v5, v45;
	v5 =	vld [tilespmem:s1+$0x4AA0];
	v9 =	vadd.f32 v1, v44  }
0x273: {  	v1 =	vld [tilespmem:s1+$0x4A90];
	v11 =	vadd.f32 v0, v33;
	v0 =	vmul.f32 v57, v52;
	v30 =	vmul.f32 v54, v52  }
0x274: {  	s24 =	simm.s32 $0x41;
	v8 =	vadd.f32 v12, v41;
	v12 =	vld [tilespmem:s1+$0x46C0];
	v31 =	vmul.f32 v19, v52;
	v45 =	vmul.f32 v60, v52  }
0x275: {  	v4 =	vmov s24;
	v47 =	vmul.f32 v63, v40;
	v41 =	vld [tilespmem:s1+$0x46A0];
	v43 =	vmul.f32 v48, v40  }
0x276: {  	v15 =	vadd.f32 v0, v20;
	v37 =	vadd.f32 v31, v28;
	v28 =	vmul.f32 v48, v52  }
0x277: {  	v0 =	vld [tilespmem:s1+$0x4A80];
	v20 =	vmul.f32 v6, v52;
	v35 =	vadd.f32 v30, v25;
	v36 =	vadd.f32 v45, v26  }
0x278: {  	v31 =	vld [tilespmem:s1+$0x46F0];
	v38 =	vadd.f32 v28, v46;
	v46 =	vmul.f32 v54, v40;
	v55 =	vmul.f32 v5, v52  }
0x279: {  	v39 =	vadd.f32 v47, v29;
	v48 =	vld [tilespmem:s1+$0x46E0];
	v25 =	vmul.f32 v1, v52;
	v26 =	vmul.f32 v12, v52  }
0x27a: {  	v32 =	vadd.f32 v20, v27;
	v20 =	vld [tilespmem:s1+$0x46D0];
	v27 =	vmul.f32 v12, v40;
	v30 =	vmul.f32 v41, v40  }
0x27b: {  	s5 =	simm.s32 $0x100;
	s2 =	simm.s32 $0x80;
	v1 =	vmul.f32 v1, v40;
	v33 =	vadd.f32 v26, v51;
	v12 =	vadd.f32 v55, v10  }
0x27c: {  	s7 =	sand.u32 $0x380, s2;
	s6 =	sand.u32 $0x3800, s5;
	v10 =	vmul.f32 v19, v40;
	v29 =	vmul.f32 v0, v52;
	v25 =	vadd.f32 v25, v16  }
0x27d: {  	v51 =	vld [tilespmem:s1+$0x4AF0];
	v16 =	vadd.f32 v30, v49;
	s1 =	sor.u32 s7, s6;
	v28 =	vmul.f32 v31, v52;
	v0 =	vmul.f32 v0, v40  }
0x27e: {  	v30 =	vmul.f32 v48, v52;
	v42 =	vld [tilespmem:s1+$0x4AC0];
	v26 =	vadd.f32 v10, v17;
	v10 =	vmul.f32 v5, v40  }
0x27f: {  	v19 =	vadd.f32 v27, v21;
	v45 =	vld [tilespmem:s1+$0x4AE0];
	v49 =	vmul.f32 v20, v40;
	v21 =	vmul.f32 v20, v52  }
0x280: {  	v44 =	vld [tilespmem:s1+$0x4AD0];
	v17 =	vadd.f32 v29, v50;
	v29 =	vmul.f32 v60, v40;
	v28 =	vadd.f32 v28, v56  }
0x281: {  	v47 =	vld [tilespmem:s1+$0x4690];
	v60 =	vmul.f32 v41, v52;
	v30 =	vadd.f32 v30, v23;
	v23 =	vadd.f32 v46, v61  }
0x282: {  	v5 =	vld.idx.msk [tilespmem:v4+s4+$0x0], $0xffff;
	v50 =	vmul.f32 v31, v40;
	v20 =	vadd.f32 v10, v53;
	v27 =	vadd.f32 v21, v22  }
0x283: {  	v41 =	vld [tilespmem:s1+$0x46B0];
	v21 =	vadd.f32 v29, v34;
	v29 =	vadd.f32 v0, v58;
	v0 =	vmul.f32 v51, v52  }
0x284: {  	v10 =	vld [tilespmem:s1+$0x4AB0];
	v22 =	vadd.f32 v1, v59;
	v31 =	vadd.f32 v60, v3;
	v53 =	vmul.f32 v57, v40  }
0x285: {  	s6 =	simm.s32 $0x42;
	v46 =	vld.idx.msk [tilespmem:v4+s14+$0x0], $0xffff;
	v52 =	vmul.f32 v63, v52;
	v51 =	vmul.f32 v51, v40;
	v34 =	vadd.f32 v0, v62  }
.LBB2_6:
0x286: {  	p1 =	sne.s32 s6, $0x7F;
	v0 =	vld [tilespmem:s1+$0x4680];
	s2 =	sadd.s32 $0x80, s2;
	s5 =	sadd.s32 $0x100, s5;
	v24 =	vadd.f32 v49, v24;
	v18 =	vadd.f32 v43, v18;
	v1 =	vmul.f32 v6, v40;
	v4 =	vmovc v45  }
0x287: {  	v13 =	vadd.f32 v52, v13;
	v40 =	vmul.f32 v48, v40;
	s7 =	smov.u32 s6;
	s6 =	sadd.s32 $0x1, s6;
	v45 =	vld [tilespmem:s1+$0x4AA0];
	v7 =	vadd.f32 v53, v7;
	v6 =	vmovc v44  }
0x288: {  	v8 =	vadd.f32 v50, v8;
	v43 =	vmul.f32 v4, v5;
	v9 =	vadd.f32 v51, v9;
	v44 =	vld [tilespmem:s1+$0x4A90]  }
0x289: {  	v49 =	vmul.f32 v10, v5;
	v11 =	vadd.f32 v40, v11;
	v14 =	vadd.f32 v1, v14;
	v48 =	vld [tilespmem:s1+$0x46C0]  }
0x28a: {  	v50 =	vmul.f32 v41, v5;
	v1 =	vmul.f32 v47, v5;
	v15 =	vadd.f32 v43, v15  }
0x28b: {  	v52 =	vmul.f32 v6, v5;
	v40 =	vmov v46;
	v51 =	vld [tilespmem:s1+$0x4A80];
	v53 =	vmul.f32 v0, v46  }
0x28c: {  	v35 =	vadd.f32 v49, v35;
	v43 =	vmul.f32 v42, v40;
	v46 =	vld [tilespmem:s1+$0x46A0];
	v54 =	vmul.f32 v45, v5  }
0x28d: {  	v36 =	vadd.f32 v50, v36;
	v32 =	vadd.f32 v52, v32;
	v49 =	vmul.f32 v44, v5  }
0x28e: {  	v37 =	vadd.f32 v1, v37;
	v50 =	vld [tilespmem:s1+$0x46D0];
	v1 =	vmul.f32 v48, v5;
	v48 =	vmul.f32 v48, v40  }
0x28f: {  	v55 =	vmov s7;
	v42 =	vmul.f32 v42, v5;
	v39 =	vadd.f32 v53, v39  }
0x290: {  	v12 =	vadd.f32 v54, v12;
	v52 =	vld [tilespmem:s1+$0x46F0];
	v33 =	vadd.f32 v1, v33;
	v1 =	vmul.f32 v47, v40  }
0x291: {  	v47 =	vmul.f32 v51, v5;
	v19 =	vadd.f32 v48, v19;
	v53 =	vmul.f32 v46, v40  }
0x292: {  	v25 =	vadd.f32 v49, v25;
	v48 =	vld [tilespmem:s1+$0x46E0];
	v26 =	vadd.f32 v1, v26;
	v1 =	vmul.f32 v45, v40  }
0x293: {  	s7 =	sand.u32 $0x3800, s5;
	s8 =	sand.u32 $0x380, s2;
	v38 =	vadd.f32 v42, v38;
	v54 =	vld [tilespmem:s1+$0x4AF0];
	v16 =	vadd.f32 v53, v16;
	v49 =	vmul.f32 v50, v40  }
0x294: {  	v41 =	vmul.f32 v41, v40;
	v17 =	vadd.f32 v47, v17;
	s1 =	sor.u32 s8, s7;
	v45 =	vmul.f32 v50, v5;
	v53 =	vld.idx.msk [tilespmem:v55+s4+$0x0], $0xffff  }
0x295: {  	v50 =	vmul.f32 v51, v40;
	v20 =	vadd.f32 v1, v20;
	v42 =	vld [tilespmem:s1+$0x4AC0];
	v47 =	vmul.f32 v52, v5  }
0x296: {  	v51 =	vmul.f32 v10, v40;
	v1 =	vmul.f32 v44, v40;
	v27 =	vadd.f32 v45, v27;
	v10 =	vld [tilespmem:s1+$0x4AB0]  }
.Ltmp2:
0x297: {  	v21 =	vadd.f32 v41, v21;
	v45 =	vld [tilespmem:s1+$0x4AE0];
	v56 =	vmul.f32 v48, v5;
	v28 =	vadd.f32 v47, v28;
	(pc) =	sbr.rel @p1 .LBB2_6-.Ltmp2, $4  }
0x298: {  	v46 =	vmul.f32 v46, v5;
	v29 =	vadd.f32 v50, v29;
	v22 =	vadd.f32 v1, v22;
	v44 =	vld [tilespmem:s1+$0x4AD0]  }
0x299: {  	v50 =	vmul.f32 v52, v40;
	v1 =	vmul.f32 v54, v5;
	v41 =	vld [tilespmem:s1+$0x46B0];
	v30 =	vadd.f32 v56, v30  }
0x29a: {  	v31 =	vadd.f32 v46, v31;
	v52 =	vmul.f32 v0, v5;
	v23 =	vadd.f32 v51, v23;
	v5 =	vmovc v53;
	v47 =	vld [tilespmem:s1+$0x4690]  }
0x29b: {  	v51 =	vmul.f32 v54, v40;
	v53 =	vmul.f32 v4, v40;
	v34 =	vadd.f32 v1, v34;
	v46 =	vld.idx.msk [tilespmem:v55+s14+$0x0], $0xffff  }
0x29c: {  	v0 =	vld [tilespmem:$0x540];
	_ =	sdelay $0x1  }
0x29d: {  	v61 =	vld [tilespmem:s1+$0x4680]  }
0x29e: {  	v1 =	vld [tilespmem:$0x1FFF0]  }
0x29f: {  	v63 =	vld [tilespmem:$0x1FFD0]  }
0x2a0: {  	v3 =	vld [tilespmem:$0x1FFE0];
	v4 =	vshll.u32 v0, $0x1  }
0x2a1: {  	v54 =	vld [tilespmem:s1+$0x4AA0];
	v0 =	vand.u32 $0x7, v0;
	v4 =	vand.u32 $0xFFFFFFF0, v4  }
0x2a2: {  	v55 =	vld [tilespmem:s1+$0x4A90];
	v0 =	vor.u32 v0, v4  }
0x2a3: {  	v62 =	vld [tilespmem:s1+$0x46E0];
	v56 =	vperm.xlane v0, v1  }
0x2a4: {  	v57 =	vld [tilespmem:s1+$0x4A80]  }
0x2a5: {  	v58 =	vld [tilespmem:s1+$0x46A0];
	v0 =	vperm.xlane v0, v3;
	v56 =	vadd.s32 v63, v56  }
0x2a6: {  	v59 =	vld [tilespmem:s1+$0x46D0]  }
0x2a7: {  	v60 =	vld [tilespmem:s1+$0x46F0];
	v0 =	vadd.s32 v63, v0  }
0x2a8: {  	[tilespmem:$0x1FFB0] =	vst v62;
	v62 =	vld [tilespmem:s1+$0x4AF0]  }
0x2a9: {  	s2 =	simm.s32 $0x4680;
	v4 =	vld [tilespmem:s1+$0x46C0];
	s1 =	simm.s32 $0x0  }
0x2aa: {  	[tilespmem:s2], [sflag:$0x2] =	stream.indirect_vreg.gather [hbm4b:s0+s1], $0x80, v56, vm0, $0xb8;
	[tilespmem:$0x19D00] =	vst v63  }
0x2ab: {  	s22 =	simm.s32 $0x4E80  }
0x2ac: {  	[tilespmem:s22], [sflag:$0x2] =	stream.indirect_vreg.gather [hbm4b:s0+s1], $0x80, v0, vm0, $0xb8;
	[tilespmem:$0x19D00] =	vst v63  }
0x2ad: {  	v0 =	vld [tilespmem:$0x550];
	_ =	sdelay $0x4  }
0x2ae: {  	v56 =	vshll.u32 v0, $0x1  }
0x2af: {  	v0 =	vand.u32 $0x7, v0;
	v56 =	vand.u32 $0xFFFFFFF0, v56  }
0x2b0: {  	v0 =	vor.u32 v0, v56  }
0x2b1: {  	v56 =	vperm.xlane v0, v1;
	_ =	sdelay $0x1  }
0x2b2: {  	v0 =	vperm.xlane v0, v3;
	v56 =	vadd.s32 v63, v56;
	_ =	sdelay $0x1  }
0x2b3: {  	v0 =	vadd.s32 v63, v0;
	_ =	sdelay $0x1  }
0x2b4: {  	s24 =	simm.s32 $0x5680  }
0x2b5: {  	[tilespmem:s24], [sflag:$0x2] =	stream.indirect_vreg.gather [hbm4b:s0+s1], $0x80, v56, vm0, $0xb8;
	[tilespmem:$0x19D00] =	vst v63  }
0x2b6: {  	s5 =	simm.s32 $0x5E80  }
0x2b7: {  	[tilespmem:s5], [sflag:$0x2] =	stream.indirect_vreg.gather [hbm4b:s0+s1], $0x80, v0, vm0, $0xb8;
	[tilespmem:$0x19D00] =	vst v63  }
0x2b8: {  	v0 =	vld [tilespmem:$0x560];
	_ =	sdelay $0x4  }
0x2b9: {  	v56 =	vshll.u32 v0, $0x1  }
0x2ba: {  	v0 =	vand.u32 $0x7, v0;
	v56 =	vand.u32 $0xFFFFFFF0, v56  }
0x2bb: {  	v0 =	vor.u32 v0, v56  }
0x2bc: {  	v56 =	vperm.xlane v0, v1;
	_ =	sdelay $0x1  }
0x2bd: {  	v0 =	vperm.xlane v0, v3;
	v56 =	vadd.s32 v63, v56;
	_ =	sdelay $0x1  }
0x2be: {  	v0 =	vadd.s32 v63, v0;
	_ =	sdelay $0x1  }
0x2bf: {  	s6 =	simm.s32 $0x6680  }
0x2c0: {  	[tilespmem:s6], [sflag:$0x2] =	stream.indirect_vreg.gather [hbm4b:s0+s1], $0x80, v56, vm0, $0xb8;
	[tilespmem:$0x19D00] =	vst v63  }
0x2c1: {  	s7 =	simm.s32 $0x6E80  }
0x2c2: {  	[tilespmem:s7], [sflag:$0x2] =	stream.indirect_vreg.gather [hbm4b:s0+s1], $0x80, v0, vm0, $0xb8;
	[tilespmem:$0x19D00] =	vst v63  }
0x2c3: {  	v0 =	vld [tilespmem:$0x570];
	_ =	sdelay $0x4  }
0x2c4: {  	v56 =	vshll.u32 v0, $0x1  }
0x2c5: {  	v24 =	vadd.f32 v49, v24;
	v0 =	vand.u32 $0x7, v0;
	v49 =	vand.u32 $0xFFFFFFF0, v56  }
0x2c6: {  	v0 =	vor.u32 v0, v49  }
0x2c7: {  	v18 =	vadd.f32 v43, v18;
	v43 =	vperm.xlane v0, v1  }
0x2c8: {  	v13 =	vadd.f32 v52, v13;
	v6 =	vmul.f32 v6, v40;
	v52 =	vmul.f32 v48, v40  }
0x2c9: {  	v8 =	vadd.f32 v50, v8;
	v0 =	vperm.xlane v0, v3;
	v43 =	vadd.s32 v63, v43  }
0x2ca: {  	v7 =	vadd.f32 v53, v7;
	v9 =	vadd.f32 v51, v9;
	v53 =	vmul.f32 v44, v5  }
0x2cb: {  	v11 =	vadd.f32 v52, v11;
	v52 =	vmul.f32 v10, v5;
	v0 =	vadd.s32 v63, v0  }
0x2cc: {  	v14 =	vadd.f32 v6, v14;
	v6 =	vmul.f32 v41, v5;
	v32 =	vadd.f32 v53, v32  }
0x2cd: {  	s8 =	simm.s32 $0x7680;
	s9 =	simm.s32 $0x80;
	v35 =	vadd.f32 v52, v35;
	v52 =	vmul.f32 v4, v5;
	v4 =	vmul.f32 v4, v46  }
0x2ce: {  	v40 =	vmov s9;
	v36 =	vadd.f32 v6, v36;
	v6 =	vmul.f32 v61, v46;
	[tilespmem:s8], [sflag:$0x2] =	stream.indirect_vreg.gather [hbm4b:s0+s1], $0x80, v43, vm0, $0xb8;
	[tilespmem:$0x19D00] =	vst v63  }
0x2cf: {  	s13 =	simm.s32 $0x7E80;
	v10 =	vmul.f32 v10, v46;
	v4 =	vadd.f32 v4, v19;
	v19 =	vmul.f32 v58, v46  }
0x2d0: {  	v39 =	vadd.f32 v6, v39;
	v6 =	vmul.f32 v55, v5;
	[tilespmem:s13], [sflag:$0x2] =	stream.indirect_vreg.gather [hbm4b:s0+s1], $0x80, v0, vm0, $0xb8;
	[tilespmem:$0x19D00] =	vst v63  }
0x2d1: {  	v53 =	vmul.f32 v47, v46;
	v16 =	vadd.f32 v19, v16;
	v19 =	vmul.f32 v59, v5;
	_ =	swait.ge [sflag:s19], $0x4000  }
0x2d2: {  	v23 =	vadd.f32 v10, v23;
	v10 =	vmul.f32 v45, v46;
	v25 =	vadd.f32 v6, v25;
	[sflag:s19] =	ssyncset.done $0x0  }
0x2d3: {  	v6 =	vmul.f32 v54, v46;
	s22 =	sand.u32 $0x3800, s1;
	v27 =	vadd.f32 v19, v27;
	v19 =	vmul.f32 v55, v46;
	s1 =	sand.u32 $0x380, s1;
	v3 =	vld [tilespmem:$0x1FFB0];
	[sflag:s19] =	ssyncadd.s32 $0xFFFFC000  }
0x2d4: {  	v26 =	vadd.f32 v53, v26;
	v7 =	vadd.f32 v10, v7;
	v56 =	vmul.f32 v45, v5;
	s1 =	sor.u32 s1, s22;
	v51 =	vld.idx.msk [tilespmem:v40+s4+$0x0], $0xffff  }
0x2d5: {  	v20 =	vadd.f32 v6, v20;
	v22 =	vadd.f32 v19, v22;
	v19 =	vmul.f32 v62, v5;
	v48 =	vld [tilespmem:s1+$0x8AC0]  }
0x2d6: {  	v33 =	vadd.f32 v52, v33;
	v15 =	vadd.f32 v56, v15;
	v56 =	vmul.f32 v47, v5;
	v50 =	vld [tilespmem:s1+$0x8AB0]  }
0x2d7: {  	v34 =	vadd.f32 v19, v34;
	v19 =	vmul.f32 v62, v46;
	v1 =	vmul.f32 v61, v5;
	v53 =	vld [tilespmem:s1+$0x8AE0]  }
0x2d8: {  	v63 =	vmul.f32 v54, v5;
	v37 =	vadd.f32 v56, v37;
	v56 =	vmul.f32 v57, v5;
	v6 =	vld [tilespmem:s1+$0x8AD0]  }
0x2d9: {  	v9 =	vadd.f32 v19, v9;
	v43 =	vmul.f32 v42, v46;
	v0 =	vmul.f32 v42, v5;
	v42 =	vld [tilespmem:s1+$0x86B0]  }
0x2da: {  	v54 =	vmul.f32 v60, v5;
	v12 =	vadd.f32 v63, v12;
	v63 =	vmul.f32 v41, v46;
	v40 =	vld.idx.msk [tilespmem:v40+s14+$0x0], $0xffff  }
0x2db: {  	v13 =	vadd.f32 v1, v13;
	v17 =	vadd.f32 v56, v17;
	v56 =	vmul.f32 v57, v46;
	v52 =	vld [tilespmem:s1+$0x8680]  }
0x2dc: {  	v49 =	vmul.f32 v44, v46;
	v28 =	vadd.f32 v54, v28;
	v21 =	vadd.f32 v63, v21;
	v10 =	vld [tilespmem:s1+$0x8AA0]  }
0x2dd: {  	v29 =	vadd.f32 v56, v29;
	v63 =	vmul.f32 v60, v46;
	v41 =	vld [tilespmem:s1+$0x8A90];
	v1 =	vmul.f32 v3, v46  }
0x2de: {  	v0 =	vadd.f32 v0, v38;
	v38 =	vmul.f32 v59, v46;
	v59 =	vmul.f32 v58, v5;
	v19 =	vld [tilespmem:s1+$0x86C0]  }
0x2df: {  	v47 =	vld [tilespmem:s1+$0x86A0];
	v57 =	vmul.f32 v3, v5;
	v11 =	vadd.f32 v1, v11;
	v1 =	vmul.f32 v53, v51  }
0x2e0: {  	v18 =	vadd.f32 v43, v18;
	v45 =	vld [tilespmem:s1+$0x86D0];
	v54 =	vmul.f32 v50, v51;
	v56 =	vmul.f32 v42, v51  }
0x2e1: {  	v30 =	vadd.f32 v57, v30;
	v57 =	vmul.f32 v6, v51;
	v58 =	vmul.f32 v52, v40  }
0x2e2: {  	v31 =	vadd.f32 v59, v31;
	v59 =	vmul.f32 v10, v51;
	v43 =	vmul.f32 v48, v40  }
0x2e3: {  	v14 =	vadd.f32 v49, v14;
	v44 =	vmul.f32 v41, v51;
	v60 =	vmul.f32 v19, v51  }
0x2e4: {  	v8 =	vadd.f32 v63, v8;
	v19 =	vmul.f32 v19, v40;
	v61 =	vmul.f32 v48, v51  }
0x2e5: {  	v24 =	vadd.f32 v38, v24;
	v63 =	vmul.f32 v47, v40;
	v49 =	vmul.f32 v45, v40  }
0x2e6: {  	v5 =	vld [tilespmem:s1+$0x8690];
	v52 =	vmul.f32 v52, v51;
	v15 =	vadd.f32 v1, v15;
	v35 =	vadd.f32 v54, v35  }
0x2e7: {  	s24 =	simm.s32 $0x81;
	v46 =	vld [tilespmem:s1+$0x86F0];
	v53 =	vmul.f32 v53, v40;
	v36 =	vadd.f32 v56, v36;
	v32 =	vadd.f32 v57, v32  }
0x2e8: {  	v54 =	vmov s24;
	v39 =	vadd.f32 v58, v39;
	v33 =	vadd.f32 v60, v33  }
0x2e9: {  	s2 =	simm.s32 $0x80;
	s5 =	simm.s32 $0x100;
	v48 =	vld [tilespmem:s1+$0x86E0];
	v12 =	vadd.f32 v59, v12;
	v19 =	vadd.f32 v19, v4;
	v4 =	vmul.f32 v10, v40  }
0x2ea: {  	s6 =	sand.u32 $0x3800, s5;
	s7 =	sand.u32 $0x380, s2;
	v1 =	vld [tilespmem:s1+$0x8A80];
	v38 =	vadd.f32 v61, v0;
	v0 =	vmul.f32 v45, v51;
	v60 =	vmul.f32 v42, v40  }
0x2eb: {  	v57 =	vld [tilespmem:s1+$0x8AF0];
	v16 =	vadd.f32 v63, v16;
	s1 =	sor.u32 s7, s6;
	v63 =	vmul.f32 v47, v51;
	v55 =	vmul.f32 v5, v51  }
0x2ec: {  	v25 =	vadd.f32 v44, v25;
	v5 =	vmul.f32 v5, v40;
	v42 =	vld [tilespmem:s1+$0x8AC0];
	v61 =	vmul.f32 v46, v51  }
0x2ed: {  	v10 =	vld [tilespmem:s1+$0x8AB0];
	v20 =	vadd.f32 v4, v20;
	v27 =	vadd.f32 v0, v27;
	v0 =	vmul.f32 v41, v40  }
0x2ee: {  	v45 =	vld [tilespmem:s1+$0x8AE0];
	v4 =	vmul.f32 v50, v40;
	v21 =	vadd.f32 v60, v21;
	v31 =	vadd.f32 v63, v31  }
0x2ef: {  	v44 =	vld [tilespmem:s1+$0x8AD0];
	v37 =	vadd.f32 v55, v37;
	v26 =	vadd.f32 v5, v26;
	v62 =	vmul.f32 v1, v51  }
0x2f0: {  	v47 =	vld [tilespmem:s1+$0x8690];
	v28 =	vadd.f32 v61, v28;
	v22 =	vadd.f32 v0, v22;
	v1 =	vmul.f32 v1, v40  }
0x2f1: {  	v5 =	vld.idx.msk [tilespmem:v54+s4+$0x0], $0xffff;
	v0 =	vmul.f32 v57, v51;
	v17 =	vadd.f32 v62, v17;
	v62 =	vmul.f32 v48, v51  }
0x2f2: {  	v41 =	vld [tilespmem:s1+$0x86B0];
	v50 =	vmul.f32 v46, v40;
	v23 =	vadd.f32 v4, v23;
	v29 =	vadd.f32 v1, v29  }
0x2f3: {  	s6 =	simm.s32 $0x82;
	v46 =	vld.idx.msk [tilespmem:v54+s14+$0x0], $0xffff;
	v34 =	vadd.f32 v0, v34;
	v51 =	vmul.f32 v57, v40;
	v30 =	vadd.f32 v62, v30  }
.LBB2_8:
0x2f4: {  	p1 =	sne.s32 s6, $0xBF;
	v0 =	vld [tilespmem:s1+$0x8680];
	s2 =	sadd.s32 $0x80, s2;
	s5 =	sadd.s32 $0x100, s5;
	v24 =	vadd.f32 v49, v24;
	v18 =	vadd.f32 v43, v18;
	v1 =	vmul.f32 v6, v40;
	v4 =	vmovc v45  }
0x2f5: {  	v13 =	vadd.f32 v52, v13;
	v40 =	vmul.f32 v48, v40;
	s7 =	smov.u32 s6;
	s6 =	sadd.s32 $0x1, s6;
	v45 =	vld [tilespmem:s1+$0x8AA0];
	v7 =	vadd.f32 v53, v7;
	v6 =	vmovc v44  }
0x2f6: {  	v8 =	vadd.f32 v50, v8;
	v43 =	vmul.f32 v4, v5;
	v9 =	vadd.f32 v51, v9;
	v44 =	vld [tilespmem:s1+$0x8A90]  }
0x2f7: {  	v49 =	vmul.f32 v10, v5;
	v11 =	vadd.f32 v40, v11;
	v14 =	vadd.f32 v1, v14;
	v48 =	vld [tilespmem:s1+$0x86C0]  }
0x2f8: {  	v50 =	vmul.f32 v41, v5;
	v1 =	vmul.f32 v47, v5;
	v15 =	vadd.f32 v43, v15  }
0x2f9: {  	v52 =	vmul.f32 v6, v5;
	v40 =	vmov v46;
	v51 =	vld [tilespmem:s1+$0x8A80];
	v53 =	vmul.f32 v0, v46  }
0x2fa: {  	v35 =	vadd.f32 v49, v35;
	v43 =	vmul.f32 v42, v40;
	v46 =	vld [tilespmem:s1+$0x86A0];
	v54 =	vmul.f32 v45, v5  }
0x2fb: {  	v36 =	vadd.f32 v50, v36;
	v32 =	vadd.f32 v52, v32;
	v49 =	vmul.f32 v44, v5  }
0x2fc: {  	v37 =	vadd.f32 v1, v37;
	v50 =	vld [tilespmem:s1+$0x86D0];
	v1 =	vmul.f32 v48, v5;
	v48 =	vmul.f32 v48, v40  }
0x2fd: {  	v55 =	vmov s7;
	v42 =	vmul.f32 v42, v5;
	v39 =	vadd.f32 v53, v39  }
0x2fe: {  	v12 =	vadd.f32 v54, v12;
	v52 =	vld [tilespmem:s1+$0x86F0];
	v33 =	vadd.f32 v1, v33;
	v1 =	vmul.f32 v47, v40  }
0x2ff: {  	v47 =	vmul.f32 v51, v5;
	v19 =	vadd.f32 v48, v19;
	v53 =	vmul.f32 v46, v40  }
0x300: {  	v25 =	vadd.f32 v49, v25;
	v48 =	vld [tilespmem:s1+$0x86E0];
	v26 =	vadd.f32 v1, v26;
	v1 =	vmul.f32 v45, v40  }
0x301: {  	s7 =	sand.u32 $0x3800, s5;
	s8 =	sand.u32 $0x380, s2;
	v38 =	vadd.f32 v42, v38;
	v54 =	vld [tilespmem:s1+$0x8AF0];
	v16 =	vadd.f32 v53, v16;
	v49 =	vmul.f32 v50, v40  }
0x302: {  	v41 =	vmul.f32 v41, v40;
	v17 =	vadd.f32 v47, v17;
	s1 =	sor.u32 s8, s7;
	v45 =	vmul.f32 v50, v5;
	v53 =	vld.idx.msk [tilespmem:v55+s4+$0x0], $0xffff  }
0x303: {  	v50 =	vmul.f32 v51, v40;
	v20 =	vadd.f32 v1, v20;
	v42 =	vld [tilespmem:s1+$0x8AC0];
	v47 =	vmul.f32 v52, v5  }
0x304: {  	v51 =	vmul.f32 v10, v40;
	v1 =	vmul.f32 v44, v40;
	v27 =	vadd.f32 v45, v27;
	v10 =	vld [tilespmem:s1+$0x8AB0]  }
.Ltmp3:
0x305: {  	v21 =	vadd.f32 v41, v21;
	v45 =	vld [tilespmem:s1+$0x8AE0];
	v56 =	vmul.f32 v48, v5;
	v28 =	vadd.f32 v47, v28;
	(pc) =	sbr.rel @p1 .LBB2_8-.Ltmp3, $4  }
0x306: {  	v46 =	vmul.f32 v46, v5;
	v29 =	vadd.f32 v50, v29;
	v22 =	vadd.f32 v1, v22;
	v44 =	vld [tilespmem:s1+$0x8AD0]  }
0x307: {  	v50 =	vmul.f32 v52, v40;
	v1 =	vmul.f32 v54, v5;
	v41 =	vld [tilespmem:s1+$0x86B0];
	v30 =	vadd.f32 v56, v30  }
0x308: {  	v31 =	vadd.f32 v46, v31;
	v52 =	vmul.f32 v0, v5;
	v23 =	vadd.f32 v51, v23;
	v5 =	vmovc v53;
	v47 =	vld [tilespmem:s1+$0x8690]  }
0x309: {  	v51 =	vmul.f32 v54, v40;
	v53 =	vmul.f32 v4, v40;
	v34 =	vadd.f32 v1, v34;
	v46 =	vld.idx.msk [tilespmem:v55+s14+$0x0], $0xffff  }
0x30a: {  	v0 =	vld [tilespmem:$0x580];
	_ =	sdelay $0x1  }
0x30b: {  	v61 =	vld [tilespmem:s1+$0x8680]  }
0x30c: {  	v1 =	vld [tilespmem:$0x1FFF0]  }
0x30d: {  	v63 =	vld [tilespmem:$0x1FFD0]  }
0x30e: {  	v3 =	vld [tilespmem:$0x1FFE0];
	v4 =	vshll.u32 v0, $0x1  }
0x30f: {  	v54 =	vld [tilespmem:s1+$0x8AA0];
	v0 =	vand.u32 $0x7, v0;
	v4 =	vand.u32 $0xFFFFFFF0, v4  }
0x310: {  	v55 =	vld [tilespmem:s1+$0x8A90];
	v0 =	vor.u32 v0, v4  }
0x311: {  	v62 =	vld [tilespmem:s1+$0x86E0];
	v56 =	vperm.xlane v0, v1  }
0x312: {  	v57 =	vld [tilespmem:s1+$0x8A80]  }
0x313: {  	v58 =	vld [tilespmem:s1+$0x86A0];
	v0 =	vperm.xlane v0, v3;
	v56 =	vadd.s32 v63, v56  }
0x314: {  	v59 =	vld [tilespmem:s1+$0x86D0]  }
0x315: {  	v60 =	vld [tilespmem:s1+$0x86F0];
	v0 =	vadd.s32 v63, v0  }
0x316: {  	[tilespmem:$0x1FFA0] =	vst v62;
	v62 =	vld [tilespmem:s1+$0x8AF0]  }
0x317: {  	s2 =	simm.s32 $0x8680;
	v4 =	vld [tilespmem:s1+$0x86C0];
	s1 =	simm.s32 $0x0  }
0x318: {  	[tilespmem:s2], [sflag:$0x3] =	stream.indirect_vreg.gather [hbm4b:s0+s1], $0x80, v56, vm0, $0xb8;
	[tilespmem:$0x19D00] =	vst v63  }
0x319: {  	s22 =	simm.s32 $0x8E80  }
0x31a: {  	[tilespmem:s22], [sflag:$0x3] =	stream.indirect_vreg.gather [hbm4b:s0+s1], $0x80, v0, vm0, $0xb8;
	[tilespmem:$0x19D00] =	vst v63  }
0x31b: {  	v0 =	vld [tilespmem:$0x590];
	_ =	sdelay $0x4  }
0x31c: {  	v56 =	vshll.u32 v0, $0x1  }
0x31d: {  	v0 =	vand.u32 $0x7, v0;
	v56 =	vand.u32 $0xFFFFFFF0, v56  }
0x31e: {  	v0 =	vor.u32 v0, v56  }
0x31f: {  	v56 =	vperm.xlane v0, v1;
	_ =	sdelay $0x1  }
0x320: {  	v0 =	vperm.xlane v0, v3;
	v56 =	vadd.s32 v63, v56;
	_ =	sdelay $0x1  }
0x321: {  	v0 =	vadd.s32 v63, v0;
	_ =	sdelay $0x1  }
0x322: {  	s24 =	simm.s32 $0x9680  }
0x323: {  	[tilespmem:s24], [sflag:$0x3] =	stream.indirect_vreg.gather [hbm4b:s0+s1], $0x80, v56, vm0, $0xb8;
	[tilespmem:$0x19D00] =	vst v63  }
0x324: {  	s5 =	simm.s32 $0x9E80  }
0x325: {  	[tilespmem:s5], [sflag:$0x3] =	stream.indirect_vreg.gather [hbm4b:s0+s1], $0x80, v0, vm0, $0xb8;
	[tilespmem:$0x19D00] =	vst v63  }
0x326: {  	v0 =	vld [tilespmem:$0x5A0];
	_ =	sdelay $0x4  }
0x327: {  	v56 =	vshll.u32 v0, $0x1  }
0x328: {  	v0 =	vand.u32 $0x7, v0;
	v56 =	vand.u32 $0xFFFFFFF0, v56  }
0x329: {  	v0 =	vor.u32 v0, v56  }
0x32a: {  	v56 =	vperm.xlane v0, v1;
	_ =	sdelay $0x1  }
0x32b: {  	v0 =	vperm.xlane v0, v3;
	v56 =	vadd.s32 v63, v56;
	_ =	sdelay $0x1  }
0x32c: {  	v0 =	vadd.s32 v63, v0;
	_ =	sdelay $0x1  }
0x32d: {  	s6 =	simm.s32 $0xA680  }
0x32e: {  	[tilespmem:s6], [sflag:$0x3] =	stream.indirect_vreg.gather [hbm4b:s0+s1], $0x80, v56, vm0, $0xb8;
	[tilespmem:$0x19D00] =	vst v63  }
0x32f: {  	s7 =	simm.s32 $0xAE80  }
0x330: {  	[tilespmem:s7], [sflag:$0x3] =	stream.indirect_vreg.gather [hbm4b:s0+s1], $0x80, v0, vm0, $0xb8;
	[tilespmem:$0x19D00] =	vst v63  }
0x331: {  	v0 =	vld [tilespmem:$0x5B0];
	_ =	sdelay $0x4  }
0x332: {  	v56 =	vshll.u32 v0, $0x1  }
0x333: {  	v24 =	vadd.f32 v49, v24;
	v0 =	vand.u32 $0x7, v0;
	v49 =	vand.u32 $0xFFFFFFF0, v56  }
0x334: {  	v0 =	vor.u32 v0, v49  }
0x335: {  	v18 =	vadd.f32 v43, v18;
	v43 =	vperm.xlane v0, v1  }
0x336: {  	v13 =	vadd.f32 v52, v13;
	v6 =	vmul.f32 v6, v40;
	v52 =	vmul.f32 v48, v40  }
0x337: {  	v8 =	vadd.f32 v50, v8;
	v0 =	vperm.xlane v0, v3;
	v43 =	vadd.s32 v63, v43  }
0x338: {  	v7 =	vadd.f32 v53, v7;
	v9 =	vadd.f32 v51, v9;
	v53 =	vmul.f32 v44, v5  }
0x339: {  	v11 =	vadd.f32 v52, v11;
	v52 =	vmul.f32 v10, v5;
	v0 =	vadd.s32 v63, v0  }
0x33a: {  	v14 =	vadd.f32 v6, v14;
	v6 =	vmul.f32 v41, v5;
	v32 =	vadd.f32 v53, v32  }
0x33b: {  	s8 =	simm.s32 $0xB680;
	s9 =	simm.s32 $0xC0;
	v35 =	vadd.f32 v52, v35;
	v52 =	vmul.f32 v4, v5;
	v4 =	vmul.f32 v4, v46  }
0x33c: {  	v40 =	vmov s9;
	v36 =	vadd.f32 v6, v36;
	v6 =	vmul.f32 v61, v46;
	[tilespmem:s8], [sflag:$0x3] =	stream.indirect_vreg.gather [hbm4b:s0+s1], $0x80, v43, vm0, $0xb8;
	[tilespmem:$0x19D00] =	vst v63  }
0x33d: {  	s13 =	simm.s32 $0xBE80;
	v10 =	vmul.f32 v10, v46;
	v4 =	vadd.f32 v4, v19;
	v19 =	vmul.f32 v58, v46  }
0x33e: {  	v39 =	vadd.f32 v6, v39;
	v6 =	vmul.f32 v55, v5;
	[tilespmem:s13], [sflag:$0x3] =	stream.indirect_vreg.gather [hbm4b:s0+s1], $0x80, v0, vm0, $0xb8;
	[tilespmem:$0x19D00] =	vst v63  }
0x33f: {  	v53 =	vmul.f32 v47, v46;
	v16 =	vadd.f32 v19, v16;
	v19 =	vmul.f32 v59, v5;
	_ =	swait.ge [sflag:s20], $0x4000  }
0x340: {  	v23 =	vadd.f32 v10, v23;
	v10 =	vmul.f32 v45, v46;
	v25 =	vadd.f32 v6, v25;
	[sflag:s20] =	ssyncset.done $0x0  }
0x341: {  	v6 =	vmul.f32 v54, v46;
	s22 =	sand.u32 $0x3800, s1;
	v27 =	vadd.f32 v19, v27;
	v19 =	vmul.f32 v55, v46;
	s1 =	sand.u32 $0x380, s1;
	v3 =	vld [tilespmem:$0x1FFA0];
	[sflag:s20] =	ssyncadd.s32 $0xFFFFC000  }
0x342: {  	v26 =	vadd.f32 v53, v26;
	v7 =	vadd.f32 v10, v7;
	v56 =	vmul.f32 v45, v5;
	s1 =	sor.u32 s1, s22;
	v51 =	vld.idx.msk [tilespmem:v40+s4+$0x0], $0xffff  }
0x343: {  	v20 =	vadd.f32 v6, v20;
	v22 =	vadd.f32 v19, v22;
	v19 =	vmul.f32 v62, v5;
	v48 =	vld [tilespmem:s1+$0xCAC0]  }
0x344: {  	v33 =	vadd.f32 v52, v33;
	v15 =	vadd.f32 v56, v15;
	v56 =	vmul.f32 v47, v5;
	v50 =	vld [tilespmem:s1+$0xCAB0]  }
0x345: {  	v34 =	vadd.f32 v19, v34;
	v19 =	vmul.f32 v62, v46;
	v1 =	vmul.f32 v61, v5;
	v53 =	vld [tilespmem:s1+$0xCAE0]  }
0x346: {  	v63 =	vmul.f32 v54, v5;
	v37 =	vadd.f32 v56, v37;
	v56 =	vmul.f32 v57, v5;
	v6 =	vld [tilespmem:s1+$0xCAD0]  }
0x347: {  	v9 =	vadd.f32 v19, v9;
	v43 =	vmul.f32 v42, v46;
	v0 =	vmul.f32 v42, v5;
	v42 =	vld [tilespmem:s1+$0xC6B0]  }
0x348: {  	v54 =	vmul.f32 v60, v5;
	v12 =	vadd.f32 v63, v12;
	v63 =	vmul.f32 v41, v46;
	v40 =	vld.idx.msk [tilespmem:v40+s14+$0x0], $0xffff  }
0x349: {  	v13 =	vadd.f32 v1, v13;
	v17 =	vadd.f32 v56, v17;
	v56 =	vmul.f32 v57, v46;
	v52 =	vld [tilespmem:s1+$0xC680]  }
0x34a: {  	v49 =	vmul.f32 v44, v46;
	v28 =	vadd.f32 v54, v28;
	v21 =	vadd.f32 v63, v21;
	v10 =	vld [tilespmem:s1+$0xCAA0]  }
0x34b: {  	v29 =	vadd.f32 v56, v29;
	v63 =	vmul.f32 v60, v46;
	v41 =	vld [tilespmem:s1+$0xCA90];
	v1 =	vmul.f32 v3, v46  }
0x34c: {  	v0 =	vadd.f32 v0, v38;
	v38 =	vmul.f32 v59, v46;
	v59 =	vmul.f32 v58, v5;
	v19 =	vld [tilespmem:s1+$0xC6C0]  }
0x34d: {  	v47 =	vld [tilespmem:s1+$0xC6A0];
	v57 =	vmul.f32 v3, v5;
	v11 =	vadd.f32 v1, v11;
	v1 =	vmul.f32 v53, v51  }
0x34e: {  	v18 =	vadd.f32 v43, v18;
	v45 =	vld [tilespmem:s1+$0xC6D0];
	v54 =	vmul.f32 v50, v51;
	v56 =	vmul.f32 v42, v51  }
0x34f: {  	v30 =	vadd.f32 v57, v30;
	v57 =	vmul.f32 v6, v51;
	v58 =	vmul.f32 v52, v40  }
0x350: {  	v31 =	vadd.f32 v59, v31;
	v59 =	vmul.f32 v10, v51;
	v43 =	vmul.f32 v48, v40  }
0x351: {  	v14 =	vadd.f32 v49, v14;
	v44 =	vmul.f32 v41, v51;
	v60 =	vmul.f32 v19, v51  }
0x352: {  	v8 =	vadd.f32 v63, v8;
	v19 =	vmul.f32 v19, v40;
	v61 =	vmul.f32 v48, v51  }
0x353: {  	v24 =	vadd.f32 v38, v24;
	v63 =	vmul.f32 v47, v40;
	v49 =	vmul.f32 v45, v40  }
0x354: {  	v5 =	vld [tilespmem:s1+$0xC690];
	v52 =	vmul.f32 v52, v51;
	v15 =	vadd.f32 v1, v15;
	v35 =	vadd.f32 v54, v35  }
0x355: {  	s24 =	simm.s32 $0xC1;
	v46 =	vld [tilespmem:s1+$0xC6F0];
	v53 =	vmul.f32 v53, v40;
	v36 =	vadd.f32 v56, v36;
	v32 =	vadd.f32 v57, v32  }
0x356: {  	v54 =	vmov s24;
	v39 =	vadd.f32 v58, v39;
	v33 =	vadd.f32 v60, v33  }
0x357: {  	s2 =	simm.s32 $0x80;
	s5 =	simm.s32 $0x100;
	v48 =	vld [tilespmem:s1+$0xC6E0];
	v12 =	vadd.f32 v59, v12;
	v19 =	vadd.f32 v19, v4;
	v4 =	vmul.f32 v10, v40  }
0x358: {  	s6 =	sand.u32 $0x3800, s5;
	s7 =	sand.u32 $0x380, s2;
	v1 =	vld [tilespmem:s1+$0xCA80];
	v38 =	vadd.f32 v61, v0;
	v0 =	vmul.f32 v45, v51;
	v60 =	vmul.f32 v42, v40  }
0x359: {  	v57 =	vld [tilespmem:s1+$0xCAF0];
	v16 =	vadd.f32 v63, v16;
	s1 =	sor.u32 s7, s6;
	v63 =	vmul.f32 v47, v51;
	v55 =	vmul.f32 v5, v51  }
0x35a: {  	v25 =	vadd.f32 v44, v25;
	v5 =	vmul.f32 v5, v40;
	v42 =	vld [tilespmem:s1+$0xCAC0];
	v61 =	vmul.f32 v46, v51  }
0x35b: {  	v10 =	vld [tilespmem:s1+$0xCAB0];
	v20 =	vadd.f32 v4, v20;
	v27 =	vadd.f32 v0, v27;
	v0 =	vmul.f32 v41, v40  }
0x35c: {  	v45 =	vld [tilespmem:s1+$0xCAE0];
	v4 =	vmul.f32 v50, v40;
	v21 =	vadd.f32 v60, v21;
	v31 =	vadd.f32 v63, v31  }
0x35d: {  	v44 =	vld [tilespmem:s1+$0xCAD0];
	v37 =	vadd.f32 v55, v37;
	v26 =	vadd.f32 v5, v26;
	v62 =	vmul.f32 v1, v51  }
0x35e: {  	v47 =	vld [tilespmem:s1+$0xC690];
	v28 =	vadd.f32 v61, v28;
	v22 =	vadd.f32 v0, v22;
	v1 =	vmul.f32 v1, v40  }
0x35f: {  	v5 =	vld.idx.msk [tilespmem:v54+s4+$0x0], $0xffff;
	v0 =	vmul.f32 v57, v51;
	v17 =	vadd.f32 v62, v17;
	v62 =	vmul.f32 v48, v51  }
0x360: {  	v41 =	vld [tilespmem:s1+$0xC6B0];
	v50 =	vmul.f32 v46, v40;
	v23 =	vadd.f32 v4, v23;
	v29 =	vadd.f32 v1, v29  }
0x361: {  	s6 =	simm.s32 $0xC2;
	v46 =	vld.idx.msk [tilespmem:v54+s14+$0x0], $0xffff;
	v34 =	vadd.f32 v0, v34;
	v51 =	vmul.f32 v57, v40;
	v30 =	vadd.f32 v62, v30  }
.LBB2_10:
0x362: {  	p1 =	sne.s32 s6, $0xFF;
	v0 =	vld [tilespmem:s1+$0xC680];
	s2 =	sadd.s32 $0x80, s2;
	s5 =	sadd.s32 $0x100, s5;
	v24 =	vadd.f32 v49, v24;
	v18 =	vadd.f32 v43, v18;
	v1 =	vmul.f32 v6, v40;
	v4 =	vmovc v45  }
0x363: {  	v13 =	vadd.f32 v52, v13;
	v40 =	vmul.f32 v48, v40;
	s7 =	smov.u32 s6;
	s6 =	sadd.s32 $0x1, s6;
	v45 =	vld [tilespmem:s1+$0xCAA0];
	v7 =	vadd.f32 v53, v7;
	v6 =	vmovc v44  }
0x364: {  	v8 =	vadd.f32 v50, v8;
	v43 =	vmul.f32 v4, v5;
	v9 =	vadd.f32 v51, v9;
	v44 =	vld [tilespmem:s1+$0xCA90]  }
0x365: {  	v49 =	vmul.f32 v10, v5;
	v11 =	vadd.f32 v40, v11;
	v14 =	vadd.f32 v1, v14;
	v48 =	vld [tilespmem:s1+$0xC6C0]  }
0x366: {  	v50 =	vmul.f32 v41, v5;
	v1 =	vmul.f32 v47, v5;
	v15 =	vadd.f32 v43, v15  }
0x367: {  	v52 =	vmul.f32 v6, v5;
	v40 =	vmov v46;
	v51 =	vld [tilespmem:s1+$0xCA80];
	v53 =	vmul.f32 v0, v46  }
0x368: {  	v35 =	vadd.f32 v49, v35;
	v43 =	vmul.f32 v42, v40;
	v46 =	vld [tilespmem:s1+$0xC6A0];
	v54 =	vmul.f32 v45, v5  }
0x369: {  	v36 =	vadd.f32 v50, v36;
	v32 =	vadd.f32 v52, v32;
	v49 =	vmul.f32 v44, v5  }
0x36a: {  	v37 =	vadd.f32 v1, v37;
	v50 =	vld [tilespmem:s1+$0xC6D0];
	v1 =	vmul.f32 v48, v5;
	v48 =	vmul.f32 v48, v40  }
0x36b: {  	v55 =	vmov s7;
	v42 =	vmul.f32 v42, v5;
	v39 =	vadd.f32 v53, v39  }
0x36c: {  	v12 =	vadd.f32 v54, v12;
	v52 =	vld [tilespmem:s1+$0xC6F0];
	v33 =	vadd.f32 v1, v33;
	v1 =	vmul.f32 v47, v40  }
0x36d: {  	v47 =	vmul.f32 v51, v5;
	v19 =	vadd.f32 v48, v19;
	v53 =	vmul.f32 v46, v40  }
0x36e: {  	v25 =	vadd.f32 v49, v25;
	v48 =	vld [tilespmem:s1+$0xC6E0];
	v26 =	vadd.f32 v1, v26;
	v1 =	vmul.f32 v45, v40  }
0x36f: {  	s7 =	sand.u32 $0x3800, s5;
	s8 =	sand.u32 $0x380, s2;
	v38 =	vadd.f32 v42, v38;
	v54 =	vld [tilespmem:s1+$0xCAF0];
	v16 =	vadd.f32 v53, v16;
	v49 =	vmul.f32 v50, v40  }
0x370: {  	v41 =	vmul.f32 v41, v40;
	v17 =	vadd.f32 v47, v17;
	s1 =	sor.u32 s8, s7;
	v45 =	vmul.f32 v50, v5;
	v53 =	vld.idx.msk [tilespmem:v55+s4+$0x0], $0xffff  }
0x371: {  	v50 =	vmul.f32 v51, v40;
	v20 =	vadd.f32 v1, v20;
	v42 =	vld [tilespmem:s1+$0xCAC0];
	v47 =	vmul.f32 v52, v5  }
0x372: {  	v51 =	vmul.f32 v10, v40;
	v1 =	vmul.f32 v44, v40;
	v27 =	vadd.f32 v45, v27;
	v10 =	vld [tilespmem:s1+$0xCAB0]  }
.Ltmp4:
0x373: {  	v21 =	vadd.f32 v41, v21;
	v45 =	vld [tilespmem:s1+$0xCAE0];
	v56 =	vmul.f32 v48, v5;
	v28 =	vadd.f32 v47, v28;
	(pc) =	sbr.rel @p1 .LBB2_10-.Ltmp4, $4  }
0x374: {  	v46 =	vmul.f32 v46, v5;
	v29 =	vadd.f32 v50, v29;
	v22 =	vadd.f32 v1, v22;
	v44 =	vld [tilespmem:s1+$0xCAD0]  }
0x375: {  	v50 =	vmul.f32 v52, v40;
	v1 =	vmul.f32 v54, v5;
	v41 =	vld [tilespmem:s1+$0xC6B0];
	v30 =	vadd.f32 v56, v30  }
0x376: {  	v31 =	vadd.f32 v46, v31;
	v52 =	vmul.f32 v0, v5;
	v23 =	vadd.f32 v51, v23;
	v5 =	vmovc v53;
	v47 =	vld [tilespmem:s1+$0xC690]  }
0x377: {  	v51 =	vmul.f32 v54, v40;
	v53 =	vmul.f32 v4, v40;
	v34 =	vadd.f32 v1, v34;
	v46 =	vld.idx.msk [tilespmem:v55+s14+$0x0], $0xffff  }
0x378: {  	v0 =	vld [tilespmem:$0x5C0];
	_ =	sdelay $0x2  }
0x379: {  	v1 =	vld [tilespmem:$0x1FFF0]  }
0x37a: {  	v63 =	vld [tilespmem:$0x1FFD0]  }
0x37b: {  	v3 =	vld [tilespmem:$0x1FFE0];
	v4 =	vshll.u32 v0, $0x1  }
0x37c: {  	v61 =	vld [tilespmem:s1+$0xC680];
	v0 =	vand.u32 $0x7, v0;
	v4 =	vand.u32 $0xFFFFFFF0, v4  }
0x37d: {  	v54 =	vld [tilespmem:s1+$0xCAA0];
	v0 =	vor.u32 v0, v4  }
0x37e: {  	v55 =	vld [tilespmem:s1+$0xCA90];
	v56 =	vperm.xlane v0, v1  }
0x37f: {  	v62 =	vld [tilespmem:s1+$0xC6E0]  }
0x380: {  	v57 =	vld [tilespmem:s1+$0xCA80];
	v0 =	vperm.xlane v0, v3;
	v56 =	vadd.s32 v63, v56  }
0x381: {  	v58 =	vld [tilespmem:s1+$0xC6A0]  }
0x382: {  	v59 =	vld [tilespmem:s1+$0xC6D0];
	v0 =	vadd.s32 v63, v0  }
0x383: {  	v60 =	vld [tilespmem:s1+$0xC6F0]  }
0x384: {  	s5 =	simm.s32 $0x0;
	s2 =	simm.s32 $0xC680;
	[tilespmem:$0x1FF90] =	vst v62;
	v62 =	vld [tilespmem:s1+$0xCAF0]  }
0x385: {  	v4 =	vld [tilespmem:s1+$0xC6C0];
	[tilespmem:s2], [sflag:$0x4] =	stream.indirect_vreg.gather [hbm4b:s0+s5], $0x80, v56, vm0, $0xb8  }
0x386: {  	s6 =	simm.s32 $0xCE80  }
0x387: {  	[tilespmem:s6], [sflag:$0x4] =	stream.indirect_vreg.gather [hbm4b:s0+s5], $0x80, v0, vm0, $0xb8;
	[tilespmem:$0x19D00] =	vst v63  }
0x388: {  	v0 =	vld [tilespmem:$0x5D0];
	_ =	sdelay $0x4  }
0x389: {  	v56 =	vshll.u32 v0, $0x1  }
0x38a: {  	v0 =	vand.u32 $0x7, v0;
	v56 =	vand.u32 $0xFFFFFFF0, v56  }
0x38b: {  	v0 =	vor.u32 v0, v56  }
0x38c: {  	v56 =	vperm.xlane v0, v1;
	_ =	sdelay $0x1  }
0x38d: {  	v0 =	vperm.xlane v0, v3;
	v56 =	vadd.s32 v63, v56;
	_ =	sdelay $0x1  }
0x38e: {  	v0 =	vadd.s32 v63, v0;
	_ =	sdelay $0x1  }
0x38f: {  	s7 =	simm.s32 $0xD680  }
0x390: {  	[tilespmem:s7], [sflag:$0x4] =	stream.indirect_vreg.gather [hbm4b:s0+s5], $0x80, v56, vm0, $0xb8;
	[tilespmem:$0x19D00] =	vst v63  }
0x391: {  	s8 =	simm.s32 $0xDE80  }
0x392: {  	[tilespmem:s8], [sflag:$0x4] =	stream.indirect_vreg.gather [hbm4b:s0+s5], $0x80, v0, vm0, $0xb8;
	[tilespmem:$0x19D00] =	vst v63  }
0x393: {  	v0 =	vld [tilespmem:$0x5E0];
	_ =	sdelay $0x4  }
0x394: {  	v56 =	vshll.u32 v0, $0x1  }
0x395: {  	v0 =	vand.u32 $0x7, v0;
	v56 =	vand.u32 $0xFFFFFFF0, v56  }
0x396: {  	v0 =	vor.u32 v0, v56  }
0x397: {  	v56 =	vperm.xlane v0, v1;
	_ =	sdelay $0x1  }
0x398: {  	v0 =	vperm.xlane v0, v3;
	v56 =	vadd.s32 v63, v56;
	_ =	sdelay $0x1  }
0x399: {  	v0 =	vadd.s32 v63, v0;
	_ =	sdelay $0x1  }
0x39a: {  	s9 =	simm.s32 $0xE680  }
0x39b: {  	[tilespmem:s9], [sflag:$0x4] =	stream.indirect_vreg.gather [hbm4b:s0+s5], $0x80, v56, vm0, $0xb8;
	[tilespmem:$0x19D00] =	vst v63  }
0x39c: {  	_ = 	snop  }
0x39d: {  	[tilespmem:s3], [sflag:$0x4] =	stream.indirect_vreg.gather [hbm4b:s0+s5], $0x80, v0, vm0, $0xb8;
	[tilespmem:$0x19D00] =	vst v63  }
0x39e: {  	v0 =	vld [tilespmem:$0x5F0];
	_ =	sdelay $0x2  }
0x39f: {  	v24 =	vadd.f32 v49, v24  }
0x3a0: {  	v18 =	vadd.f32 v43, v18;
	v13 =	vadd.f32 v52, v13;
	v6 =	vmul.f32 v6, v40  }
0x3a1: {  	v8 =	vadd.f32 v50, v8;
	v7 =	vadd.f32 v53, v7;
	v56 =	vshll.u32 v0, $0x1  }
0x3a2: {  	v53 =	vmul.f32 v10, v5;
	v0 =	vand.u32 $0x7, v0;
	v49 =	vand.u32 $0xFFFFFFF0, v56  }
0x3a3: {  	v52 =	vmul.f32 v45, v5;
	v9 =	vadd.f32 v51, v9;
	v0 =	vor.u32 v0, v49  }
0x3a4: {  	v35 =	vadd.f32 v53, v35;
	v10 =	vmul.f32 v10, v46;
	v43 =	vperm.xlane v0, v1  }
0x3a5: {  	v56 =	vmul.f32 v48, v40;
	v48 =	vadd.f32 v52, v15;
	v15 =	vmul.f32 v47, v5  }
0x3a6: {  	v49 =	vadd.f32 v6, v14;
	v0 =	vperm.xlane v0, v3;
	v43 =	vadd.s32 v63, v43  }
0x3a7: {  	v6 =	vmul.f32 v41, v5;
	v14 =	vmul.f32 v44, v5;
	v37 =	vadd.f32 v15, v37  }
0x3a8: {  	v15 =	vmul.f32 v4, v5;
	v4 =	vmul.f32 v4, v46;
	v0 =	vadd.s32 v63, v0  }
0x3a9: {  	v11 =	vadd.f32 v56, v11;
	v56 =	vmul.f32 v47, v46;
	v1 =	vmul.f32 v61, v5  }
0x3aa: {  	s13 =	simm.s32 $0x100;
	v36 =	vadd.f32 v6, v36;
	v6 =	vmul.f32 v61, v46;
	v50 =	vadd.f32 v14, v32  }
0x3ab: {  	v14 =	vmul.f32 v54, v5;
	v51 =	vadd.f32 v15, v33;
	v15 =	vmov s13;
	[tilespmem:s17], [sflag:$0x4] =	stream.indirect_vreg.gather [hbm4b:s0+s5], $0x80, v43, vm0, $0xb8;
	[tilespmem:$0x19D00] =	vst v63  }
0x3ac: {  	v63 =	vmul.f32 v57, v46;
	v39 =	vadd.f32 v6, v39;
	v6 =	vmul.f32 v55, v5  }
0x3ad: {  	v32 =	vmul.f32 v42, v46;
	v4 =	vadd.f32 v4, v19;
	[tilespmem:s18], [sflag:$0x4] =	stream.indirect_vreg.gather [hbm4b:s0+s5], $0x80, v0, vm0, $0xb8;
	[tilespmem:$0x19D00] =	vst v63  }
0x3ae: {  	v29 =	vadd.f32 v63, v29;
	v19 =	vadd.f32 v6, v25;
	v6 =	vmul.f32 v54, v46;
	_ =	swait.ge [sflag:s15], $0x4000  }
0x3af: {  	v0 =	vmul.f32 v42, v5;
	v42 =	vadd.f32 v14, v12;
	v14 =	vmul.f32 v58, v46;
	[sflag:s15] =	ssyncset.done $0x0  }
0x3b0: {  	s22 =	sand.u32 $0x3800, s5;
	s1 =	sand.u32 $0x380, s5;
	v25 =	vadd.f32 v56, v26;
	v26 =	vmul.f32 v59, v46;
	v12 =	vmul.f32 v57, v5;
	v3 =	vld [tilespmem:$0x1FF90];
	[sflag:s15] =	ssyncadd.s32 $0xFFFFC000  }
0x3b1: {  	s1 =	sor.u32 s1, s22;
	v47 =	vadd.f32 v6, v20;
	v16 =	vadd.f32 v14, v16;
	v14 =	vmul.f32 v59, v5;
	v52 =	vld.idx.msk [tilespmem:v15+s4+$0x0], $0xffff  }
0x3b2: {  	s24 =	simm.s32 $0x101;
	v59 =	vmul.f32 v41, v46;
	v17 =	vadd.f32 v12, v17;
	v12 =	vmul.f32 v60, v5;
	v41 =	vld [tilespmem:s1+$0xAC0]  }
0x3b3: {  	v61 =	vmov s24;
	v0 =	vadd.f32 v0, v38;
	v27 =	vadd.f32 v14, v27;
	v53 =	vld [tilespmem:s1+$0xAB0]  }
0x3b4: {  	v14 =	vmul.f32 v55, v46;
	v28 =	vadd.f32 v12, v28;
	v54 =	vld [tilespmem:s1+$0xAE0];
	v55 =	vadd.f32 v59, v21  }
0x3b5: {  	v12 =	vmul.f32 v58, v5;
	v40 =	vld.idx.msk [tilespmem:v15+s14+$0x0], $0xffff;
	v15 =	vmul.f32 v62, v46;
	v21 =	vadd.f32 v32, v18  }
0x3b6: {  	v6 =	vld [tilespmem:s1+$0xAD0];
	v56 =	vadd.f32 v14, v22;
	v14 =	vmul.f32 v62, v5;
	v22 =	vmul.f32 v60, v46  }
0x3b7: {  	v58 =	vld [tilespmem:s1+$0x6B0];
	v59 =	vadd.f32 v12, v31;
	v60 =	vadd.f32 v10, v23;
	v10 =	vmul.f32 v45, v46  }
0x3b8: {  	v18 =	vld [tilespmem:s1+$0xA90];
	v12 =	vadd.f32 v1, v13;
	v15 =	vadd.f32 v15, v9;
	v20 =	vmul.f32 v3, v5  }
0x3b9: {  	v62 =	vld [tilespmem:s1+$0x680];
	v1 =	vmul.f32 v3, v46;
	v63 =	vadd.f32 v14, v34;
	v13 =	vadd.f32 v10, v7  }
0x3ba: {  	v9 =	vld [tilespmem:s1+$0x6C0];
	v10 =	vmul.f32 v44, v46;
	v14 =	vadd.f32 v22, v8;
	v57 =	vadd.f32 v20, v30  }
0x3bb: {  	v5 =	vld [tilespmem:s1+$0x690];
	v8 =	vadd.f32 v1, v11;
	v1 =	vmul.f32 v54, v52;
	v11 =	vmul.f32 v53, v52  }
0x3bc: {  	v7 =	vld [tilespmem:s1+$0xAA0];
	v20 =	vadd.f32 v26, v24;
	v22 =	vmul.f32 v58, v52;
	v23 =	vmul.f32 v6, v52  }
0x3bd: {  	v43 =	vmul.f32 v41, v40;
	v41 =	vmul.f32 v41, v52;
	v30 =	vadd.f32 v10, v49  }
0x3be: {  	v44 =	vld [tilespmem:s1+$0x6D0];
	v31 =	vadd.f32 v1, v48;
	v24 =	vmul.f32 v62, v40;
	v32 =	vadd.f32 v11, v35  }
0x3bf: {  	v46 =	vld [tilespmem:s1+$0x6A0];
	v33 =	vadd.f32 v22, v36;
	v11 =	vmul.f32 v18, v52;
	v45 =	vmul.f32 v9, v40  }
0x3c0: {  	v1 =	vld [tilespmem:s1+$0xA80];
	v22 =	vadd.f32 v23, v50;
	v10 =	vmul.f32 v5, v52;
	v5 =	vmul.f32 v5, v40  }
0x3c1: {  	v50 =	vld [tilespmem:s1+$0x6F0];
	v26 =	vmul.f32 v7, v52;
	v38 =	vadd.f32 v24, v39;
	v24 =	vadd.f32 v45, v4  }
0x3c2: {  	v34 =	vadd.f32 v11, v19;
	v4 =	vmul.f32 v7, v40;
	v39 =	vadd.f32 v41, v0  }
0x3c3: {  	v49 =	vmul.f32 v44, v40;
	v0 =	vmul.f32 v44, v52;
	v37 =	vadd.f32 v10, v37  }
0x3c4: {  	s2 =	simm.s32 $0x80;
	s5 =	simm.s32 $0x100;
	v48 =	vld [tilespmem:s1+$0x6E0];
	v10 =	vmul.f32 v9, v52;
	v35 =	vadd.f32 v5, v25;
	v9 =	vadd.f32 v26, v42  }
0x3c5: {  	s7 =	sand.u32 $0x380, s2;
	s6 =	sand.u32 $0x3800, s5;
	v5 =	vld.idx.msk [tilespmem:v61+s4+$0x0], $0xffff;
	v25 =	vadd.f32 v0, v27;
	v0 =	vmul.f32 v18, v40;
	v26 =	vmul.f32 v1, v52  }
0x3c6: {  	v23 =	vadd.f32 v10, v51;
	v10 =	vmul.f32 v46, v40;
	v51 =	vld [tilespmem:s1+$0xAF0];
	s1 =	sor.u32 s7, s6;
	v19 =	vmul.f32 v50, v52  }
0x3c7: {  	v1 =	vmul.f32 v1, v40;
	v50 =	vmul.f32 v50, v40;
	v42 =	vld [tilespmem:s1+$0xAC0];
	v18 =	vadd.f32 v0, v56  }
0x3c8: {  	v7 =	vld [tilespmem:s1+$0xAB0];
	v10 =	vadd.f32 v10, v16;
	v11 =	vadd.f32 v26, v17;
	v17 =	vmul.f32 v58, v40  }
0x3c9: {  	v45 =	vld [tilespmem:s1+$0xAE0];
	v16 =	vadd.f32 v4, v47;
	v4 =	vmul.f32 v53, v40;
	v58 =	vmul.f32 v48, v52  }
0x3ca: {  	v44 =	vld [tilespmem:s1+$0xAD0];
	v26 =	vadd.f32 v19, v28;
	v19 =	vmul.f32 v46, v52;
	v27 =	vadd.f32 v1, v29  }
0x3cb: {  	v41 =	vld [tilespmem:s1+$0x6B0];
	v17 =	vadd.f32 v17, v55;
	v28 =	vadd.f32 v58, v57;
	v0 =	vmul.f32 v51, v52  }
0x3cc: {  	v47 =	vld [tilespmem:s1+$0x690];
	v53 =	vmul.f32 v54, v40;
	v29 =	vadd.f32 v19, v59;
	v19 =	vadd.f32 v4, v60  }
0x3cd: {  	s6 =	simm.s32 $0x102;
	v46 =	vld.idx.msk [tilespmem:v61+s14+$0x0], $0xffff;
	v52 =	vmul.f32 v62, v52;
	v51 =	vmul.f32 v51, v40;
	v36 =	vadd.f32 v0, v63  }
.LBB2_12:
0x3ce: {  	p1 =	sne.s32 s6, $0x13F;
	v0 =	vld [tilespmem:s1+$0x680];
	s2 =	sadd.s32 $0x80, s2;
	s5 =	sadd.s32 $0x100, s5;
	v20 =	vadd.f32 v49, v20;
	v21 =	vadd.f32 v43, v21;
	v1 =	vmul.f32 v6, v40;
	v4 =	vmovc v45  }
0x3cf: {  	v12 =	vadd.f32 v52, v12;
	v40 =	vmul.f32 v48, v40;
	s7 =	smov.u32 s6;
	s6 =	sadd.s32 $0x1, s6;
	v45 =	vld [tilespmem:s1+$0xAA0];
	v13 =	vadd.f32 v53, v13;
	v6 =	vmovc v44  }
0x3d0: {  	v14 =	vadd.f32 v50, v14;
	v43 =	vmul.f32 v4, v5;
	v15 =	vadd.f32 v51, v15;
	v44 =	vld [tilespmem:s1+$0xA90]  }
0x3d1: {  	v49 =	vmul.f32 v7, v5;
	v8 =	vadd.f32 v40, v8;
	v30 =	vadd.f32 v1, v30;
	v48 =	vld [tilespmem:s1+$0x6C0]  }
0x3d2: {  	v50 =	vmul.f32 v41, v5;
	v1 =	vmul.f32 v47, v5;
	v31 =	vadd.f32 v43, v31  }
0x3d3: {  	v52 =	vmul.f32 v6, v5;
	v40 =	vmov v46;
	v51 =	vld [tilespmem:s1+$0xA80];
	v53 =	vmul.f32 v0, v46  }
0x3d4: {  	v32 =	vadd.f32 v49, v32;
	v43 =	vmul.f32 v42, v40;
	v46 =	vld [tilespmem:s1+$0x6A0];
	v54 =	vmul.f32 v45, v5  }
0x3d5: {  	v33 =	vadd.f32 v50, v33;
	v22 =	vadd.f32 v52, v22;
	v49 =	vmul.f32 v44, v5  }
0x3d6: {  	v37 =	vadd.f32 v1, v37;
	v50 =	vld [tilespmem:s1+$0x6D0];
	v1 =	vmul.f32 v48, v5;
	v48 =	vmul.f32 v48, v40  }
0x3d7: {  	v55 =	vmov s7;
	v42 =	vmul.f32 v42, v5;
	v38 =	vadd.f32 v53, v38  }
0x3d8: {  	v9 =	vadd.f32 v54, v9;
	v52 =	vld [tilespmem:s1+$0x6F0];
	v23 =	vadd.f32 v1, v23;
	v1 =	vmul.f32 v47, v40  }
0x3d9: {  	v47 =	vmul.f32 v51, v5;
	v24 =	vadd.f32 v48, v24;
	v53 =	vmul.f32 v46, v40  }
0x3da: {  	v34 =	vadd.f32 v49, v34;
	v48 =	vld [tilespmem:s1+$0x6E0];
	v35 =	vadd.f32 v1, v35;
	v1 =	vmul.f32 v45, v40  }
0x3db: {  	s7 =	sand.u32 $0x3800, s5;
	s8 =	sand.u32 $0x380, s2;
	v39 =	vadd.f32 v42, v39;
	v54 =	vld [tilespmem:s1+$0xAF0];
	v10 =	vadd.f32 v53, v10;
	v49 =	vmul.f32 v50, v40  }
0x3dc: {  	v41 =	vmul.f32 v41, v40;
	v11 =	vadd.f32 v47, v11;
	s1 =	sor.u32 s8, s7;
	v45 =	vmul.f32 v50, v5;
	v53 =	vld.idx.msk [tilespmem:v55+s4+$0x0], $0xffff  }
0x3dd: {  	v50 =	vmul.f32 v51, v40;
	v16 =	vadd.f32 v1, v16;
	v42 =	vld [tilespmem:s1+$0xAC0];
	v47 =	vmul.f32 v52, v5  }
0x3de: {  	v51 =	vmul.f32 v7, v40;
	v1 =	vmul.f32 v44, v40;
	v25 =	vadd.f32 v45, v25;
	v7 =	vld [tilespmem:s1+$0xAB0]  }
.Ltmp5:
0x3df: {  	v17 =	vadd.f32 v41, v17;
	v45 =	vld [tilespmem:s1+$0xAE0];
	v56 =	vmul.f32 v48, v5;
	v26 =	vadd.f32 v47, v26;
	(pc) =	sbr.rel @p1 .LBB2_12-.Ltmp5, $4  }
0x3e0: {  	v46 =	vmul.f32 v46, v5;
	v27 =	vadd.f32 v50, v27;
	v18 =	vadd.f32 v1, v18;
	v44 =	vld [tilespmem:s1+$0xAD0]  }
0x3e1: {  	v50 =	vmul.f32 v52, v40;
	v1 =	vmul.f32 v54, v5;
	v41 =	vld [tilespmem:s1+$0x6B0];
	v28 =	vadd.f32 v56, v28  }
0x3e2: {  	v29 =	vadd.f32 v46, v29;
	v52 =	vmul.f32 v0, v5;
	v19 =	vadd.f32 v51, v19;
	v5 =	vmovc v53;
	v47 =	vld [tilespmem:s1+$0x690]  }
0x3e3: {  	v51 =	vmul.f32 v54, v40;
	v53 =	vmul.f32 v4, v40;
	v36 =	vadd.f32 v1, v36;
	v46 =	vld.idx.msk [tilespmem:v55+s14+$0x0], $0xffff  }
0x3e4: {  	v1 =	vadd.f32 v49, v20  }
0x3e5: {  	v0 =	vld [tilespmem:s1+$0x680];
	v4 =	vadd.f32 v43, v21;
	v6 =	vmul.f32 v6, v40;
	v12 =	vadd.f32 v52, v12  }
0x3e6: {  	v20 =	vld [tilespmem:s1+$0xAA0];
	v21 =	vmul.f32 v48, v40;
	v58 =	vmul.f32 v45, v5;
	v14 =	vadd.f32 v50, v14  }
0x3e7: {  	v59 =	vld [tilespmem:s1+$0x6C0];
	v60 =	vmul.f32 v7, v5;
	s2 =	simm.s32 $0x140;
	v57 =	vmul.f32 v42, v5;
	v13 =	vadd.f32 v53, v13  }
0x3e8: {  	v40 =	vld [tilespmem:s1+$0xA90];
	v15 =	vadd.f32 v51, v15;
	v61 =	vmul.f32 v44, v5;
	v55 =	vmov s2  }
0x3e9: {  	v43 =	vld [tilespmem:s1+$0xA80];
	v8 =	vadd.f32 v21, v8;
	v30 =	vadd.f32 v6, v30;
	v21 =	vmul.f32 v41, v5  }
0x3ea: {  	v52 =	vld [tilespmem:s1+$0x6A0];
	v31 =	vadd.f32 v58, v31;
	v32 =	vadd.f32 v60, v32;
	v6 =	vmul.f32 v47, v5  }
0x3eb: {  	v54 =	vld [tilespmem:s1+$0x6D0];
	v39 =	vadd.f32 v57, v39;
	v49 =	vmul.f32 v42, v46;
	v60 =	vmul.f32 v41, v46  }
0x3ec: {  	v50 =	vld [tilespmem:s1+$0x6F0];
	v7 =	vmul.f32 v7, v46;
	v37 =	vadd.f32 v6, v37;
	v6 =	vmul.f32 v59, v5  }
0x3ed: {  	v51 =	vld [tilespmem:s1+$0x6E0];
	v33 =	vadd.f32 v21, v33;
	v62 =	vmul.f32 v0, v46;
	v63 =	vmul.f32 v20, v5  }
0x3ee: {  	v21 =	vmul.f32 v40, v5;
	v23 =	vadd.f32 v6, v23;
	v6 =	vmul.f32 v47, v46;
	v47 =	vld [tilespmem:s1+$0xAF0];
	_ =	swait.ge [sflag:s16], $0x4000  }
0x3ef: {  	s13 =	simm.s32 $0x0;
	v22 =	vadd.f32 v61, v22;
	v48 =	vmul.f32 v59, v46;
	v58 =	vmul.f32 v43, v5;
	[sflag:s16] =	ssyncset.done $0x0  }
0x3f0: {  	s22 =	sand.u32 $0x3800, s13;
	v59 =	vmul.f32 v52, v46;
	v34 =	vadd.f32 v21, v34;
	s1 =	sand.u32 $0x380, s13;
	v21 =	vmul.f32 v54, v5;
	[sflag:s16] =	ssyncadd.s32 $0xFFFFC000  }
0x3f1: {  	s1 =	sor.u32 s1, s22;
	v35 =	vadd.f32 v6, v35;
	v6 =	vmul.f32 v20, v46;
	v20 =	vmul.f32 v54, v46;
	v54 =	vld.idx.msk [tilespmem:v55+s4+$0x0], $0xffff  }
0x3f2: {  	v61 =	vmul.f32 v50, v5;
	v43 =	vmul.f32 v43, v46;
	v24 =	vadd.f32 v48, v24;
	v48 =	vld [tilespmem:s1+$0x4AC0]  }
0x3f3: {  	v50 =	vmul.f32 v50, v46;
	v17 =	vadd.f32 v60, v17;
	v19 =	vadd.f32 v7, v19;
	v53 =	vld [tilespmem:s1+$0x4AB0]  }
0x3f4: {  	v0 =	vmul.f32 v0, v5;
	v38 =	vadd.f32 v62, v38;
	v9 =	vadd.f32 v63, v9;
	v56 =	vld [tilespmem:s1+$0x4AE0]  }
0x3f5: {  	v7 =	vmul.f32 v45, v46;
	v10 =	vadd.f32 v59, v10;
	v11 =	vadd.f32 v58, v11;
	v42 =	vld [tilespmem:s1+$0x46B0]  }
0x3f6: {  	v62 =	vmul.f32 v51, v5;
	v25 =	vadd.f32 v21, v25;
	v21 =	vmul.f32 v40, v46;
	v40 =	vld.idx.msk [tilespmem:v55+s14+$0x0], $0xffff  }
0x3f7: {  	v26 =	vadd.f32 v61, v26;
	v63 =	vmul.f32 v52, v5;
	v27 =	vadd.f32 v43, v27;
	v41 =	vld [tilespmem:s1+$0x4A90]  }
0x3f8: {  	s24 =	simm.s32 $0x141;
	v12 =	vadd.f32 v0, v12;
	v0 =	vmul.f32 v51, v46;
	v14 =	vadd.f32 v50, v14;
	v55 =	vld [tilespmem:s1+$0x46C0]  }
0x3f9: {  	v51 =	vmov s24;
	v13 =	vadd.f32 v7, v13;
	v28 =	vadd.f32 v62, v28;
	v57 =	vld [tilespmem:s1+$0x46D0]  }
0x3fa: {  	v7 =	vmul.f32 v44, v46;
	v16 =	vadd.f32 v6, v16;
	v6 =	vld [tilespmem:s1+$0x4AD0];
	v18 =	vadd.f32 v21, v18  }
0x3fb: {  	v20 =	vadd.f32 v20, v1;
	v1 =	vld [tilespmem:s1+$0x4680];
	v21 =	vmul.f32 v47, v5;
	v52 =	vmul.f32 v47, v46  }
0x3fc: {  	v8 =	vadd.f32 v0, v8;
	v5 =	vld [tilespmem:s1+$0x4690];
	v0 =	vmul.f32 v56, v54;
	v58 =	vmul.f32 v53, v54  }
0x3fd: {  	v29 =	vadd.f32 v63, v29;
	v59 =	vmul.f32 v42, v54;
	v43 =	vmul.f32 v48, v40  }
0x3fe: {  	v50 =	vld [tilespmem:s1+$0x46A0];
	v36 =	vadd.f32 v21, v36;
	v63 =	vmul.f32 v41, v54;
	v44 =	vmul.f32 v55, v40  }
0x3ff: {  	v21 =	vadd.f32 v49, v4;
	v49 =	vmul.f32 v57, v40;
	v53 =	vmul.f32 v53, v40  }
0x400: {  	v30 =	vadd.f32 v7, v30;
	v47 =	vld [tilespmem:s1+$0x46F0];
	v60 =	vmul.f32 v6, v54;
	v61 =	vmul.f32 v1, v40  }
0x401: {  	v15 =	vadd.f32 v52, v15;
	v52 =	vmul.f32 v1, v54;
	v7 =	vmul.f32 v5, v54  }
0x402: {  	v4 =	vld [tilespmem:s1+$0x4AA0];
	v31 =	vadd.f32 v0, v31;
	v32 =	vadd.f32 v58, v32;
	v58 =	vmul.f32 v48, v54  }
0x403: {  	v33 =	vadd.f32 v59, v33;
	v5 =	vmul.f32 v5, v40;
	v59 =	vmul.f32 v50, v40  }
0x404: {  	v24 =	vadd.f32 v44, v24;
	v34 =	vadd.f32 v63, v34;
	v63 =	vmul.f32 v50, v54  }
0x405: {  	v46 =	vld.idx.msk [tilespmem:v51+s14+$0x0], $0xffff;
	v50 =	vmul.f32 v47, v40;
	v19 =	vadd.f32 v53, v19;
	v22 =	vadd.f32 v60, v22  }
0x406: {  	v0 =	vld [tilespmem:s1+$0x4A80];
	v38 =	vadd.f32 v61, v38;
	v60 =	vmul.f32 v57, v54;
	v61 =	vmul.f32 v42, v40  }
0x407: {  	s5 =	simm.s32 $0x100;
	s2 =	simm.s32 $0x80;
	v48 =	vld [tilespmem:s1+$0x46E0];
	v62 =	vmul.f32 v4, v54;
	v37 =	vadd.f32 v7, v37;
	v35 =	vadd.f32 v5, v35  }
0x408: {  	s6 =	sand.u32 $0x3800, s5;
	s7 =	sand.u32 $0x380, s2;
	v7 =	vmul.f32 v55, v54;
	v55 =	vld [tilespmem:s1+$0x4AF0];
	v39 =	vadd.f32 v58, v39;
	v10 =	vadd.f32 v59, v10  }
0x409: {  	v4 =	vmul.f32 v4, v40;
	v5 =	vld.idx.msk [tilespmem:v51+s4+$0x0], $0xffff;
	s1 =	sor.u32 s7, s6;
	v29 =	vadd.f32 v63, v29;
	v25 =	vadd.f32 v60, v25  }
0x40a: {  	v42 =	vld [tilespmem:s1+$0x4AC0];
	v17 =	vadd.f32 v61, v17;
	v9 =	vadd.f32 v62, v9;
	v62 =	vmul.f32 v47, v54  }
0x40b: {  	v45 =	vld [tilespmem:s1+$0x4AE0];
	v23 =	vadd.f32 v7, v23;
	v7 =	vmul.f32 v0, v54;
	v0 =	vmul.f32 v0, v40  }
0x40c: {  	v44 =	vld [tilespmem:s1+$0x4AD0];
	v16 =	vadd.f32 v4, v16;
	v4 =	vmul.f32 v41, v40;
	v57 =	vmul.f32 v48, v54  }
0x40d: {  	v41 =	vld [tilespmem:s1+$0x46B0];
	v26 =	vadd.f32 v62, v26;
	v27 =	vadd.f32 v0, v27;
	v0 =	vmul.f32 v55, v54  }
0x40e: {  	v53 =	vmul.f32 v56, v40;
	v18 =	vadd.f32 v4, v18;
	v11 =	vadd.f32 v7, v11;
	v7 =	vld [tilespmem:s1+$0x4AB0]  }
0x40f: {  	s6 =	simm.s32 $0x142;
	v47 =	vld [tilespmem:s1+$0x4690];
	v28 =	vadd.f32 v57, v28;
	v51 =	vmul.f32 v55, v40;
	v36 =	vadd.f32 v0, v36  }
.LBB2_14:
0x410: {  	p1 =	sne.s32 s6, $0x17F;
	v0 =	vld [tilespmem:s1+$0x4680];
	s2 =	sadd.s32 $0x80, s2;
	s5 =	sadd.s32 $0x100, s5;
	v20 =	vadd.f32 v49, v20;
	v21 =	vadd.f32 v43, v21;
	v1 =	vmul.f32 v6, v40;
	v4 =	vmovc v45  }
0x411: {  	v12 =	vadd.f32 v52, v12;
	v40 =	vmul.f32 v48, v40;
	s7 =	smov.u32 s6;
	s6 =	sadd.s32 $0x1, s6;
	v45 =	vld [tilespmem:s1+$0x4AA0];
	v13 =	vadd.f32 v53, v13;
	v6 =	vmovc v44  }
0x412: {  	v14 =	vadd.f32 v50, v14;
	v43 =	vmul.f32 v4, v5;
	v15 =	vadd.f32 v51, v15;
	v44 =	vld [tilespmem:s1+$0x4A90]  }
0x413: {  	v49 =	vmul.f32 v7, v5;
	v8 =	vadd.f32 v40, v8;
	v30 =	vadd.f32 v1, v30;
	v48 =	vld [tilespmem:s1+$0x46C0]  }
0x414: {  	v50 =	vmul.f32 v41, v5;
	v1 =	vmul.f32 v47, v5;
	v31 =	vadd.f32 v43, v31  }
0x415: {  	v52 =	vmul.f32 v6, v5;
	v40 =	vmov v46;
	v51 =	vld [tilespmem:s1+$0x4A80];
	v53 =	vmul.f32 v0, v46  }
0x416: {  	v32 =	vadd.f32 v49, v32;
	v43 =	vmul.f32 v42, v40;
	v46 =	vld [tilespmem:s1+$0x46A0];
	v54 =	vmul.f32 v45, v5  }
0x417: {  	v33 =	vadd.f32 v50, v33;
	v22 =	vadd.f32 v52, v22;
	v49 =	vmul.f32 v44, v5  }
0x418: {  	v37 =	vadd.f32 v1, v37;
	v50 =	vld [tilespmem:s1+$0x46D0];
	v1 =	vmul.f32 v48, v5;
	v48 =	vmul.f32 v48, v40  }
0x419: {  	v55 =	vmov s7;
	v42 =	vmul.f32 v42, v5;
	v38 =	vadd.f32 v53, v38  }
0x41a: {  	v9 =	vadd.f32 v54, v9;
	v52 =	vld [tilespmem:s1+$0x46F0];
	v23 =	vadd.f32 v1, v23;
	v1 =	vmul.f32 v47, v40  }
0x41b: {  	v47 =	vmul.f32 v51, v5;
	v24 =	vadd.f32 v48, v24;
	v53 =	vmul.f32 v46, v40  }
0x41c: {  	v34 =	vadd.f32 v49, v34;
	v48 =	vld [tilespmem:s1+$0x46E0];
	v35 =	vadd.f32 v1, v35;
	v1 =	vmul.f32 v45, v40  }
0x41d: {  	s7 =	sand.u32 $0x3800, s5;
	s8 =	sand.u32 $0x380, s2;
	v39 =	vadd.f32 v42, v39;
	v54 =	vld [tilespmem:s1+$0x4AF0];
	v10 =	vadd.f32 v53, v10;
	v49 =	vmul.f32 v50, v40  }
0x41e: {  	v41 =	vmul.f32 v41, v40;
	v11 =	vadd.f32 v47, v11;
	s1 =	sor.u32 s8, s7;
	v45 =	vmul.f32 v50, v5;
	v53 =	vld.idx.msk [tilespmem:v55+s4+$0x0], $0xffff  }
0x41f: {  	v50 =	vmul.f32 v51, v40;
	v16 =	vadd.f32 v1, v16;
	v42 =	vld [tilespmem:s1+$0x4AC0];
	v47 =	vmul.f32 v52, v5  }
0x420: {  	v51 =	vmul.f32 v7, v40;
	v1 =	vmul.f32 v44, v40;
	v25 =	vadd.f32 v45, v25;
	v7 =	vld [tilespmem:s1+$0x4AB0]  }
.Ltmp6:
0x421: {  	v17 =	vadd.f32 v41, v17;
	v45 =	vld [tilespmem:s1+$0x4AE0];
	v56 =	vmul.f32 v48, v5;
	v26 =	vadd.f32 v47, v26;
	(pc) =	sbr.rel @p1 .LBB2_14-.Ltmp6, $4  }
0x422: {  	v46 =	vmul.f32 v46, v5;
	v27 =	vadd.f32 v50, v27;
	v18 =	vadd.f32 v1, v18;
	v44 =	vld [tilespmem:s1+$0x4AD0]  }
0x423: {  	v50 =	vmul.f32 v52, v40;
	v1 =	vmul.f32 v54, v5;
	v41 =	vld [tilespmem:s1+$0x46B0];
	v28 =	vadd.f32 v56, v28  }
0x424: {  	v29 =	vadd.f32 v46, v29;
	v52 =	vmul.f32 v0, v5;
	v19 =	vadd.f32 v51, v19;
	v5 =	vmovc v53;
	v47 =	vld [tilespmem:s1+$0x4690]  }
0x425: {  	v51 =	vmul.f32 v54, v40;
	v53 =	vmul.f32 v4, v40;
	v36 =	vadd.f32 v1, v36;
	v46 =	vld.idx.msk [tilespmem:v55+s14+$0x0], $0xffff  }
0x426: {  	v1 =	vadd.f32 v49, v20  }
0x427: {  	v0 =	vld [tilespmem:s1+$0x4680];
	v4 =	vadd.f32 v43, v21;
	v6 =	vmul.f32 v6, v40;
	v12 =	vadd.f32 v52, v12  }
0x428: {  	v20 =	vld [tilespmem:s1+$0x4AA0];
	v21 =	vmul.f32 v48, v40;
	v59 =	vmul.f32 v45, v5;
	v14 =	vadd.f32 v50, v14  }
0x429: {  	v40 =	vld [tilespmem:s1+$0x4A90];
	v61 =	vmul.f32 v7, v5;
	s2 =	simm.s32 $0x180;
	v58 =	vmul.f32 v42, v5;
	v13 =	vadd.f32 v53, v13  }
0x42a: {  	v60 =	vld [tilespmem:s1+$0x46C0];
	v15 =	vadd.f32 v51, v15;
	v62 =	vmul.f32 v44, v5;
	v55 =	vmov s2  }
0x42b: {  	v43 =	vld [tilespmem:s1+$0x4A80];
	v8 =	vadd.f32 v21, v8;
	v6 =	vadd.f32 v6, v30;
	v30 =	vmul.f32 v41, v5  }
0x42c: {  	v52 =	vld [tilespmem:s1+$0x46A0];
	v31 =	vadd.f32 v59, v31;
	v32 =	vadd.f32 v61, v32;
	v21 =	vmul.f32 v47, v5  }
0x42d: {  	v50 =	vld [tilespmem:s1+$0x46F0];
	v39 =	vadd.f32 v58, v39;
	v49 =	vmul.f32 v42, v46;
	v61 =	vmul.f32 v41, v46  }
0x42e: {  	v33 =	vadd.f32 v30, v33;
	v63 =	vmul.f32 v0, v46;
	v57 =	vmul.f32 v20, v5  }
0x42f: {  	v54 =	vld [tilespmem:s1+$0x46D0];
	v30 =	vmul.f32 v40, v5;
	v37 =	vadd.f32 v21, v37;
	v21 =	vmul.f32 v60, v5  }
0x430: {  	v51 =	vld [tilespmem:s1+$0x46E0];
	v22 =	vadd.f32 v62, v22;
	v48 =	vmul.f32 v60, v46;
	v59 =	vmul.f32 v43, v5  }
0x431: {  	v60 =	vmul.f32 v52, v46;
	v23 =	vadd.f32 v21, v23;
	v21 =	vmul.f32 v47, v46;
	v47 =	vld [tilespmem:s1+$0x4AF0];
	_ =	swait.ge [sflag:s19], $0x4000  }
0x432: {  	s13 =	simm.s32 $0x0;
	v20 =	vmul.f32 v20, v46;
	v62 =	vmul.f32 v50, v5;
	v17 =	vadd.f32 v61, v17;
	[sflag:s19] =	ssyncset.done $0x0  }
0x433: {  	s22 =	sand.u32 $0x3800, s13;
	v43 =	vmul.f32 v43, v46;
	v38 =	vadd.f32 v63, v38;
	v34 =	vadd.f32 v30, v34;
	s1 =	sand.u32 $0x380, s13;
	[sflag:s19] =	ssyncadd.s32 $0xFFFFC000  }
0x434: {  	v30 =	vmul.f32 v54, v5;
	s1 =	sor.u32 s1, s22;
	v35 =	vadd.f32 v21, v35;
	v21 =	vmul.f32 v54, v46;
	v54 =	vld.idx.msk [tilespmem:v55+s4+$0x0], $0xffff  }
0x435: {  	v0 =	vmul.f32 v0, v5;
	v9 =	vadd.f32 v57, v9;
	v24 =	vadd.f32 v48, v24;
	v48 =	vld [tilespmem:s1+$0x8AC0]  }
0x436: {  	v61 =	vmul.f32 v50, v46;
	v10 =	vadd.f32 v60, v10;
	v11 =	vadd.f32 v59, v11;
	v53 =	vld [tilespmem:s1+$0x8AB0]  }
0x437: {  	v16 =	vadd.f32 v20, v16;
	v20 =	vmul.f32 v40, v46;
	v63 =	vmul.f32 v51, v5;
	v56 =	vld [tilespmem:s1+$0x8AE0]  }
0x438: {  	v26 =	vadd.f32 v62, v26;
	v25 =	vadd.f32 v30, v25;
	v30 =	vmul.f32 v7, v46;
	v7 =	vld [tilespmem:s1+$0x8AD0]  }
0x439: {  	s24 =	simm.s32 $0x181;
	v60 =	vmul.f32 v52, v5;
	v27 =	vadd.f32 v43, v27;
	v12 =	vadd.f32 v0, v12;
	v42 =	vld [tilespmem:s1+$0x86B0]  }
0x43a: {  	v0 =	vmul.f32 v51, v46;
	v51 =	vmov s24;
	v14 =	vadd.f32 v61, v14;
	v40 =	vld.idx.msk [tilespmem:v55+s14+$0x0], $0xffff  }
0x43b: {  	v18 =	vadd.f32 v20, v18;
	v41 =	vld [tilespmem:s1+$0x8A90];
	v19 =	vadd.f32 v30, v19;
	v30 =	vmul.f32 v45, v46  }
0x43c: {  	v28 =	vadd.f32 v63, v28;
	v29 =	vadd.f32 v60, v29;
	v63 =	vld [tilespmem:s1+$0x86C0];
	v20 =	vmul.f32 v47, v5  }
0x43d: {  	v8 =	vadd.f32 v0, v8;
	v61 =	vld [tilespmem:s1+$0x86D0];
	v62 =	vmul.f32 v47, v46;
	v13 =	vadd.f32 v30, v13  }
0x43e: {  	v30 =	vmul.f32 v44, v46;
	v36 =	vadd.f32 v20, v36;
	v0 =	vmul.f32 v56, v54  }
0x43f: {  	v5 =	vld [tilespmem:s1+$0x8690];
	v20 =	vadd.f32 v21, v1;
	v52 =	vmul.f32 v53, v54;
	v55 =	vmul.f32 v42, v54  }
0x440: {  	v21 =	vadd.f32 v49, v4;
	v57 =	vmul.f32 v7, v54;
	v43 =	vmul.f32 v48, v40  }
0x441: {  	v1 =	vld [tilespmem:s1+$0x8680];
	v15 =	vadd.f32 v62, v15;
	v60 =	vmul.f32 v41, v54;
	v44 =	vmul.f32 v63, v40  }
0x442: {  	v4 =	vld [tilespmem:s1+$0x8AA0];
	v30 =	vadd.f32 v30, v6;
	v62 =	vmul.f32 v48, v54;
	v49 =	vmul.f32 v61, v40  }
0x443: {  	v53 =	vmul.f32 v53, v40;
	v31 =	vadd.f32 v0, v31;
	v32 =	vadd.f32 v52, v32  }
0x444: {  	v50 =	vld [tilespmem:s1+$0x86A0];
	v6 =	vmul.f32 v5, v54;
	v33 =	vadd.f32 v55, v33;
	v22 =	vadd.f32 v57, v22  }
0x445: {  	v48 =	vld [tilespmem:s1+$0x86E0];
	v5 =	vmul.f32 v5, v40;
	v24 =	vadd.f32 v44, v24;
	v34 =	vadd.f32 v60, v34  }
0x446: {  	v47 =	vld [tilespmem:s1+$0x86F0];
	v60 =	vmul.f32 v42, v40;
	v19 =	vadd.f32 v53, v19;
	v53 =	vmul.f32 v56, v40  }
0x447: {  	s5 =	simm.s32 $0x100;
	s2 =	simm.s32 $0x80;
	v0 =	vld [tilespmem:s1+$0x8A80];
	v39 =	vadd.f32 v62, v39;
	v58 =	vmul.f32 v1, v40;
	v59 =	vmul.f32 v4, v54  }
0x448: {  	s6 =	sand.u32 $0x3800, s5;
	s7 =	sand.u32 $0x380, s2;
	v46 =	vld.idx.msk [tilespmem:v51+s14+$0x0], $0xffff;
	v37 =	vadd.f32 v6, v37;
	v6 =	vmul.f32 v63, v54;
	v35 =	vadd.f32 v5, v35  }
0x449: {  	v57 =	vld [tilespmem:s1+$0x8AF0];
	s1 =	sor.u32 s7, s6;
	v4 =	vmul.f32 v4, v40;
	v17 =	vadd.f32 v60, v17;
	v52 =	vmul.f32 v1, v54  }
0x44a: {  	v42 =	vld [tilespmem:s1+$0x8AC0];
	v62 =	vmul.f32 v48, v54;
	v38 =	vadd.f32 v58, v38;
	v23 =	vadd.f32 v6, v23  }
0x44b: {  	v45 =	vld [tilespmem:s1+$0x8AE0];
	v9 =	vadd.f32 v59, v9;
	v6 =	vmul.f32 v50, v40;
	v59 =	vmul.f32 v61, v54  }
0x44c: {  	v44 =	vld [tilespmem:s1+$0x8AD0];
	v61 =	vmul.f32 v47, v54;
	v16 =	vadd.f32 v4, v16;
	v63 =	vmul.f32 v0, v54  }
0x44d: {  	v5 =	vld [tilespmem:s1+$0x8AB0];
	v0 =	vmul.f32 v0, v40;
	v28 =	vadd.f32 v62, v28;
	v10 =	vadd.f32 v6, v10  }
0x44e: {  	v4 =	vmul.f32 v41, v40;
	v41 =	vld [tilespmem:s1+$0x86B0];
	v25 =	vadd.f32 v59, v25;
	v11 =	vadd.f32 v63, v11  }
0x44f: {  	v6 =	vld.idx.msk [tilespmem:v51+s4+$0x0], $0xffff;
	v63 =	vmul.f32 v50, v54;
	v27 =	vadd.f32 v0, v27;
	v0 =	vmul.f32 v57, v54  }
0x450: {  	v26 =	vadd.f32 v61, v26;
	v18 =	vadd.f32 v4, v18;
	v50 =	vmul.f32 v47, v40;
	v47 =	vld [tilespmem:s1+$0x8690]  }
0x451: {  	s6 =	simm.s32 $0x182;
	v51 =	vmul.f32 v57, v40;
	v29 =	vadd.f32 v63, v29;
	v36 =	vadd.f32 v0, v36;
	v63 =	vld [tilespmem:$0x1FFF0]  }
.LBB2_16:
0x452: {  	p1 =	sne.s32 s6, $0x1BF;
	v0 =	vld [tilespmem:s1+$0x8680];
	s2 =	sadd.s32 $0x80, s2;
	s5 =	sadd.s32 $0x100, s5;
	v20 =	vadd.f32 v49, v20;
	v21 =	vadd.f32 v43, v21;
	v1 =	vmul.f32 v7, v40;
	v4 =	vmovc v45  }
0x453: {  	v12 =	vadd.f32 v52, v12;
	v40 =	vmul.f32 v48, v40;
	s7 =	smov.u32 s6;
	s6 =	sadd.s32 $0x1, s6;
	v45 =	vld [tilespmem:s1+$0x8AA0];
	v13 =	vadd.f32 v53, v13;
	v7 =	vmovc v44  }
0x454: {  	v14 =	vadd.f32 v50, v14;
	v43 =	vmul.f32 v4, v6;
	v15 =	vadd.f32 v51, v15;
	v44 =	vld [tilespmem:s1+$0x8A90]  }
0x455: {  	v49 =	vmul.f32 v5, v6;
	v8 =	vadd.f32 v40, v8;
	v30 =	vadd.f32 v1, v30;
	v48 =	vld [tilespmem:s1+$0x86C0]  }
0x456: {  	v50 =	vmul.f32 v41, v6;
	v1 =	vmul.f32 v47, v6;
	v31 =	vadd.f32 v43, v31  }
0x457: {  	v52 =	vmul.f32 v7, v6;
	v40 =	vmov v46;
	v51 =	vld [tilespmem:s1+$0x8A80];
	v53 =	vmul.f32 v0, v46  }
0x458: {  	v32 =	vadd.f32 v49, v32;
	v43 =	vmul.f32 v42, v40;
	v46 =	vld [tilespmem:s1+$0x86A0];
	v54 =	vmul.f32 v45, v6  }
0x459: {  	v33 =	vadd.f32 v50, v33;
	v22 =	vadd.f32 v52, v22;
	v49 =	vmul.f32 v44, v6  }
0x45a: {  	v37 =	vadd.f32 v1, v37;
	v50 =	vld [tilespmem:s1+$0x86D0];
	v1 =	vmul.f32 v48, v6;
	v48 =	vmul.f32 v48, v40  }
0x45b: {  	v55 =	vmov s7;
	v42 =	vmul.f32 v42, v6;
	v38 =	vadd.f32 v53, v38  }
0x45c: {  	v9 =	vadd.f32 v54, v9;
	v52 =	vld [tilespmem:s1+$0x86F0];
	v23 =	vadd.f32 v1, v23;
	v1 =	vmul.f32 v47, v40  }
0x45d: {  	v47 =	vmul.f32 v51, v6;
	v24 =	vadd.f32 v48, v24;
	v53 =	vmul.f32 v46, v40  }
0x45e: {  	v34 =	vadd.f32 v49, v34;
	v48 =	vld [tilespmem:s1+$0x86E0];
	v35 =	vadd.f32 v1, v35;
	v1 =	vmul.f32 v45, v40  }
0x45f: {  	s7 =	sand.u32 $0x3800, s5;
	s8 =	sand.u32 $0x380, s2;
	v39 =	vadd.f32 v42, v39;
	v54 =	vld [tilespmem:s1+$0x8AF0];
	v10 =	vadd.f32 v53, v10;
	v49 =	vmul.f32 v50, v40  }
0x460: {  	v41 =	vmul.f32 v41, v40;
	v11 =	vadd.f32 v47, v11;
	s1 =	sor.u32 s8, s7;
	v45 =	vmul.f32 v50, v6;
	v53 =	vld.idx.msk [tilespmem:v55+s4+$0x0], $0xffff  }
0x461: {  	v50 =	vmul.f32 v51, v40;
	v16 =	vadd.f32 v1, v16;
	v42 =	vld [tilespmem:s1+$0x8AC0];
	v47 =	vmul.f32 v52, v6  }
0x462: {  	v51 =	vmul.f32 v5, v40;
	v1 =	vmul.f32 v44, v40;
	v25 =	vadd.f32 v45, v25;
	v5 =	vld [tilespmem:s1+$0x8AB0]  }
.Ltmp7:
0x463: {  	v17 =	vadd.f32 v41, v17;
	v45 =	vld [tilespmem:s1+$0x8AE0];
	v56 =	vmul.f32 v48, v6;
	v26 =	vadd.f32 v47, v26;
	(pc) =	sbr.rel @p1 .LBB2_16-.Ltmp7, $4  }
0x464: {  	v46 =	vmul.f32 v46, v6;
	v27 =	vadd.f32 v50, v27;
	v18 =	vadd.f32 v1, v18;
	v44 =	vld [tilespmem:s1+$0x8AD0]  }
0x465: {  	v50 =	vmul.f32 v52, v40;
	v1 =	vmul.f32 v54, v6;
	v41 =	vld [tilespmem:s1+$0x86B0];
	v28 =	vadd.f32 v56, v28  }
0x466: {  	v29 =	vadd.f32 v46, v29;
	v52 =	vmul.f32 v0, v6;
	v19 =	vadd.f32 v51, v19;
	v6 =	vmovc v53;
	v47 =	vld [tilespmem:s1+$0x8690]  }
0x467: {  	v51 =	vmul.f32 v54, v40;
	v53 =	vmul.f32 v4, v40;
	v36 =	vadd.f32 v1, v36;
	v46 =	vld.idx.msk [tilespmem:v55+s14+$0x0], $0xffff  }
0x468: {  	v0 =	vld [tilespmem:s1+$0x8680];
	v1 =	vadd.f32 v49, v20;
	v4 =	vadd.f32 v43, v21;
	v7 =	vmul.f32 v7, v40  }
0x469: {  	v20 =	vld [tilespmem:s1+$0x8AA0];
	v12 =	vadd.f32 v52, v12;
	v21 =	vmul.f32 v48, v40;
	v61 =	vmul.f32 v45, v6  }
0x46a: {  	v40 =	vld [tilespmem:s1+$0x8A90];
	v14 =	vadd.f32 v50, v14;
	v57 =	vmul.f32 v5, v6;
	s2 =	simm.s32 $0x1C0;
	v13 =	vadd.f32 v53, v13  }
0x46b: {  	v62 =	vld [tilespmem:s1+$0x86C0];
	v15 =	vadd.f32 v51, v15;
	v58 =	vmul.f32 v44, v6;
	v55 =	vmov s2  }
0x46c: {  	v52 =	vld [tilespmem:s1+$0x86A0];
	v21 =	vadd.f32 v21, v8;
	v30 =	vadd.f32 v7, v30;
	v8 =	vmul.f32 v41, v6  }
0x46d: {  	v31 =	vadd.f32 v61, v31;
	v32 =	vadd.f32 v57, v32;
	v61 =	vmul.f32 v42, v6  }
0x46e: {  	v43 =	vld [tilespmem:s1+$0x8A80];
	v7 =	vmul.f32 v47, v6;
	v22 =	vadd.f32 v58, v22;
	v49 =	vmul.f32 v42, v46  }
0x46f: {  	v54 =	vld [tilespmem:s1+$0x86D0];
	v33 =	vadd.f32 v8, v33;
	v59 =	vmul.f32 v0, v46;
	v60 =	vmul.f32 v20, v6  }
0x470: {  	v8 =	vmul.f32 v40, v6;
	v37 =	vadd.f32 v7, v37;
	v7 =	vmul.f32 v62, v6  }
0x471: {  	v50 =	vld [tilespmem:s1+$0x86F0];
	v42 =	vadd.f32 v61, v39;
	v48 =	vmul.f32 v62, v46;
	v62 =	vmul.f32 v52, v46  }
0x472: {  	v51 =	vld [tilespmem:s1+$0x86E0];
	v0 =	vmul.f32 v0, v6;
	v38 =	vadd.f32 v59, v38;
	v23 =	vadd.f32 v7, v23  }
0x473: {  	v7 =	vmul.f32 v47, v46;
	v47 =	vld [tilespmem:s1+$0x8AF0];
	v53 =	vadd.f32 v60, v9;
	v9 =	vmul.f32 v43, v6;
	_ =	swait.ge [sflag:s20], $0x4000  }
0x474: {  	s13 =	simm.s32 $0x0;
	v24 =	vadd.f32 v48, v24;
	v34 =	vadd.f32 v8, v34;
	v8 =	vmul.f32 v54, v46;
	[sflag:s20] =	ssyncset.done $0x0  }
0x475: {  	s22 =	sand.u32 $0x3800, s13;
	s1 =	sand.u32 $0x380, s13;
	v48 =	vadd.f32 v62, v10;
	v10 =	vmul.f32 v54, v6;
	v56 =	vadd.f32 v7, v35;
	[sflag:s20] =	ssyncadd.s32 $0xFFFFC000  }
0x476: {  	s5 =	sor.u32 s1, s22;
	v7 =	vmul.f32 v20, v46;
	v20 =	vmul.f32 v41, v46;
	v41 =	vadd.f32 v9, v11;
	v54 =	vld.idx.msk [tilespmem:v55+s4+$0x0], $0xffff  }
0x477: {  	v9 =	vmul.f32 v50, v6;
	v11 =	vmul.f32 v43, v46;
	v43 =	vadd.f32 v10, v25;
	v35 =	vld [tilespmem:s5+$0xCAC0]  }
0x478: {  	v10 =	vmul.f32 v5, v46;
	v25 =	vmul.f32 v51, v6;
	v57 =	vld [tilespmem:s5+$0xCAE0];
	v16 =	vadd.f32 v7, v16  }
0x479: {  	v5 =	vld [tilespmem:s5+$0xCAD0];
	v7 =	vmul.f32 v40, v46;
	v26 =	vadd.f32 v9, v26;
	v58 =	vadd.f32 v20, v17  }
0x47a: {  	v40 =	vld [tilespmem:s5+$0xCAB0];
	v9 =	vmul.f32 v52, v6;
	v52 =	vadd.f32 v11, v27;
	v60 =	vadd.f32 v25, v28  }
0x47b: {  	v25 =	vld [tilespmem:s5+$0xC690];
	v61 =	vadd.f32 v10, v19;
	v11 =	vadd.f32 v8, v1  }
0x47c: {  	v17 =	vmul.f32 v50, v46;
	v10 =	vld.idx.msk [tilespmem:v55+s14+$0x0], $0xffff;
	v8 =	vadd.f32 v49, v4;
	v28 =	vadd.f32 v0, v12  }
0x47d: {  	v1 =	vld [tilespmem:s5+$0xC680];
	v59 =	vadd.f32 v7, v18;
	v7 =	vmul.f32 v47, v6;
	v6 =	vmul.f32 v45, v46  }
0x47e: {  	v0 =	vmul.f32 v51, v46;
	v4 =	vld [tilespmem:s5+$0xCAA0];
	v50 =	vadd.f32 v9, v29;
	v9 =	vmul.f32 v44, v46  }
0x47f: {  	v18 =	vld [tilespmem:s5+$0xC6B0];
	v62 =	vadd.f32 v7, v36;
	v7 =	vmul.f32 v47, v46;
	v6 =	vadd.f32 v6, v13  }
0x480: {  	v13 =	vadd.f32 v0, v21;
	v0 =	vmul.f32 v57, v54;
	v27 =	vmul.f32 v5, v54  }
0x481: {  	s24 =	simm.s32 $0x1C1;
	v12 =	vadd.f32 v17, v14;
	v44 =	vld [tilespmem:s5+$0xCA90];
	v46 =	vmul.f32 v35, v54;
	v14 =	vmul.f32 v40, v54  }
0x482: {  	v51 =	vmov s24;
	v49 =	vld [tilespmem:s5+$0xC6F0];
	v19 =	vmul.f32 v25, v54;
	v29 =	vmul.f32 v1, v10  }
0x483: {  	v17 =	vld [tilespmem:s5+$0xC6C0];
	v9 =	vadd.f32 v9, v30;
	v30 =	vmul.f32 v4, v54;
	v4 =	vmul.f32 v4, v10  }
0x484: {  	v39 =	vld [tilespmem:s5+$0xC6E0];
	v7 =	vadd.f32 v7, v15;
	v15 =	vadd.f32 v0, v31;
	v20 =	vmul.f32 v18, v54  }
0x485: {  	v47 =	vld [tilespmem:s5+$0xC6A0];
	v21 =	vadd.f32 v14, v32;
	v14 =	vmul.f32 v35, v10;
	v36 =	vadd.f32 v19, v37  }
0x486: {  	v0 =	vld [tilespmem:s5+$0xCA80];
	v31 =	vmul.f32 v44, v54;
	v19 =	vadd.f32 v29, v38;
	v29 =	vadd.f32 v30, v53  }
0x487: {  	v30 =	vmul.f32 v49, v54;
	v16 =	vadd.f32 v4, v16;
	v4 =	vmul.f32 v44, v10  }
0x488: {  	v32 =	vadd.f32 v20, v33;
	v20 =	vadd.f32 v27, v22;
	v27 =	vmul.f32 v17, v54  }
0x489: {  	v55 =	vld [tilespmem:s5+$0xCAF0];
	v53 =	vmul.f32 v39, v54;
	v17 =	vmul.f32 v17, v10  }
0x48a: {  	s2 =	simm.s32 $0x100;
	s1 =	simm.s32 $0x80;
	v22 =	vld [tilespmem:s5+$0xC6D0];
	v34 =	vadd.f32 v31, v34;
	v35 =	vadd.f32 v27, v23;
	v23 =	vmul.f32 v25, v10  }
0x48b: {  	s6 =	sand.u32 $0x3800, s2;
	s7 =	sand.u32 $0x380, s1;
	v31 =	vadd.f32 v46, v42;
	v27 =	vmul.f32 v0, v54;
	v25 =	vmul.f32 v47, v10  }
0x48c: {  	v33 =	vld.idx.msk [tilespmem:v51+s4+$0x0], $0xffff;
	s5 =	sor.u32 s7, s6;
	v17 =	vadd.f32 v17, v24;
	v0 =	vmul.f32 v0, v10;
	v24 =	vadd.f32 v23, v56  }
0x48d: {  	v44 =	vld [tilespmem:s5+$0xCAE0];
	v37 =	vadd.f32 v27, v41;
	v23 =	vmul.f32 v18, v10;
	v56 =	vmul.f32 v40, v10  }
0x48e: {  	v46 =	vld [tilespmem:s5+$0xCAD0];
	v41 =	vadd.f32 v30, v26;
	v26 =	vadd.f32 v0, v52;
	v0 =	vmul.f32 v55, v54  }
0x48f: {  	v25 =	vadd.f32 v25, v48;
	v27 =	vld [tilespmem:s5+$0xCAC0];
	v45 =	vmul.f32 v22, v10;
	v22 =	vmul.f32 v22, v54  }
0x490: {  	v18 =	vld [tilespmem:s5+$0xCAB0];
	v52 =	vmul.f32 v49, v10;
	v30 =	vadd.f32 v23, v58;
	v23 =	vmul.f32 v47, v54  }
0x491: {  	v47 =	vld.idx.msk [tilespmem:v51+s14+$0x0], $0xffff;
	v38 =	vadd.f32 v0, v62;
	v51 =	vmul.f32 v57, v10;
	v42 =	vadd.f32 v22, v43  }
0x492: {  	v40 =	vld [tilespmem:s5+$0xC6B0];
	v22 =	vadd.f32 v4, v59;
	v43 =	vadd.f32 v53, v60;
	v53 =	vmul.f32 v1, v54  }
0x493: {  	s6 =	simm.s32 $0x1C2;
	v49 =	vld [tilespmem:s5+$0xC690];
	v48 =	vadd.f32 v23, v50;
	v23 =	vadd.f32 v56, v61;
	v50 =	vmul.f32 v55, v10  }
.LBB2_18:
0x494: {  	p1 =	sne.s32 s6, $0x1FF;
	v0 =	vld [tilespmem:s5+$0xC680];
	s1 =	sadd.s32 $0x80, s1;
	s2 =	sadd.s32 $0x100, s2;
	v11 =	vadd.f32 v45, v11;
	v8 =	vadd.f32 v14, v8;
	v1 =	vmul.f32 v5, v10;
	v4 =	vmovc v44  }
0x495: {  	v28 =	vadd.f32 v53, v28;
	v10 =	vmul.f32 v39, v10;
	s7 =	smov.u32 s6;
	s6 =	sadd.s32 $0x1, s6;
	v44 =	vld [tilespmem:s5+$0xCAA0];
	v6 =	vadd.f32 v51, v6;
	v5 =	vmovc v46  }
0x496: {  	v12 =	vadd.f32 v52, v12;
	v14 =	vmul.f32 v4, v33;
	v7 =	vadd.f32 v50, v7;
	v46 =	vld [tilespmem:s5+$0xCA90]  }
0x497: {  	v45 =	vmul.f32 v18, v33;
	v13 =	vadd.f32 v10, v13;
	v9 =	vadd.f32 v1, v9;
	v39 =	vld [tilespmem:s5+$0xC6C0]  }
0x498: {  	v50 =	vmul.f32 v40, v33;
	v1 =	vmul.f32 v49, v33;
	v15 =	vadd.f32 v14, v15  }
0x499: {  	v52 =	vmul.f32 v5, v33;
	v10 =	vmov v47;
	v51 =	vld [tilespmem:s5+$0xCA80];
	v53 =	vmul.f32 v0, v47  }
0x49a: {  	v21 =	vadd.f32 v45, v21;
	v14 =	vmul.f32 v27, v10;
	v47 =	vld [tilespmem:s5+$0xC6A0];
	v54 =	vmul.f32 v44, v33  }
0x49b: {  	v32 =	vadd.f32 v50, v32;
	v20 =	vadd.f32 v52, v20;
	v45 =	vmul.f32 v46, v33  }
0x49c: {  	v36 =	vadd.f32 v1, v36;
	v50 =	vld [tilespmem:s5+$0xC6D0];
	v1 =	vmul.f32 v39, v33;
	v39 =	vmul.f32 v39, v10  }
0x49d: {  	v55 =	vmov s7;
	v27 =	vmul.f32 v27, v33;
	v19 =	vadd.f32 v53, v19  }
0x49e: {  	v29 =	vadd.f32 v54, v29;
	v52 =	vld [tilespmem:s5+$0xC6F0];
	v35 =	vadd.f32 v1, v35;
	v1 =	vmul.f32 v49, v10  }
0x49f: {  	v49 =	vmul.f32 v51, v33;
	v17 =	vadd.f32 v39, v17;
	v53 =	vmul.f32 v47, v10  }
0x4a0: {  	v34 =	vadd.f32 v45, v34;
	v39 =	vld [tilespmem:s5+$0xC6E0];
	v24 =	vadd.f32 v1, v24;
	v1 =	vmul.f32 v44, v10  }
0x4a1: {  	s7 =	sand.u32 $0x3800, s2;
	s8 =	sand.u32 $0x380, s1;
	v31 =	vadd.f32 v27, v31;
	v54 =	vld [tilespmem:s5+$0xCAF0];
	v25 =	vadd.f32 v53, v25;
	v45 =	vmul.f32 v50, v10  }
0x4a2: {  	v40 =	vmul.f32 v40, v10;
	v37 =	vadd.f32 v49, v37;
	s5 =	sor.u32 s8, s7;
	v44 =	vmul.f32 v50, v33;
	v56 =	vld.idx.msk [tilespmem:v55+s4+$0x0], $0xffff  }
0x4a3: {  	v50 =	vmul.f32 v51, v10;
	v16 =	vadd.f32 v1, v16;
	v27 =	vld [tilespmem:s5+$0xCAC0];
	v49 =	vmul.f32 v52, v33  }
0x4a4: {  	v51 =	vmul.f32 v18, v10;
	v1 =	vmul.f32 v46, v10;
	v42 =	vadd.f32 v44, v42;
	v18 =	vld [tilespmem:s5+$0xCAB0]  }
.Ltmp8:
0x4a5: {  	v30 =	vadd.f32 v40, v30;
	v44 =	vld [tilespmem:s5+$0xCAE0];
	v53 =	vmul.f32 v39, v33;
	v41 =	vadd.f32 v49, v41;
	(pc) =	sbr.rel @p1 .LBB2_18-.Ltmp8, $4  }
0x4a6: {  	v47 =	vmul.f32 v47, v33;
	v26 =	vadd.f32 v50, v26;
	v22 =	vadd.f32 v1, v22;
	v46 =	vld [tilespmem:s5+$0xCAD0]  }
0x4a7: {  	v52 =	vmul.f32 v52, v10;
	v1 =	vmul.f32 v54, v33;
	v40 =	vld [tilespmem:s5+$0xC6B0];
	v43 =	vadd.f32 v53, v43  }
0x4a8: {  	v48 =	vadd.f32 v47, v48;
	v23 =	vadd.f32 v51, v23;
	v53 =	vmul.f32 v0, v33;
	v33 =	vmovc v56;
	v49 =	vld [tilespmem:s5+$0xC690]  }
0x4a9: {  	v51 =	vmul.f32 v4, v10;
	v50 =	vmul.f32 v54, v10;
	v38 =	vadd.f32 v1, v38;
	v47 =	vld.idx.msk [tilespmem:v55+s14+$0x0], $0xffff  }
0x4aa: {  	v0 =	vld [tilespmem:s5+$0xC680]  }
0x4ab: {  	v1 =	vld [tilespmem:s5+$0xCAA0]  }
0x4ac: {  	v4 =	vld [tilespmem:s5+$0xCA90]  }
0x4ad: {  	v54 =	vld [tilespmem:s5+$0xC6A0]  }
0x4ae: {  	v28 =	vadd.f32 v53, v28;
	v53 =	vld [tilespmem:s5+$0xC6D0]  }
0x4af: {  	v55 =	vld [tilespmem:s5+$0xC6C0];
	v62 =	vmul.f32 v40, v33  }
0x4b0: {  	v56 =	vld [tilespmem:s5+$0xCA80];
	v58 =	vmul.f32 v49, v33  }
0x4b1: {  	v59 =	vld [tilespmem:s5+$0xC6E0];
	v32 =	vadd.f32 v62, v32;
	v57 =	vmul.f32 v0, v33  }
0x4b2: {  	v60 =	vld [tilespmem:s5+$0xC6F0];
	v61 =	vmul.f32 v54, v33;
	v36 =	vadd.f32 v58, v36  }
0x4b3: {  	v58 =	vld [tilespmem:s5+$0xCAF0];
	v62 =	vmul.f32 v53, v33;
	[tilespmem:$0x19330] =	vst v32;
	v28 =	vadd.f32 v57, v28  }
0x4b4: {  	v0 =	vmul.f32 v0, v47;
	v48 =	vadd.f32 v61, v48;
	[tilespmem:$0x19310] =	vst v36  }
0x4b5: {  	v61 =	vmul.f32 v55, v33;
	v36 =	vadd.f32 v62, v42;
	[tilespmem:$0x19300] =	vst v28  }
0x4b6: {  	v57 =	vmul.f32 v59, v33;
	v0 =	vadd.f32 v0, v19;
	[tilespmem:$0x19320] =	vst v48  }
0x4b7: {  	v42 =	vmul.f32 v4, v33;
	v28 =	vadd.f32 v61, v35;
	[tilespmem:$0x19350] =	vst v36  }
0x4b8: {  	v4 =	vmul.f32 v4, v47;
	v35 =	vadd.f32 v57, v43;
	[tilespmem:$0x19400] =	vst v0  }
0x4b9: {  	v61 =	vmul.f32 v60, v33;
	v34 =	vadd.f32 v42, v34;
	[tilespmem:$0x19340] =	vst v28  }
0x4ba: {  	v62 =	vmul.f32 v56, v33;
	v4 =	vadd.f32 v4, v22;
	[tilespmem:$0x19360] =	vst v35  }
0x4bb: {  	v43 =	vmul.f32 v1, v33;
	v32 =	vadd.f32 v61, v41;
	[tilespmem:$0x19390] =	vst v34  }
0x4bc: {  	v48 =	vmul.f32 v18, v33;
	v28 =	vadd.f32 v62, v37;
	[tilespmem:$0x19490] =	vst v4  }
0x4bd: {  	v57 =	vmul.f32 v27, v33;
	v29 =	vadd.f32 v43, v29;
	[tilespmem:$0x19370] =	vst v32  }
0x4be: {  	v0 =	vadd.f32 v45, v11;
	v45 =	vmul.f32 v53, v47;
	v21 =	vadd.f32 v48, v21;
	[tilespmem:$0x19380] =	vst v28  }
0x4bf: {  	v12 =	vadd.f32 v52, v12;
	v53 =	vmul.f32 v60, v47;
	v31 =	vadd.f32 v57, v31;
	[tilespmem:$0x193A0] =	vst v29  }
0x4c0: {  	v61 =	vmul.f32 v46, v33;
	v0 =	vadd.f32 v45, v0;
	[tilespmem:$0x193B0] =	vst v21  }
0x4c1: {  	v62 =	vmul.f32 v44, v33;
	v12 =	vadd.f32 v53, v12;
	[tilespmem:$0x193C0] =	vst v31  }
0x4c2: {  	v35 =	vmul.f32 v58, v33;
	v20 =	vadd.f32 v61, v20;
	[tilespmem:$0x19450] =	vst v0  }
0x4c3: {  	v36 =	vmul.f32 v49, v47;
	v15 =	vadd.f32 v62, v15;
	[tilespmem:$0x19470] =	vst v12  }
0x4c4: {  	v42 =	vmul.f32 v39, v10;
	v37 =	vmul.f32 v54, v47;
	v28 =	vadd.f32 v35, v38;
	[tilespmem:$0x193D0] =	vst v20  }
0x4c5: {  	v43 =	vmul.f32 v55, v47;
	v38 =	vadd.f32 v36, v24;
	[tilespmem:$0x193E0] =	vst v15  }
0x4c6: {  	v49 =	vmul.f32 v59, v47;
	v13 =	vadd.f32 v42, v13;
	v19 =	vadd.f32 v37, v25;
	[tilespmem:$0x193F0] =	vst v28  }
0x4c7: {  	v54 =	vmul.f32 v56, v47;
	v48 =	vadd.f32 v43, v17;
	[tilespmem:$0x19410] =	vst v38  }
0x4c8: {  	v8 =	vadd.f32 v14, v8;
	v55 =	vmul.f32 v18, v47;
	v13 =	vadd.f32 v49, v13;
	[tilespmem:$0x19420] =	vst v19  }
0x4c9: {  	v56 =	vmul.f32 v27, v47;
	v0 =	vmul.f32 v1, v47;
	v1 =	vadd.f32 v54, v26;
	[tilespmem:$0x19440] =	vst v48  }
0x4ca: {  	v57 =	vadd.f32 v55, v23;
	[tilespmem:$0x19460] =	vst v13  }
0x4cb: {  	v5 =	vmul.f32 v5, v10;
	v41 =	vmul.f32 v40, v47;
	v8 =	vadd.f32 v56, v8;
	[tilespmem:$0x19480] =	vst v1  }
0x4cc: {  	v60 =	vadd.f32 v51, v6;
	v61 =	vmul.f32 v44, v47;
	v0 =	vadd.f32 v0, v16;
	[tilespmem:$0x194B0] =	vst v57  }
0x4cd: {  	v59 =	vmul.f32 v46, v47;
	v20 =	vadd.f32 v41, v30;
	v1 =	vadd.f32 v5, v9;
	[tilespmem:$0x194C0] =	vst v8  }
0x4ce: {  	v62 =	vmul.f32 v58, v47;
	v4 =	vadd.f32 v61, v60;
	[tilespmem:$0x194A0] =	vst v0;
	v0 =	vadd.f32 v50, v7  }
0x4cf: {  	[tilespmem:$0x19430] =	vst v20;
	v1 =	vadd.f32 v59, v1  }
0x4d0: {  	[tilespmem:$0x194E0] =	vst v4;
	v0 =	vadd.f32 v62, v0  }
0x4d1: {  	[tilespmem:$0x194D0] =	vst v1  }
0x4d2: {  	s1 =	simm.s32 $0x80;
	s2 =	simm.s32 $0x19300;
	[tilespmem:$0x194F0] =	vst v0  }
0x4d3: {  	[hbm4b:s21+s1] =	stream.strided.scatter [tilespmem:s2], [sflag:$0x8], $0x200, s12, s1, $0x38;
	[tilespmem:$0x19D00] =	vst v63  }
.Ltmp9:
0x4d4: {  	_ =	swait.ge [sflag:s23], $0x200;
	(pc) =	sbr.rel @p0 .LBB2_23-.Ltmp9, $4  }
0x4d5: {  	[sflag:s23] =	ssyncset.done $0x0  }
0x4d6: {  	[sflag:s23] =	ssyncadd.s32 $0xFFFFFE00  }
0x4d7: {  	[bflag:$0x0] =	sbarrier.arrive $0xFFFF  }
0x4d8: {  	v35 =	vlaneseq.u32  }
0x4d9: {  	s1 =	rddreg [dreg:$0xe];
	s2 =	simm.s32 $0x1000;
	s5 =	simm.s32 $0x18680  }
0x4da: {  	[tilespmem:s5], [sflag:$0x8] =	stream.strided.gather [hbm4b:s1+s12], $0x800, s2, s12, $0x38;
	[tilespmem:$0x19D00] =	vst v63  }
0x4db: {  	_ =	swait.ge [sflag:s23], $0x800  }
0x4dc: {  	[sflag:s23] =	ssyncset.done $0x0  }
0x4dd: {  	s24 =	simm.s32 $0x0;
	[sflag:s23] =	ssyncadd.s32 $0xFFFFF800  }
0x4de: {  	v0 =	vld [tilespmem:s24+$0x186F0]  }
0x4df: {  	v1 =	vld [tilespmem:s24+$0x18680]  }
0x4e0: {  	v4 =	vld [tilespmem:s24+$0x18690]  }
0x4e1: {  	v16 =	vld [tilespmem:s24+$0x186A0]  }
0x4e2: {  	v15 =	vld [tilespmem:s24+$0x186B0]  }
0x4e3: {  	v6 =	vimm.f32 $0.0e+00;
	v11 =	vimm.f32 $0.0e+00;
	v12 =	vld [tilespmem:s24+$0x186C0]  }
0x4e4: {  	v13 =	vimm.f32 $0.0e+00;
	v9 =	vimm.f32 $0.0e+00;
	v14 =	vld [tilespmem:s24+$0x186D0];
	v5 =	vadd.f32 v0, v6  }
0x4e5: {  	v7 =	vimm.f32 $0.0e+00;
	s1 =	simm.s32 $0x80;
	s2 =	simm.s32 $0x400;
	v17 =	vld [tilespmem:s24+$0x186E0];
	v10 =	vadd.f32 v1, v6;
	v8 =	vadd.f32 v4, v6  }
.LBB2_21:
0x4e6: {  	p1 =	sne.s32 s2, $0x1E00;
	v0 =	vld [tilespmem:s1+$0x186F0];
	v6 =	vadd.f32 v16, v6  }
0x4e7: {  	v1 =	vld [tilespmem:s1+$0x18680];
	v11 =	vadd.f32 v15, v11  }
0x4e8: {  	v4 =	vld [tilespmem:s1+$0x18690];
	v13 =	vadd.f32 v12, v13  }
.Ltmp10:
0x4e9: {  	v16 =	vld [tilespmem:s1+$0x186A0];
	v9 =	vadd.f32 v14, v9;
	(pc) =	sbr.rel @p1 .LBB2_21-.Ltmp10, $4  }
0x4ea: {  	v15 =	vld [tilespmem:s1+$0x186B0];
	v7 =	vadd.f32 v17, v7  }
0x4eb: {  	v12 =	vld [tilespmem:s1+$0x186C0];
	v5 =	vadd.f32 v0, v5  }
0x4ec: {  	v10 =	vadd.f32 v1, v10;
	v14 =	vld [tilespmem:s1+$0x186D0]  }
0x4ed: {  	v8 =	vadd.f32 v4, v8;
	v17 =	vld [tilespmem:s1+$0x186E0];
	s1 =	sshra.s32 s2, $0x2;
	s2 =	sadd.s32 $0x200, s2  }
0x4ee: {  	v1 =	vld [tilespmem:s1+$0x18680]  }
0x4ef: {  	v4 =	vld [tilespmem:s1+$0x18690]  }
0x4f0: {  	v18 =	vld [tilespmem:s1+$0x186A0]  }
0x4f1: {  	v19 =	vld [tilespmem:s1+$0x186B0]  }
0x4f2: {  	v20 =	vld [tilespmem:s1+$0x186C0]  }
0x4f3: {  	v0 =	vld [tilespmem:s1+$0x186F0];
	v6 =	vadd.f32 v16, v6;
	v1 =	vadd.f32 v1, v10  }
0x4f4: {  	v59 =	vld [tilespmem:s1+$0x186E0];
	v11 =	vadd.f32 v15, v11;
	v4 =	vadd.f32 v4, v8  }
0x4f5: {  	v58 =	vld [tilespmem:s1+$0x186D0];
	v12 =	vadd.f32 v12, v13;
	v6 =	vadd.f32 v18, v6;
	[tilespmem:$0x19300] =	vst v1  }
0x4f6: {  	v60 =	vadd.f32 v19, v11;
	[tilespmem:$0x19310] =	vst v4  }
0x4f7: {  	v61 =	vadd.f32 v17, v7;
	v62 =	vadd.f32 v20, v12;
	[tilespmem:$0x19320] =	vst v6  }
0x4f8: {  	v0 =	vadd.f32 v0, v5;
	v1 =	vadd.f32 v14, v9;
	[tilespmem:$0x19330] =	vst v60  }
0x4f9: {  	v4 =	vadd.f32 v59, v61;
	[tilespmem:$0x19340] =	vst v62  }
0x4fa: {  	[tilespmem:$0x19370] =	vst v0;
	v1 =	vadd.f32 v58, v1  }
0x4fb: {  	[tilespmem:$0x19360] =	vst v4  }
0x4fc: {  	s24 =	rddreg [dreg:$0xf];
	s2 =	simm.s32 $0x19300;
	[tilespmem:$0x19350] =	vst v1  }
0x4fd: {  	[hbm4b:s24+s4] =	stream.linear.scatter [tilespmem:s2], [sflag:$0x8], $0x80, $0x38;
	[tilespmem:$0x19D00] =	vst v63  }
0x4fe: {  	_ =	swait.ge [sflag:s23], $0x80  }
0x4ff: {  	[sflag:s23] =	ssyncset.done $0x0  }
0x500: {  	[sflag:s23] =	ssyncadd.s32 $0xFFFFFF80  }
.LBB2_23:
0x501: {  	[bflag:$0x0] =	sbarrier.arrive $0xFFFF;
	s1 =	simm.s32 $0x100000  }
0x502: {  	s5 =	simm.s32 $0x0;
	[smem:s1], [sflag:$0x0] =	smem.add.s32 $0x0  }
0x503: {  	_ =	swait.done [sflag:s5]  }
0x504: {  	s9 =	ssyncread [sflag:$0x0];
	_ =	sdelay $0x1  }
0x505: {  	s13 =	stileid.u32;
	s2 =	rddreg [dreg:$0xd]  }
0x506: {  	s1 =	sadd.s32 s2, s9;
	s2 =	sshll.u32 s13, $0x6  }
0x507: {  	s2 =	sor.u32 s25, s2;
	s1 =	sshll.u32 s1, $0x11  }
0x508: {  	[sflag:s5] =	ssyncset.s32 $0x0;
	s1 =	sor.u32 s1, s2  }
0x509: {  	[sflag:s5] =	ssyncset.done $0x0;
	s1 =	sor.u32 $0x1C07, s1  }
0x50a: {  	[sflag:s1] =	ssyncadd.remote.s32 $0x1  }
0x50b: {  	_ =	swait.ge [sflag:s26], $0x1  }
0x50c: {  	[sflag:s26] =	ssyncset.done $0x0  }
0x50d: {  	[sflag:s26] =	ssyncadd.s32 $0xFFFFFFFF  }
0x50e: {  	_ =	swait.ge [sflag:s30], $0x8000  }
0x50f: {  	[sflag:s30] =	ssyncset.done $0x0  }
0x510: {  	[sflag:s30] =	ssyncadd.s32 $0xFFFF8000  }
0x511: {  	s24 =	simm.s32 $0x18E80;
	s22 =	rddreg [dreg:$0x7]  }
0x512: {  	[tilespmem:s24], [sflag:$0x8] =	stream.linear.gather [hbm4b:s22+s5], $0x400, $0x38;
	[tilespmem:$0x19D00] =	vst v63  }
0x513: {  	_ =	swait.ge [sflag:s23], $0x400  }
0x514: {  	[sflag:s23] =	ssyncset.done $0x0  }
0x515: {  	[sflag:s23] =	ssyncadd.s32 $0xFFFFFC00  }
0x516: {  	v0 =	vld [tilespmem:$0x18E80]  }
0x517: {  	v1 =	vld [tilespmem:$0x18F00]  }
0x518: {  	v4 =	vld [tilespmem:$0x18E90]  }
0x519: {  	v6 =	vld [tilespmem:$0x18F10]  }
0x51a: {  	v7 =	vld [tilespmem:$0x18EA0]  }
0x51b: {  	v8 =	vld [tilespmem:$0x18F20]  }
0x51c: {  	v9 =	vld [tilespmem:$0x18EB0]  }
0x51d: {  	v10 =	vld [tilespmem:$0x18F30]  }
0x51e: {  	v5 =	vadd.f32 v1, v0;
	v6 =	vadd.f32 v6, v4;
	v0 =	vld [tilespmem:$0x18EC0]  }
0x51f: {  	v1 =	vld [tilespmem:$0x18F40]  }
0x520: {  	v13 =	vld [tilespmem:$0x18F50];
	v7 =	vadd.f32 v8, v7;
	v11 =	vmul.f32 v5, v5;
	v12 =	vmul.f32 v6, v6  }
0x521: {  	v4 =	vld [tilespmem:$0x18ED0]  }
0x522: {  	v14 =	vld [tilespmem:$0x18EE0];
	v8 =	vadd.f32 v10, v9;
	v10 =	vadd.f32 v12, v11;
	v11 =	vmul.f32 v7, v7  }
0x523: {  	v12 =	vld [tilespmem:$0x18F60]  }
0x524: {  	v15 =	vld [tilespmem:$0x18F70];
	v9 =	vadd.f32 v1, v0;
	v1 =	vadd.f32 v11, v10;
	v11 =	vmul.f32 v8, v8  }
0x525: {  	v0 =	vld [tilespmem:$0x18EF0]  }
0x526: {  	v16 =	vld [tilespmem:$0x19000];
	v10 =	vadd.f32 v13, v4;
	v13 =	vmul.f32 v9, v9;
	v1 =	vadd.f32 v11, v1  }
0x527: {  	v4 =	vld [tilespmem:$0x18F80]  }
0x528: {  	v17 =	vld [tilespmem:$0x19010];
	v11 =	vadd.f32 v12, v14;
	v1 =	vadd.f32 v13, v1;
	v13 =	vmul.f32 v10, v10  }
0x529: {  	v14 =	vld [tilespmem:$0x18F90]  }
0x52a: {  	v18 =	vld [tilespmem:$0x19020];
	v12 =	vadd.f32 v15, v0;
	v15 =	vmul.f32 v11, v11;
	v1 =	vadd.f32 v13, v1  }
0x52b: {  	v0 =	vld [tilespmem:$0x18FA0]  }
0x52c: {  	v13 =	vadd.f32 v16, v4;
	v4 =	vld [tilespmem:$0x18FB0];
	v1 =	vadd.f32 v15, v1;
	v15 =	vmul.f32 v12, v12  }
0x52d: {  	v16 =	vld [tilespmem:$0x19030]  }
0x52e: {  	v20 =	vld [tilespmem:$0x19040];
	v14 =	vadd.f32 v17, v14;
	v19 =	vmul.f32 v13, v13;
	v1 =	vadd.f32 v15, v1  }
0x52f: {  	v17 =	vld [tilespmem:$0x18FC0]  }
0x530: {  	v15 =	vadd.f32 v18, v0;
	v0 =	vld [tilespmem:$0x18FD0];
	v18 =	vmul.f32 v14, v14;
	v1 =	vadd.f32 v19, v1  }
0x531: {  	v19 =	vld [tilespmem:$0x19050]  }
0x532: {  	v21 =	vld [tilespmem:$0x19060];
	v16 =	vadd.f32 v16, v4;
	v1 =	vadd.f32 v18, v1;
	v18 =	vmul.f32 v15, v15  }
0x533: {  	v4 =	vld [tilespmem:$0x18FE0]  }
0x534: {  	v22 =	vld [tilespmem:$0x19070];
	v17 =	vadd.f32 v20, v17;
	v1 =	vadd.f32 v18, v1;
	v18 =	vmul.f32 v16, v16  }
0x535: {  	v20 =	vld [tilespmem:$0x18FF0]  }
0x536: {  	v23 =	vld [tilespmem:$0x19100];
	v0 =	vadd.f32 v19, v0;
	v1 =	vadd.f32 v18, v1;
	v18 =	vmul.f32 v17, v17  }
0x537: {  	v19 =	vld [tilespmem:$0x19080]  }
0x538: {  	v24 =	vld [tilespmem:$0x19110];
	v4 =	vadd.f32 v21, v4;
	v1 =	vadd.f32 v18, v1;
	v18 =	vmul.f32 v0, v0  }
0x539: {  	v21 =	vld [tilespmem:$0x19090]  }
0x53a: {  	v25 =	vld [tilespmem:$0x19120];
	v20 =	vadd.f32 v22, v20;
	v1 =	vadd.f32 v18, v1;
	v18 =	vmul.f32 v4, v4  }
0x53b: {  	v22 =	vld [tilespmem:$0x190A0]  }
0x53c: {  	v26 =	vld [tilespmem:$0x19130];
	v19 =	vadd.f32 v23, v19;
	v1 =	vadd.f32 v18, v1;
	v18 =	vmul.f32 v20, v20  }
0x53d: {  	v23 =	vld [tilespmem:$0x190B0]  }
0x53e: {  	v51 =	vld [tilespmem:$0x190C0];
	v21 =	vadd.f32 v24, v21;
	v1 =	vadd.f32 v18, v1;
	v18 =	vmul.f32 v19, v19  }
0x53f: {  	v19 =	vld [tilespmem:$0x19140]  }
0x540: {  	v52 =	vld [tilespmem:$0x190D0];
	v22 =	vadd.f32 v25, v22;
	v1 =	vadd.f32 v18, v1;
	v18 =	vmul.f32 v21, v21  }
0x541: {  	v21 =	vld [tilespmem:$0x19150]  }
0x542: {  	v53 =	vld [tilespmem:$0x190E0];
	v23 =	vadd.f32 v26, v23;
	v1 =	vadd.f32 v18, v1;
	v18 =	vmul.f32 v22, v22  }
0x543: {  	v22 =	vld [tilespmem:$0x19160]  }
0x544: {  	v54 =	vld [tilespmem:$0x190F0];
	v19 =	vadd.f32 v19, v51;
	v1 =	vadd.f32 v18, v1;
	v18 =	vmul.f32 v23, v23  }
0x545: {  	v23 =	vld [tilespmem:$0x19170]  }
0x546: {  	v55 =	vld [tilespmem:$0x19180];
	v21 =	vadd.f32 v21, v52;
	v1 =	vadd.f32 v18, v1;
	v18 =	vmul.f32 v19, v19  }
0x547: {  	v19 =	vld [tilespmem:$0x19200]  }
0x548: {  	v56 =	vld [tilespmem:$0x19190];
	v22 =	vadd.f32 v22, v53;
	v1 =	vadd.f32 v18, v1;
	v18 =	vmul.f32 v21, v21  }
0x549: {  	v21 =	vld [tilespmem:$0x19210]  }
0x54a: {  	v57 =	vld [tilespmem:$0x191A0];
	v23 =	vadd.f32 v23, v54;
	v1 =	vadd.f32 v18, v1;
	v18 =	vmul.f32 v22, v22  }
0x54b: {  	v22 =	vld [tilespmem:$0x19220]  }
0x54c: {  	v58 =	vld [tilespmem:$0x191B0];
	v19 =	vadd.f32 v19, v55;
	v1 =	vadd.f32 v18, v1;
	v18 =	vmul.f32 v23, v23  }
0x54d: {  	v23 =	vld [tilespmem:$0x19230]  }
0x54e: {  	v59 =	vld [tilespmem:$0x191C0];
	v21 =	vadd.f32 v21, v56;
	v1 =	vadd.f32 v18, v1;
	v18 =	vmul.f32 v19, v19  }
0x54f: {  	v19 =	vld [tilespmem:$0x19240]  }
0x550: {  	v60 =	vld [tilespmem:$0x191D0];
	v22 =	vadd.f32 v22, v57;
	v1 =	vadd.f32 v18, v1;
	v18 =	vmul.f32 v21, v21  }
0x551: {  	v21 =	vld [tilespmem:$0x19250]  }
0x552: {  	v61 =	vld [tilespmem:$0x191E0];
	v23 =	vadd.f32 v23, v58;
	v1 =	vadd.f32 v18, v1;
	v18 =	vmul.f32 v22, v22  }
0x553: {  	v22 =	vld [tilespmem:$0x19260]  }
0x554: {  	v62 =	vld [tilespmem:$0x191F0];
	v19 =	vadd.f32 v19, v59;
	v1 =	vadd.f32 v18, v1;
	v18 =	vmul.f32 v23, v23  }
0x555: {  	v23 =	vld [tilespmem:$0x19270]  }
0x556: {  	v21 =	vadd.f32 v21, v60;
	v1 =	vadd.f32 v18, v1;
	v18 =	vmul.f32 v19, v19;
	_ =	sdelay $0x1  }
0x557: {  	v19 =	vadd.f32 v22, v61;
	v1 =	vadd.f32 v18, v1;
	v18 =	vmul.f32 v21, v21;
	_ =	sdelay $0x1  }
0x558: {  	v21 =	vadd.f32 v23, v62;
	v1 =	vadd.f32 v18, v1;
	v18 =	vmul.f32 v19, v19;
	_ =	sdelay $0x1  }
0x559: {  	v1 =	vadd.f32 v18, v1;
	v18 =	vmul.f32 v21, v21;
	_ =	sdelay $0x1  }
0x55a: {  	v1 =	vadd.f32 v18, v1;
	_ =	sdelay $0x1  }
0x55b: {  	(xrf2) =	vadd.scan.msk.f32 $0xffff, v1;
	_ =	sdelay $0x9  }
0x55c: {  	v1, _, _ =	vpop (xrf2)  }
0x55d: {  	v1 =	vbroadcast v1, $0xF;
	_ =	sdelay $0x1  }
0x55e: {  	v18 =	vshra.s32 v1, $0x1;
	v19 =	vmul.f32 $5.000000000e-01, v1  }
0x55f: {  	v18 =	vsub.s32 $0x5F3759DF, v18  }
0x560: {  	v21 =	vmul.f32 v18, v19;
	_ =	sdelay $0x1  }
0x561: {  	v21 =	vmul.f32 v18, v21;
	_ =	sdelay $0x1  }
0x562: {  	v21 =	vsub.f32 $1.500000000e+00, v21;
	_ =	sdelay $0x1  }
0x563: {  	v18 =	vmul.f32 v18, v21;
	_ =	sdelay $0x1  }
0x564: {  	v21 =	vmul.f32 v18, v19;
	_ =	sdelay $0x1  }
0x565: {  	v21 =	vmul.f32 v21, v18;
	_ =	sdelay $0x1  }
0x566: {  	v21 =	vsub.f32 $1.500000000e+00, v21;
	_ =	sdelay $0x1  }
0x567: {  	v18 =	vmul.f32 v21, v18;
	_ =	sdelay $0x1  }
0x568: {  	v19 =	vmul.f32 v18, v19;
	_ =	sdelay $0x1  }
0x569: {  	v19 =	vmul.f32 v19, v18;
	_ =	sdelay $0x1  }
0x56a: {  	v19 =	vsub.f32 $1.500000000e+00, v19;
	_ =	sdelay $0x1  }
0x56b: {  	v18 =	vmul.f32 v19, v18;
	_ =	sdelay $0x1  }
0x56c: {  	v18 =	vmul.f32 $5.000000000e+00, v18  }
0x56d: {  	vm1 =	vgt.f32 v1, $2.500000000e+01  }
0x56e: {  	v1 =	vnsel vm1, $0x3F800000, v18  }
0x56f: {  	v5 =	vmul.f32 v1, v5;
	v6 =	vmul.f32 v1, v6  }
0x570: {  	v7 =	vmul.f32 v1, v7;
	v8 =	vmul.f32 v1, v8  }
0x571: {  	v9 =	vmul.f32 v1, v9;
	v10 =	vmul.f32 v1, v10  }
0x572: {  	v11 =	vmul.f32 v1, v11;
	v12 =	vmul.f32 v1, v12  }
0x573: {  	v13 =	vmul.f32 v1, v13;
	v14 =	vmul.f32 v1, v14  }
0x574: {  	v15 =	vmul.f32 v1, v15;
	v16 =	vmul.f32 v1, v16  }
0x575: {  	v17 =	vmul.f32 v1, v17;
	v18 =	vmul.f32 v1, v0  }
0x576: {  	s6 =	simm.s32 $0x0;
	v19 =	vmul.f32 v1, v4;
	v20 =	vmul.f32 v1, v20  }
.LBB2_24:
0x577: {  	s1 =	sshll.u32 s6, $0xE  }
0x578: {  	s1 =	sshra.s32 s1, $0x2  }
0x579: {  	s13 =	sand.u32 $0x800, s5;
	s7 =	sadd.s32 $0x10680, s1  }
0x57a: {  	s2 =	sand.u32 $0x300, s5;
	s13 =	sadd.s32 s13, s7  }
0x57b: {  	s1 =	sadd.s32 s2, s13  }
0x57c: {  	v0 =	vld [tilespmem:s1+$0x40]  }
0x57d: {  	v1 =	vld [tilespmem:s1+$0x70]  }
0x57e: {  	v4 =	vld [tilespmem:s1+$0x470]  }
0x57f: {  	v21 =	vld [tilespmem:s1+$0x50]  }
0x580: {  	v22 =	vld [tilespmem:s1+$0x60]  }
0x581: {  	v23 =	vld [tilespmem:s1+$0x20]  }
0x582: {  	v24 =	vld [tilespmem:s1+$0x30]  }
0x583: {  	v26 =	vld [tilespmem:s1+$0x400]  }
0x584: {  	v28 =	vld [tilespmem:s1+$0x10]  }
0x585: {  	v29 =	vld [tilespmem:s1+$0x460]  }
0x586: {  	v30 =	vld [tilespmem:s1+$0x450]  }
0x587: {  	v31 =	vld [tilespmem:s1+$0x440]  }
0x588: {  	v32 =	vld [tilespmem:s1+$0x410];
	v1 =	vmul.f32 v1, v12;
	v22 =	vmul.f32 v22, v11  }
0x589: {  	v33 =	vld [tilespmem:s1+$0x0];
	v24 =	vmul.f32 v24, v8;
	v26 =	vmul.f32 v26, v13  }
0x58a: {  	v25 =	vld [tilespmem:s1+$0x430];
	v28 =	vmul.f32 v28, v6;
	v21 =	vmul.f32 v21, v10  }
0x58b: {  	v27 =	vld [tilespmem:s1+$0x420];
	v23 =	vmul.f32 v23, v7;
	v0 =	vmul.f32 v0, v9  }
0x58c: {  	v30 =	vmul.f32 v30, v18;
	v29 =	vmul.f32 v29, v19  }
0x58d: {  	v58 =	vmul.f32 v31, v17;
	v59 =	vmul.f32 v32, v14  }
0x58e: {  	v4 =	vmul.f32 v4, v20;
	v60 =	vmul.f32 v33, v5;
	v1 =	vadd.f32 v1, v22  }
0x58f: {  	v22 =	vmul.f32 v25, v16;
	v23 =	vadd.f32 v24, v23;
	v25 =	vadd.f32 v30, v58  }
0x590: {  	v27 =	vmul.f32 v27, v15;
	v24 =	vadd.f32 v59, v26;
	v4 =	vadd.f32 v4, v29  }
0x591: {  	s22 =	simm.s32 $0x0;
	v0 =	vadd.f32 v21, v0;
	v21 =	vadd.f32 v28, v60  }
0x592: {  	v61 =	vmov s22;
	v22 =	vadd.f32 v22, v27;
	v4 =	vadd.f32 v4, v25  }
0x593: {  	v62 =	vand.u32 $0x7E, v61;
	v23 =	vadd.f32 v23, v21;
	v0 =	vadd.f32 v1, v0  }
0x594: {  	v1 =	vbroadcast v62, $0x0;
	v21 =	vmul.u32 $0x80, v35;
	v22 =	vadd.f32 v22, v24;
	_ =	sdelay $0x1  }
0x595: {  	v4 =	vadd.f32 v4, v22;
	v22 =	vor.u32 v21, v1  }
0x596: {  	s24 =	simm.s32 $0x80;
	v0 =	vadd.f32 v0, v23  }
0x597: {  	s8 =	simm.s32 $0x1;
	s2 =	sand.u32 $0x380, s24;
	s1 =	simm.s32 $0x3  }
0x598: {  	s22 =	sadd.s32 s2, s13;
	s13 =	simm.s32 $0x0;
	s2 =	simm.s32 $0x0;
	v23 =	vadd.f32 v4, v0  }
.LBB2_25:
0x599: {  	_ = 	snop  }
0x59a: {  	p1 =	sne.s32 s1, $0xF;
	s13 =	sadd.s32 $0x100, s13;
	s2 =	sadd.s32 $0x200, s2;
	[tilespmem:v22+s28+$0x0] =	vst.idx.msk $0xffff, v23  }
0x59b: {  	s24 =	smov.u32 s1;
	s1 =	sadd.s32 $0x2, s1;
	v0 =	vld [tilespmem:s22+$0x20]  }
0x59c: {  	v1 =	vld [tilespmem:s22+$0x30]  }
0x59d: {  	v4 =	vld [tilespmem:s22+$0x40]  }
0x59e: {  	v22 =	vld [tilespmem:s22+$0x50]  }
0x59f: {  	v23 =	vld [tilespmem:s22+$0x470]  }
0x5a0: {  	v24 =	vld [tilespmem:s22+$0x460]  }
0x5a1: {  	v0 =	vmul.f32 v0, v7;
	v1 =	vmul.f32 v1, v8;
	v25 =	vld [tilespmem:s22+$0x450]  }
0x5a2: {  	v4 =	vmul.f32 v4, v9;
	v26 =	vld [tilespmem:s22+$0x440]  }
0x5a3: {  	v22 =	vmul.f32 v22, v10;
	v27 =	vld [tilespmem:s22+$0x430];
	v0 =	vadd.f32 v1, v0  }
0x5a4: {  	v1 =	vld [tilespmem:s22+$0x420];
	v23 =	vmul.f32 v23, v20  }
0x5a5: {  	v28 =	vld [tilespmem:s22+$0x410];
	v24 =	vmul.f32 v24, v19;
	v4 =	vadd.f32 v22, v4  }
0x5a6: {  	v22 =	vld [tilespmem:s22+$0x400];
	v25 =	vmul.f32 v25, v18  }
0x5a7: {  	v29 =	vld [tilespmem:s22+$0x70];
	v26 =	vmul.f32 v26, v17;
	v23 =	vadd.f32 v23, v24  }
0x5a8: {  	v24 =	vld [tilespmem:s22+$0x10];
	v27 =	vmul.f32 v27, v16  }
0x5a9: {  	v30 =	vld [tilespmem:s22+$0x0];
	v1 =	vmul.f32 v1, v15;
	v25 =	vadd.f32 v25, v26  }
0x5aa: {  	v26 =	vld [tilespmem:s22+$0x60]  }
0x5ab: {  	v28 =	vmul.f32 v28, v14;
	v22 =	vmul.f32 v22, v13;
	v1 =	vadd.f32 v27, v1;
	_ =	sdelay $0x1  }
0x5ac: {  	v24 =	vmul.f32 v24, v6;
	v22 =	vadd.f32 v28, v22  }
0x5ad: {  	v27 =	vmul.f32 v30, v5  }
0x5ae: {  	v28 =	vmul.f32 v29, v12;
	v26 =	vmul.f32 v26, v11  }
0x5af: {  	v29 =	vmov s8;
	s8 =	smov.u32 s24  }
0x5b0: {  	v24 =	vadd.f32 v24, v27;
	v27 =	vand.u32 $0x7F, v29;
	v26 =	vadd.f32 v28, v26  }
0x5b1: {  	v1 =	vadd.f32 v1, v22;
	v22 =	vadd.f32 v23, v25;
	v23 =	vbroadcast v27, $0x0  }
0x5b2: {  	v0 =	vadd.f32 v0, v24;
	v4 =	vadd.f32 v26, v4  }
0x5b3: {  	v23 =	vor.u32 v21, v23  }
0x5b4: {  	v1 =	vadd.f32 v22, v1;
	v0 =	vadd.f32 v4, v0;
	_ =	sdelay $0x1  }
0x5b5: {  	v0 =	vadd.f32 v1, v0;
	_ =	sdelay $0x1  }
0x5b6: {  	s22 =	sand.u32 $0x800, s2;
	s24 =	sadd.s32 $0x80, s13;
	[tilespmem:v23+s28+$0x0] =	vst.idx.msk $0xffff, v0  }
0x5b7: {  	s9 =	sand.u32 $0x300, s13;
	s22 =	sadd.s32 s22, s7;
	s24 =	sand.u32 $0x380, s24  }
0x5b8: {  	s9 =	sadd.s32 s9, s22;
	s22 =	sadd.s32 s24, s22  }
0x5b9: {  	v0 =	vld [tilespmem:s9+$0x40]  }
0x5ba: {  	v1 =	vld [tilespmem:s9+$0x70]  }
0x5bb: {  	v4 =	vld [tilespmem:s9+$0x470]  }
0x5bc: {  	v22 =	vld [tilespmem:s9+$0x50]  }
0x5bd: {  	v23 =	vld [tilespmem:s9+$0x60]  }
0x5be: {  	v24 =	vld [tilespmem:s9+$0x20]  }
0x5bf: {  	v25 =	vld [tilespmem:s9+$0x30]  }
0x5c0: {  	v26 =	vld [tilespmem:s9+$0x430]  }
0x5c1: {  	v1 =	vmul.f32 v1, v12;
	v27 =	vld [tilespmem:s9+$0x400]  }
0x5c2: {  	v23 =	vmul.f32 v23, v11;
	v28 =	vld [tilespmem:s9+$0x420]  }
0x5c3: {  	v29 =	vld [tilespmem:s9+$0x10]  }
0x5c4: {  	v30 =	vld [tilespmem:s9+$0x460];
	v1 =	vadd.f32 v1, v23  }
0x5c5: {  	v23 =	vmul.f32 v25, v8;
	v25 =	vld [tilespmem:s9+$0x450]  }
0x5c6: {  	v27 =	vmul.f32 v27, v13;
	v31 =	vld [tilespmem:s9+$0x440]  }
0x5c7: {  	v32 =	vld [tilespmem:s9+$0x410];
	v28 =	vmul.f32 v28, v15  }
0x5c8: {  	v22 =	vmul.f32 v22, v10;
	v33 =	vld [tilespmem:s9+$0x0];
	v29 =	vmul.f32 v29, v6  }
0x5c9: {  	v0 =	vmul.f32 v0, v9;
	v24 =	vmul.f32 v24, v7  }
0x5ca: {  	v30 =	vmul.f32 v30, v19;
	v25 =	vmul.f32 v25, v18  }
0x5cb: {  	v26 =	vmul.f32 v26, v16;
	v23 =	vadd.f32 v23, v24;
	v31 =	vmul.f32 v31, v17  }
0x5cc: {  	v4 =	vmul.f32 v4, v20;
	v0 =	vadd.f32 v22, v0;
	v24 =	vmul.f32 v32, v14  }
0x5cd: {  	v26 =	vadd.f32 v26, v28;
	v22 =	vmul.f32 v33, v5;
	v25 =	vadd.f32 v25, v31  }
0x5ce: {  	s9 =	sadd.s32 $0xFFFFFFFF, s8;
	v24 =	vadd.f32 v24, v27  }
0x5cf: {  	v4 =	vadd.f32 v4, v30;
	v27 =	vmov s9  }
0x5d0: {  	v22 =	vadd.f32 v29, v22;
	v24 =	vadd.f32 v26, v24;
	v26 =	vand.u32 $0x7E, v27  }
0x5d1: {  	v4 =	vadd.f32 v4, v25;
	v25 =	vbroadcast v26, $0x0  }
.Ltmp11:
0x5d2: {  	v0 =	vadd.f32 v1, v0;
	v23 =	vadd.f32 v23, v22;
	(pc) =	sbr.rel @p1 .LBB2_25-.Ltmp11, $3  }
0x5d3: {  	v1 =	vadd.f32 v4, v24;
	v22 =	vor.u32 v21, v25  }
0x5d4: {  	v0 =	vadd.f32 v0, v23;
	_ =	sdelay $0x1  }
0x5d5: {  	v23 =	vadd.f32 v1, v0  }
0x5d6: {  	_ =	sdelay $0x3  }
0x5d7: {  	[tilespmem:v22+s28+$0x0] =	vst.idx.msk $0xffff, v23  }
0x5d8: {  	v0 =	vld [tilespmem:s22+$0x20]  }
0x5d9: {  	v1 =	vld [tilespmem:s22+$0x30]  }
0x5da: {  	v4 =	vld [tilespmem:s22+$0x40]  }
0x5db: {  	v22 =	vld [tilespmem:s22+$0x50]  }
0x5dc: {  	v23 =	vld [tilespmem:s22+$0x470]  }
0x5dd: {  	v24 =	vld [tilespmem:s22+$0x460]  }
0x5de: {  	v25 =	vld [tilespmem:s22+$0x450]  }
0x5df: {  	v26 =	vld [tilespmem:s22+$0x440]  }
0x5e0: {  	v27 =	vld [tilespmem:s22+$0x430]  }
0x5e1: {  	v28 =	vld [tilespmem:s22+$0x420]  }
0x5e2: {  	v29 =	vld [tilespmem:s22+$0x410]  }
0x5e3: {  	v32 =	vld [tilespmem:s22+$0x10]  }
0x5e4: {  	v33 =	vld [tilespmem:s22+$0x0];
	v0 =	vmul.f32 v0, v7  }
0x5e5: {  	v34 =	vld [tilespmem:s22+$0x60];
	v1 =	vmul.f32 v1, v8;
	v4 =	vmul.f32 v4, v9  }
0x5e6: {  	v30 =	vld [tilespmem:s22+$0x400];
	v22 =	vmul.f32 v22, v10;
	v23 =	vmul.f32 v23, v20  }
0x5e7: {  	v31 =	vld [tilespmem:s22+$0x70];
	v24 =	vmul.f32 v24, v19;
	v25 =	vmul.f32 v25, v18  }
0x5e8: {  	v26 =	vmul.f32 v26, v17;
	v44 =	vmul.f32 v28, v15  }
0x5e9: {  	v45 =	vmul.f32 v29, v14;
	v46 =	vmul.f32 v32, v6  }
0x5ea: {  	v47 =	vmul.f32 v33, v5;
	v48 =	vmul.f32 v34, v11;
	v0 =	vadd.f32 v1, v0  }
0x5eb: {  	v1 =	vmul.f32 v27, v16;
	v4 =	vadd.f32 v22, v4;
	v22 =	vmul.f32 v30, v13  }
0x5ec: {  	v49 =	vmul.f32 v31, v12;
	v23 =	vadd.f32 v23, v24;
	v25 =	vadd.f32 v25, v26  }
0x5ed: {  	v50 =	vmov s8;
	v1 =	vadd.f32 v1, v44;
	v22 =	vadd.f32 v45, v22  }
0x5ee: {  	v24 =	vadd.f32 v46, v47;
	v26 =	vadd.f32 v49, v48;
	v27 =	vand.u32 $0x7F, v50  }
0x5ef: {  	v1 =	vadd.f32 v1, v22;
	v22 =	vadd.f32 v23, v25;
	v23 =	vbroadcast v27, $0x0  }
0x5f0: {  	v0 =	vadd.f32 v0, v24;
	v4 =	vadd.f32 v26, v4  }
0x5f1: {  	v21 =	vor.u32 v21, v23  }
0x5f2: {  	v0 =	vadd.f32 v4, v0;
	v1 =	vadd.f32 v22, v1;
	_ =	sdelay $0x1  }
0x5f3: {  	v0 =	vadd.f32 v1, v0;
	_ =	sdelay $0x1  }
0x5f4: {  	[tilespmem:v21+s28+$0x0] =	vst.idx.msk $0xffff, v0  }
0x5f5: {  	v0 =	vld [tilespmem:$0x19500]  }
0x5f6: {  	v1 =	vld [tilespmem:$0x19580]  }
0x5f7: {  	v4 =	vld [tilespmem:$0x19600]  }
0x5f8: {  	v21 =	vld [tilespmem:$0x19680]  }
0x5f9: {  	v22 =	vld [tilespmem:$0x19700]  }
0x5fa: {  	v23 =	vld [tilespmem:$0x19780]  }
0x5fb: {  	v51 =	vld [tilespmem:$0x19800]  }
0x5fc: {  	v52 =	vld [tilespmem:$0x19880]  }
0x5fd: {  	v53 =	vld [tilespmem:$0x19900]  }
0x5fe: {  	v54 =	vld [tilespmem:$0x19980]  }
0x5ff: {  	v55 =	vld [tilespmem:$0x19A00]  }
0x600: {  	v56 =	vld [tilespmem:$0x19A80]  }
0x601: {  	v57 =	vld [tilespmem:$0x19B00]  }
0x602: {  	v58 =	vld [tilespmem:$0x19B80]  }
0x603: {  	v59 =	vld [tilespmem:$0x19C00]  }
0x604: {  	v60 =	vld [tilespmem:$0x19C80];
	_ =	sdelay $0x1  }
0x605: {  	v0 =	vadd.f32 v1, v0;
	v1 =	vadd.f32 v21, v4  }
0x606: {  	v4 =	vadd.f32 v23, v22;
	v21 =	vadd.f32 v52, v51  }
0x607: {  	v22 =	vadd.f32 v54, v53;
	v23 =	vadd.f32 v56, v55  }
0x608: {  	v61 =	vadd.f32 v58, v57;
	v62 =	vadd.f32 v60, v59  }
0x609: {  	v0 =	vadd.f32 v1, v0;
	v1 =	vadd.f32 v21, v4  }
0x60a: {  	s1 =	sshll.u32 s6, $0x4;
	s6 =	sadd.s32 $0x1, s6;
	v4 =	vadd.f32 v23, v22;
	v21 =	vadd.f32 v62, v61  }
0x60b: {  	p1 =	sne.s32 s6, $0x8  }
.Ltmp12:
0x60c: {  	v0 =	vadd.f32 v1, v0;
	v1 =	vadd.f32 v21, v4;
	(pc) =	sbr.rel @p1 .LBB2_24-.Ltmp12, $4  }
0x60d: {  	_ = 	snop  }
0x60e: {  	v0 =	vadd.f32 v1, v0  }
0x60f: {  	s1 =	sand.u32 $0x3FFFFFF0, s1  }
0x610: {  	[tilespmem:s1+$0x19280] =	vst v0  }
0x611: {  	s29 =	sadd.s32 $0x1, s29  }
0x612: {  	p1 =	sne.s32 s29, s11  }
.Ltmp13:
0x613: {  	s1 =	simm.s32 $0x19280;
	(pc) =	sbr.rel @p1 .LBB2_1-.Ltmp13, $4  }
0x614: {  	[hbm4b:s10+s4] =	stream.linear.scatter [tilespmem:s1], [sflag:$0x8], $0x80, $0x38;
	[tilespmem:$0x19D00] =	vst v63  }
0x615: {  	_ =	swait.ge [sflag:s23], $0x80  }
0x616: {  	s9 =	simm.s32 $0x680;
	s13 =	simm.s32 $0xE80;
	[sflag:s23] =	ssyncset.done $0x0  }
0x617: {  	s22 =	simm.s32 $0x1680;
	s24 =	simm.s32 $0x1E80;
	[sflag:s23] =	ssyncadd.s32 $0xFFFFFF80  }
0x618: {  	_ =	sfence.sel $0x180000  }
0x619: {  	[bflag:$0x0] =	sbarrier.arrive $0xFFFF  }
0x61a: {  	_ =	strace $0x90000047  }
0x61b: {  	s0 =	stileid.u32;
	[bflag:$0x2] =	sbarrier.arrive $0xFFFF  }
0x61c: {  	p0 =	sne.s32 s0, $0x0;
	s0 =	rddreg [dreg:$0x8]  }
0x61d: {  	s0 =	sadd.s32 @!p0 $0x100000, s0  }
0x61e: {  	[sflag:s0] =	ssyncadd.tile.s32 @!p0 $0x1;
	_ =	shalt  }
.Lfunc_end2:
_tile_overlayer_lowered:
.L_overlay_start_2:
0x61f: {  	(tag) =	ssettag $0x2  }
0x620: {  	s0 =	rddreg [dreg:$0x0];
	s2 =	stileid.u32  }
0x621: {  	s1 =	rddreg [dreg:$0x1];
	p0 =	sne.s32 s2, $0x0  }
0x622: {  	s3 =	rddreg [dreg:$0x2];
	[bflag:$0x3] =	sbarrier.arrive $0xFFFF;
	s2 =	simm.s32 @!p0 $0x1C08  }
0x623: {  	[timem:s3], [sflag:s2] =	dma.local @!p0 [hbm:s0], s1  }
0x624: {  	s0 =	simm.s32 @!p0 $0x8  }
0x625: {  	_ =	swait.ge @!p0 [sflag:s0], s1  }
0x626: {  	s1 =	ssub.s32 @!p0 $0x0, s1;
	[sflag:s0] =	ssyncset.done @!p0 $0x0  }
0x627: {  	[sflag:s0] =	ssyncadd.s32 @!p0 s1  }
0x628: {  	[bflag:$0x3] =	sbarrier.arrive $0xFFFF  }
0x629: {  	_ =	shalt  }

</sc_bundles>
